<compile_context>
chip_gen: v7x
topology: tpu7x:2x2x1
jax: 0.10.2.dev20260603
libtpu: 0.0.44.dev20260713+nightly
codegen_flags: <defaults>
</compile_context>

<pallas_src>
import functools

import jax
import jax.numpy as jnp
from jax import lax
from jax.experimental import pallas as pl
from jax.experimental.pallas import tpu as pltpu
from jax.experimental.pallas import tpu_sc as plsc

NUM_USERS = 20000
NUM_ITEMS = 30000
N_NODES = NUM_USERS + NUM_ITEMS
N_EDGES = 800000
LATENT_DIM = 64
HALF_DIM = 32
N_LAYERS = 3

NC = 2
NS = 16

CHUNK = 512
SUB = 128
NSUB = CHUNK // SUB
NSUP = 98
EDGES_PER_TILE = NSUP * CHUNK
E_PAD = EDGES_PER_TILE * NS
PLANE = 51200
ROWS_PER_TILE = PLANE // NS


def _layer_body(emb, src, w, dst2d, out, rows, srcv, gidx, wv, didx, acc, sem):
    c = lax.axis_index("c")
    s = lax.axis_index("s")
    plane = c * PLANE

    zeros16 = jnp.zeros((16,), jnp.float32)

    def zero_rows(i, carry):
        rows[i, pl.ds(0, 16)] = zeros16
        rows[i, pl.ds(16, 16)] = zeros16
        return carry

    lax.fori_loop(0, CHUNK, zero_rows, 0)

    rbase = s * ROWS_PER_TILE
    for k in range(6):
        pltpu.sync_copy(rows.at[pl.ds(0, 512)],
                        acc.at[pl.ds(rbase + k * 512, 512)])
    pltpu.sync_copy(rows.at[pl.ds(0, 128)], acc.at[pl.ds(rbase + 3072, 128)])
    plsc.subcore_barrier()

    def superchunk(j, carry):
        base_e = s * EDGES_PER_TILE + j * CHUNK
        base_r = s * (EDGES_PER_TILE // SUB) + j * NSUB
        pltpu.sync_copy(src.at[pl.ds(base_e, CHUNK)], srcv)
        pltpu.sync_copy(w.at[pl.ds(base_e, CHUNK)], wv)
        pltpu.sync_copy(dst2d.at[pl.ds(base_r, NSUB)], didx)

        def make_gidx(g, carry2):
            gidx[pl.ds(g * 16, 16)] = srcv[pl.ds(g * 16, 16)] + plane
            return carry2

        lax.fori_loop(0, CHUNK // 16, make_gidx, 0)

        copies = [
            pltpu.async_copy(emb.at[gidx.at[pl.ds(b * SUB, SUB)]],
                             rows.at[pl.ds(b * SUB, SUB)], sem)
            for b in range(NSUB)
        ]
        for cp in copies:
            cp.wait()

        def scale(g, carry2):
            wv16 = wv[pl.ds(g * 16, 16)]
            for l in range(16):
                e = g * 16 + l
                wsc = wv16[l]
                rows[e, pl.ds(0, 16)] = rows[e, pl.ds(0, 16)] * wsc
                rows[e, pl.ds(16, 16)] = rows[e, pl.ds(16, 16)] * wsc
            return carry2

        lax.fori_loop(0, CHUNK // 16, scale, 0)

        for b in range(NSUB):
            pltpu.sync_copy(rows.at[pl.ds(b * SUB, SUB)],
                            acc.at[didx.at[b]], add=True)
        return carry

    lax.fori_loop(0, NSUP, superchunk, 0)

    plsc.subcore_barrier()
    pltpu.sync_copy(acc.at[pl.ds(rbase, ROWS_PER_TILE)],
                    out.at[pl.ds(plane + rbase, ROWS_PER_TILE)])


_layer = pl.kernel(
    _layer_body,
    out_type=jax.ShapeDtypeStruct((NC * PLANE, HALF_DIM), jnp.float32),
    mesh=plsc.VectorSubcoreMesh(core_axis_name="c", subcore_axis_name="s",
                                num_cores=NC, num_subcores=NS),
    scratch_types=[
        pltpu.VMEM((CHUNK, HALF_DIM), jnp.float32),
        pltpu.VMEM((CHUNK,), jnp.int32),
        pltpu.VMEM((CHUNK,), jnp.int32),
        pltpu.VMEM((CHUNK,), jnp.float32),
        pltpu.VMEM((NSUB, SUB), jnp.int32),
        pltpu.VMEM_SHARED((PLANE, HALF_DIM), jnp.float32),
        pltpu.SemaphoreType.DMA,
    ],
    compiler_params=pltpu.CompilerParams(use_tc_tiling_on_sc=False),
)


def _mean_body(t0, t1, t2, t3, b0, b1, b2, b3, o):
    top = t0[...] + t1[...] + t2[...] + t3[...]
    bot = b0[...] + b1[...] + b2[...] + b3[...]
    o[...] = jnp.concatenate([top, bot], axis=1) * 0.25


_MEAN_BLOCK = 400
_N_BLOCKS = N_NODES // _MEAN_BLOCK
_PLANE_BLOCKS = PLANE // _MEAN_BLOCK


def _mean4(e0, e1, e2, e3):
    top_spec = pl.BlockSpec((_MEAN_BLOCK, HALF_DIM), lambda i: (i, 0))
    bot_spec = pl.BlockSpec((_MEAN_BLOCK, HALF_DIM),
                            lambda i: (i + _PLANE_BLOCKS, 0))
    return pl.pallas_call(
        _mean_body,
        grid=(_N_BLOCKS,),
        in_specs=[top_spec] * 4 + [bot_spec] * 4,
        out_specs=pl.BlockSpec((_MEAN_BLOCK, LATENT_DIM), lambda i: (i, 0)),
        out_shape=jax.ShapeDtypeStruct((N_NODES, LATENT_DIM), jnp.float32),
    )(e0, e1, e2, e3, e0, e1, e2, e3)


@jax.jit
def kernel(user_emb, item_emb, edge_weight, edge_index):
    src = edge_index[0].astype(jnp.int32)
    dst = edge_index[1].astype(jnp.int32)
    w = edge_weight.astype(jnp.float32)
    pad = E_PAD - N_EDGES
    src = jnp.pad(src, (0, pad))
    dstp = jnp.pad(dst, (0, pad))
    wp = jnp.pad(w, (0, pad))
    dst2d = dstp.reshape(E_PAD // SUB, SUB)

    e0 = jnp.concatenate([user_emb, item_emb], axis=0)
    planes = e0.reshape(N_NODES, NC, HALF_DIM).transpose(1, 0, 2)
    planes = jnp.pad(planes, ((0, 0), (0, PLANE - N_NODES), (0, 0)))
    e0s = planes.reshape(NC * PLANE, HALF_DIM)

    e1 = _layer(e0s, src, wp, dst2d)
    e2 = _layer(e1, src, wp, dst2d)
    e3 = _layer(e2, src, wp, dst2d)

    out = _mean4(e0s, e1, e2, e3)
    return out[:NUM_USERS], out[NUM_USERS:]

# --- scband reference (transcript-rebuilt; emitter-appended) ---
"""Pipeline reference for scband-light-gcn-27195732918361 (READ-ONLY COPY).

The authoritative reference and input builder live on the scoring server;
editing this copy changes nothing except your own understanding.
"""

import jax, jax.numpy as jnp
import numpy as np

NUM_USERS = 20000
NUM_ITEMS = 30000
N_NODES = NUM_USERS + NUM_ITEMS
N_EDGES = 800000
LATENT_DIM = 64
N_LAYERS = 3


def setup_inputs(seed: int = 0) -> dict:
    key = jax.random.key(seed)
    k1, k2, k3, k4 = jax.random.split(key, 4)
    user_emb = jax.random.normal(k1, (NUM_USERS, LATENT_DIM), dtype=jnp.float32) * 0.1
    item_emb = jax.random.normal(k2, (NUM_ITEMS, LATENT_DIM), dtype=jnp.float32) * 0.1
    edge_weight = jax.random.uniform(k3, (N_EDGES,), dtype=jnp.float32)
    edge_index = jax.random.randint(k4, (2, N_EDGES), 0, N_NODES, dtype=jnp.int64)
    return {"user_emb": user_emb, "item_emb": item_emb, "edge_weight": edge_weight, "edge_index": edge_index}


def reference(user_emb, item_emb, edge_weight, edge_index):
    # LightGCN.computer(): propagate concatenated embeddings through the
    # (normalized, symmetric) sparse adjacency N_LAYERS times, then average.
    all_emb = jnp.concatenate([user_emb, item_emb], axis=0)
    embs = [all_emb]
    src = edge_index[0]
    dst = edge_index[1]
    for _ in range(N_LAYERS):
        # torch.sparse.mm(Graph, all_emb): out[dst] += w * all_emb[src]
        msgs = jnp.take(all_emb, src, axis=0) * edge_weight[:, None]
        all_emb = jax.ops.segment_sum(msgs, dst, num_segments=N_NODES)
        embs.append(all_emb)
    embs = jnp.stack(embs, axis=1)
    light_out = jnp.mean(embs, axis=1)
    users = light_out[:NUM_USERS]
    items = light_out[NUM_USERS:]
    return (users, items)

if __name__ == "__main__":
    import jax
    _d = setup_inputs()
    print(jax.jit(kernel)(*tuple(_d.values())))

</pallas_src>

<mosaic_0001>
#map = affine_map<(d0, d1) -> (0, 0)>
#map1 = affine_map<(d0, d1) -> (0)>
module attributes {stable_mosaic.version = 14 : i64} {
  func.func @_layer_body(%arg0: i32, %arg1: i32, %arg2: memref<102400x32xf32, #tpu.memory_space<hbm>>, %arg3: memref<802816xi32, #tpu.memory_space<hbm>>, %arg4: memref<802816xf32, #tpu.memory_space<hbm>>, %arg5: memref<6272x128xi32, #tpu.memory_space<hbm>>, %arg6: memref<102400x32xf32, #tpu.memory_space<hbm>>, %arg7: memref<512x32xf32, #tpu.memory_space<vmem>>, %arg8: memref<512xi32, #tpu.memory_space<vmem>>, %arg9: memref<512xi32, #tpu.memory_space<vmem>>, %arg10: memref<512xf32, #tpu.memory_space<vmem>>, %arg11: memref<4x128xi32, #tpu.memory_space<vmem>>, %arg12: memref<51200x32xf32, #tpu.memory_space<vmem_shared>>, %arg13: memref<!tpu.dma_semaphore, #tpu.memory_space<semaphore_mem>>) attributes {dimension_semantics = [#tpu.dimension_semantics<core_parallel>, #tpu.dimension_semantics<subcore_parallel>], iteration_bounds = array<i64: 2, 16>, scalar_prefetch = 0 : i64, scratch_operands = 7 : i64, tpu.core_type = #tpu.core_type<sc_vector_subcore>, window_params = [{transform_indices = #map}, {transform_indices = #map1}, {transform_indices = #map1}, {transform_indices = #map}, {transform_indices = #map}]} {
    %mul3A = arith.constant 51200 : i32
    %mul3A_0 = arith.muli %arg0, %mul3A : i32
    %broadcast_in_dim3A = arith.constant 0.000000e+00 : f32
    %broadcast_in_dim3A_1 = vector.broadcast %broadcast_in_dim3A : f32 to vector<16xf32>
    %scan3A = arith.constant 0 : i32
    %scan3A_2 = arith.constant 0 : i32
    %scan3A_3 = arith.constant 512 : i32
    %scan3A_4 = arith.addi %scan3A_2, %scan3A_3 : i32
    %scan3A_5 = arith.constant 1 : i32
    scf.for %scan3A_30 = %scan3A_2 to %scan3A_4 step %scan3A_5  : i32 {
      %swap3A = arith.index_cast %scan3A_30 : i32 to index
      %swap3A_31 = arith.constant 0 : index
      %swap3A_32 = tpu.vector_load %arg7[%swap3A, %swap3A_31] {strides = array<i32>} : memref<512x32xf32, #tpu.memory_space<vmem>>, vector<1x16xf32>,
      %swap3A_33 = vector.shape_cast %swap3A_32 : vector<1x16xf32> to vector<16xf32>
      %swap3A_34 = vector.shape_cast %broadcast_in_dim3A_1 : vector<16xf32> to vector<1x16xf32>
      tpu.vector_store %arg7[%swap3A, %swap3A_31], %swap3A_34 {strides = array<i32>} : memref<512x32xf32, #tpu.memory_space<vmem>>, vector<1x16xf32>,
      %swap3A_35 = arith.index_cast %scan3A_30 : i32 to index
      %swap3A_36 = arith.constant 16 : index
      %swap3A_37 = tpu.vector_load %arg7[%swap3A_35, %swap3A_36] {strides = array<i32>} : memref<512x32xf32, #tpu.memory_space<vmem>>, vector<1x16xf32>,
      %swap3A_38 = vector.shape_cast %swap3A_37 : vector<1x16xf32> to vector<16xf32>
      %swap3A_39 = vector.shape_cast %broadcast_in_dim3A_1 : vector<16xf32> to vector<1x16xf32>
      tpu.vector_store %arg7[%swap3A_35, %swap3A_36], %swap3A_39 {strides = array<i32>} : memref<512x32xf32, #tpu.memory_space<vmem>>, vector<1x16xf32>,
    }
    %scan3A_6 = arith.constant 512 : i32
    %mul3A_7 = arith.constant 3200 : i32
    %mul3A_8 = arith.muli %arg1, %mul3A_7 : i32
    %add3A = arith.constant 0 : i32
    %add3A_9 = arith.addi %mul3A_8, %add3A : i32
    "tpu.region"() ({
      %run_scoped3A = tpu.sem_alloc : memref<!tpu.dma_semaphore, #tpu.memory_space<semaphore_mem>>
      %dma_start3A = arith.constant 0 : i32
      %dma_start3A_30 = arith.constant 0 : i32
      %dma_start3A_31 = tpu.memref_slice %arg7[%dma_start3A, %dma_start3A_30] : memref<512x32xf32, #tpu.memory_space<vmem>> -> memref<512x32xf32, #tpu.memory_space<vmem>>
      %dma_start3A_32 = arith.constant 0 : i32
      %dma_start3A_33 = tpu.memref_slice %arg12[%add3A_9, %dma_start3A_32] : memref<51200x32xf32, #tpu.memory_space<vmem_shared>> -> memref<512x32xf32, #tpu.memory_space<vmem_shared>>
      %dma_start3A_34 = arith.constant 0 : i32
      %dma_start3A_35 = tpu.memref_slice %arg12[%add3A_9, %dma_start3A_34] : memref<51200x32xf32, #tpu.memory_space<vmem_shared>> -> memref<512x32xf32, #tpu.memory_space<vmem_shared>>
      %dma_start3A_36 = arith.constant 0 : i32
      %dma_start3A_37 = arith.constant 0 : i32
      %dma_start3A_38 = tpu.memref_slice %arg7[%dma_start3A_36, %dma_start3A_37] : memref<512x32xf32, #tpu.memory_space<vmem>> -> memref<512x32xf32, #tpu.memory_space<vmem>>
      tpu.enqueue_dma source(%dma_start3A_38 : memref<512x32xf32, #tpu.memory_space<vmem>>) target(%dma_start3A_35 : memref<512x32xf32, #tpu.memory_space<vmem_shared>>) target_semaphore(%run_scoped3A : memref<!tpu.dma_semaphore, #tpu.memory_space<semaphore_mem>>)
      %dma_wait3A = arith.constant 0 : i32
      %dma_wait3A_39 = arith.constant 0 : i32
      %dma_wait3A_40 = tpu.memref_slice %arg7[%dma_wait3A, %dma_wait3A_39] : memref<512x32xf32, #tpu.memory_space<vmem>> -> memref<512x32xf32, #tpu.memory_space<vmem>>
      %dma_wait3A_41 = arith.constant 0 : i32
      %dma_wait3A_42 = tpu.memref_slice %arg12[%add3A_9, %dma_wait3A_41] : memref<51200x32xf32, #tpu.memory_space<vmem_shared>> -> memref<512x32xf32, #tpu.memory_space<vmem_shared>>
      %dma_wait3A_43 = arith.constant 0 : i32
      %dma_wait3A_44 = tpu.memref_slice %arg12[%add3A_9, %dma_wait3A_43] : memref<51200x32xf32, #tpu.memory_space<vmem_shared>> -> memref<512x32xf32, #tpu.memory_space<vmem_shared>>
      %dma_wait3A_45 = arith.constant 0 : i32
      %dma_wait3A_46 = arith.constant 0 : i32
      %dma_wait3A_47 = tpu.memref_slice %arg7[%dma_wait3A_45, %dma_wait3A_46] : memref<512x32xf32, #tpu.memory_space<vmem>> -> memref<512x32xf32, #tpu.memory_space<vmem>>
      tpu.wait_dma2 semaphore(%run_scoped3A : memref<!tpu.dma_semaphore, #tpu.memory_space<semaphore_mem>>) src(%dma_wait3A_47 : memref<512x32xf32, #tpu.memory_space<vmem>>) dst(%dma_wait3A_44 : memref<512x32xf32, #tpu.memory_space<vmem_shared>>)
      tpu.yield
    }) : () -> ()
    %add3A_10 = arith.constant 512 : i32
    %add3A_11 = arith.addi %mul3A_8, %add3A_10 : i32
    "tpu.region"() ({
      %run_scoped3A = tpu.sem_alloc : memref<!tpu.dma_semaphore, #tpu.memory_space<semaphore_mem>>
      %dma_start3A = arith.constant 0 : i32
      %dma_start3A_30 = arith.constant 0 : i32
      %dma_start3A_31 = tpu.memref_slice %arg7[%dma_start3A, %dma_start3A_30] : memref<512x32xf32, #tpu.memory_space<vmem>> -> memref<512x32xf32, #tpu.memory_space<vmem>>
      %dma_start3A_32 = arith.constant 0 : i32
      %dma_start3A_33 = tpu.memref_slice %arg12[%add3A_11, %dma_start3A_32] : memref<51200x32xf32, #tpu.memory_space<vmem_shared>> -> memref<512x32xf32, #tpu.memory_space<vmem_shared>>
      %dma_start3A_34 = arith.constant 0 : i32
      %dma_start3A_35 = tpu.memref_slice %arg12[%add3A_11, %dma_start3A_34] : memref<51200x32xf32, #tpu.memory_space<vmem_shared>> -> memref<512x32xf32, #tpu.memory_space<vmem_shared>>
      %dma_start3A_36 = arith.constant 0 : i32
      %dma_start3A_37 = arith.constant 0 : i32
      %dma_start3A_38 = tpu.memref_slice %arg7[%dma_start3A_36, %dma_start3A_37] : memref<512x32xf32, #tpu.memory_space<vmem>> -> memref<512x32xf32, #tpu.memory_space<vmem>>
      tpu.enqueue_dma source(%dma_start3A_38 : memref<512x32xf32, #tpu.memory_space<vmem>>) target(%dma_start3A_35 : memref<512x32xf32, #tpu.memory_space<vmem_shared>>) target_semaphore(%run_scoped3A : memref<!tpu.dma_semaphore, #tpu.memory_space<semaphore_mem>>)
      %dma_wait3A = arith.constant 0 : i32
      %dma_wait3A_39 = arith.constant 0 : i32
      %dma_wait3A_40 = tpu.memref_slice %arg7[%dma_wait3A, %dma_wait3A_39] : memref<512x32xf32, #tpu.memory_space<vmem>> -> memref<512x32xf32, #tpu.memory_space<vmem>>
      %dma_wait3A_41 = arith.constant 0 : i32
      %dma_wait3A_42 = tpu.memref_slice %arg12[%add3A_11, %dma_wait3A_41] : memref<51200x32xf32, #tpu.memory_space<vmem_shared>> -> memref<512x32xf32, #tpu.memory_space<vmem_shared>>
      %dma_wait3A_43 = arith.constant 0 : i32
      %dma_wait3A_44 = tpu.memref_slice %arg12[%add3A_11, %dma_wait3A_43] : memref<51200x32xf32, #tpu.memory_space<vmem_shared>> -> memref<512x32xf32, #tpu.memory_space<vmem_shared>>
      %dma_wait3A_45 = arith.constant 0 : i32
      %dma_wait3A_46 = arith.constant 0 : i32
      %dma_wait3A_47 = tpu.memref_slice %arg7[%dma_wait3A_45, %dma_wait3A_46] : memref<512x32xf32, #tpu.memory_space<vmem>> -> memref<512x32xf32, #tpu.memory_space<vmem>>
      tpu.wait_dma2 semaphore(%run_scoped3A : memref<!tpu.dma_semaphore, #tpu.memory_space<semaphore_mem>>) src(%dma_wait3A_47 : memref<512x32xf32, #tpu.memory_space<vmem>>) dst(%dma_wait3A_44 : memref<512x32xf32, #tpu.memory_space<vmem_shared>>)
      tpu.yield
    }) : () -> ()
    %add3A_12 = arith.constant 1024 : i32
    %add3A_13 = arith.addi %mul3A_8, %add3A_12 : i32
    "tpu.region"() ({
      %run_scoped3A = tpu.sem_alloc : memref<!tpu.dma_semaphore, #tpu.memory_space<semaphore_mem>>
      %dma_start3A = arith.constant 0 : i32
      %dma_start3A_30 = arith.constant 0 : i32
      %dma_start3A_31 = tpu.memref_slice %arg7[%dma_start3A, %dma_start3A_30] : memref<512x32xf32, #tpu.memory_space<vmem>> -> memref<512x32xf32, #tpu.memory_space<vmem>>
      %dma_start3A_32 = arith.constant 0 : i32
      %dma_start3A_33 = tpu.memref_slice %arg12[%add3A_13, %dma_start3A_32] : memref<51200x32xf32, #tpu.memory_space<vmem_shared>> -> memref<512x32xf32, #tpu.memory_space<vmem_shared>>
      %dma_start3A_34 = arith.constant 0 : i32
      %dma_start3A_35 = tpu.memref_slice %arg12[%add3A_13, %dma_start3A_34] : memref<51200x32xf32, #tpu.memory_space<vmem_shared>> -> memref<512x32xf32, #tpu.memory_space<vmem_shared>>
      %dma_start3A_36 = arith.constant 0 : i32
      %dma_start3A_37 = arith.constant 0 : i32
      %dma_start3A_38 = tpu.memref_slice %arg7[%dma_start3A_36, %dma_start3A_37] : memref<512x32xf32, #tpu.memory_space<vmem>> -> memref<512x32xf32, #tpu.memory_space<vmem>>
      tpu.enqueue_dma source(%dma_start3A_38 : memref<512x32xf32, #tpu.memory_space<vmem>>) target(%dma_start3A_35 : memref<512x32xf32, #tpu.memory_space<vmem_shared>>) target_semaphore(%run_scoped3A : memref<!tpu.dma_semaphore, #tpu.memory_space<semaphore_mem>>)
      %dma_wait3A = arith.constant 0 : i32
      %dma_wait3A_39 = arith.constant 0 : i32
      %dma_wait3A_40 = tpu.memref_slice %arg7[%dma_wait3A, %dma_wait3A_39] : memref<512x32xf32, #tpu.memory_space<vmem>> -> memref<512x32xf32, #tpu.memory_space<vmem>>
      %dma_wait3A_41 = arith.constant 0 : i32
      %dma_wait3A_42 = tpu.memref_slice %arg12[%add3A_13, %dma_wait3A_41] : memref<51200x32xf32, #tpu.memory_space<vmem_shared>> -> memref<512x32xf32, #tpu.memory_space<vmem_shared>>
      %dma_wait3A_43 = arith.constant 0 : i32
      %dma_wait3A_44 = tpu.memref_slice %arg12[%add3A_13, %dma_wait3A_43] : memref<51200x32xf32, #tpu.memory_space<vmem_shared>> -> memref<512x32xf32, #tpu.memory_space<vmem_shared>>
      %dma_wait3A_45 = arith.constant 0 : i32
      %dma_wait3A_46 = arith.constant 0 : i32
      %dma_wait3A_47 = tpu.memref_slice %arg7[%dma_wait3A_45, %dma_wait3A_46] : memref<512x32xf32, #tpu.memory_space<vmem>> -> memref<512x32xf32, #tpu.memory_space<vmem>>
      tpu.wait_dma2 semaphore(%run_scoped3A : memref<!tpu.dma_semaphore, #tpu.memory_space<semaphore_mem>>) src(%dma_wait3A_47 : memref<512x32xf32, #tpu.memory_space<vmem>>) dst(%dma_wait3A_44 : memref<512x32xf32, #tpu.memory_space<vmem_shared>>)
      tpu.yield
    }) : () -> ()
    %add3A_14 = arith.constant 1536 : i32
    %add3A_15 = arith.addi %mul3A_8, %add3A_14 : i32
    "tpu.region"() ({
      %run_scoped3A = tpu.sem_alloc : memref<!tpu.dma_semaphore, #tpu.memory_space<semaphore_mem>>
      %dma_start3A = arith.constant 0 : i32
      %dma_start3A_30 = arith.constant 0 : i32
      %dma_start3A_31 = tpu.memref_slice %arg7[%dma_start3A, %dma_start3A_30] : memref<512x32xf32, #tpu.memory_space<vmem>> -> memref<512x32xf32, #tpu.memory_space<vmem>>
      %dma_start3A_32 = arith.constant 0 : i32
      %dma_start3A_33 = tpu.memref_slice %arg12[%add3A_15, %dma_start3A_32] : memref<51200x32xf32, #tpu.memory_space<vmem_shared>> -> memref<512x32xf32, #tpu.memory_space<vmem_shared>>
      %dma_start3A_34 = arith.constant 0 : i32
      %dma_start3A_35 = tpu.memref_slice %arg12[%add3A_15, %dma_start3A_34] : memref<51200x32xf32, #tpu.memory_space<vmem_shared>> -> memref<512x32xf32, #tpu.memory_space<vmem_shared>>
      %dma_start3A_36 = arith.constant 0 : i32
      %dma_start3A_37 = arith.constant 0 : i32
      %dma_start3A_38 = tpu.memref_slice %arg7[%dma_start3A_36, %dma_start3A_37] : memref<512x32xf32, #tpu.memory_space<vmem>> -> memref<512x32xf32, #tpu.memory_space<vmem>>
      tpu.enqueue_dma source(%dma_start3A_38 : memref<512x32xf32, #tpu.memory_space<vmem>>) target(%dma_start3A_35 : memref<512x32xf32, #tpu.memory_space<vmem_shared>>) target_semaphore(%run_scoped3A : memref<!tpu.dma_semaphore, #tpu.memory_space<semaphore_mem>>)
      %dma_wait3A = arith.constant 0 : i32
      %dma_wait3A_39 = arith.constant 0 : i32
      %dma_wait3A_40 = tpu.memref_slice %arg7[%dma_wait3A, %dma_wait3A_39] : memref<512x32xf32, #tpu.memory_space<vmem>> -> memref<512x32xf32, #tpu.memory_space<vmem>>
      %dma_wait3A_41 = arith.constant 0 : i32
      %dma_wait3A_42 = tpu.memref_slice %arg12[%add3A_15, %dma_wait3A_41] : memref<51200x32xf32, #tpu.memory_space<vmem_shared>> -> memref<512x32xf32, #tpu.memory_space<vmem_shared>>
      %dma_wait3A_43 = arith.constant 0 : i32
      %dma_wait3A_44 = tpu.memref_slice %arg12[%add3A_15, %dma_wait3A_43] : memref<51200x32xf32, #tpu.memory_space<vmem_shared>> -> memref<512x32xf32, #tpu.memory_space<vmem_shared>>
      %dma_wait3A_45 = arith.constant 0 : i32
      %dma_wait3A_46 = arith.constant 0 : i32
      %dma_wait3A_47 = tpu.memref_slice %arg7[%dma_wait3A_45, %dma_wait3A_46] : memref<512x32xf32, #tpu.memory_space<vmem>> -> memref<512x32xf32, #tpu.memory_space<vmem>>
      tpu.wait_dma2 semaphore(%run_scoped3A : memref<!tpu.dma_semaphore, #tpu.memory_space<semaphore_mem>>) src(%dma_wait3A_47 : memref<512x32xf32, #tpu.memory_space<vmem>>) dst(%dma_wait3A_44 : memref<512x32xf32, #tpu.memory_space<vmem_shared>>)
      tpu.yield
    }) : () -> ()
    %add3A_16 = arith.constant 2048 : i32
    %add3A_17 = arith.addi %mul3A_8, %add3A_16 : i32
    "tpu.region"() ({
      %run_scoped3A = tpu.sem_alloc : memref<!tpu.dma_semaphore, #tpu.memory_space<semaphore_mem>>
      %dma_start3A = arith.constant 0 : i32
      %dma_start3A_30 = arith.constant 0 : i32
      %dma_start3A_31 = tpu.memref_slice %arg7[%dma_start3A, %dma_start3A_30] : memref<512x32xf32, #tpu.memory_space<vmem>> -> memref<512x32xf32, #tpu.memory_space<vmem>>
      %dma_start3A_32 = arith.constant 0 : i32
      %dma_start3A_33 = tpu.memref_slice %arg12[%add3A_17, %dma_start3A_32] : memref<51200x32xf32, #tpu.memory_space<vmem_shared>> -> memref<512x32xf32, #tpu.memory_space<vmem_shared>>
      %dma_start3A_34 = arith.constant 0 : i32
      %dma_start3A_35 = tpu.memref_slice %arg12[%add3A_17, %dma_start3A_34] : memref<51200x32xf32, #tpu.memory_space<vmem_shared>> -> memref<512x32xf32, #tpu.memory_space<vmem_shared>>
      %dma_start3A_36 = arith.constant 0 : i32
      %dma_start3A_37 = arith.constant 0 : i32
      %dma_start3A_38 = tpu.memref_slice %arg7[%dma_start3A_36, %dma_start3A_37] : memref<512x32xf32, #tpu.memory_space<vmem>> -> memref<512x32xf32, #tpu.memory_space<vmem>>
      tpu.enqueue_dma source(%dma_start3A_38 : memref<512x32xf32, #tpu.memory_space<vmem>>) target(%dma_start3A_35 : memref<512x32xf32, #tpu.memory_space<vmem_shared>>) target_semaphore(%run_scoped3A : memref<!tpu.dma_semaphore, #tpu.memory_space<semaphore_mem>>)
      %dma_wait3A = arith.constant 0 : i32
      %dma_wait3A_39 = arith.constant 0 : i32
      %dma_wait3A_40 = tpu.memref_slice %arg7[%dma_wait3A, %dma_wait3A_39] : memref<512x32xf32, #tpu.memory_space<vmem>> -> memref<512x32xf32, #tpu.memory_space<vmem>>
      %dma_wait3A_41 = arith.constant 0 : i32
      %dma_wait3A_42 = tpu.memref_slice %arg12[%add3A_17, %dma_wait3A_41] : memref<51200x32xf32, #tpu.memory_space<vmem_shared>> -> memref<512x32xf32, #tpu.memory_space<vmem_shared>>
      %dma_wait3A_43 = arith.constant 0 : i32
      %dma_wait3A_44 = tpu.memref_slice %arg12[%add3A_17, %dma_wait3A_43] : memref<51200x32xf32, #tpu.memory_space<vmem_shared>> -> memref<512x32xf32, #tpu.memory_space<vmem_shared>>
      %dma_wait3A_45 = arith.constant 0 : i32
      %dma_wait3A_46 = arith.constant 0 : i32
      %dma_wait3A_47 = tpu.memref_slice %arg7[%dma_wait3A_45, %dma_wait3A_46] : memref<512x32xf32, #tpu.memory_space<vmem>> -> memref<512x32xf32, #tpu.memory_space<vmem>>
      tpu.wait_dma2 semaphore(%run_scoped3A : memref<!tpu.dma_semaphore, #tpu.memory_space<semaphore_mem>>) src(%dma_wait3A_47 : memref<512x32xf32, #tpu.memory_space<vmem>>) dst(%dma_wait3A_44 : memref<512x32xf32, #tpu.memory_space<vmem_shared>>)
      tpu.yield
    }) : () -> ()
    %add3A_18 = arith.constant 2560 : i32
    %add3A_19 = arith.addi %mul3A_8, %add3A_18 : i32
    "tpu.region"() ({
      %run_scoped3A = tpu.sem_alloc : memref<!tpu.dma_semaphore, #tpu.memory_space<semaphore_mem>>
      %dma_start3A = arith.constant 0 : i32
      %dma_start3A_30 = arith.constant 0 : i32
      %dma_start3A_31 = tpu.memref_slice %arg7[%dma_start3A, %dma_start3A_30] : memref<512x32xf32, #tpu.memory_space<vmem>> -> memref<512x32xf32, #tpu.memory_space<vmem>>
      %dma_start3A_32 = arith.constant 0 : i32
      %dma_start3A_33 = tpu.memref_slice %arg12[%add3A_19, %dma_start3A_32] : memref<51200x32xf32, #tpu.memory_space<vmem_shared>> -> memref<512x32xf32, #tpu.memory_space<vmem_shared>>
      %dma_start3A_34 = arith.constant 0 : i32
      %dma_start3A_35 = tpu.memref_slice %arg12[%add3A_19, %dma_start3A_34] : memref<51200x32xf32, #tpu.memory_space<vmem_shared>> -> memref<512x32xf32, #tpu.memory_space<vmem_shared>>
      %dma_start3A_36 = arith.constant 0 : i32
      %dma_start3A_37 = arith.constant 0 : i32
      %dma_start3A_38 = tpu.memref_slice %arg7[%dma_start3A_36, %dma_start3A_37] : memref<512x32xf32, #tpu.memory_space<vmem>> -> memref<512x32xf32, #tpu.memory_space<vmem>>
      tpu.enqueue_dma source(%dma_start3A_38 : memref<512x32xf32, #tpu.memory_space<vmem>>) target(%dma_start3A_35 : memref<512x32xf32, #tpu.memory_space<vmem_shared>>) target_semaphore(%run_scoped3A : memref<!tpu.dma_semaphore, #tpu.memory_space<semaphore_mem>>)
      %dma_wait3A = arith.constant 0 : i32
      %dma_wait3A_39 = arith.constant 0 : i32
      %dma_wait3A_40 = tpu.memref_slice %arg7[%dma_wait3A, %dma_wait3A_39] : memref<512x32xf32, #tpu.memory_space<vmem>> -> memref<512x32xf32, #tpu.memory_space<vmem>>
      %dma_wait3A_41 = arith.constant 0 : i32
      %dma_wait3A_42 = tpu.memref_slice %arg12[%add3A_19, %dma_wait3A_41] : memref<51200x32xf32, #tpu.memory_space<vmem_shared>> -> memref<512x32xf32, #tpu.memory_space<vmem_shared>>
      %dma_wait3A_43 = arith.constant 0 : i32
      %dma_wait3A_44 = tpu.memref_slice %arg12[%add3A_19, %dma_wait3A_43] : memref<51200x32xf32, #tpu.memory_space<vmem_shared>> -> memref<512x32xf32, #tpu.memory_space<vmem_shared>>
      %dma_wait3A_45 = arith.constant 0 : i32
      %dma_wait3A_46 = arith.constant 0 : i32
      %dma_wait3A_47 = tpu.memref_slice %arg7[%dma_wait3A_45, %dma_wait3A_46] : memref<512x32xf32, #tpu.memory_space<vmem>> -> memref<512x32xf32, #tpu.memory_space<vmem>>
      tpu.wait_dma2 semaphore(%run_scoped3A : memref<!tpu.dma_semaphore, #tpu.memory_space<semaphore_mem>>) src(%dma_wait3A_47 : memref<512x32xf32, #tpu.memory_space<vmem>>) dst(%dma_wait3A_44 : memref<512x32xf32, #tpu.memory_space<vmem_shared>>)
      tpu.yield
    }) : () -> ()
    %add3A_20 = arith.constant 3072 : i32
    %add3A_21 = arith.addi %mul3A_8, %add3A_20 : i32
    "tpu.region"() ({
      %run_scoped3A = tpu.sem_alloc : memref<!tpu.dma_semaphore, #tpu.memory_space<semaphore_mem>>
      %dma_start3A = arith.constant 0 : i32
      %dma_start3A_30 = arith.constant 0 : i32
      %dma_start3A_31 = tpu.memref_slice %arg7[%dma_start3A, %dma_start3A_30] : memref<512x32xf32, #tpu.memory_space<vmem>> -> memref<128x32xf32, #tpu.memory_space<vmem>>
      %dma_start3A_32 = arith.constant 0 : i32
      %dma_start3A_33 = tpu.memref_slice %arg12[%add3A_21, %dma_start3A_32] : memref<51200x32xf32, #tpu.memory_space<vmem_shared>> -> memref<128x32xf32, #tpu.memory_space<vmem_shared>>
      %dma_start3A_34 = arith.constant 0 : i32
      %dma_start3A_35 = tpu.memref_slice %arg12[%add3A_21, %dma_start3A_34] : memref<51200x32xf32, #tpu.memory_space<vmem_shared>> -> memref<128x32xf32, #tpu.memory_space<vmem_shared>>
      %dma_start3A_36 = arith.constant 0 : i32
      %dma_start3A_37 = arith.constant 0 : i32
      %dma_start3A_38 = tpu.memref_slice %arg7[%dma_start3A_36, %dma_start3A_37] : memref<512x32xf32, #tpu.memory_space<vmem>> -> memref<128x32xf32, #tpu.memory_space<vmem>>
      tpu.enqueue_dma source(%dma_start3A_38 : memref<128x32xf32, #tpu.memory_space<vmem>>) target(%dma_start3A_35 : memref<128x32xf32, #tpu.memory_space<vmem_shared>>) target_semaphore(%run_scoped3A : memref<!tpu.dma_semaphore, #tpu.memory_space<semaphore_mem>>)
      %dma_wait3A = arith.constant 0 : i32
      %dma_wait3A_39 = arith.constant 0 : i32
      %dma_wait3A_40 = tpu.memref_slice %arg7[%dma_wait3A, %dma_wait3A_39] : memref<512x32xf32, #tpu.memory_space<vmem>> -> memref<128x32xf32, #tpu.memory_space<vmem>>
      %dma_wait3A_41 = arith.constant 0 : i32
      %dma_wait3A_42 = tpu.memref_slice %arg12[%add3A_21, %dma_wait3A_41] : memref<51200x32xf32, #tpu.memory_space<vmem_shared>> -> memref<128x32xf32, #tpu.memory_space<vmem_shared>>
      %dma_wait3A_43 = arith.constant 0 : i32
      %dma_wait3A_44 = tpu.memref_slice %arg12[%add3A_21, %dma_wait3A_43] : memref<51200x32xf32, #tpu.memory_space<vmem_shared>> -> memref<128x32xf32, #tpu.memory_space<vmem_shared>>
      %dma_wait3A_45 = arith.constant 0 : i32
      %dma_wait3A_46 = arith.constant 0 : i32
      %dma_wait3A_47 = tpu.memref_slice %arg7[%dma_wait3A_45, %dma_wait3A_46] : memref<512x32xf32, #tpu.memory_space<vmem>> -> memref<128x32xf32, #tpu.memory_space<vmem>>
      tpu.wait_dma2 semaphore(%run_scoped3A : memref<!tpu.dma_semaphore, #tpu.memory_space<semaphore_mem>>) src(%dma_wait3A_47 : memref<128x32xf32, #tpu.memory_space<vmem>>) dst(%dma_wait3A_44 : memref<128x32xf32, #tpu.memory_space<vmem_shared>>)
      tpu.yield
    }) : () -> ()
    %barrier3A = arith.constant 0 : index
    tpu.barrier barrier_id(%barrier3A)
    %scan3A_22 = arith.constant 0 : i32
    %scan3A_23 = arith.constant 0 : i32
    %scan3A_24 = arith.constant 98 : i32
    %scan3A_25 = arith.addi %scan3A_23, %scan3A_24 : i32
    %scan3A_26 = arith.constant 1 : i32
    scf.for %scan3A_30 = %scan3A_23 to %scan3A_25 step %scan3A_26  : i32 {
      %mul3A_31 = arith.constant 50176 : i32
      %mul3A_32 = arith.muli %arg1, %mul3A_31 : i32
      %mul3A_33 = arith.constant 512 : i32
      %mul3A_34 = arith.muli %scan3A_30, %mul3A_33 : i32
      %add3A_35 = arith.addi %mul3A_32, %mul3A_34 : i32
      %mul3A_36 = arith.constant 392 : i32
      %mul3A_37 = arith.muli %arg1, %mul3A_36 : i32
      %mul3A_38 = arith.constant 4 : i32
      %mul3A_39 = arith.muli %scan3A_30, %mul3A_38 : i32
      %add3A_40 = arith.addi %mul3A_37, %mul3A_39 : i32
      "tpu.region"() ({
        %run_scoped3A_118 = tpu.sem_alloc : memref<!tpu.dma_semaphore, #tpu.memory_space<semaphore_mem>>
        %dma_start3A_119 = tpu.memref_slice %arg3[%add3A_35] : memref<802816xi32, #tpu.memory_space<hbm>> -> memref<512xi32, #tpu.memory_space<hbm>>
        %dma_start3A_120 = tpu.memref_slice %arg3[%add3A_35] : memref<802816xi32, #tpu.memory_space<hbm>> -> memref<512xi32, #tpu.memory_space<hbm>>
        tpu.enqueue_dma source(%dma_start3A_120 : memref<512xi32, #tpu.memory_space<hbm>>) target(%arg8 : memref<512xi32, #tpu.memory_space<vmem>>) target_semaphore(%run_scoped3A_118 : memref<!tpu.dma_semaphore, #tpu.memory_space<semaphore_mem>>)
        %dma_wait3A_121 = tpu.memref_slice %arg3[%add3A_35] : memref<802816xi32, #tpu.memory_space<hbm>> -> memref<512xi32, #tpu.memory_space<hbm>>
        %dma_wait3A_122 = tpu.memref_slice %arg3[%add3A_35] : memref<802816xi32, #tpu.memory_space<hbm>> -> memref<512xi32, #tpu.memory_space<hbm>>
        tpu.wait_dma2 semaphore(%run_scoped3A_118 : memref<!tpu.dma_semaphore, #tpu.memory_space<semaphore_mem>>) src(%dma_wait3A_122 : memref<512xi32, #tpu.memory_space<hbm>>) dst(%arg8 : memref<512xi32, #tpu.memory_space<vmem>>)
        tpu.yield
      }) : () -> ()
      "tpu.region"() ({
        %run_scoped3A_118 = tpu.sem_alloc : memref<!tpu.dma_semaphore, #tpu.memory_space<semaphore_mem>>
        %dma_start3A_119 = tpu.memref_slice %arg4[%add3A_35] : memref<802816xf32, #tpu.memory_space<hbm>> -> memref<512xf32, #tpu.memory_space<hbm>>
        %dma_start3A_120 = tpu.memref_slice %arg4[%add3A_35] : memref<802816xf32, #tpu.memory_space<hbm>> -> memref<512xf32, #tpu.memory_space<hbm>>
        tpu.enqueue_dma source(%dma_start3A_120 : memref<512xf32, #tpu.memory_space<hbm>>) target(%arg10 : memref<512xf32, #tpu.memory_space<vmem>>) target_semaphore(%run_scoped3A_118 : memref<!tpu.dma_semaphore, #tpu.memory_space<semaphore_mem>>)
        %dma_wait3A_121 = tpu.memref_slice %arg4[%add3A_35] : memref<802816xf32, #tpu.memory_space<hbm>> -> memref<512xf32, #tpu.memory_space<hbm>>
        %dma_wait3A_122 = tpu.memref_slice %arg4[%add3A_35] : memref<802816xf32, #tpu.memory_space<hbm>> -> memref<512xf32, #tpu.memory_space<hbm>>
        tpu.wait_dma2 semaphore(%run_scoped3A_118 : memref<!tpu.dma_semaphore, #tpu.memory_space<semaphore_mem>>) src(%dma_wait3A_122 : memref<512xf32, #tpu.memory_space<hbm>>) dst(%arg10 : memref<512xf32, #tpu.memory_space<vmem>>)
        tpu.yield
      }) : () -> ()
      "tpu.region"() ({
        %run_scoped3A_118 = tpu.sem_alloc : memref<!tpu.dma_semaphore, #tpu.memory_space<semaphore_mem>>
        %dma_start3A_119 = arith.constant 0 : i32
        %dma_start3A_120 = tpu.memref_slice %arg5[%add3A_40, %dma_start3A_119] : memref<6272x128xi32, #tpu.memory_space<hbm>> -> memref<4x128xi32, #tpu.memory_space<hbm>>
        %dma_start3A_121 = arith.constant 0 : i32
        %dma_start3A_122 = tpu.memref_slice %arg5[%add3A_40, %dma_start3A_121] : memref<6272x128xi32, #tpu.memory_space<hbm>> -> memref<4x128xi32, #tpu.memory_space<hbm>>
        tpu.enqueue_dma source(%dma_start3A_122 : memref<4x128xi32, #tpu.memory_space<hbm>>) target(%arg11 : memref<4x128xi32, #tpu.memory_space<vmem>>) target_semaphore(%run_scoped3A_118 : memref<!tpu.dma_semaphore, #tpu.memory_space<semaphore_mem>>)
        %dma_wait3A_123 = arith.constant 0 : i32
        %dma_wait3A_124 = tpu.memref_slice %arg5[%add3A_40, %dma_wait3A_123] : memref<6272x128xi32, #tpu.memory_space<hbm>> -> memref<4x128xi32, #tpu.memory_space<hbm>>
        %dma_wait3A_125 = arith.constant 0 : i32
        %dma_wait3A_126 = tpu.memref_slice %arg5[%add3A_40, %dma_wait3A_125] : memref<6272x128xi32, #tpu.memory_space<hbm>> -> memref<4x128xi32, #tpu.memory_space<hbm>>
        tpu.wait_dma2 semaphore(%run_scoped3A_118 : memref<!tpu.dma_semaphore, #tpu.memory_space<semaphore_mem>>) src(%dma_wait3A_126 : memref<4x128xi32, #tpu.memory_space<hbm>>) dst(%arg11 : memref<4x128xi32, #tpu.memory_space<vmem>>)
        tpu.yield
      }) : () -> ()
      %scan3A_41 = arith.constant 0 : i32
      %scan3A_42 = arith.constant 0 : i32
      %scan3A_43 = arith.constant 32 : i32
      %scan3A_44 = arith.addi %scan3A_42, %scan3A_43 : i32
      %scan3A_45 = arith.constant 1 : i32
      scf.for %scan3A_118 = %scan3A_42 to %scan3A_44 step %scan3A_45  : i32 {
        %mul3A_119 = arith.constant 16 : i32
        %mul3A_120 = arith.muli %scan3A_118, %mul3A_119 : i32
        %get3A = arith.index_cast %mul3A_120 : i32 to index
        %get3A_121 = tpu.vector_load %arg8[%get3A] {strides = array<i32>} : memref<512xi32, #tpu.memory_space<vmem>>, vector<16xi32>,
        %get3A_122 = vector.shape_cast %get3A_121 : vector<16xi32> to vector<16xi32>
        %add3A_123 = vector.broadcast %mul3A_0 : i32 to vector<16xi32>
        %add3A_124 = arith.addi %get3A_122, %add3A_123 : vector<16xi32>
        %mul3A_125 = arith.constant 16 : i32
        %mul3A_126 = arith.muli %scan3A_118, %mul3A_125 : i32
        %swap3A = arith.index_cast %mul3A_126 : i32 to index
        %swap3A_127 = tpu.vector_load %arg9[%swap3A] {strides = array<i32>} : memref<512xi32, #tpu.memory_space<vmem>>, vector<16xi32>,
        %swap3A_128 = vector.shape_cast %swap3A_127 : vector<16xi32> to vector<16xi32>
        %swap3A_129 = vector.shape_cast %add3A_124 : vector<16xi32> to vector<16xi32>
        tpu.vector_store %arg9[%swap3A], %swap3A_129 {strides = array<i32>} : memref<512xi32, #tpu.memory_space<vmem>>, vector<16xi32>,
      }
      %scan3A_46 = arith.constant 32 : i32
      %dma_start3A = arith.constant 0 : i32
      %dma_start3A_47 = arith.constant 0 : i32
      %dma_start3A_48 = tpu.memref_slice %arg7[%dma_start3A, %dma_start3A_47] : memref<512x32xf32, #tpu.memory_space<vmem>> -> memref<128x32xf32, #tpu.memory_space<vmem>>
      %dma_start3A_49 = arith.constant 0 : i32
      %dma_start3A_50 = tpu.memref_slice %arg9[%dma_start3A_49] : memref<512xi32, #tpu.memory_space<vmem>> -> memref<128xi32, #tpu.memory_space<vmem>>
      %dma_start3A_51 = arith.constant 0 : i32
      %dma_start3A_52 = arith.constant 0 : i32
      %dma_start3A_53 = tpu.memref_slice %arg2[%dma_start3A_51, %dma_start3A_52] : memref<102400x32xf32, #tpu.memory_space<hbm>> -> memref<102400x32xf32, #tpu.memory_space<hbm>>
      tpu.enqueue_indirect_dma source(%dma_start3A_53 : memref<102400x32xf32, #tpu.memory_space<hbm>>) target(%dma_start3A_48 : memref<128x32xf32, #tpu.memory_space<vmem>>) offsets(%dma_start3A_50 : memref<128xi32, #tpu.memory_space<vmem>>) semaphore(%arg13 : memref<!tpu.dma_semaphore, #tpu.memory_space<semaphore_mem>>)
      %dma_start3A_54 = arith.constant 128 : i32
      %dma_start3A_55 = arith.constant 0 : i32
      %dma_start3A_56 = tpu.memref_slice %arg7[%dma_start3A_54, %dma_start3A_55] : memref<512x32xf32, #tpu.memory_space<vmem>> -> memref<128x32xf32, #tpu.memory_space<vmem>>
      %dma_start3A_57 = arith.constant 128 : i32
      %dma_start3A_58 = tpu.memref_slice %arg9[%dma_start3A_57] : memref<512xi32, #tpu.memory_space<vmem>> -> memref<128xi32, #tpu.memory_space<vmem>>
      %dma_start3A_59 = arith.constant 0 : i32
      %dma_start3A_60 = arith.constant 0 : i32
      %dma_start3A_61 = tpu.memref_slice %arg2[%dma_start3A_59, %dma_start3A_60] : memref<102400x32xf32, #tpu.memory_space<hbm>> -> memref<102400x32xf32, #tpu.memory_space<hbm>>
      tpu.enqueue_indirect_dma source(%dma_start3A_61 : memref<102400x32xf32, #tpu.memory_space<hbm>>) target(%dma_start3A_56 : memref<128x32xf32, #tpu.memory_space<vmem>>) offsets(%dma_start3A_58 : memref<128xi32, #tpu.memory_space<vmem>>) semaphore(%arg13 : memref<!tpu.dma_semaphore, #tpu.memory_space<semaphore_mem>>)
      %dma_start3A_62 = arith.constant 256 : i32
      %dma_start3A_63 = arith.constant 0 : i32
      %dma_start3A_64 = tpu.memref_slice %arg7[%dma_start3A_62, %dma_start3A_63] : memref<512x32xf32, #tpu.memory_space<vmem>> -> memref<128x32xf32, #tpu.memory_space<vmem>>
      %dma_start3A_65 = arith.constant 256 : i32
      %dma_start3A_66 = tpu.memref_slice %arg9[%dma_start3A_65] : memref<512xi32, #tpu.memory_space<vmem>> -> memref<128xi32, #tpu.memory_space<vmem>>
      %dma_start3A_67 = arith.constant 0 : i32
      %dma_start3A_68 = arith.constant 0 : i32
      %dma_start3A_69 = tpu.memref_slice %arg2[%dma_start3A_67, %dma_start3A_68] : memref<102400x32xf32, #tpu.memory_space<hbm>> -> memref<102400x32xf32, #tpu.memory_space<hbm>>
      tpu.enqueue_indirect_dma source(%dma_start3A_69 : memref<102400x32xf32, #tpu.memory_space<hbm>>) target(%dma_start3A_64 : memref<128x32xf32, #tpu.memory_space<vmem>>) offsets(%dma_start3A_66 : memref<128xi32, #tpu.memory_space<vmem>>) semaphore(%arg13 : memref<!tpu.dma_semaphore, #tpu.memory_space<semaphore_mem>>)
      %dma_start3A_70 = arith.constant 384 : i32
      %dma_start3A_71 = arith.constant 0 : i32
      %dma_start3A_72 = tpu.memref_slice %arg7[%dma_start3A_70, %dma_start3A_71] : memref<512x32xf32, #tpu.memory_space<vmem>> -> memref<128x32xf32, #tpu.memory_space<vmem>>
      %dma_start3A_73 = arith.constant 384 : i32
      %dma_start3A_74 = tpu.memref_slice %arg9[%dma_start3A_73] : memref<512xi32, #tpu.memory_space<vmem>> -> memref<128xi32, #tpu.memory_space<vmem>>
      %dma_start3A_75 = arith.constant 0 : i32
      %dma_start3A_76 = arith.constant 0 : i32
      %dma_start3A_77 = tpu.memref_slice %arg2[%dma_start3A_75, %dma_start3A_76] : memref<102400x32xf32, #tpu.memory_space<hbm>> -> memref<102400x32xf32, #tpu.memory_space<hbm>>
      tpu.enqueue_indirect_dma source(%dma_start3A_77 : memref<102400x32xf32, #tpu.memory_space<hbm>>) target(%dma_start3A_72 : memref<128x32xf32, #tpu.memory_space<vmem>>) offsets(%dma_start3A_74 : memref<128xi32, #tpu.memory_space<vmem>>) semaphore(%arg13 : memref<!tpu.dma_semaphore, #tpu.memory_space<semaphore_mem>>)
      %dma_wait3A = arith.constant 0 : i32
      %dma_wait3A_78 = arith.constant 0 : i32
      %dma_wait3A_79 = tpu.memref_slice %arg7[%dma_wait3A, %dma_wait3A_78] : memref<512x32xf32, #tpu.memory_space<vmem>> -> memref<128x32xf32, #tpu.memory_space<vmem>>
      %dma_wait3A_80 = arith.constant 0 : i32
      %dma_wait3A_81 = tpu.memref_slice %arg9[%dma_wait3A_80] : memref<512xi32, #tpu.memory_space<vmem>> -> memref<128xi32, #tpu.memory_space<vmem>>
      %dma_wait3A_82 = arith.constant 0 : i32
      %dma_wait3A_83 = arith.constant 0 : i32
      %dma_wait3A_84 = tpu.memref_slice %arg2[%dma_wait3A_82, %dma_wait3A_83] : memref<102400x32xf32, #tpu.memory_space<hbm>> -> memref<102400x32xf32, #tpu.memory_space<hbm>>
      tpu.wait_indirect_dma semaphore(%arg13 : memref<!tpu.dma_semaphore, #tpu.memory_space<semaphore_mem>>) src(%dma_wait3A_84 : memref<102400x32xf32, #tpu.memory_space<hbm>>) dst(%dma_wait3A_79 : memref<128x32xf32, #tpu.memory_space<vmem>>)
      %dma_wait3A_85 = arith.constant 128 : i32
      %dma_wait3A_86 = arith.constant 0 : i32
      %dma_wait3A_87 = tpu.memref_slice %arg7[%dma_wait3A_85, %dma_wait3A_86] : memref<512x32xf32, #tpu.memory_space<vmem>> -> memref<128x32xf32, #tpu.memory_space<vmem>>
      %dma_wait3A_88 = arith.constant 128 : i32
      %dma_wait3A_89 = tpu.memref_slice %arg9[%dma_wait3A_88] : memref<512xi32, #tpu.memory_space<vmem>> -> memref<128xi32, #tpu.memory_space<vmem>>
      %dma_wait3A_90 = arith.constant 0 : i32
      %dma_wait3A_91 = arith.constant 0 : i32
      %dma_wait3A_92 = tpu.memref_slice %arg2[%dma_wait3A_90, %dma_wait3A_91] : memref<102400x32xf32, #tpu.memory_space<hbm>> -> memref<102400x32xf32, #tpu.memory_space<hbm>>
      tpu.wait_indirect_dma semaphore(%arg13 : memref<!tpu.dma_semaphore, #tpu.memory_space<semaphore_mem>>) src(%dma_wait3A_92 : memref<102400x32xf32, #tpu.memory_space<hbm>>) dst(%dma_wait3A_87 : memref<128x32xf32, #tpu.memory_space<vmem>>)
      %dma_wait3A_93 = arith.constant 256 : i32
      %dma_wait3A_94 = arith.constant 0 : i32
      %dma_wait3A_95 = tpu.memref_slice %arg7[%dma_wait3A_93, %dma_wait3A_94] : memref<512x32xf32, #tpu.memory_space<vmem>> -> memref<128x32xf32, #tpu.memory_space<vmem>>
      %dma_wait3A_96 = arith.constant 256 : i32
      %dma_wait3A_97 = tpu.memref_slice %arg9[%dma_wait3A_96] : memref<512xi32, #tpu.memory_space<vmem>> -> memref<128xi32, #tpu.memory_space<vmem>>
      %dma_wait3A_98 = arith.constant 0 : i32
      %dma_wait3A_99 = arith.constant 0 : i32
      %dma_wait3A_100 = tpu.memref_slice %arg2[%dma_wait3A_98, %dma_wait3A_99] : memref<102400x32xf32, #tpu.memory_space<hbm>> -> memref<102400x32xf32, #tpu.memory_space<hbm>>
      tpu.wait_indirect_dma semaphore(%arg13 : memref<!tpu.dma_semaphore, #tpu.memory_space<semaphore_mem>>) src(%dma_wait3A_100 : memref<102400x32xf32, #tpu.memory_space<hbm>>) dst(%dma_wait3A_95 : memref<128x32xf32, #tpu.memory_space<vmem>>)
      %dma_wait3A_101 = arith.constant 384 : i32
      %dma_wait3A_102 = arith.constant 0 : i32
      %dma_wait3A_103 = tpu.memref_slice %arg7[%dma_wait3A_101, %dma_wait3A_102] : memref<512x32xf32, #tpu.memory_space<vmem>> -> memref<128x32xf32, #tpu.memory_space<vmem>>
      %dma_wait3A_104 = arith.constant 384 : i32
      %dma_wait3A_105 = tpu.memref_slice %arg9[%dma_wait3A_104] : memref<512xi32, #tpu.memory_space<vmem>> -> memref<128xi32, #tpu.memory_space<vmem>>
      %dma_wait3A_106 = arith.constant 0 : i32
      %dma_wait3A_107 = arith.constant 0 : i32
      %dma_wait3A_108 = tpu.memref_slice %arg2[%dma_wait3A_106, %dma_wait3A_107] : memref<102400x32xf32, #tpu.memory_space<hbm>> -> memref<102400x32xf32, #tpu.memory_space<hbm>>
      tpu.wait_indirect_dma semaphore(%arg13 : memref<!tpu.dma_semaphore, #tpu.memory_space<semaphore_mem>>) src(%dma_wait3A_108 : memref<102400x32xf32, #tpu.memory_space<hbm>>) dst(%dma_wait3A_103 : memref<128x32xf32, #tpu.memory_space<vmem>>)
      %scan3A_109 = arith.constant 0 : i32
      %scan3A_110 = arith.constant 0 : i32
      %scan3A_111 = arith.constant 32 : i32
      %scan3A_112 = arith.addi %scan3A_110, %scan3A_111 : i32
      %scan3A_113 = arith.constant 1 : i32
      scf.for %scan3A_118 = %scan3A_110 to %scan3A_112 step %scan3A_113  : i32 {
        %mul3A_119 = arith.constant 16 : i32
        %mul3A_120 = arith.muli %scan3A_118, %mul3A_119 : i32
        %get3A = arith.index_cast %mul3A_120 : i32 to index
        %get3A_121 = tpu.vector_load %arg10[%get3A] {strides = array<i32>} : memref<512xf32, #tpu.memory_space<vmem>>, vector<16xf32>,
        %get3A_122 = vector.shape_cast %get3A_121 : vector<16xf32> to vector<16xf32>
        %mul3A_123 = arith.constant 16 : i32
        %mul3A_124 = arith.muli %scan3A_118, %mul3A_123 : i32
        %add3A_125 = arith.constant 0 : i32
        %add3A_126 = arith.addi %mul3A_124, %add3A_125 : i32
        %slice3A = vector.extract_strided_slice %get3A_122 {offsets = [0], sizes = [1], strides = [1]} : vector<16xf32> to vector<1xf32>
        %squeeze3A = vector.extract %slice3A[0] : f32 from vector<1xf32>
        %get3A_127 = arith.index_cast %add3A_126 : i32 to index
        %get3A_128 = arith.constant 0 : index
        %get3A_129 = tpu.vector_load %arg7[%get3A_127, %get3A_128] {strides = array<i32>} : memref<512x32xf32, #tpu.memory_space<vmem>>, vector<1x16xf32>,
        %get3A_130 = vector.shape_cast %get3A_129 : vector<1x16xf32> to vector<16xf32>
        %mul3A_131 = vector.broadcast %squeeze3A : f32 to vector<16xf32>
        %mul3A_132 = arith.mulf %get3A_130, %mul3A_131 : vector<16xf32>
        %swap3A = arith.index_cast %add3A_126 : i32 to index
        %swap3A_133 = arith.constant 0 : index
        %swap3A_134 = tpu.vector_load %arg7[%swap3A, %swap3A_133] {strides = array<i32>} : memref<512x32xf32, #tpu.memory_space<vmem>>, vector<1x16xf32>,
        %swap3A_135 = vector.shape_cast %swap3A_134 : vector<1x16xf32> to vector<16xf32>
        %swap3A_136 = vector.shape_cast %mul3A_132 : vector<16xf32> to vector<1x16xf32>
        tpu.vector_store %arg7[%swap3A, %swap3A_133], %swap3A_136 {strides = array<i32>} : memref<512x32xf32, #tpu.memory_space<vmem>>, vector<1x16xf32>,
        %get3A_137 = arith.index_cast %add3A_126 : i32 to index
        %get3A_138 = arith.constant 16 : index
        %get3A_139 = tpu.vector_load %arg7[%get3A_137, %get3A_138] {strides = array<i32>} : memref<512x32xf32, #tpu.memory_space<vmem>>, vector<1x16xf32>,
        %get3A_140 = vector.shape_cast %get3A_139 : vector<1x16xf32> to vector<16xf32>
        %mul3A_141 = vector.broadcast %squeeze3A : f32 to vector<16xf32>
        %mul3A_142 = arith.mulf %get3A_140, %mul3A_141 : vector<16xf32>
        %swap3A_143 = arith.index_cast %add3A_126 : i32 to index
        %swap3A_144 = arith.constant 16 : index
        %swap3A_145 = tpu.vector_load %arg7[%swap3A_143, %swap3A_144] {strides = array<i32>} : memref<512x32xf32, #tpu.memory_space<vmem>>, vector<1x16xf32>,
        %swap3A_146 = vector.shape_cast %swap3A_145 : vector<1x16xf32> to vector<16xf32>
        %swap3A_147 = vector.shape_cast %mul3A_142 : vector<16xf32> to vector<1x16xf32>
        tpu.vector_store %arg7[%swap3A_143, %swap3A_144], %swap3A_147 {strides = array<i32>} : memref<512x32xf32, #tpu.memory_space<vmem>>, vector<1x16xf32>,
        %mul3A_148 = arith.constant 16 : i32
        %mul3A_149 = arith.muli %scan3A_118, %mul3A_148 : i32
        %add3A_150 = arith.constant 1 : i32
        %add3A_151 = arith.addi %mul3A_149, %add3A_150 : i32
        %slice3A_152 = vector.extract_strided_slice %get3A_122 {offsets = [1], sizes = [1], strides = [1]} : vector<16xf32> to vector<1xf32>
        %squeeze3A_153 = vector.extract %slice3A_152[0] : f32 from vector<1xf32>
        %get3A_154 = arith.index_cast %add3A_151 : i32 to index
        %get3A_155 = arith.constant 0 : index
        %get3A_156 = tpu.vector_load %arg7[%get3A_154, %get3A_155] {strides = array<i32>} : memref<512x32xf32, #tpu.memory_space<vmem>>, vector<1x16xf32>,
        %get3A_157 = vector.shape_cast %get3A_156 : vector<1x16xf32> to vector<16xf32>
        %mul3A_158 = vector.broadcast %squeeze3A_153 : f32 to vector<16xf32>
        %mul3A_159 = arith.mulf %get3A_157, %mul3A_158 : vector<16xf32>
        %swap3A_160 = arith.index_cast %add3A_151 : i32 to index
        %swap3A_161 = arith.constant 0 : index
        %swap3A_162 = tpu.vector_load %arg7[%swap3A_160, %swap3A_161] {strides = array<i32>} : memref<512x32xf32, #tpu.memory_space<vmem>>, vector<1x16xf32>,
        %swap3A_163 = vector.shape_cast %swap3A_162 : vector<1x16xf32> to vector<16xf32>
        %swap3A_164 = vector.shape_cast %mul3A_159 : vector<16xf32> to vector<1x16xf32>
        tpu.vector_store %arg7[%swap3A_160, %swap3A_161], %swap3A_164 {strides = array<i32>} : memref<512x32xf32, #tpu.memory_space<vmem>>, vector<1x16xf32>,
        %get3A_165 = arith.index_cast %add3A_151 : i32 to index
        %get3A_166 = arith.constant 16 : index
        %get3A_167 = tpu.vector_load %arg7[%get3A_165, %get3A_166] {strides = array<i32>} : memref<512x32xf32, #tpu.memory_space<vmem>>, vector<1x16xf32>,
        %get3A_168 = vector.shape_cast %get3A_167 : vector<1x16xf32> to vector<16xf32>
        %mul3A_169 = vector.broadcast %squeeze3A_153 : f32 to vector<16xf32>
        %mul3A_170 = arith.mulf %get3A_168, %mul3A_169 : vector<16xf32>
        %swap3A_171 = arith.index_cast %add3A_151 : i32 to index
        %swap3A_172 = arith.constant 16 : index
        %swap3A_173 = tpu.vector_load %arg7[%swap3A_171, %swap3A_172] {strides = array<i32>} : memref<512x32xf32, #tpu.memory_space<vmem>>, vector<1x16xf32>,
        %swap3A_174 = vector.shape_cast %swap3A_173 : vector<1x16xf32> to vector<16xf32>
        %swap3A_175 = vector.shape_cast %mul3A_170 : vector<16xf32> to vector<1x16xf32>
        tpu.vector_store %arg7[%swap3A_171, %swap3A_172], %swap3A_175 {strides = array<i32>} : memref<512x32xf32, #tpu.memory_space<vmem>>, vector<1x16xf32>,
        %mul3A_176 = arith.constant 16 : i32
        %mul3A_177 = arith.muli %scan3A_118, %mul3A_176 : i32
        %add3A_178 = arith.constant 2 : i32
        %add3A_179 = arith.addi %mul3A_177, %add3A_178 : i32
        %slice3A_180 = vector.extract_strided_slice %get3A_122 {offsets = [2], sizes = [1], strides = [1]} : vector<16xf32> to vector<1xf32>
        %squeeze3A_181 = vector.extract %slice3A_180[0] : f32 from vector<1xf32>
        %get3A_182 = arith.index_cast %add3A_179 : i32 to index
        %get3A_183 = arith.constant 0 : index
        %get3A_184 = tpu.vector_load %arg7[%get3A_182, %get3A_183] {strides = array<i32>} : memref<512x32xf32, #tpu.memory_space<vmem>>, vector<1x16xf32>,
        %get3A_185 = vector.shape_cast %get3A_184 : vector<1x16xf32> to vector<16xf32>
        %mul3A_186 = vector.broadcast %squeeze3A_181 : f32 to vector<16xf32>
        %mul3A_187 = arith.mulf %get3A_185, %mul3A_186 : vector<16xf32>
        %swap3A_188 = arith.index_cast %add3A_179 : i32 to index
        %swap3A_189 = arith.constant 0 : index
        %swap3A_190 = tpu.vector_load %arg7[%swap3A_188, %swap3A_189] {strides = array<i32>} : memref<512x32xf32, #tpu.memory_space<vmem>>, vector<1x16xf32>,
        %swap3A_191 = vector.shape_cast %swap3A_190 : vector<1x16xf32> to vector<16xf32>
        %swap3A_192 = vector.shape_cast %mul3A_187 : vector<16xf32> to vector<1x16xf32>
        tpu.vector_store %arg7[%swap3A_188, %swap3A_189], %swap3A_192 {strides = array<i32>} : memref<512x32xf32, #tpu.memory_space<vmem>>, vector<1x16xf32>,
        %get3A_193 = arith.index_cast %add3A_179 : i32 to index
        %get3A_194 = arith.constant 16 : index
        %get3A_195 = tpu.vector_load %arg7[%get3A_193, %get3A_194] {strides = array<i32>} : memref<512x32xf32, #tpu.memory_space<vmem>>, vector<1x16xf32>,
        %get3A_196 = vector.shape_cast %get3A_195 : vector<1x16xf32> to vector<16xf32>
        %mul3A_197 = vector.broadcast %squeeze3A_181 : f32 to vector<16xf32>
        %mul3A_198 = arith.mulf %get3A_196, %mul3A_197 : vector<16xf32>
        %swap3A_199 = arith.index_cast %add3A_179 : i32 to index
        %swap3A_200 = arith.constant 16 : index
        %swap3A_201 = tpu.vector_load %arg7[%swap3A_199, %swap3A_200] {strides = array<i32>} : memref<512x32xf32, #tpu.memory_space<vmem>>, vector<1x16xf32>,
        %swap3A_202 = vector.shape_cast %swap3A_201 : vector<1x16xf32> to vector<16xf32>
        %swap3A_203 = vector.shape_cast %mul3A_198 : vector<16xf32> to vector<1x16xf32>
        tpu.vector_store %arg7[%swap3A_199, %swap3A_200], %swap3A_203 {strides = array<i32>} : memref<512x32xf32, #tpu.memory_space<vmem>>, vector<1x16xf32>,
        %mul3A_204 = arith.constant 16 : i32
        %mul3A_205 = arith.muli %scan3A_118, %mul3A_204 : i32
        %add3A_206 = arith.constant 3 : i32
        %add3A_207 = arith.addi %mul3A_205, %add3A_206 : i32
        %slice3A_208 = vector.extract_strided_slice %get3A_122 {offsets = [3], sizes = [1], strides = [1]} : vector<16xf32> to vector<1xf32>
        %squeeze3A_209 = vector.extract %slice3A_208[0] : f32 from vector<1xf32>
        %get3A_210 = arith.index_cast %add3A_207 : i32 to index
        %get3A_211 = arith.constant 0 : index
        %get3A_212 = tpu.vector_load %arg7[%get3A_210, %get3A_211] {strides = array<i32>} : memref<512x32xf32, #tpu.memory_space<vmem>>, vector<1x16xf32>,
        %get3A_213 = vector.shape_cast %get3A_212 : vector<1x16xf32> to vector<16xf32>
        %mul3A_214 = vector.broadcast %squeeze3A_209 : f32 to vector<16xf32>
        %mul3A_215 = arith.mulf %get3A_213, %mul3A_214 : vector<16xf32>
        %swap3A_216 = arith.index_cast %add3A_207 : i32 to index
        %swap3A_217 = arith.constant 0 : index
        %swap3A_218 = tpu.vector_load %arg7[%swap3A_216, %swap3A_217] {strides = array<i32>} : memref<512x32xf32, #tpu.memory_space<vmem>>, vector<1x16xf32>,
        %swap3A_219 = vector.shape_cast %swap3A_218 : vector<1x16xf32> to vector<16xf32>
        %swap3A_220 = vector.shape_cast %mul3A_215 : vector<16xf32> to vector<1x16xf32>
        tpu.vector_store %arg7[%swap3A_216, %swap3A_217], %swap3A_220 {strides = array<i32>} : memref<512x32xf32, #tpu.memory_space<vmem>>, vector<1x16xf32>,
        %get3A_221 = arith.index_cast %add3A_207 : i32 to index
        %get3A_222 = arith.constant 16 : index
        %get3A_223 = tpu.vector_load %arg7[%get3A_221, %get3A_222] {strides = array<i32>} : memref<512x32xf32, #tpu.memory_space<vmem>>, vector<1x16xf32>,
        %get3A_224 = vector.shape_cast %get3A_223 : vector<1x16xf32> to vector<16xf32>
        %mul3A_225 = vector.broadcast %squeeze3A_209 : f32 to vector<16xf32>
        %mul3A_226 = arith.mulf %get3A_224, %mul3A_225 : vector<16xf32>
        %swap3A_227 = arith.index_cast %add3A_207 : i32 to index
        %swap3A_228 = arith.constant 16 : index
        %swap3A_229 = tpu.vector_load %arg7[%swap3A_227, %swap3A_228] {strides = array<i32>} : memref<512x32xf32, #tpu.memory_space<vmem>>, vector<1x16xf32>,
        %swap3A_230 = vector.shape_cast %swap3A_229 : vector<1x16xf32> to vector<16xf32>
        %swap3A_231 = vector.shape_cast %mul3A_226 : vector<16xf32> to vector<1x16xf32>
        tpu.vector_store %arg7[%swap3A_227, %swap3A_228], %swap3A_231 {strides = array<i32>} : memref<512x32xf32, #tpu.memory_space<vmem>>, vector<1x16xf32>,
        %mul3A_232 = arith.constant 16 : i32
        %mul3A_233 = arith.muli %scan3A_118, %mul3A_232 : i32
        %add3A_234 = arith.constant 4 : i32
        %add3A_235 = arith.addi %mul3A_233, %add3A_234 : i32
        %slice3A_236 = vector.extract_strided_slice %get3A_122 {offsets = [4], sizes = [1], strides = [1]} : vector<16xf32> to vector<1xf32>
        %squeeze3A_237 = vector.extract %slice3A_236[0] : f32 from vector<1xf32>
        %get3A_238 = arith.index_cast %add3A_235 : i32 to index
        %get3A_239 = arith.constant 0 : index
        %get3A_240 = tpu.vector_load %arg7[%get3A_238, %get3A_239] {strides = array<i32>} : memref<512x32xf32, #tpu.memory_space<vmem>>, vector<1x16xf32>,
        %get3A_241 = vector.shape_cast %get3A_240 : vector<1x16xf32> to vector<16xf32>
        %mul3A_242 = vector.broadcast %squeeze3A_237 : f32 to vector<16xf32>
        %mul3A_243 = arith.mulf %get3A_241, %mul3A_242 : vector<16xf32>
        %swap3A_244 = arith.index_cast %add3A_235 : i32 to index
        %swap3A_245 = arith.constant 0 : index
        %swap3A_246 = tpu.vector_load %arg7[%swap3A_244, %swap3A_245] {strides = array<i32>} : memref<512x32xf32, #tpu.memory_space<vmem>>, vector<1x16xf32>,
        %swap3A_247 = vector.shape_cast %swap3A_246 : vector<1x16xf32> to vector<16xf32>
        %swap3A_248 = vector.shape_cast %mul3A_243 : vector<16xf32> to vector<1x16xf32>
        tpu.vector_store %arg7[%swap3A_244, %swap3A_245], %swap3A_248 {strides = array<i32>} : memref<512x32xf32, #tpu.memory_space<vmem>>, vector<1x16xf32>,
        %get3A_249 = arith.index_cast %add3A_235 : i32 to index
        %get3A_250 = arith.constant 16 : index
        %get3A_251 = tpu.vector_load %arg7[%get3A_249, %get3A_250] {strides = array<i32>} : memref<512x32xf32, #tpu.memory_space<vmem>>, vector<1x16xf32>,
        %get3A_252 = vector.shape_cast %get3A_251 : vector<1x16xf32> to vector<16xf32>
        %mul3A_253 = vector.broadcast %squeeze3A_237 : f32 to vector<16xf32>
        %mul3A_254 = arith.mulf %get3A_252, %mul3A_253 : vector<16xf32>
        %swap3A_255 = arith.index_cast %add3A_235 : i32 to index
        %swap3A_256 = arith.constant 16 : index
        %swap3A_257 = tpu.vector_load %arg7[%swap3A_255, %swap3A_256] {strides = array<i32>} : memref<512x32xf32, #tpu.memory_space<vmem>>, vector<1x16xf32>,
        %swap3A_258 = vector.shape_cast %swap3A_257 : vector<1x16xf32> to vector<16xf32>
        %swap3A_259 = vector.shape_cast %mul3A_254 : vector<16xf32> to vector<1x16xf32>
        tpu.vector_store %arg7[%swap3A_255, %swap3A_256], %swap3A_259 {strides = array<i32>} : memref<512x32xf32, #tpu.memory_space<vmem>>, vector<1x16xf32>,
        %mul3A_260 = arith.constant 16 : i32
        %mul3A_261 = arith.muli %scan3A_118, %mul3A_260 : i32
        %add3A_262 = arith.constant 5 : i32
        %add3A_263 = arith.addi %mul3A_261, %add3A_262 : i32
        %slice3A_264 = vector.extract_strided_slice %get3A_122 {offsets = [5], sizes = [1], strides = [1]} : vector<16xf32> to vector<1xf32>
        %squeeze3A_265 = vector.extract %slice3A_264[0] : f32 from vector<1xf32>
        %get3A_266 = arith.index_cast %add3A_263 : i32 to index
        %get3A_267 = arith.constant 0 : index
        %get3A_268 = tpu.vector_load %arg7[%get3A_266, %get3A_267] {strides = array<i32>} : memref<512x32xf32, #tpu.memory_space<vmem>>, vector<1x16xf32>,
        %get3A_269 = vector.shape_cast %get3A_268 : vector<1x16xf32> to vector<16xf32>
        %mul3A_270 = vector.broadcast %squeeze3A_265 : f32 to vector<16xf32>
        %mul3A_271 = arith.mulf %get3A_269, %mul3A_270 : vector<16xf32>
        %swap3A_272 = arith.index_cast %add3A_263 : i32 to index
        %swap3A_273 = arith.constant 0 : index
        %swap3A_274 = tpu.vector_load %arg7[%swap3A_272, %swap3A_273] {strides = array<i32>} : memref<512x32xf32, #tpu.memory_space<vmem>>, vector<1x16xf32>,
        %swap3A_275 = vector.shape_cast %swap3A_274 : vector<1x16xf32> to vector<16xf32>
        %swap3A_276 = vector.shape_cast %mul3A_271 : vector<16xf32> to vector<1x16xf32>
        tpu.vector_store %arg7[%swap3A_272, %swap3A_273], %swap3A_276 {strides = array<i32>} : memref<512x32xf32, #tpu.memory_space<vmem>>, vector<1x16xf32>,
        %get3A_277 = arith.index_cast %add3A_263 : i32 to index
        %get3A_278 = arith.constant 16 : index
        %get3A_279 = tpu.vector_load %arg7[%get3A_277, %get3A_278] {strides = array<i32>} : memref<512x32xf32, #tpu.memory_space<vmem>>, vector<1x16xf32>,
        %get3A_280 = vector.shape_cast %get3A_279 : vector<1x16xf32> to vector<16xf32>
        %mul3A_281 = vector.broadcast %squeeze3A_265 : f32 to vector<16xf32>
        %mul3A_282 = arith.mulf %get3A_280, %mul3A_281 : vector<16xf32>
        %swap3A_283 = arith.index_cast %add3A_263 : i32 to index
        %swap3A_284 = arith.constant 16 : index
        %swap3A_285 = tpu.vector_load %arg7[%swap3A_283, %swap3A_284] {strides = array<i32>} : memref<512x32xf32, #tpu.memory_space<vmem>>, vector<1x16xf32>,
        %swap3A_286 = vector.shape_cast %swap3A_285 : vector<1x16xf32> to vector<16xf32>
        %swap3A_287 = vector.shape_cast %mul3A_282 : vector<16xf32> to vector<1x16xf32>
        tpu.vector_store %arg7[%swap3A_283, %swap3A_284], %swap3A_287 {strides = array<i32>} : memref<512x32xf32, #tpu.memory_space<vmem>>, vector<1x16xf32>,
        %mul3A_288 = arith.constant 16 : i32
        %mul3A_289 = arith.muli %scan3A_118, %mul3A_288 : i32
        %add3A_290 = arith.constant 6 : i32
        %add3A_291 = arith.addi %mul3A_289, %add3A_290 : i32
        %slice3A_292 = vector.extract_strided_slice %get3A_122 {offsets = [6], sizes = [1], strides = [1]} : vector<16xf32> to vector<1xf32>
        %squeeze3A_293 = vector.extract %slice3A_292[0] : f32 from vector<1xf32>
        %get3A_294 = arith.index_cast %add3A_291 : i32 to index
        %get3A_295 = arith.constant 0 : index
        %get3A_296 = tpu.vector_load %arg7[%get3A_294, %get3A_295] {strides = array<i32>} : memref<512x32xf32, #tpu.memory_space<vmem>>, vector<1x16xf32>,
        %get3A_297 = vector.shape_cast %get3A_296 : vector<1x16xf32> to vector<16xf32>
        %mul3A_298 = vector.broadcast %squeeze3A_293 : f32 to vector<16xf32>
        %mul3A_299 = arith.mulf %get3A_297, %mul3A_298 : vector<16xf32>
        %swap3A_300 = arith.index_cast %add3A_291 : i32 to index
        %swap3A_301 = arith.constant 0 : index
        %swap3A_302 = tpu.vector_load %arg7[%swap3A_300, %swap3A_301] {strides = array<i32>} : memref<512x32xf32, #tpu.memory_space<vmem>>, vector<1x16xf32>,
        %swap3A_303 = vector.shape_cast %swap3A_302 : vector<1x16xf32> to vector<16xf32>
        %swap3A_304 = vector.shape_cast %mul3A_299 : vector<16xf32> to vector<1x16xf32>
        tpu.vector_store %arg7[%swap3A_300, %swap3A_301], %swap3A_304 {strides = array<i32>} : memref<512x32xf32, #tpu.memory_space<vmem>>, vector<1x16xf32>,
        %get3A_305 = arith.index_cast %add3A_291 : i32 to index
        %get3A_306 = arith.constant 16 : index
        %get3A_307 = tpu.vector_load %arg7[%get3A_305, %get3A_306] {strides = array<i32>} : memref<512x32xf32, #tpu.memory_space<vmem>>, vector<1x16xf32>,
        %get3A_308 = vector.shape_cast %get3A_307 : vector<1x16xf32> to vector<16xf32>
        %mul3A_309 = vector.broadcast %squeeze3A_293 : f32 to vector<16xf32>
        %mul3A_310 = arith.mulf %get3A_308, %mul3A_309 : vector<16xf32>
        %swap3A_311 = arith.index_cast %add3A_291 : i32 to index
        %swap3A_312 = arith.constant 16 : index
        %swap3A_313 = tpu.vector_load %arg7[%swap3A_311, %swap3A_312] {strides = array<i32>} : memref<512x32xf32, #tpu.memory_space<vmem>>, vector<1x16xf32>,
        %swap3A_314 = vector.shape_cast %swap3A_313 : vector<1x16xf32> to vector<16xf32>
        %swap3A_315 = vector.shape_cast %mul3A_310 : vector<16xf32> to vector<1x16xf32>
        tpu.vector_store %arg7[%swap3A_311, %swap3A_312], %swap3A_315 {strides = array<i32>} : memref<512x32xf32, #tpu.memory_space<vmem>>, vector<1x16xf32>,
        %mul3A_316 = arith.constant 16 : i32
        %mul3A_317 = arith.muli %scan3A_118, %mul3A_316 : i32
        %add3A_318 = arith.constant 7 : i32
        %add3A_319 = arith.addi %mul3A_317, %add3A_318 : i32
        %slice3A_320 = vector.extract_strided_slice %get3A_122 {offsets = [7], sizes = [1], strides = [1]} : vector<16xf32> to vector<1xf32>
        %squeeze3A_321 = vector.extract %slice3A_320[0] : f32 from vector<1xf32>
        %get3A_322 = arith.index_cast %add3A_319 : i32 to index
        %get3A_323 = arith.constant 0 : index
        %get3A_324 = tpu.vector_load %arg7[%get3A_322, %get3A_323] {strides = array<i32>} : memref<512x32xf32, #tpu.memory_space<vmem>>, vector<1x16xf32>,
        %get3A_325 = vector.shape_cast %get3A_324 : vector<1x16xf32> to vector<16xf32>
        %mul3A_326 = vector.broadcast %squeeze3A_321 : f32 to vector<16xf32>
        %mul3A_327 = arith.mulf %get3A_325, %mul3A_326 : vector<16xf32>
        %swap3A_328 = arith.index_cast %add3A_319 : i32 to index
        %swap3A_329 = arith.constant 0 : index
        %swap3A_330 = tpu.vector_load %arg7[%swap3A_328, %swap3A_329] {strides = array<i32>} : memref<512x32xf32, #tpu.memory_space<vmem>>, vector<1x16xf32>,
        %swap3A_331 = vector.shape_cast %swap3A_330 : vector<1x16xf32> to vector<16xf32>
        %swap3A_332 = vector.shape_cast %mul3A_327 : vector<16xf32> to vector<1x16xf32>
        tpu.vector_store %arg7[%swap3A_328, %swap3A_329], %swap3A_332 {strides = array<i32>} : memref<512x32xf32, #tpu.memory_space<vmem>>, vector<1x16xf32>,
        %get3A_333 = arith.index_cast %add3A_319 : i32 to index
        %get3A_334 = arith.constant 16 : index
        %get3A_335 = tpu.vector_load %arg7[%get3A_333, %get3A_334] {strides = array<i32>} : memref<512x32xf32, #tpu.memory_space<vmem>>, vector<1x16xf32>,
        %get3A_336 = vector.shape_cast %get3A_335 : vector<1x16xf32> to vector<16xf32>
        %mul3A_337 = vector.broadcast %squeeze3A_321 : f32 to vector<16xf32>
        %mul3A_338 = arith.mulf %get3A_336, %mul3A_337 : vector<16xf32>
        %swap3A_339 = arith.index_cast %add3A_319 : i32 to index
        %swap3A_340 = arith.constant 16 : index
        %swap3A_341 = tpu.vector_load %arg7[%swap3A_339, %swap3A_340] {strides = array<i32>} : memref<512x32xf32, #tpu.memory_space<vmem>>, vector<1x16xf32>,
        %swap3A_342 = vector.shape_cast %swap3A_341 : vector<1x16xf32> to vector<16xf32>
        %swap3A_343 = vector.shape_cast %mul3A_338 : vector<16xf32> to vector<1x16xf32>
        tpu.vector_store %arg7[%swap3A_339, %swap3A_340], %swap3A_343 {strides = array<i32>} : memref<512x32xf32, #tpu.memory_space<vmem>>, vector<1x16xf32>,
        %mul3A_344 = arith.constant 16 : i32
        %mul3A_345 = arith.muli %scan3A_118, %mul3A_344 : i32
        %add3A_346 = arith.constant 8 : i32
        %add3A_347 = arith.addi %mul3A_345, %add3A_346 : i32
        %slice3A_348 = vector.extract_strided_slice %get3A_122 {offsets = [8], sizes = [1], strides = [1]} : vector<16xf32> to vector<1xf32>
        %squeeze3A_349 = vector.extract %slice3A_348[0] : f32 from vector<1xf32>
        %get3A_350 = arith.index_cast %add3A_347 : i32 to index
        %get3A_351 = arith.constant 0 : index
        %get3A_352 = tpu.vector_load %arg7[%get3A_350, %get3A_351] {strides = array<i32>} : memref<512x32xf32, #tpu.memory_space<vmem>>, vector<1x16xf32>,
        %get3A_353 = vector.shape_cast %get3A_352 : vector<1x16xf32> to vector<16xf32>
        %mul3A_354 = vector.broadcast %squeeze3A_349 : f32 to vector<16xf32>
        %mul3A_355 = arith.mulf %get3A_353, %mul3A_354 : vector<16xf32>
        %swap3A_356 = arith.index_cast %add3A_347 : i32 to index
        %swap3A_357 = arith.constant 0 : index
        %swap3A_358 = tpu.vector_load %arg7[%swap3A_356, %swap3A_357] {strides = array<i32>} : memref<512x32xf32, #tpu.memory_space<vmem>>, vector<1x16xf32>,
        %swap3A_359 = vector.shape_cast %swap3A_358 : vector<1x16xf32> to vector<16xf32>
        %swap3A_360 = vector.shape_cast %mul3A_355 : vector<16xf32> to vector<1x16xf32>
        tpu.vector_store %arg7[%swap3A_356, %swap3A_357], %swap3A_360 {strides = array<i32>} : memref<512x32xf32, #tpu.memory_space<vmem>>, vector<1x16xf32>,
        %get3A_361 = arith.index_cast %add3A_347 : i32 to index
        %get3A_362 = arith.constant 16 : index
        %get3A_363 = tpu.vector_load %arg7[%get3A_361, %get3A_362] {strides = array<i32>} : memref<512x32xf32, #tpu.memory_space<vmem>>, vector<1x16xf32>,
        %get3A_364 = vector.shape_cast %get3A_363 : vector<1x16xf32> to vector<16xf32>
        %mul3A_365 = vector.broadcast %squeeze3A_349 : f32 to vector<16xf32>
        %mul3A_366 = arith.mulf %get3A_364, %mul3A_365 : vector<16xf32>
        %swap3A_367 = arith.index_cast %add3A_347 : i32 to index
        %swap3A_368 = arith.constant 16 : index
        %swap3A_369 = tpu.vector_load %arg7[%swap3A_367, %swap3A_368] {strides = array<i32>} : memref<512x32xf32, #tpu.memory_space<vmem>>, vector<1x16xf32>,
        %swap3A_370 = vector.shape_cast %swap3A_369 : vector<1x16xf32> to vector<16xf32>
        %swap3A_371 = vector.shape_cast %mul3A_366 : vector<16xf32> to vector<1x16xf32>
        tpu.vector_store %arg7[%swap3A_367, %swap3A_368], %swap3A_371 {strides = array<i32>} : memref<512x32xf32, #tpu.memory_space<vmem>>, vector<1x16xf32>,
        %mul3A_372 = arith.constant 16 : i32
        %mul3A_373 = arith.muli %scan3A_118, %mul3A_372 : i32
        %add3A_374 = arith.constant 9 : i32
        %add3A_375 = arith.addi %mul3A_373, %add3A_374 : i32
        %slice3A_376 = vector.extract_strided_slice %get3A_122 {offsets = [9], sizes = [1], strides = [1]} : vector<16xf32> to vector<1xf32>
        %squeeze3A_377 = vector.extract %slice3A_376[0] : f32 from vector<1xf32>
        %get3A_378 = arith.index_cast %add3A_375 : i32 to index
        %get3A_379 = arith.constant 0 : index
        %get3A_380 = tpu.vector_load %arg7[%get3A_378, %get3A_379] {strides = array<i32>} : memref<512x32xf32, #tpu.memory_space<vmem>>, vector<1x16xf32>,
        %get3A_381 = vector.shape_cast %get3A_380 : vector<1x16xf32> to vector<16xf32>
        %mul3A_382 = vector.broadcast %squeeze3A_377 : f32 to vector<16xf32>
        %mul3A_383 = arith.mulf %get3A_381, %mul3A_382 : vector<16xf32>
        %swap3A_384 = arith.index_cast %add3A_375 : i32 to index
        %swap3A_385 = arith.constant 0 : index
        %swap3A_386 = tpu.vector_load %arg7[%swap3A_384, %swap3A_385] {strides = array<i32>} : memref<512x32xf32, #tpu.memory_space<vmem>>, vector<1x16xf32>,
        %swap3A_387 = vector.shape_cast %swap3A_386 : vector<1x16xf32> to vector<16xf32>
        %swap3A_388 = vector.shape_cast %mul3A_383 : vector<16xf32> to vector<1x16xf32>
        tpu.vector_store %arg7[%swap3A_384, %swap3A_385], %swap3A_388 {strides = array<i32>} : memref<512x32xf32, #tpu.memory_space<vmem>>, vector<1x16xf32>,
        %get3A_389 = arith.index_cast %add3A_375 : i32 to index
        %get3A_390 = arith.constant 16 : index
        %get3A_391 = tpu.vector_load %arg7[%get3A_389, %get3A_390] {strides = array<i32>} : memref<512x32xf32, #tpu.memory_space<vmem>>, vector<1x16xf32>,
        %get3A_392 = vector.shape_cast %get3A_391 : vector<1x16xf32> to vector<16xf32>
        %mul3A_393 = vector.broadcast %squeeze3A_377 : f32 to vector<16xf32>
        %mul3A_394 = arith.mulf %get3A_392, %mul3A_393 : vector<16xf32>
        %swap3A_395 = arith.index_cast %add3A_375 : i32 to index
        %swap3A_396 = arith.constant 16 : index
        %swap3A_397 = tpu.vector_load %arg7[%swap3A_395, %swap3A_396] {strides = array<i32>} : memref<512x32xf32, #tpu.memory_space<vmem>>, vector<1x16xf32>,
        %swap3A_398 = vector.shape_cast %swap3A_397 : vector<1x16xf32> to vector<16xf32>
        %swap3A_399 = vector.shape_cast %mul3A_394 : vector<16xf32> to vector<1x16xf32>
        tpu.vector_store %arg7[%swap3A_395, %swap3A_396], %swap3A_399 {strides = array<i32>} : memref<512x32xf32, #tpu.memory_space<vmem>>, vector<1x16xf32>,
        %mul3A_400 = arith.constant 16 : i32
        %mul3A_401 = arith.muli %scan3A_118, %mul3A_400 : i32
        %add3A_402 = arith.constant 10 : i32
        %add3A_403 = arith.addi %mul3A_401, %add3A_402 : i32
        %slice3A_404 = vector.extract_strided_slice %get3A_122 {offsets = [10], sizes = [1], strides = [1]} : vector<16xf32> to vector<1xf32>
        %squeeze3A_405 = vector.extract %slice3A_404[0] : f32 from vector<1xf32>
        %get3A_406 = arith.index_cast %add3A_403 : i32 to index
        %get3A_407 = arith.constant 0 : index
        %get3A_408 = tpu.vector_load %arg7[%get3A_406, %get3A_407] {strides = array<i32>} : memref<512x32xf32, #tpu.memory_space<vmem>>, vector<1x16xf32>,
        %get3A_409 = vector.shape_cast %get3A_408 : vector<1x16xf32> to vector<16xf32>
        %mul3A_410 = vector.broadcast %squeeze3A_405 : f32 to vector<16xf32>
        %mul3A_411 = arith.mulf %get3A_409, %mul3A_410 : vector<16xf32>
        %swap3A_412 = arith.index_cast %add3A_403 : i32 to index
        %swap3A_413 = arith.constant 0 : index
        %swap3A_414 = tpu.vector_load %arg7[%swap3A_412, %swap3A_413] {strides = array<i32>} : memref<512x32xf32, #tpu.memory_space<vmem>>, vector<1x16xf32>,
        %swap3A_415 = vector.shape_cast %swap3A_414 : vector<1x16xf32> to vector<16xf32>
        %swap3A_416 = vector.shape_cast %mul3A_411 : vector<16xf32> to vector<1x16xf32>
        tpu.vector_store %arg7[%swap3A_412, %swap3A_413], %swap3A_416 {strides = array<i32>} : memref<512x32xf32, #tpu.memory_space<vmem>>, vector<1x16xf32>,
        %get3A_417 = arith.index_cast %add3A_403 : i32 to index
        %get3A_418 = arith.constant 16 : index
        %get3A_419 = tpu.vector_load %arg7[%get3A_417, %get3A_418] {strides = array<i32>} : memref<512x32xf32, #tpu.memory_space<vmem>>, vector<1x16xf32>,
        %get3A_420 = vector.shape_cast %get3A_419 : vector<1x16xf32> to vector<16xf32>
        %mul3A_421 = vector.broadcast %squeeze3A_405 : f32 to vector<16xf32>
        %mul3A_422 = arith.mulf %get3A_420, %mul3A_421 : vector<16xf32>
        %swap3A_423 = arith.index_cast %add3A_403 : i32 to index
        %swap3A_424 = arith.constant 16 : index
        %swap3A_425 = tpu.vector_load %arg7[%swap3A_423, %swap3A_424] {strides = array<i32>} : memref<512x32xf32, #tpu.memory_space<vmem>>, vector<1x16xf32>,
        %swap3A_426 = vector.shape_cast %swap3A_425 : vector<1x16xf32> to vector<16xf32>
        %swap3A_427 = vector.shape_cast %mul3A_422 : vector<16xf32> to vector<1x16xf32>
        tpu.vector_store %arg7[%swap3A_423, %swap3A_424], %swap3A_427 {strides = array<i32>} : memref<512x32xf32, #tpu.memory_space<vmem>>, vector<1x16xf32>,
        %mul3A_428 = arith.constant 16 : i32
        %mul3A_429 = arith.muli %scan3A_118, %mul3A_428 : i32
        %add3A_430 = arith.constant 11 : i32
        %add3A_431 = arith.addi %mul3A_429, %add3A_430 : i32
        %slice3A_432 = vector.extract_strided_slice %get3A_122 {offsets = [11], sizes = [1], strides = [1]} : vector<16xf32> to vector<1xf32>
        %squeeze3A_433 = vector.extract %slice3A_432[0] : f32 from vector<1xf32>
        %get3A_434 = arith.index_cast %add3A_431 : i32 to index
        %get3A_435 = arith.constant 0 : index
        %get3A_436 = tpu.vector_load %arg7[%get3A_434, %get3A_435] {strides = array<i32>} : memref<512x32xf32, #tpu.memory_space<vmem>>, vector<1x16xf32>,
        %get3A_437 = vector.shape_cast %get3A_436 : vector<1x16xf32> to vector<16xf32>
        %mul3A_438 = vector.broadcast %squeeze3A_433 : f32 to vector<16xf32>
        %mul3A_439 = arith.mulf %get3A_437, %mul3A_438 : vector<16xf32>
        %swap3A_440 = arith.index_cast %add3A_431 : i32 to index
        %swap3A_441 = arith.constant 0 : index
        %swap3A_442 = tpu.vector_load %arg7[%swap3A_440, %swap3A_441] {strides = array<i32>} : memref<512x32xf32, #tpu.memory_space<vmem>>, vector<1x16xf32>,
        %swap3A_443 = vector.shape_cast %swap3A_442 : vector<1x16xf32> to vector<16xf32>
        %swap3A_444 = vector.shape_cast %mul3A_439 : vector<16xf32> to vector<1x16xf32>
        tpu.vector_store %arg7[%swap3A_440, %swap3A_441], %swap3A_444 {strides = array<i32>} : memref<512x32xf32, #tpu.memory_space<vmem>>, vector<1x16xf32>,
        %get3A_445 = arith.index_cast %add3A_431 : i32 to index
        %get3A_446 = arith.constant 16 : index
        %get3A_447 = tpu.vector_load %arg7[%get3A_445, %get3A_446] {strides = array<i32>} : memref<512x32xf32, #tpu.memory_space<vmem>>, vector<1x16xf32>,
        %get3A_448 = vector.shape_cast %get3A_447 : vector<1x16xf32> to vector<16xf32>
        %mul3A_449 = vector.broadcast %squeeze3A_433 : f32 to vector<16xf32>
        %mul3A_450 = arith.mulf %get3A_448, %mul3A_449 : vector<16xf32>
        %swap3A_451 = arith.index_cast %add3A_431 : i32 to index
        %swap3A_452 = arith.constant 16 : index
        %swap3A_453 = tpu.vector_load %arg7[%swap3A_451, %swap3A_452] {strides = array<i32>} : memref<512x32xf32, #tpu.memory_space<vmem>>, vector<1x16xf32>,
        %swap3A_454 = vector.shape_cast %swap3A_453 : vector<1x16xf32> to vector<16xf32>
        %swap3A_455 = vector.shape_cast %mul3A_450 : vector<16xf32> to vector<1x16xf32>
        tpu.vector_store %arg7[%swap3A_451, %swap3A_452], %swap3A_455 {strides = array<i32>} : memref<512x32xf32, #tpu.memory_space<vmem>>, vector<1x16xf32>,
        %mul3A_456 = arith.constant 16 : i32
        %mul3A_457 = arith.muli %scan3A_118, %mul3A_456 : i32
        %add3A_458 = arith.constant 12 : i32
        %add3A_459 = arith.addi %mul3A_457, %add3A_458 : i32
        %slice3A_460 = vector.extract_strided_slice %get3A_122 {offsets = [12], sizes = [1], strides = [1]} : vector<16xf32> to vector<1xf32>
        %squeeze3A_461 = vector.extract %slice3A_460[0] : f32 from vector<1xf32>
        %get3A_462 = arith.index_cast %add3A_459 : i32 to index
        %get3A_463 = arith.constant 0 : index
        %get3A_464 = tpu.vector_load %arg7[%get3A_462, %get3A_463] {strides = array<i32>} : memref<512x32xf32, #tpu.memory_space<vmem>>, vector<1x16xf32>,
        %get3A_465 = vector.shape_cast %get3A_464 : vector<1x16xf32> to vector<16xf32>
        %mul3A_466 = vector.broadcast %squeeze3A_461 : f32 to vector<16xf32>
        %mul3A_467 = arith.mulf %get3A_465, %mul3A_466 : vector<16xf32>
        %swap3A_468 = arith.index_cast %add3A_459 : i32 to index
        %swap3A_469 = arith.constant 0 : index
        %swap3A_470 = tpu.vector_load %arg7[%swap3A_468, %swap3A_469] {strides = array<i32>} : memref<512x32xf32, #tpu.memory_space<vmem>>, vector<1x16xf32>,
        %swap3A_471 = vector.shape_cast %swap3A_470 : vector<1x16xf32> to vector<16xf32>
        %swap3A_472 = vector.shape_cast %mul3A_467 : vector<16xf32> to vector<1x16xf32>
        tpu.vector_store %arg7[%swap3A_468, %swap3A_469], %swap3A_472 {strides = array<i32>} : memref<512x32xf32, #tpu.memory_space<vmem>>, vector<1x16xf32>,
        %get3A_473 = arith.index_cast %add3A_459 : i32 to index
        %get3A_474 = arith.constant 16 : index
        %get3A_475 = tpu.vector_load %arg7[%get3A_473, %get3A_474] {strides = array<i32>} : memref<512x32xf32, #tpu.memory_space<vmem>>, vector<1x16xf32>,
        %get3A_476 = vector.shape_cast %get3A_475 : vector<1x16xf32> to vector<16xf32>
        %mul3A_477 = vector.broadcast %squeeze3A_461 : f32 to vector<16xf32>
        %mul3A_478 = arith.mulf %get3A_476, %mul3A_477 : vector<16xf32>
        %swap3A_479 = arith.index_cast %add3A_459 : i32 to index
        %swap3A_480 = arith.constant 16 : index
        %swap3A_481 = tpu.vector_load %arg7[%swap3A_479, %swap3A_480] {strides = array<i32>} : memref<512x32xf32, #tpu.memory_space<vmem>>, vector<1x16xf32>,
        %swap3A_482 = vector.shape_cast %swap3A_481 : vector<1x16xf32> to vector<16xf32>
        %swap3A_483 = vector.shape_cast %mul3A_478 : vector<16xf32> to vector<1x16xf32>
        tpu.vector_store %arg7[%swap3A_479, %swap3A_480], %swap3A_483 {strides = array<i32>} : memref<512x32xf32, #tpu.memory_space<vmem>>, vector<1x16xf32>,
        %mul3A_484 = arith.constant 16 : i32
        %mul3A_485 = arith.muli %scan3A_118, %mul3A_484 : i32
        %add3A_486 = arith.constant 13 : i32
        %add3A_487 = arith.addi %mul3A_485, %add3A_486 : i32
        %slice3A_488 = vector.extract_strided_slice %get3A_122 {offsets = [13], sizes = [1], strides = [1]} : vector<16xf32> to vector<1xf32>
        %squeeze3A_489 = vector.extract %slice3A_488[0] : f32 from vector<1xf32>
        %get3A_490 = arith.index_cast %add3A_487 : i32 to index
        %get3A_491 = arith.constant 0 : index
        %get3A_492 = tpu.vector_load %arg7[%get3A_490, %get3A_491] {strides = array<i32>} : memref<512x32xf32, #tpu.memory_space<vmem>>, vector<1x16xf32>,
        %get3A_493 = vector.shape_cast %get3A_492 : vector<1x16xf32> to vector<16xf32>
        %mul3A_494 = vector.broadcast %squeeze3A_489 : f32 to vector<16xf32>
        %mul3A_495 = arith.mulf %get3A_493, %mul3A_494 : vector<16xf32>
        %swap3A_496 = arith.index_cast %add3A_487 : i32 to index
        %swap3A_497 = arith.constant 0 : index
        %swap3A_498 = tpu.vector_load %arg7[%swap3A_496, %swap3A_497] {strides = array<i32>} : memref<512x32xf32, #tpu.memory_space<vmem>>, vector<1x16xf32>,
        %swap3A_499 = vector.shape_cast %swap3A_498 : vector<1x16xf32> to vector<16xf32>
        %swap3A_500 = vector.shape_cast %mul3A_495 : vector<16xf32> to vector<1x16xf32>
        tpu.vector_store %arg7[%swap3A_496, %swap3A_497], %swap3A_500 {strides = array<i32>} : memref<512x32xf32, #tpu.memory_space<vmem>>, vector<1x16xf32>,
        %get3A_501 = arith.index_cast %add3A_487 : i32 to index
        %get3A_502 = arith.constant 16 : index
        %get3A_503 = tpu.vector_load %arg7[%get3A_501, %get3A_502] {strides = array<i32>} : memref<512x32xf32, #tpu.memory_space<vmem>>, vector<1x16xf32>,
        %get3A_504 = vector.shape_cast %get3A_503 : vector<1x16xf32> to vector<16xf32>
        %mul3A_505 = vector.broadcast %squeeze3A_489 : f32 to vector<16xf32>
        %mul3A_506 = arith.mulf %get3A_504, %mul3A_505 : vector<16xf32>
        %swap3A_507 = arith.index_cast %add3A_487 : i32 to index
        %swap3A_508 = arith.constant 16 : index
        %swap3A_509 = tpu.vector_load %arg7[%swap3A_507, %swap3A_508] {strides = array<i32>} : memref<512x32xf32, #tpu.memory_space<vmem>>, vector<1x16xf32>,
        %swap3A_510 = vector.shape_cast %swap3A_509 : vector<1x16xf32> to vector<16xf32>
        %swap3A_511 = vector.shape_cast %mul3A_506 : vector<16xf32> to vector<1x16xf32>
        tpu.vector_store %arg7[%swap3A_507, %swap3A_508], %swap3A_511 {strides = array<i32>} : memref<512x32xf32, #tpu.memory_space<vmem>>, vector<1x16xf32>,
        %mul3A_512 = arith.constant 16 : i32
        %mul3A_513 = arith.muli %scan3A_118, %mul3A_512 : i32
        %add3A_514 = arith.constant 14 : i32
        %add3A_515 = arith.addi %mul3A_513, %add3A_514 : i32
        %slice3A_516 = vector.extract_strided_slice %get3A_122 {offsets = [14], sizes = [1], strides = [1]} : vector<16xf32> to vector<1xf32>
        %squeeze3A_517 = vector.extract %slice3A_516[0] : f32 from vector<1xf32>
        %get3A_518 = arith.index_cast %add3A_515 : i32 to index
        %get3A_519 = arith.constant 0 : index
        %get3A_520 = tpu.vector_load %arg7[%get3A_518, %get3A_519] {strides = array<i32>} : memref<512x32xf32, #tpu.memory_space<vmem>>, vector<1x16xf32>,
        %get3A_521 = vector.shape_cast %get3A_520 : vector<1x16xf32> to vector<16xf32>
        %mul3A_522 = vector.broadcast %squeeze3A_517 : f32 to vector<16xf32>
        %mul3A_523 = arith.mulf %get3A_521, %mul3A_522 : vector<16xf32>
        %swap3A_524 = arith.index_cast %add3A_515 : i32 to index
        %swap3A_525 = arith.constant 0 : index
        %swap3A_526 = tpu.vector_load %arg7[%swap3A_524, %swap3A_525] {strides = array<i32>} : memref<512x32xf32, #tpu.memory_space<vmem>>, vector<1x16xf32>,
        %swap3A_527 = vector.shape_cast %swap3A_526 : vector<1x16xf32> to vector<16xf32>
        %swap3A_528 = vector.shape_cast %mul3A_523 : vector<16xf32> to vector<1x16xf32>
        tpu.vector_store %arg7[%swap3A_524, %swap3A_525], %swap3A_528 {strides = array<i32>} : memref<512x32xf32, #tpu.memory_space<vmem>>, vector<1x16xf32>,
        %get3A_529 = arith.index_cast %add3A_515 : i32 to index
        %get3A_530 = arith.constant 16 : index
        %get3A_531 = tpu.vector_load %arg7[%get3A_529, %get3A_530] {strides = array<i32>} : memref<512x32xf32, #tpu.memory_space<vmem>>, vector<1x16xf32>,
        %get3A_532 = vector.shape_cast %get3A_531 : vector<1x16xf32> to vector<16xf32>
        %mul3A_533 = vector.broadcast %squeeze3A_517 : f32 to vector<16xf32>
        %mul3A_534 = arith.mulf %get3A_532, %mul3A_533 : vector<16xf32>
        %swap3A_535 = arith.index_cast %add3A_515 : i32 to index
        %swap3A_536 = arith.constant 16 : index
        %swap3A_537 = tpu.vector_load %arg7[%swap3A_535, %swap3A_536] {strides = array<i32>} : memref<512x32xf32, #tpu.memory_space<vmem>>, vector<1x16xf32>,
        %swap3A_538 = vector.shape_cast %swap3A_537 : vector<1x16xf32> to vector<16xf32>
        %swap3A_539 = vector.shape_cast %mul3A_534 : vector<16xf32> to vector<1x16xf32>
        tpu.vector_store %arg7[%swap3A_535, %swap3A_536], %swap3A_539 {strides = array<i32>} : memref<512x32xf32, #tpu.memory_space<vmem>>, vector<1x16xf32>,
        %mul3A_540 = arith.constant 16 : i32
        %mul3A_541 = arith.muli %scan3A_118, %mul3A_540 : i32
        %add3A_542 = arith.constant 15 : i32
        %add3A_543 = arith.addi %mul3A_541, %add3A_542 : i32
        %slice3A_544 = vector.extract_strided_slice %get3A_122 {offsets = [15], sizes = [1], strides = [1]} : vector<16xf32> to vector<1xf32>
        %squeeze3A_545 = vector.extract %slice3A_544[0] : f32 from vector<1xf32>
        %get3A_546 = arith.index_cast %add3A_543 : i32 to index
        %get3A_547 = arith.constant 0 : index
        %get3A_548 = tpu.vector_load %arg7[%get3A_546, %get3A_547] {strides = array<i32>} : memref<512x32xf32, #tpu.memory_space<vmem>>, vector<1x16xf32>,
        %get3A_549 = vector.shape_cast %get3A_548 : vector<1x16xf32> to vector<16xf32>
        %mul3A_550 = vector.broadcast %squeeze3A_545 : f32 to vector<16xf32>
        %mul3A_551 = arith.mulf %get3A_549, %mul3A_550 : vector<16xf32>
        %swap3A_552 = arith.index_cast %add3A_543 : i32 to index
        %swap3A_553 = arith.constant 0 : index
        %swap3A_554 = tpu.vector_load %arg7[%swap3A_552, %swap3A_553] {strides = array<i32>} : memref<512x32xf32, #tpu.memory_space<vmem>>, vector<1x16xf32>,
        %swap3A_555 = vector.shape_cast %swap3A_554 : vector<1x16xf32> to vector<16xf32>
        %swap3A_556 = vector.shape_cast %mul3A_551 : vector<16xf32> to vector<1x16xf32>
        tpu.vector_store %arg7[%swap3A_552, %swap3A_553], %swap3A_556 {strides = array<i32>} : memref<512x32xf32, #tpu.memory_space<vmem>>, vector<1x16xf32>,
        %get3A_557 = arith.index_cast %add3A_543 : i32 to index
        %get3A_558 = arith.constant 16 : index
        %get3A_559 = tpu.vector_load %arg7[%get3A_557, %get3A_558] {strides = array<i32>} : memref<512x32xf32, #tpu.memory_space<vmem>>, vector<1x16xf32>,
        %get3A_560 = vector.shape_cast %get3A_559 : vector<1x16xf32> to vector<16xf32>
        %mul3A_561 = vector.broadcast %squeeze3A_545 : f32 to vector<16xf32>
        %mul3A_562 = arith.mulf %get3A_560, %mul3A_561 : vector<16xf32>
        %swap3A_563 = arith.index_cast %add3A_543 : i32 to index
        %swap3A_564 = arith.constant 16 : index
        %swap3A_565 = tpu.vector_load %arg7[%swap3A_563, %swap3A_564] {strides = array<i32>} : memref<512x32xf32, #tpu.memory_space<vmem>>, vector<1x16xf32>,
        %swap3A_566 = vector.shape_cast %swap3A_565 : vector<1x16xf32> to vector<16xf32>
        %swap3A_567 = vector.shape_cast %mul3A_562 : vector<16xf32> to vector<1x16xf32>
        tpu.vector_store %arg7[%swap3A_563, %swap3A_564], %swap3A_567 {strides = array<i32>} : memref<512x32xf32, #tpu.memory_space<vmem>>, vector<1x16xf32>,
      }
      %scan3A_114 = arith.constant 32 : i32
      %run_scoped3A = arith.constant 0 : i32
      "tpu.region"() ({
        %run_scoped3A_118 = tpu.sem_alloc : memref<!tpu.dma_semaphore, #tpu.memory_space<semaphore_mem>>
        %dma_start3A_119 = arith.constant 0 : i32
        %dma_start3A_120 = arith.constant 0 : i32
        %dma_start3A_121 = tpu.memref_slice %arg7[%dma_start3A_119, %dma_start3A_120] : memref<512x32xf32, #tpu.memory_space<vmem>> -> memref<128x32xf32, #tpu.memory_space<vmem>>
        %dma_start3A_122 = arith.constant 0 : i32
        %dma_start3A_123 = tpu.memref_slice %arg11[%run_scoped3A, %dma_start3A_122] : memref<4x128xi32, #tpu.memory_space<vmem>> -> memref<1x128xi32, #tpu.memory_space<vmem>>
        %dma_start3A_124 = tpu.memref_squeeze %dma_start3A_123 : memref<1x128xi32, #tpu.memory_space<vmem>> -> memref<128xi32, #tpu.memory_space<vmem>>
        %dma_start3A_125 = arith.constant 0 : i32
        %dma_start3A_126 = arith.constant 0 : i32
        %dma_start3A_127 = tpu.memref_slice %arg12[%dma_start3A_125, %dma_start3A_126] : memref<51200x32xf32, #tpu.memory_space<vmem_shared>> -> memref<51200x32xf32, #tpu.memory_space<vmem_shared>>
        tpu.enqueue_indirect_dma source(%dma_start3A_121 : memref<128x32xf32, #tpu.memory_space<vmem>>) target(%dma_start3A_127 : memref<51200x32xf32, #tpu.memory_space<vmem_shared>>) offsets(%dma_start3A_124 : memref<128xi32, #tpu.memory_space<vmem>>) semaphore(%run_scoped3A_118 : memref<!tpu.dma_semaphore, #tpu.memory_space<semaphore_mem>>) {add = true}
        %dma_wait3A_128 = arith.constant 0 : i32
        %dma_wait3A_129 = arith.constant 0 : i32
        %dma_wait3A_130 = tpu.memref_slice %arg7[%dma_wait3A_128, %dma_wait3A_129] : memref<512x32xf32, #tpu.memory_space<vmem>> -> memref<128x32xf32, #tpu.memory_space<vmem>>
        %dma_wait3A_131 = arith.constant 0 : i32
        %dma_wait3A_132 = tpu.memref_slice %arg11[%run_scoped3A, %dma_wait3A_131] : memref<4x128xi32, #tpu.memory_space<vmem>> -> memref<1x128xi32, #tpu.memory_space<vmem>>
        %dma_wait3A_133 = tpu.memref_squeeze %dma_wait3A_132 : memref<1x128xi32, #tpu.memory_space<vmem>> -> memref<128xi32, #tpu.memory_space<vmem>>
        %dma_wait3A_134 = arith.constant 0 : i32
        %dma_wait3A_135 = arith.constant 0 : i32
        %dma_wait3A_136 = tpu.memref_slice %arg12[%dma_wait3A_134, %dma_wait3A_135] : memref<51200x32xf32, #tpu.memory_space<vmem_shared>> -> memref<51200x32xf32, #tpu.memory_space<vmem_shared>>
        tpu.wait_indirect_dma semaphore(%run_scoped3A_118 : memref<!tpu.dma_semaphore, #tpu.memory_space<semaphore_mem>>) src(%dma_wait3A_130 : memref<128x32xf32, #tpu.memory_space<vmem>>) dst(%dma_wait3A_136 : memref<51200x32xf32, #tpu.memory_space<vmem_shared>>)
        tpu.yield
      }) : () -> ()
      %run_scoped3A_115 = arith.constant 1 : i32
      "tpu.region"() ({
        %run_scoped3A_118 = tpu.sem_alloc : memref<!tpu.dma_semaphore, #tpu.memory_space<semaphore_mem>>
        %dma_start3A_119 = arith.constant 128 : i32
        %dma_start3A_120 = arith.constant 0 : i32
        %dma_start3A_121 = tpu.memref_slice %arg7[%dma_start3A_119, %dma_start3A_120] : memref<512x32xf32, #tpu.memory_space<vmem>> -> memref<128x32xf32, #tpu.memory_space<vmem>>
        %dma_start3A_122 = arith.constant 0 : i32
        %dma_start3A_123 = tpu.memref_slice %arg11[%run_scoped3A_115, %dma_start3A_122] : memref<4x128xi32, #tpu.memory_space<vmem>> -> memref<1x128xi32, #tpu.memory_space<vmem>>
        %dma_start3A_124 = tpu.memref_squeeze %dma_start3A_123 : memref<1x128xi32, #tpu.memory_space<vmem>> -> memref<128xi32, #tpu.memory_space<vmem>>
        %dma_start3A_125 = arith.constant 0 : i32
        %dma_start3A_126 = arith.constant 0 : i32
        %dma_start3A_127 = tpu.memref_slice %arg12[%dma_start3A_125, %dma_start3A_126] : memref<51200x32xf32, #tpu.memory_space<vmem_shared>> -> memref<51200x32xf32, #tpu.memory_space<vmem_shared>>
        tpu.enqueue_indirect_dma source(%dma_start3A_121 : memref<128x32xf32, #tpu.memory_space<vmem>>) target(%dma_start3A_127 : memref<51200x32xf32, #tpu.memory_space<vmem_shared>>) offsets(%dma_start3A_124 : memref<128xi32, #tpu.memory_space<vmem>>) semaphore(%run_scoped3A_118 : memref<!tpu.dma_semaphore, #tpu.memory_space<semaphore_mem>>) {add = true}
        %dma_wait3A_128 = arith.constant 128 : i32
        %dma_wait3A_129 = arith.constant 0 : i32
        %dma_wait3A_130 = tpu.memref_slice %arg7[%dma_wait3A_128, %dma_wait3A_129] : memref<512x32xf32, #tpu.memory_space<vmem>> -> memref<128x32xf32, #tpu.memory_space<vmem>>
        %dma_wait3A_131 = arith.constant 0 : i32
        %dma_wait3A_132 = tpu.memref_slice %arg11[%run_scoped3A_115, %dma_wait3A_131] : memref<4x128xi32, #tpu.memory_space<vmem>> -> memref<1x128xi32, #tpu.memory_space<vmem>>
        %dma_wait3A_133 = tpu.memref_squeeze %dma_wait3A_132 : memref<1x128xi32, #tpu.memory_space<vmem>> -> memref<128xi32, #tpu.memory_space<vmem>>
        %dma_wait3A_134 = arith.constant 0 : i32
        %dma_wait3A_135 = arith.constant 0 : i32
        %dma_wait3A_136 = tpu.memref_slice %arg12[%dma_wait3A_134, %dma_wait3A_135] : memref<51200x32xf32, #tpu.memory_space<vmem_shared>> -> memref<51200x32xf32, #tpu.memory_space<vmem_shared>>
        tpu.wait_indirect_dma semaphore(%run_scoped3A_118 : memref<!tpu.dma_semaphore, #tpu.memory_space<semaphore_mem>>) src(%dma_wait3A_130 : memref<128x32xf32, #tpu.memory_space<vmem>>) dst(%dma_wait3A_136 : memref<51200x32xf32, #tpu.memory_space<vmem_shared>>)
        tpu.yield
      }) : () -> ()
      %run_scoped3A_116 = arith.constant 2 : i32
      "tpu.region"() ({
        %run_scoped3A_118 = tpu.sem_alloc : memref<!tpu.dma_semaphore, #tpu.memory_space<semaphore_mem>>
        %dma_start3A_119 = arith.constant 256 : i32
        %dma_start3A_120 = arith.constant 0 : i32
        %dma_start3A_121 = tpu.memref_slice %arg7[%dma_start3A_119, %dma_start3A_120] : memref<512x32xf32, #tpu.memory_space<vmem>> -> memref<128x32xf32, #tpu.memory_space<vmem>>
        %dma_start3A_122 = arith.constant 0 : i32
        %dma_start3A_123 = tpu.memref_slice %arg11[%run_scoped3A_116, %dma_start3A_122] : memref<4x128xi32, #tpu.memory_space<vmem>> -> memref<1x128xi32, #tpu.memory_space<vmem>>
        %dma_start3A_124 = tpu.memref_squeeze %dma_start3A_123 : memref<1x128xi32, #tpu.memory_space<vmem>> -> memref<128xi32, #tpu.memory_space<vmem>>
        %dma_start3A_125 = arith.constant 0 : i32
        %dma_start3A_126 = arith.constant 0 : i32
        %dma_start3A_127 = tpu.memref_slice %arg12[%dma_start3A_125, %dma_start3A_126] : memref<51200x32xf32, #tpu.memory_space<vmem_shared>> -> memref<51200x32xf32, #tpu.memory_space<vmem_shared>>
        tpu.enqueue_indirect_dma source(%dma_start3A_121 : memref<128x32xf32, #tpu.memory_space<vmem>>) target(%dma_start3A_127 : memref<51200x32xf32, #tpu.memory_space<vmem_shared>>) offsets(%dma_start3A_124 : memref<128xi32, #tpu.memory_space<vmem>>) semaphore(%run_scoped3A_118 : memref<!tpu.dma_semaphore, #tpu.memory_space<semaphore_mem>>) {add = true}
        %dma_wait3A_128 = arith.constant 256 : i32
        %dma_wait3A_129 = arith.constant 0 : i32
        %dma_wait3A_130 = tpu.memref_slice %arg7[%dma_wait3A_128, %dma_wait3A_129] : memref<512x32xf32, #tpu.memory_space<vmem>> -> memref<128x32xf32, #tpu.memory_space<vmem>>
        %dma_wait3A_131 = arith.constant 0 : i32
        %dma_wait3A_132 = tpu.memref_slice %arg11[%run_scoped3A_116, %dma_wait3A_131] : memref<4x128xi32, #tpu.memory_space<vmem>> -> memref<1x128xi32, #tpu.memory_space<vmem>>
        %dma_wait3A_133 = tpu.memref_squeeze %dma_wait3A_132 : memref<1x128xi32, #tpu.memory_space<vmem>> -> memref<128xi32, #tpu.memory_space<vmem>>
        %dma_wait3A_134 = arith.constant 0 : i32
        %dma_wait3A_135 = arith.constant 0 : i32
        %dma_wait3A_136 = tpu.memref_slice %arg12[%dma_wait3A_134, %dma_wait3A_135] : memref<51200x32xf32, #tpu.memory_space<vmem_shared>> -> memref<51200x32xf32, #tpu.memory_space<vmem_shared>>
        tpu.wait_indirect_dma semaphore(%run_scoped3A_118 : memref<!tpu.dma_semaphore, #tpu.memory_space<semaphore_mem>>) src(%dma_wait3A_130 : memref<128x32xf32, #tpu.memory_space<vmem>>) dst(%dma_wait3A_136 : memref<51200x32xf32, #tpu.memory_space<vmem_shared>>)
        tpu.yield
      }) : () -> ()
      %run_scoped3A_117 = arith.constant 3 : i32
      "tpu.region"() ({
        %run_scoped3A_118 = tpu.sem_alloc : memref<!tpu.dma_semaphore, #tpu.memory_space<semaphore_mem>>
        %dma_start3A_119 = arith.constant 384 : i32
        %dma_start3A_120 = arith.constant 0 : i32
        %dma_start3A_121 = tpu.memref_slice %arg7[%dma_start3A_119, %dma_start3A_120] : memref<512x32xf32, #tpu.memory_space<vmem>> -> memref<128x32xf32, #tpu.memory_space<vmem>>
        %dma_start3A_122 = arith.constant 0 : i32
        %dma_start3A_123 = tpu.memref_slice %arg11[%run_scoped3A_117, %dma_start3A_122] : memref<4x128xi32, #tpu.memory_space<vmem>> -> memref<1x128xi32, #tpu.memory_space<vmem>>
        %dma_start3A_124 = tpu.memref_squeeze %dma_start3A_123 : memref<1x128xi32, #tpu.memory_space<vmem>> -> memref<128xi32, #tpu.memory_space<vmem>>
        %dma_start3A_125 = arith.constant 0 : i32
        %dma_start3A_126 = arith.constant 0 : i32
        %dma_start3A_127 = tpu.memref_slice %arg12[%dma_start3A_125, %dma_start3A_126] : memref<51200x32xf32, #tpu.memory_space<vmem_shared>> -> memref<51200x32xf32, #tpu.memory_space<vmem_shared>>
        tpu.enqueue_indirect_dma source(%dma_start3A_121 : memref<128x32xf32, #tpu.memory_space<vmem>>) target(%dma_start3A_127 : memref<51200x32xf32, #tpu.memory_space<vmem_shared>>) offsets(%dma_start3A_124 : memref<128xi32, #tpu.memory_space<vmem>>) semaphore(%run_scoped3A_118 : memref<!tpu.dma_semaphore, #tpu.memory_space<semaphore_mem>>) {add = true}
        %dma_wait3A_128 = arith.constant 384 : i32
        %dma_wait3A_129 = arith.constant 0 : i32
        %dma_wait3A_130 = tpu.memref_slice %arg7[%dma_wait3A_128, %dma_wait3A_129] : memref<512x32xf32, #tpu.memory_space<vmem>> -> memref<128x32xf32, #tpu.memory_space<vmem>>
        %dma_wait3A_131 = arith.constant 0 : i32
        %dma_wait3A_132 = tpu.memref_slice %arg11[%run_scoped3A_117, %dma_wait3A_131] : memref<4x128xi32, #tpu.memory_space<vmem>> -> memref<1x128xi32, #tpu.memory_space<vmem>>
        %dma_wait3A_133 = tpu.memref_squeeze %dma_wait3A_132 : memref<1x128xi32, #tpu.memory_space<vmem>> -> memref<128xi32, #tpu.memory_space<vmem>>
        %dma_wait3A_134 = arith.constant 0 : i32
        %dma_wait3A_135 = arith.constant 0 : i32
        %dma_wait3A_136 = tpu.memref_slice %arg12[%dma_wait3A_134, %dma_wait3A_135] : memref<51200x32xf32, #tpu.memory_space<vmem_shared>> -> memref<51200x32xf32, #tpu.memory_space<vmem_shared>>
        tpu.wait_indirect_dma semaphore(%run_scoped3A_118 : memref<!tpu.dma_semaphore, #tpu.memory_space<semaphore_mem>>) src(%dma_wait3A_130 : memref<128x32xf32, #tpu.memory_space<vmem>>) dst(%dma_wait3A_136 : memref<51200x32xf32, #tpu.memory_space<vmem_shared>>)
        tpu.yield
      }) : () -> ()
    }
    %scan3A_27 = arith.constant 98 : i32
    %barrier3A_28 = arith.constant 0 : index
    tpu.barrier barrier_id(%barrier3A_28)
    %add3A_29 = arith.addi %mul3A_0, %mul3A_8 : i32
    "tpu.region"() ({
      %run_scoped3A = tpu.sem_alloc : memref<!tpu.dma_semaphore, #tpu.memory_space<semaphore_mem>>
      %dma_start3A = arith.constant 0 : i32
      %dma_start3A_30 = tpu.memref_slice %arg6[%add3A_29, %dma_start3A] : memref<102400x32xf32, #tpu.memory_space<hbm>> -> memref<3200x32xf32, #tpu.memory_space<hbm>>
      %dma_start3A_31 = arith.constant 0 : i32
      %dma_start3A_32 = tpu.memref_slice %arg12[%mul3A_8, %dma_start3A_31] : memref<51200x32xf32, #tpu.memory_space<vmem_shared>> -> memref<3200x32xf32, #tpu.memory_space<vmem_shared>>
      tpu.enqueue_dma source(%dma_start3A_32 : memref<3200x32xf32, #tpu.memory_space<vmem_shared>>) target(%dma_start3A_30 : memref<3200x32xf32, #tpu.memory_space<hbm>>) target_semaphore(%run_scoped3A : memref<!tpu.dma_semaphore, #tpu.memory_space<semaphore_mem>>)
      %dma_wait3A = arith.constant 0 : i32
      %dma_wait3A_33 = tpu.memref_slice %arg6[%add3A_29, %dma_wait3A] : memref<102400x32xf32, #tpu.memory_space<hbm>> -> memref<3200x32xf32, #tpu.memory_space<hbm>>
      %dma_wait3A_34 = arith.constant 0 : i32
      %dma_wait3A_35 = tpu.memref_slice %arg12[%mul3A_8, %dma_wait3A_34] : memref<51200x32xf32, #tpu.memory_space<vmem_shared>> -> memref<3200x32xf32, #tpu.memory_space<vmem_shared>>
      tpu.wait_dma2 semaphore(%run_scoped3A : memref<!tpu.dma_semaphore, #tpu.memory_space<semaphore_mem>>) src(%dma_wait3A_35 : memref<3200x32xf32, #tpu.memory_space<vmem_shared>>) dst(%dma_wait3A_33 : memref<3200x32xf32, #tpu.memory_space<hbm>>)
      tpu.yield
    }) : () -> ()
    return
  }
}

#map = affine_map<(d0, d1) -> (0, 0)>
#map1 = affine_map<(d0, d1) -> (0)>
module attributes {stable_mosaic.version = 14 : i64} {
  func.func @_layer_body(%arg0: i32, %arg1: i32, %arg2: memref<102400x32xf32, #tpu.memory_space<hbm>>, %arg3: memref<802816xi32, #tpu.memory_space<hbm>>, %arg4: memref<802816xf32, #tpu.memory_space<hbm>>, %arg5: memref<6272x128xi32, #tpu.memory_space<hbm>>, %arg6: memref<102400x32xf32, #tpu.memory_space<hbm>>, %arg7: memref<512x32xf32, #tpu.memory_space<vmem>>, %arg8: memref<512xi32, #tpu.memory_space<vmem>>, %arg9: memref<512xi32, #tpu.memory_space<vmem>>, %arg10: memref<512xf32, #tpu.memory_space<vmem>>, %arg11: memref<4x128xi32, #tpu.memory_space<vmem>>, %arg12: memref<51200x32xf32, #tpu.memory_space<vmem_shared>>, %arg13: memref<!tpu.dma_semaphore, #tpu.memory_space<semaphore_mem>>) attributes {dimension_semantics = [#tpu.dimension_semantics<core_parallel>, #tpu.dimension_semantics<subcore_parallel>], iteration_bounds = array<i64: 2, 16>, scalar_prefetch = 0 : i64, scratch_operands = 7 : i64, tpu.core_type = #tpu.core_type<sc_vector_subcore>, window_params = [{transform_indices = #map}, {transform_indices = #map1}, {transform_indices = #map1}, {transform_indices = #map}, {transform_indices = #map}]} {
    %mul3A = arith.constant 51200 : i32
    %mul3A_0 = arith.muli %arg0, %mul3A : i32
    %broadcast_in_dim3A = arith.constant 0.000000e+00 : f32
    %broadcast_in_dim3A_1 = vector.broadcast %broadcast_in_dim3A : f32 to vector<16xf32>
    %scan3A = arith.constant 0 : i32
    %scan3A_2 = arith.constant 0 : i32
    %scan3A_3 = arith.constant 512 : i32
    %scan3A_4 = arith.addi %scan3A_2, %scan3A_3 : i32
    %scan3A_5 = arith.constant 1 : i32
    scf.for %scan3A_30 = %scan3A_2 to %scan3A_4 step %scan3A_5  : i32 {
      %swap3A = arith.index_cast %scan3A_30 : i32 to index
      %swap3A_31 = arith.constant 0 : index
      %swap3A_32 = tpu.vector_load %arg7[%swap3A, %swap3A_31] {strides = array<i32>} : memref<512x32xf32, #tpu.memory_space<vmem>>, vector<1x16xf32>,
      %swap3A_33 = vector.shape_cast %swap3A_32 : vector<1x16xf32> to vector<16xf32>
      %swap3A_34 = vector.shape_cast %broadcast_in_dim3A_1 : vector<16xf32> to vector<1x16xf32>
      tpu.vector_store %arg7[%swap3A, %swap3A_31], %swap3A_34 {strides = array<i32>} : memref<512x32xf32, #tpu.memory_space<vmem>>, vector<1x16xf32>,
      %swap3A_35 = arith.index_cast %scan3A_30 : i32 to index
      %swap3A_36 = arith.constant 16 : index
      %swap3A_37 = tpu.vector_load %arg7[%swap3A_35, %swap3A_36] {strides = array<i32>} : memref<512x32xf32, #tpu.memory_space<vmem>>, vector<1x16xf32>,
      %swap3A_38 = vector.shape_cast %swap3A_37 : vector<1x16xf32> to vector<16xf32>
      %swap3A_39 = vector.shape_cast %broadcast_in_dim3A_1 : vector<16xf32> to vector<1x16xf32>
      tpu.vector_store %arg7[%swap3A_35, %swap3A_36], %swap3A_39 {strides = array<i32>} : memref<512x32xf32, #tpu.memory_space<vmem>>, vector<1x16xf32>,
    }
    %scan3A_6 = arith.constant 512 : i32
    %mul3A_7 = arith.constant 3200 : i32
    %mul3A_8 = arith.muli %arg1, %mul3A_7 : i32
    %add3A = arith.constant 0 : i32
    %add3A_9 = arith.addi %mul3A_8, %add3A : i32
    "tpu.region"() ({
      %run_scoped3A = tpu.sem_alloc : memref<!tpu.dma_semaphore, #tpu.memory_space<semaphore_mem>>
      %dma_start3A = arith.constant 0 : i32
      %dma_start3A_30 = arith.constant 0 : i32
      %dma_start3A_31 = tpu.memref_slice %arg7[%dma_start3A, %dma_start3A_30] : memref<512x32xf32, #tpu.memory_space<vmem>> -> memref<512x32xf32, #tpu.memory_space<vmem>>
      %dma_start3A_32 = arith.constant 0 : i32
      %dma_start3A_33 = tpu.memref_slice %arg12[%add3A_9, %dma_start3A_32] : memref<51200x32xf32, #tpu.memory_space<vmem_shared>> -> memref<512x32xf32, #tpu.memory_space<vmem_shared>>
      %dma_start3A_34 = arith.constant 0 : i32
      %dma_start3A_35 = tpu.memref_slice %arg12[%add3A_9, %dma_start3A_34] : memref<51200x32xf32, #tpu.memory_space<vmem_shared>> -> memref<512x32xf32, #tpu.memory_space<vmem_shared>>
      %dma_start3A_36 = arith.constant 0 : i32
      %dma_start3A_37 = arith.constant 0 : i32
      %dma_start3A_38 = tpu.memref_slice %arg7[%dma_start3A_36, %dma_start3A_37] : memref<512x32xf32, #tpu.memory_space<vmem>> -> memref<512x32xf32, #tpu.memory_space<vmem>>
      tpu.enqueue_dma source(%dma_start3A_38 : memref<512x32xf32, #tpu.memory_space<vmem>>) target(%dma_start3A_35 : memref<512x32xf32, #tpu.memory_space<vmem_shared>>) target_semaphore(%run_scoped3A : memref<!tpu.dma_semaphore, #tpu.memory_space<semaphore_mem>>)
      %dma_wait3A = arith.constant 0 : i32
      %dma_wait3A_39 = arith.constant 0 : i32
      %dma_wait3A_40 = tpu.memref_slice %arg7[%dma_wait3A, %dma_wait3A_39] : memref<512x32xf32, #tpu.memory_space<vmem>> -> memref<512x32xf32, #tpu.memory_space<vmem>>
      %dma_wait3A_41 = arith.constant 0 : i32
      %dma_wait3A_42 = tpu.memref_slice %arg12[%add3A_9, %dma_wait3A_41] : memref<51200x32xf32, #tpu.memory_space<vmem_shared>> -> memref<512x32xf32, #tpu.memory_space<vmem_shared>>
      %dma_wait3A_43 = arith.constant 0 : i32
      %dma_wait3A_44 = tpu.memref_slice %arg12[%add3A_9, %dma_wait3A_43] : memref<51200x32xf32, #tpu.memory_space<vmem_shared>> -> memref<512x32xf32, #tpu.memory_space<vmem_shared>>
      %dma_wait3A_45 = arith.constant 0 : i32
      %dma_wait3A_46 = arith.constant 0 : i32
      %dma_wait3A_47 = tpu.memref_slice %arg7[%dma_wait3A_45, %dma_wait3A_46] : memref<512x32xf32, #tpu.memory_space<vmem>> -> memref<512x32xf32, #tpu.memory_space<vmem>>
      tpu.wait_dma2 semaphore(%run_scoped3A : memref<!tpu.dma_semaphore, #tpu.memory_space<semaphore_mem>>) src(%dma_wait3A_47 : memref<512x32xf32, #tpu.memory_space<vmem>>) dst(%dma_wait3A_44 : memref<512x32xf32, #tpu.memory_space<vmem_shared>>)
      tpu.yield
    }) : () -> ()
    %add3A_10 = arith.constant 512 : i32
    %add3A_11 = arith.addi %mul3A_8, %add3A_10 : i32
    "tpu.region"() ({
      %run_scoped3A = tpu.sem_alloc : memref<!tpu.dma_semaphore, #tpu.memory_space<semaphore_mem>>
      %dma_start3A = arith.constant 0 : i32
      %dma_start3A_30 = arith.constant 0 : i32
      %dma_start3A_31 = tpu.memref_slice %arg7[%dma_start3A, %dma_start3A_30] : memref<512x32xf32, #tpu.memory_space<vmem>> -> memref<512x32xf32, #tpu.memory_space<vmem>>
      %dma_start3A_32 = arith.constant 0 : i32
      %dma_start3A_33 = tpu.memref_slice %arg12[%add3A_11, %dma_start3A_32] : memref<51200x32xf32, #tpu.memory_space<vmem_shared>> -> memref<512x32xf32, #tpu.memory_space<vmem_shared>>
      %dma_start3A_34 = arith.constant 0 : i32
      %dma_start3A_35 = tpu.memref_slice %arg12[%add3A_11, %dma_start3A_34] : memref<51200x32xf32, #tpu.memory_space<vmem_shared>> -> memref<512x32xf32, #tpu.memory_space<vmem_shared>>
      %dma_start3A_36 = arith.constant 0 : i32
      %dma_start3A_37 = arith.constant 0 : i32
      %dma_start3A_38 = tpu.memref_slice %arg7[%dma_start3A_36, %dma_start3A_37] : memref<512x32xf32, #tpu.memory_space<vmem>> -> memref<512x32xf32, #tpu.memory_space<vmem>>
      tpu.enqueue_dma source(%dma_start3A_38 : memref<512x32xf32, #tpu.memory_space<vmem>>) target(%dma_start3A_35 : memref<512x32xf32, #tpu.memory_space<vmem_shared>>) target_semaphore(%run_scoped3A : memref<!tpu.dma_semaphore, #tpu.memory_space<semaphore_mem>>)
      %dma_wait3A = arith.constant 0 : i32
      %dma_wait3A_39 = arith.constant 0 : i32
      %dma_wait3A_40 = tpu.memref_slice %arg7[%dma_wait3A, %dma_wait3A_39] : memref<512x32xf32, #tpu.memory_space<vmem>> -> memref<512x32xf32, #tpu.memory_space<vmem>>
      %dma_wait3A_41 = arith.constant 0 : i32
      %dma_wait3A_42 = tpu.memref_slice %arg12[%add3A_11, %dma_wait3A_41] : memref<51200x32xf32, #tpu.memory_space<vmem_shared>> -> memref<512x32xf32, #tpu.memory_space<vmem_shared>>
      %dma_wait3A_43 = arith.constant 0 : i32
      %dma_wait3A_44 = tpu.memref_slice %arg12[%add3A_11, %dma_wait3A_43] : memref<51200x32xf32, #tpu.memory_space<vmem_shared>> -> memref<512x32xf32, #tpu.memory_space<vmem_shared>>
      %dma_wait3A_45 = arith.constant 0 : i32
      %dma_wait3A_46 = arith.constant 0 : i32
      %dma_wait3A_47 = tpu.memref_slice %arg7[%dma_wait3A_45, %dma_wait3A_46] : memref<512x32xf32, #tpu.memory_space<vmem>> -> memref<512x32xf32, #tpu.memory_space<vmem>>
      tpu.wait_dma2 semaphore(%run_scoped3A : memref<!tpu.dma_semaphore, #tpu.memory_space<semaphore_mem>>) src(%dma_wait3A_47 : memref<512x32xf32, #tpu.memory_space<vmem>>) dst(%dma_wait3A_44 : memref<512x32xf32, #tpu.memory_space<vmem_shared>>)
      tpu.yield
    }) : () -> ()
    %add3A_12 = arith.constant 1024 : i32
    %add3A_13 = arith.addi %mul3A_8, %add3A_12 : i32
    "tpu.region"() ({
      %run_scoped3A = tpu.sem_alloc : memref<!tpu.dma_semaphore, #tpu.memory_space<semaphore_mem>>
      %dma_start3A = arith.constant 0 : i32
      %dma_start3A_30 = arith.constant 0 : i32
      %dma_start3A_31 = tpu.memref_slice %arg7[%dma_start3A, %dma_start3A_30] : memref<512x32xf32, #tpu.memory_space<vmem>> -> memref<512x32xf32, #tpu.memory_space<vmem>>
      %dma_start3A_32 = arith.constant 0 : i32
      %dma_start3A_33 = tpu.memref_slice %arg12[%add3A_13, %dma_start3A_32] : memref<51200x32xf32, #tpu.memory_space<vmem_shared>> -> memref<512x32xf32, #tpu.memory_space<vmem_shared>>
      %dma_start3A_34 = arith.constant 0 : i32
      %dma_start3A_35 = tpu.memref_slice %arg12[%add3A_13, %dma_start3A_34] : memref<51200x32xf32, #tpu.memory_space<vmem_shared>> -> memref<512x32xf32, #tpu.memory_space<vmem_shared>>
      %dma_start3A_36 = arith.constant 0 : i32
      %dma_start3A_37 = arith.constant 0 : i32
      %dma_start3A_38 = tpu.memref_slice %arg7[%dma_start3A_36, %dma_start3A_37] : memref<512x32xf32, #tpu.memory_space<vmem>> -> memref<512x32xf32, #tpu.memory_space<vmem>>
      tpu.enqueue_dma source(%dma_start3A_38 : memref<512x32xf32, #tpu.memory_space<vmem>>) target(%dma_start3A_35 : memref<512x32xf32, #tpu.memory_space<vmem_shared>>) target_semaphore(%run_scoped3A : memref<!tpu.dma_semaphore, #tpu.memory_space<semaphore_mem>>)
      %dma_wait3A = arith.constant 0 : i32
      %dma_wait3A_39 = arith.constant 0 : i32
      %dma_wait3A_40 = tpu.memref_slice %arg7[%dma_wait3A, %dma_wait3A_39] : memref<512x32xf32, #tpu.memory_space<vmem>> -> memref<512x32xf32, #tpu.memory_space<vmem>>
      %dma_wait3A_41 = arith.constant 0 : i32
      %dma_wait3A_42 = tpu.memref_slice %arg12[%add3A_13, %dma_wait3A_41] : memref<51200x32xf32, #tpu.memory_space<vmem_shared>> -> memref<512x32xf32, #tpu.memory_space<vmem_shared>>
      %dma_wait3A_43 = arith.constant 0 : i32
      %dma_wait3A_44 = tpu.memref_slice %arg12[%add3A_13, %dma_wait3A_43] : memref<51200x32xf32, #tpu.memory_space<vmem_shared>> -> memref<512x32xf32, #tpu.memory_space<vmem_shared>>
      %dma_wait3A_45 = arith.constant 0 : i32
      %dma_wait3A_46 = arith.constant 0 : i32
      %dma_wait3A_47 = tpu.memref_slice %arg7[%dma_wait3A_45, %dma_wait3A_46] : memref<512x32xf32, #tpu.memory_space<vmem>> -> memref<512x32xf32, #tpu.memory_space<vmem>>
      tpu.wait_dma2 semaphore(%run_scoped3A : memref<!tpu.dma_semaphore, #tpu.memory_space<semaphore_mem>>) src(%dma_wait3A_47 : memref<512x32xf32, #tpu.memory_space<vmem>>) dst(%dma_wait3A_44 : memref<512x32xf32, #tpu.memory_space<vmem_shared>>)
      tpu.yield
    }) : () -> ()
    %add3A_14 = arith.constant 1536 : i32
    %add3A_15 = arith.addi %mul3A_8, %add3A_14 : i32
    "tpu.region"() ({
      %run_scoped3A = tpu.sem_alloc : memref<!tpu.dma_semaphore, #tpu.memory_space<semaphore_mem>>
      %dma_start3A = arith.constant 0 : i32
      %dma_start3A_30 = arith.constant 0 : i32
      %dma_start3A_31 = tpu.memref_slice %arg7[%dma_start3A, %dma_start3A_30] : memref<512x32xf32, #tpu.memory_space<vmem>> -> memref<512x32xf32, #tpu.memory_space<vmem>>
      %dma_start3A_32 = arith.constant 0 : i32
      %dma_start3A_33 = tpu.memref_slice %arg12[%add3A_15, %dma_start3A_32] : memref<51200x32xf32, #tpu.memory_space<vmem_shared>> -> memref<512x32xf32, #tpu.memory_space<vmem_shared>>
      %dma_start3A_34 = arith.constant 0 : i32
      %dma_start3A_35 = tpu.memref_slice %arg12[%add3A_15, %dma_start3A_34] : memref<51200x32xf32, #tpu.memory_space<vmem_shared>> -> memref<512x32xf32, #tpu.memory_space<vmem_shared>>
      %dma_start3A_36 = arith.constant 0 : i32
      %dma_start3A_37 = arith.constant 0 : i32
      %dma_start3A_38 = tpu.memref_slice %arg7[%dma_start3A_36, %dma_start3A_37] : memref<512x32xf32, #tpu.memory_space<vmem>> -> memref<512x32xf32, #tpu.memory_space<vmem>>
      tpu.enqueue_dma source(%dma_start3A_38 : memref<512x32xf32, #tpu.memory_space<vmem>>) target(%dma_start3A_35 : memref<512x32xf32, #tpu.memory_space<vmem_shared>>) target_semaphore(%run_scoped3A : memref<!tpu.dma_semaphore, #tpu.memory_space<semaphore_mem>>)
      %dma_wait3A = arith.constant 0 : i32
      %dma_wait3A_39 = arith.constant 0 : i32
      %dma_wait3A_40 = tpu.memref_slice %arg7[%dma_wait3A, %dma_wait3A_39] : memref<512x32xf32, #tpu.memory_space<vmem>> -> memref<512x32xf32, #tpu.memory_space<vmem>>
      %dma_wait3A_41 = arith.constant 0 : i32
      %dma_wait3A_42 = tpu.memref_slice %arg12[%add3A_15, %dma_wait3A_41] : memref<51200x32xf32, #tpu.memory_space<vmem_shared>> -> memref<512x32xf32, #tpu.memory_space<vmem_shared>>
      %dma_wait3A_43 = arith.constant 0 : i32
      %dma_wait3A_44 = tpu.memref_slice %arg12[%add3A_15, %dma_wait3A_43] : memref<51200x32xf32, #tpu.memory_space<vmem_shared>> -> memref<512x32xf32, #tpu.memory_space<vmem_shared>>
      %dma_wait3A_45 = arith.constant 0 : i32
      %dma_wait3A_46 = arith.constant 0 : i32
      %dma_wait3A_47 = tpu.memref_slice %arg7[%dma_wait3A_45, %dma_wait3A_46] : memref<512x32xf32, #tpu.memory_space<vmem>> -> memref<512x32xf32, #tpu.memory_space<vmem>>
      tpu.wait_dma2 semaphore(%run_scoped3A : memref<!tpu.dma_semaphore, #tpu.memory_space<semaphore_mem>>) src(%dma_wait3A_47 : memref<512x32xf32, #tpu.memory_space<vmem>>) dst(%dma_wait3A_44 : memref<512x32xf32, #tpu.memory_space<vmem_shared>>)
      tpu.yield
    }) : () -> ()
    %add3A_16 = arith.constant 2048 : i32
    %add3A_17 = arith.addi %mul3A_8, %add3A_16 : i32
    "tpu.region"() ({
      %run_scoped3A = tpu.sem_alloc : memref<!tpu.dma_semaphore, #tpu.memory_space<semaphore_mem>>
      %dma_start3A = arith.constant 0 : i32
      %dma_start3A_30 = arith.constant 0 : i32
      %dma_start3A_31 = tpu.memref_slice %arg7[%dma_start3A, %dma_start3A_30] : memref<512x32xf32, #tpu.memory_space<vmem>> -> memref<512x32xf32, #tpu.memory_space<vmem>>
      %dma_start3A_32 = arith.constant 0 : i32
      %dma_start3A_33 = tpu.memref_slice %arg12[%add3A_17, %dma_start3A_32] : memref<51200x32xf32, #tpu.memory_space<vmem_shared>> -> memref<512x32xf32, #tpu.memory_space<vmem_shared>>
      %dma_start3A_34 = arith.constant 0 : i32
      %dma_start3A_35 = tpu.memref_slice %arg12[%add3A_17, %dma_start3A_34] : memref<51200x32xf32, #tpu.memory_space<vmem_shared>> -> memref<512x32xf32, #tpu.memory_space<vmem_shared>>
      %dma_start3A_36 = arith.constant 0 : i32
      %dma_start3A_37 = arith.constant 0 : i32
      %dma_start3A_38 = tpu.memref_slice %arg7[%dma_start3A_36, %dma_start3A_37] : memref<512x32xf32, #tpu.memory_space<vmem>> -> memref<512x32xf32, #tpu.memory_space<vmem>>
      tpu.enqueue_dma source(%dma_start3A_38 : memref<512x32xf32, #tpu.memory_space<vmem>>) target(%dma_start3A_35 : memref<512x32xf32, #tpu.memory_space<vmem_shared>>) target_semaphore(%run_scoped3A : memref<!tpu.dma_semaphore, #tpu.memory_space<semaphore_mem>>)
      %dma_wait3A = arith.constant 0 : i32
      %dma_wait3A_39 = arith.constant 0 : i32
      %dma_wait3A_40 = tpu.memref_slice %arg7[%dma_wait3A, %dma_wait3A_39] : memref<512x32xf32, #tpu.memory_space<vmem>> -> memref<512x32xf32, #tpu.memory_space<vmem>>
      %dma_wait3A_41 = arith.constant 0 : i32
      %dma_wait3A_42 = tpu.memref_slice %arg12[%add3A_17, %dma_wait3A_41] : memref<51200x32xf32, #tpu.memory_space<vmem_shared>> -> memref<512x32xf32, #tpu.memory_space<vmem_shared>>
      %dma_wait3A_43 = arith.constant 0 : i32
      %dma_wait3A_44 = tpu.memref_slice %arg12[%add3A_17, %dma_wait3A_43] : memref<51200x32xf32, #tpu.memory_space<vmem_shared>> -> memref<512x32xf32, #tpu.memory_space<vmem_shared>>
      %dma_wait3A_45 = arith.constant 0 : i32
      %dma_wait3A_46 = arith.constant 0 : i32
      %dma_wait3A_47 = tpu.memref_slice %arg7[%dma_wait3A_45, %dma_wait3A_46] : memref<512x32xf32, #tpu.memory_space<vmem>> -> memref<512x32xf32, #tpu.memory_space<vmem>>
      tpu.wait_dma2 semaphore(%run_scoped3A : memref<!tpu.dma_semaphore, #tpu.memory_space<semaphore_mem>>) src(%dma_wait3A_47 : memref<512x32xf32, #tpu.memory_space<vmem>>) dst(%dma_wait3A_44 : memref<512x32xf32, #tpu.memory_space<vmem_shared>>)
      tpu.yield
    }) : () -> ()
    %add3A_18 = arith.constant 2560 : i32
    %add3A_19 = arith.addi %mul3A_8, %add3A_18 : i32
    "tpu.region"() ({
      %run_scoped3A = tpu.sem_alloc : memref<!tpu.dma_semaphore, #tpu.memory_space<semaphore_mem>>
      %dma_start3A = arith.constant 0 : i32
      %dma_start3A_30 = arith.constant 0 : i32
      %dma_start3A_31 = tpu.memref_slice %arg7[%dma_start3A, %dma_start3A_30] : memref<512x32xf32, #tpu.memory_space<vmem>> -> memref<512x32xf32, #tpu.memory_space<vmem>>
      %dma_start3A_32 = arith.constant 0 : i32
      %dma_start3A_33 = tpu.memref_slice %arg12[%add3A_19, %dma_start3A_32] : memref<51200x32xf32, #tpu.memory_space<vmem_shared>> -> memref<512x32xf32, #tpu.memory_space<vmem_shared>>
      %dma_start3A_34 = arith.constant 0 : i32
      %dma_start3A_35 = tpu.memref_slice %arg12[%add3A_19, %dma_start3A_34] : memref<51200x32xf32, #tpu.memory_space<vmem_shared>> -> memref<512x32xf32, #tpu.memory_space<vmem_shared>>
      %dma_start3A_36 = arith.constant 0 : i32
      %dma_start3A_37 = arith.constant 0 : i32
      %dma_start3A_38 = tpu.memref_slice %arg7[%dma_start3A_36, %dma_start3A_37] : memref<512x32xf32, #tpu.memory_space<vmem>> -> memref<512x32xf32, #tpu.memory_space<vmem>>
      tpu.enqueue_dma source(%dma_start3A_38 : memref<512x32xf32, #tpu.memory_space<vmem>>) target(%dma_start3A_35 : memref<512x32xf32, #tpu.memory_space<vmem_shared>>) target_semaphore(%run_scoped3A : memref<!tpu.dma_semaphore, #tpu.memory_space<semaphore_mem>>)
      %dma_wait3A = arith.constant 0 : i32
      %dma_wait3A_39 = arith.constant 0 : i32
      %dma_wait3A_40 = tpu.memref_slice %arg7[%dma_wait3A, %dma_wait3A_39] : memref<512x32xf32, #tpu.memory_space<vmem>> -> memref<512x32xf32, #tpu.memory_space<vmem>>
      %dma_wait3A_41 = arith.constant 0 : i32
      %dma_wait3A_42 = tpu.memref_slice %arg12[%add3A_19, %dma_wait3A_41] : memref<51200x32xf32, #tpu.memory_space<vmem_shared>> -> memref<512x32xf32, #tpu.memory_space<vmem_shared>>
      %dma_wait3A_43 = arith.constant 0 : i32
      %dma_wait3A_44 = tpu.memref_slice %arg12[%add3A_19, %dma_wait3A_43] : memref<51200x32xf32, #tpu.memory_space<vmem_shared>> -> memref<512x32xf32, #tpu.memory_space<vmem_shared>>
      %dma_wait3A_45 = arith.constant 0 : i32
      %dma_wait3A_46 = arith.constant 0 : i32
      %dma_wait3A_47 = tpu.memref_slice %arg7[%dma_wait3A_45, %dma_wait3A_46] : memref<512x32xf32, #tpu.memory_space<vmem>> -> memref<512x32xf32, #tpu.memory_space<vmem>>
      tpu.wait_dma2 semaphore(%run_scoped3A : memref<!tpu.dma_semaphore, #tpu.memory_space<semaphore_mem>>) src(%dma_wait3A_47 : memref<512x32xf32, #tpu.memory_space<vmem>>) dst(%dma_wait3A_44 : memref<512x32xf32, #tpu.memory_space<vmem_shared>>)
      tpu.yield
    }) : () -> ()
    %add3A_20 = arith.constant 3072 : i32
    %add3A_21 = arith.addi %mul3A_8, %add3A_20 : i32
    "tpu.region"() ({
      %run_scoped3A = tpu.sem_alloc : memref<!tpu.dma_semaphore, #tpu.memory_space<semaphore_mem>>
      %dma_start3A = arith.constant 0 : i32
      %dma_start3A_30 = arith.constant 0 : i32
      %dma_start3A_31 = tpu.memref_slice %arg7[%dma_start3A, %dma_start3A_30] : memref<512x32xf32, #tpu.memory_space<vmem>> -> memref<128x32xf32, #tpu.memory_space<vmem>>
      %dma_start3A_32 = arith.constant 0 : i32
      %dma_start3A_33 = tpu.memref_slice %arg12[%add3A_21, %dma_start3A_32] : memref<51200x32xf32, #tpu.memory_space<vmem_shared>> -> memref<128x32xf32, #tpu.memory_space<vmem_shared>>
      %dma_start3A_34 = arith.constant 0 : i32
      %dma_start3A_35 = tpu.memref_slice %arg12[%add3A_21, %dma_start3A_34] : memref<51200x32xf32, #tpu.memory_space<vmem_shared>> -> memref<128x32xf32, #tpu.memory_space<vmem_shared>>
      %dma_start3A_36 = arith.constant 0 : i32
      %dma_start3A_37 = arith.constant 0 : i32
      %dma_start3A_38 = tpu.memref_slice %arg7[%dma_start3A_36, %dma_start3A_37] : memref<512x32xf32, #tpu.memory_space<vmem>> -> memref<128x32xf32, #tpu.memory_space<vmem>>
      tpu.enqueue_dma source(%dma_start3A_38 : memref<128x32xf32, #tpu.memory_space<vmem>>) target(%dma_start3A_35 : memref<128x32xf32, #tpu.memory_space<vmem_shared>>) target_semaphore(%run_scoped3A : memref<!tpu.dma_semaphore, #tpu.memory_space<semaphore_mem>>)
      %dma_wait3A = arith.constant 0 : i32
      %dma_wait3A_39 = arith.constant 0 : i32
      %dma_wait3A_40 = tpu.memref_slice %arg7[%dma_wait3A, %dma_wait3A_39] : memref<512x32xf32, #tpu.memory_space<vmem>> -> memref<128x32xf32, #tpu.memory_space<vmem>>
      %dma_wait3A_41 = arith.constant 0 : i32
      %dma_wait3A_42 = tpu.memref_slice %arg12[%add3A_21, %dma_wait3A_41] : memref<51200x32xf32, #tpu.memory_space<vmem_shared>> -> memref<128x32xf32, #tpu.memory_space<vmem_shared>>
      %dma_wait3A_43 = arith.constant 0 : i32
      %dma_wait3A_44 = tpu.memref_slice %arg12[%add3A_21, %dma_wait3A_43] : memref<51200x32xf32, #tpu.memory_space<vmem_shared>> -> memref<128x32xf32, #tpu.memory_space<vmem_shared>>
      %dma_wait3A_45 = arith.constant 0 : i32
      %dma_wait3A_46 = arith.constant 0 : i32
      %dma_wait3A_47 = tpu.memref_slice %arg7[%dma_wait3A_45, %dma_wait3A_46] : memref<512x32xf32, #tpu.memory_space<vmem>> -> memref<128x32xf32, #tpu.memory_space<vmem>>
      tpu.wait_dma2 semaphore(%run_scoped3A : memref<!tpu.dma_semaphore, #tpu.memory_space<semaphore_mem>>) src(%dma_wait3A_47 : memref<128x32xf32, #tpu.memory_space<vmem>>) dst(%dma_wait3A_44 : memref<128x32xf32, #tpu.memory_space<vmem_shared>>)
      tpu.yield
    }) : () -> ()
    %barrier3A = arith.constant 0 : index
    tpu.barrier barrier_id(%barrier3A)
    %scan3A_22 = arith.constant 0 : i32
    %scan3A_23 = arith.constant 0 : i32
    %scan3A_24 = arith.constant 98 : i32
    %scan3A_25 = arith.addi %scan3A_23, %scan3A_24 : i32
    %scan3A_26 = arith.constant 1 : i32
    scf.for %scan3A_30 = %scan3A_23 to %scan3A_25 step %scan3A_26  : i32 {
      %mul3A_31 = arith.constant 50176 : i32
      %mul3A_32 = arith.muli %arg1, %mul3A_31 : i32
      %mul3A_33 = arith.constant 512 : i32
      %mul3A_34 = arith.muli %scan3A_30, %mul3A_33 : i32
      %add3A_35 = arith.addi %mul3A_32, %mul3A_34 : i32
      %mul3A_36 = arith.constant 392 : i32
      %mul3A_37 = arith.muli %arg1, %mul3A_36 : i32
      %mul3A_38 = arith.constant 4 : i32
      %mul3A_39 = arith.muli %scan3A_30, %mul3A_38 : i32
      %add3A_40 = arith.addi %mul3A_37, %mul3A_39 : i32
      "tpu.region"() ({
        %run_scoped3A_118 = tpu.sem_alloc : memref<!tpu.dma_semaphore, #tpu.memory_space<semaphore_mem>>
        %dma_start3A_119 = tpu.memref_slice %arg3[%add3A_35] : memref<802816xi32, #tpu.memory_space<hbm>> -> memref<512xi32, #tpu.memory_space<hbm>>
        %dma_start3A_120 = tpu.memref_slice %arg3[%add3A_35] : memref<802816xi32, #tpu.memory_space<hbm>> -> memref<512xi32, #tpu.memory_space<hbm>>
        tpu.enqueue_dma source(%dma_start3A_120 : memref<512xi32, #tpu.memory_space<hbm>>) target(%arg8 : memref<512xi32, #tpu.memory_space<vmem>>) target_semaphore(%run_scoped3A_118 : memref<!tpu.dma_semaphore, #tpu.memory_space<semaphore_mem>>)
        %dma_wait3A_121 = tpu.memref_slice %arg3[%add3A_35] : memref<802816xi32, #tpu.memory_space<hbm>> -> memref<512xi32, #tpu.memory_space<hbm>>
        %dma_wait3A_122 = tpu.memref_slice %arg3[%add3A_35] : memref<802816xi32, #tpu.memory_space<hbm>> -> memref<512xi32, #tpu.memory_space<hbm>>
        tpu.wait_dma2 semaphore(%run_scoped3A_118 : memref<!tpu.dma_semaphore, #tpu.memory_space<semaphore_mem>>) src(%dma_wait3A_122 : memref<512xi32, #tpu.memory_space<hbm>>) dst(%arg8 : memref<512xi32, #tpu.memory_space<vmem>>)
        tpu.yield
      }) : () -> ()
      "tpu.region"() ({
        %run_scoped3A_118 = tpu.sem_alloc : memref<!tpu.dma_semaphore, #tpu.memory_space<semaphore_mem>>
        %dma_start3A_119 = tpu.memref_slice %arg4[%add3A_35] : memref<802816xf32, #tpu.memory_space<hbm>> -> memref<512xf32, #tpu.memory_space<hbm>>
        %dma_start3A_120 = tpu.memref_slice %arg4[%add3A_35] : memref<802816xf32, #tpu.memory_space<hbm>> -> memref<512xf32, #tpu.memory_space<hbm>>
        tpu.enqueue_dma source(%dma_start3A_120 : memref<512xf32, #tpu.memory_space<hbm>>) target(%arg10 : memref<512xf32, #tpu.memory_space<vmem>>) target_semaphore(%run_scoped3A_118 : memref<!tpu.dma_semaphore, #tpu.memory_space<semaphore_mem>>)
        %dma_wait3A_121 = tpu.memref_slice %arg4[%add3A_35] : memref<802816xf32, #tpu.memory_space<hbm>> -> memref<512xf32, #tpu.memory_space<hbm>>
        %dma_wait3A_122 = tpu.memref_slice %arg4[%add3A_35] : memref<802816xf32, #tpu.memory_space<hbm>> -> memref<512xf32, #tpu.memory_space<hbm>>
        tpu.wait_dma2 semaphore(%run_scoped3A_118 : memref<!tpu.dma_semaphore, #tpu.memory_space<semaphore_mem>>) src(%dma_wait3A_122 : memref<512xf32, #tpu.memory_space<hbm>>) dst(%arg10 : memref<512xf32, #tpu.memory_space<vmem>>)
        tpu.yield
      }) : () -> ()
      "tpu.region"() ({
        %run_scoped3A_118 = tpu.sem_alloc : memref<!tpu.dma_semaphore, #tpu.memory_space<semaphore_mem>>
        %dma_start3A_119 = arith.constant 0 : i32
        %dma_start3A_120 = tpu.memref_slice %arg5[%add3A_40, %dma_start3A_119] : memref<6272x128xi32, #tpu.memory_space<hbm>> -> memref<4x128xi32, #tpu.memory_space<hbm>>
        %dma_start3A_121 = arith.constant 0 : i32
        %dma_start3A_122 = tpu.memref_slice %arg5[%add3A_40, %dma_start3A_121] : memref<6272x128xi32, #tpu.memory_space<hbm>> -> memref<4x128xi32, #tpu.memory_space<hbm>>
        tpu.enqueue_dma source(%dma_start3A_122 : memref<4x128xi32, #tpu.memory_space<hbm>>) target(%arg11 : memref<4x128xi32, #tpu.memory_space<vmem>>) target_semaphore(%run_scoped3A_118 : memref<!tpu.dma_semaphore, #tpu.memory_space<semaphore_mem>>)
        %dma_wait3A_123 = arith.constant 0 : i32
        %dma_wait3A_124 = tpu.memref_slice %arg5[%add3A_40, %dma_wait3A_123] : memref<6272x128xi32, #tpu.memory_space<hbm>> -> memref<4x128xi32, #tpu.memory_space<hbm>>
        %dma_wait3A_125 = arith.constant 0 : i32
        %dma_wait3A_126 = tpu.memref_slice %arg5[%add3A_40, %dma_wait3A_125] : memref<6272x128xi32, #tpu.memory_space<hbm>> -> memref<4x128xi32, #tpu.memory_space<hbm>>
        tpu.wait_dma2 semaphore(%run_scoped3A_118 : memref<!tpu.dma_semaphore, #tpu.memory_space<semaphore_mem>>) src(%dma_wait3A_126 : memref<4x128xi32, #tpu.memory_space<hbm>>) dst(%arg11 : memref<4x128xi32, #tpu.memory_space<vmem>>)
        tpu.yield
      }) : () -> ()
      %scan3A_41 = arith.constant 0 : i32
      %scan3A_42 = arith.constant 0 : i32
      %scan3A_43 = arith.constant 32 : i32
      %scan3A_44 = arith.addi %scan3A_42, %scan3A_43 : i32
      %scan3A_45 = arith.constant 1 : i32
      scf.for %scan3A_118 = %scan3A_42 to %scan3A_44 step %scan3A_45  : i32 {
        %mul3A_119 = arith.constant 16 : i32
        %mul3A_120 = arith.muli %scan3A_118, %mul3A_119 : i32
        %get3A = arith.index_cast %mul3A_120 : i32 to index
        %get3A_121 = tpu.vector_load %arg8[%get3A] {strides = array<i32>} : memref<512xi32, #tpu.memory_space<vmem>>, vector<16xi32>,
        %get3A_122 = vector.shape_cast %get3A_121 : vector<16xi32> to vector<16xi32>
        %add3A_123 = vector.broadcast %mul3A_0 : i32 to vector<16xi32>
        %add3A_124 = arith.addi %get3A_122, %add3A_123 : vector<16xi32>
        %mul3A_125 = arith.constant 16 : i32
        %mul3A_126 = arith.muli %scan3A_118, %mul3A_125 : i32
        %swap3A = arith.index_cast %mul3A_126 : i32 to index
        %swap3A_127 = tpu.vector_load %arg9[%swap3A] {strides = array<i32>} : memref<512xi32, #tpu.memory_space<vmem>>, vector<16xi32>,
        %swap3A_128 = vector.shape_cast %swap3A_127 : vector<16xi32> to vector<16xi32>
        %swap3A_129 = vector.shape_cast %add3A_124 : vector<16xi32> to vector<16xi32>
        tpu.vector_store %arg9[%swap3A], %swap3A_129 {strides = array<i32>} : memref<512xi32, #tpu.memory_space<vmem>>, vector<16xi32>,
      }
      %scan3A_46 = arith.constant 32 : i32
      %dma_start3A = arith.constant 0 : i32
      %dma_start3A_47 = arith.constant 0 : i32
      %dma_start3A_48 = tpu.memref_slice %arg7[%dma_start3A, %dma_start3A_47] : memref<512x32xf32, #tpu.memory_space<vmem>> -> memref<128x32xf32, #tpu.memory_space<vmem>>
      %dma_start3A_49 = arith.constant 0 : i32
      %dma_start3A_50 = tpu.memref_slice %arg9[%dma_start3A_49] : memref<512xi32, #tpu.memory_space<vmem>> -> memref<128xi32, #tpu.memory_space<vmem>>
      %dma_start3A_51 = arith.constant 0 : i32
      %dma_start3A_52 = arith.constant 0 : i32
      %dma_start3A_53 = tpu.memref_slice %arg2[%dma_start3A_51, %dma_start3A_52] : memref<102400x32xf32, #tpu.memory_space<hbm>> -> memref<102400x32xf32, #tpu.memory_space<hbm>>
      tpu.enqueue_indirect_dma source(%dma_start3A_53 : memref<102400x32xf32, #tpu.memory_space<hbm>>) target(%dma_start3A_48 : memref<128x32xf32, #tpu.memory_space<vmem>>) offsets(%dma_start3A_50 : memref<128xi32, #tpu.memory_space<vmem>>) semaphore(%arg13 : memref<!tpu.dma_semaphore, #tpu.memory_space<semaphore_mem>>)
      %dma_start3A_54 = arith.constant 128 : i32
      %dma_start3A_55 = arith.constant 0 : i32
      %dma_start3A_56 = tpu.memref_slice %arg7[%dma_start3A_54, %dma_start3A_55] : memref<512x32xf32, #tpu.memory_space<vmem>> -> memref<128x32xf32, #tpu.memory_space<vmem>>
      %dma_start3A_57 = arith.constant 128 : i32
      %dma_start3A_58 = tpu.memref_slice %arg9[%dma_start3A_57] : memref<512xi32, #tpu.memory_space<vmem>> -> memref<128xi32, #tpu.memory_space<vmem>>
      %dma_start3A_59 = arith.constant 0 : i32
      %dma_start3A_60 = arith.constant 0 : i32
      %dma_start3A_61 = tpu.memref_slice %arg2[%dma_start3A_59, %dma_start3A_60] : memref<102400x32xf32, #tpu.memory_space<hbm>> -> memref<102400x32xf32, #tpu.memory_space<hbm>>
      tpu.enqueue_indirect_dma source(%dma_start3A_61 : memref<102400x32xf32, #tpu.memory_space<hbm>>) target(%dma_start3A_56 : memref<128x32xf32, #tpu.memory_space<vmem>>) offsets(%dma_start3A_58 : memref<128xi32, #tpu.memory_space<vmem>>) semaphore(%arg13 : memref<!tpu.dma_semaphore, #tpu.memory_space<semaphore_mem>>)
      %dma_start3A_62 = arith.constant 256 : i32
      %dma_start3A_63 = arith.constant 0 : i32
      %dma_start3A_64 = tpu.memref_slice %arg7[%dma_start3A_62, %dma_start3A_63] : memref<512x32xf32, #tpu.memory_space<vmem>> -> memref<128x32xf32, #tpu.memory_space<vmem>>
      %dma_start3A_65 = arith.constant 256 : i32
      %dma_start3A_66 = tpu.memref_slice %arg9[%dma_start3A_65] : memref<512xi32, #tpu.memory_space<vmem>> -> memref<128xi32, #tpu.memory_space<vmem>>
      %dma_start3A_67 = arith.constant 0 : i32
      %dma_start3A_68 = arith.constant 0 : i32
      %dma_start3A_69 = tpu.memref_slice %arg2[%dma_start3A_67, %dma_start3A_68] : memref<102400x32xf32, #tpu.memory_space<hbm>> -> memref<102400x32xf32, #tpu.memory_space<hbm>>
      tpu.enqueue_indirect_dma source(%dma_start3A_69 : memref<102400x32xf32, #tpu.memory_space<hbm>>) target(%dma_start3A_64 : memref<128x32xf32, #tpu.memory_space<vmem>>) offsets(%dma_start3A_66 : memref<128xi32, #tpu.memory_space<vmem>>) semaphore(%arg13 : memref<!tpu.dma_semaphore, #tpu.memory_space<semaphore_mem>>)
      %dma_start3A_70 = arith.constant 384 : i32
      %dma_start3A_71 = arith.constant 0 : i32
      %dma_start3A_72 = tpu.memref_slice %arg7[%dma_start3A_70, %dma_start3A_71] : memref<512x32xf32, #tpu.memory_space<vmem>> -> memref<128x32xf32, #tpu.memory_space<vmem>>
      %dma_start3A_73 = arith.constant 384 : i32
      %dma_start3A_74 = tpu.memref_slice %arg9[%dma_start3A_73] : memref<512xi32, #tpu.memory_space<vmem>> -> memref<128xi32, #tpu.memory_space<vmem>>
      %dma_start3A_75 = arith.constant 0 : i32
      %dma_start3A_76 = arith.constant 0 : i32
      %dma_start3A_77 = tpu.memref_slice %arg2[%dma_start3A_75, %dma_start3A_76] : memref<102400x32xf32, #tpu.memory_space<hbm>> -> memref<102400x32xf32, #tpu.memory_space<hbm>>
      tpu.enqueue_indirect_dma source(%dma_start3A_77 : memref<102400x32xf32, #tpu.memory_space<hbm>>) target(%dma_start3A_72 : memref<128x32xf32, #tpu.memory_space<vmem>>) offsets(%dma_start3A_74 : memref<128xi32, #tpu.memory_space<vmem>>) semaphore(%arg13 : memref<!tpu.dma_semaphore, #tpu.memory_space<semaphore_mem>>)
      %dma_wait3A = arith.constant 0 : i32
      %dma_wait3A_78 = arith.constant 0 : i32
      %dma_wait3A_79 = tpu.memref_slice %arg7[%dma_wait3A, %dma_wait3A_78] : memref<512x32xf32, #tpu.memory_space<vmem>> -> memref<128x32xf32, #tpu.memory_space<vmem>>
      %dma_wait3A_80 = arith.constant 0 : i32
      %dma_wait3A_81 = tpu.memref_slice %arg9[%dma_wait3A_80] : memref<512xi32, #tpu.memory_space<vmem>> -> memref<128xi32, #tpu.memory_space<vmem>>
      %dma_wait3A_82 = arith.constant 0 : i32
      %dma_wait3A_83 = arith.constant 0 : i32
      %dma_wait3A_84 = tpu.memref_slice %arg2[%dma_wait3A_82, %dma_wait3A_83] : memref<102400x32xf32, #tpu.memory_space<hbm>> -> memref<102400x32xf32, #tpu.memory_space<hbm>>
      tpu.wait_indirect_dma semaphore(%arg13 : memref<!tpu.dma_semaphore, #tpu.memory_space<semaphore_mem>>) src(%dma_wait3A_84 : memref<102400x32xf32, #tpu.memory_space<hbm>>) dst(%dma_wait3A_79 : memref<128x32xf32, #tpu.memory_space<vmem>>)
      %dma_wait3A_85 = arith.constant 128 : i32
      %dma_wait3A_86 = arith.constant 0 : i32
      %dma_wait3A_87 = tpu.memref_slice %arg7[%dma_wait3A_85, %dma_wait3A_86] : memref<512x32xf32, #tpu.memory_space<vmem>> -> memref<128x32xf32, #tpu.memory_space<vmem>>
      %dma_wait3A_88 = arith.constant 128 : i32
      %dma_wait3A_89 = tpu.memref_slice %arg9[%dma_wait3A_88] : memref<512xi32, #tpu.memory_space<vmem>> -> memref<128xi32, #tpu.memory_space<vmem>>
      %dma_wait3A_90 = arith.constant 0 : i32
      %dma_wait3A_91 = arith.constant 0 : i32
      %dma_wait3A_92 = tpu.memref_slice %arg2[%dma_wait3A_90, %dma_wait3A_91] : memref<102400x32xf32, #tpu.memory_space<hbm>> -> memref<102400x32xf32, #tpu.memory_space<hbm>>
      tpu.wait_indirect_dma semaphore(%arg13 : memref<!tpu.dma_semaphore, #tpu.memory_space<semaphore_mem>>) src(%dma_wait3A_92 : memref<102400x32xf32, #tpu.memory_space<hbm>>) dst(%dma_wait3A_87 : memref<128x32xf32, #tpu.memory_space<vmem>>)
      %dma_wait3A_93 = arith.constant 256 : i32
      %dma_wait3A_94 = arith.constant 0 : i32
      %dma_wait3A_95 = tpu.memref_slice %arg7[%dma_wait3A_93, %dma_wait3A_94] : memref<512x32xf32, #tpu.memory_space<vmem>> -> memref<128x32xf32, #tpu.memory_space<vmem>>
      %dma_wait3A_96 = arith.constant 256 : i32
      %dma_wait3A_97 = tpu.memref_slice %arg9[%dma_wait3A_96] : memref<512xi32, #tpu.memory_space<vmem>> -> memref<128xi32, #tpu.memory_space<vmem>>
      %dma_wait3A_98 = arith.constant 0 : i32
      %dma_wait3A_99 = arith.constant 0 : i32
      %dma_wait3A_100 = tpu.memref_slice %arg2[%dma_wait3A_98, %dma_wait3A_99] : memref<102400x32xf32, #tpu.memory_space<hbm>> -> memref<102400x32xf32, #tpu.memory_space<hbm>>
      tpu.wait_indirect_dma semaphore(%arg13 : memref<!tpu.dma_semaphore, #tpu.memory_space<semaphore_mem>>) src(%dma_wait3A_100 : memref<102400x32xf32, #tpu.memory_space<hbm>>) dst(%dma_wait3A_95 : memref<128x32xf32, #tpu.memory_space<vmem>>)
      %dma_wait3A_101 = arith.constant 384 : i32
      %dma_wait3A_102 = arith.constant 0 : i32
      %dma_wait3A_103 = tpu.memref_slice %arg7[%dma_wait3A_101, %dma_wait3A_102] : memref<512x32xf32, #tpu.memory_space<vmem>> -> memref<128x32xf32, #tpu.memory_space<vmem>>
      %dma_wait3A_104 = arith.constant 384 : i32
      %dma_wait3A_105 = tpu.memref_slice %arg9[%dma_wait3A_104] : memref<512xi32, #tpu.memory_space<vmem>> -> memref<128xi32, #tpu.memory_space<vmem>>
      %dma_wait3A_106 = arith.constant 0 : i32
      %dma_wait3A_107 = arith.constant 0 : i32
      %dma_wait3A_108 = tpu.memref_slice %arg2[%dma_wait3A_106, %dma_wait3A_107] : memref<102400x32xf32, #tpu.memory_space<hbm>> -> memref<102400x32xf32, #tpu.memory_space<hbm>>
      tpu.wait_indirect_dma semaphore(%arg13 : memref<!tpu.dma_semaphore, #tpu.memory_space<semaphore_mem>>) src(%dma_wait3A_108 : memref<102400x32xf32, #tpu.memory_space<hbm>>) dst(%dma_wait3A_103 : memref<128x32xf32, #tpu.memory_space<vmem>>)
      %scan3A_109 = arith.constant 0 : i32
      %scan3A_110 = arith.constant 0 : i32
      %scan3A_111 = arith.constant 32 : i32
      %scan3A_112 = arith.addi %scan3A_110, %scan3A_111 : i32
      %scan3A_113 = arith.constant 1 : i32
      scf.for %scan3A_118 = %scan3A_110 to %scan3A_112 step %scan3A_113  : i32 {
        %mul3A_119 = arith.constant 16 : i32
        %mul3A_120 = arith.muli %scan3A_118, %mul3A_119 : i32
        %get3A = arith.index_cast %mul3A_120 : i32 to index
        %get3A_121 = tpu.vector_load %arg10[%get3A] {strides = array<i32>} : memref<512xf32, #tpu.memory_space<vmem>>, vector<16xf32>,
        %get3A_122 = vector.shape_cast %get3A_121 : vector<16xf32> to vector<16xf32>
        %mul3A_123 = arith.constant 16 : i32
        %mul3A_124 = arith.muli %scan3A_118, %mul3A_123 : i32
        %add3A_125 = arith.constant 0 : i32
        %add3A_126 = arith.addi %mul3A_124, %add3A_125 : i32
        %slice3A = vector.extract_strided_slice %get3A_122 {offsets = [0], sizes = [1], strides = [1]} : vector<16xf32> to vector<1xf32>
        %squeeze3A = vector.extract %slice3A[0] : f32 from vector<1xf32>
        %get3A_127 = arith.index_cast %add3A_126 : i32 to index
        %get3A_128 = arith.constant 0 : index
        %get3A_129 = tpu.vector_load %arg7[%get3A_127, %get3A_128] {strides = array<i32>} : memref<512x32xf32, #tpu.memory_space<vmem>>, vector<1x16xf32>,
        %get3A_130 = vector.shape_cast %get3A_129 : vector<1x16xf32> to vector<16xf32>
        %mul3A_131 = vector.broadcast %squeeze3A : f32 to vector<16xf32>
        %mul3A_132 = arith.mulf %get3A_130, %mul3A_131 : vector<16xf32>
        %swap3A = arith.index_cast %add3A_126 : i32 to index
        %swap3A_133 = arith.constant 0 : index
        %swap3A_134 = tpu.vector_load %arg7[%swap3A, %swap3A_133] {strides = array<i32>} : memref<512x32xf32, #tpu.memory_space<vmem>>, vector<1x16xf32>,
        %swap3A_135 = vector.shape_cast %swap3A_134 : vector<1x16xf32> to vector<16xf32>
        %swap3A_136 = vector.shape_cast %mul3A_132 : vector<16xf32> to vector<1x16xf32>
        tpu.vector_store %arg7[%swap3A, %swap3A_133], %swap3A_136 {strides = array<i32>} : memref<512x32xf32, #tpu.memory_space<vmem>>, vector<1x16xf32>,
        %get3A_137 = arith.index_cast %add3A_126 : i32 to index
        %get3A_138 = arith.constant 16 : index
        %get3A_139 = tpu.vector_load %arg7[%get3A_137, %get3A_138] {strides = array<i32>} : memref<512x32xf32, #tpu.memory_space<vmem>>, vector<1x16xf32>,
        %get3A_140 = vector.shape_cast %get3A_139 : vector<1x16xf32> to vector<16xf32>
        %mul3A_141 = vector.broadcast %squeeze3A : f32 to vector<16xf32>
        %mul3A_142 = arith.mulf %get3A_140, %mul3A_141 : vector<16xf32>
        %swap3A_143 = arith.index_cast %add3A_126 : i32 to index
        %swap3A_144 = arith.constant 16 : index
        %swap3A_145 = tpu.vector_load %arg7[%swap3A_143, %swap3A_144] {strides = array<i32>} : memref<512x32xf32, #tpu.memory_space<vmem>>, vector<1x16xf32>,
        %swap3A_146 = vector.shape_cast %swap3A_145 : vector<1x16xf32> to vector<16xf32>
        %swap3A_147 = vector.shape_cast %mul3A_142 : vector<16xf32> to vector<1x16xf32>
        tpu.vector_store %arg7[%swap3A_143, %swap3A_144], %swap3A_147 {strides = array<i32>} : memref<512x32xf32, #tpu.memory_space<vmem>>, vector<1x16xf32>,
        %mul3A_148 = arith.constant 16 : i32
        %mul3A_149 = arith.muli %scan3A_118, %mul3A_148 : i32
        %add3A_150 = arith.constant 1 : i32
        %add3A_151 = arith.addi %mul3A_149, %add3A_150 : i32
        %slice3A_152 = vector.extract_strided_slice %get3A_122 {offsets = [1], sizes = [1], strides = [1]} : vector<16xf32> to vector<1xf32>
        %squeeze3A_153 = vector.extract %slice3A_152[0] : f32 from vector<1xf32>
        %get3A_154 = arith.index_cast %add3A_151 : i32 to index
        %get3A_155 = arith.constant 0 : index
        %get3A_156 = tpu.vector_load %arg7[%get3A_154, %get3A_155] {strides = array<i32>} : memref<512x32xf32, #tpu.memory_space<vmem>>, vector<1x16xf32>,
        %get3A_157 = vector.shape_cast %get3A_156 : vector<1x16xf32> to vector<16xf32>
        %mul3A_158 = vector.broadcast %squeeze3A_153 : f32 to vector<16xf32>
        %mul3A_159 = arith.mulf %get3A_157, %mul3A_158 : vector<16xf32>
        %swap3A_160 = arith.index_cast %add3A_151 : i32 to index
        %swap3A_161 = arith.constant 0 : index
        %swap3A_162 = tpu.vector_load %arg7[%swap3A_160, %swap3A_161] {strides = array<i32>} : memref<512x32xf32, #tpu.memory_space<vmem>>, vector<1x16xf32>,
        %swap3A_163 = vector.shape_cast %swap3A_162 : vector<1x16xf32> to vector<16xf32>
        %swap3A_164 = vector.shape_cast %mul3A_159 : vector<16xf32> to vector<1x16xf32>
        tpu.vector_store %arg7[%swap3A_160, %swap3A_161], %swap3A_164 {strides = array<i32>} : memref<512x32xf32, #tpu.memory_space<vmem>>, vector<1x16xf32>,
        %get3A_165 = arith.index_cast %add3A_151 : i32 to index
        %get3A_166 = arith.constant 16 : index
        %get3A_167 = tpu.vector_load %arg7[%get3A_165, %get3A_166] {strides = array<i32>} : memref<512x32xf32, #tpu.memory_space<vmem>>, vector<1x16xf32>,
        %get3A_168 = vector.shape_cast %get3A_167 : vector<1x16xf32> to vector<16xf32>
        %mul3A_169 = vector.broadcast %squeeze3A_153 : f32 to vector<16xf32>
        %mul3A_170 = arith.mulf %get3A_168, %mul3A_169 : vector<16xf32>
        %swap3A_171 = arith.index_cast %add3A_151 : i32 to index
        %swap3A_172 = arith.constant 16 : index
        %swap3A_173 = tpu.vector_load %arg7[%swap3A_171, %swap3A_172] {strides = array<i32>} : memref<512x32xf32, #tpu.memory_space<vmem>>, vector<1x16xf32>,
        %swap3A_174 = vector.shape_cast %swap3A_173 : vector<1x16xf32> to vector<16xf32>
        %swap3A_175 = vector.shape_cast %mul3A_170 : vector<16xf32> to vector<1x16xf32>
        tpu.vector_store %arg7[%swap3A_171, %swap3A_172], %swap3A_175 {strides = array<i32>} : memref<512x32xf32, #tpu.memory_space<vmem>>, vector<1x16xf32>,
        %mul3A_176 = arith.constant 16 : i32
        %mul3A_177 = arith.muli %scan3A_118, %mul3A_176 : i32
        %add3A_178 = arith.constant 2 : i32
        %add3A_179 = arith.addi %mul3A_177, %add3A_178 : i32
        %slice3A_180 = vector.extract_strided_slice %get3A_122 {offsets = [2], sizes = [1], strides = [1]} : vector<16xf32> to vector<1xf32>
        %squeeze3A_181 = vector.extract %slice3A_180[0] : f32 from vector<1xf32>
        %get3A_182 = arith.index_cast %add3A_179 : i32 to index
        %get3A_183 = arith.constant 0 : index
        %get3A_184 = tpu.vector_load %arg7[%get3A_182, %get3A_183] {strides = array<i32>} : memref<512x32xf32, #tpu.memory_space<vmem>>, vector<1x16xf32>,
        %get3A_185 = vector.shape_cast %get3A_184 : vector<1x16xf32> to vector<16xf32>
        %mul3A_186 = vector.broadcast %squeeze3A_181 : f32 to vector<16xf32>
        %mul3A_187 = arith.mulf %get3A_185, %mul3A_186 : vector<16xf32>
        %swap3A_188 = arith.index_cast %add3A_179 : i32 to index
        %swap3A_189 = arith.constant 0 : index
        %swap3A_190 = tpu.vector_load %arg7[%swap3A_188, %swap3A_189] {strides = array<i32>} : memref<512x32xf32, #tpu.memory_space<vmem>>, vector<1x16xf32>,
        %swap3A_191 = vector.shape_cast %swap3A_190 : vector<1x16xf32> to vector<16xf32>
        %swap3A_192 = vector.shape_cast %mul3A_187 : vector<16xf32> to vector<1x16xf32>
        tpu.vector_store %arg7[%swap3A_188, %swap3A_189], %swap3A_192 {strides = array<i32>} : memref<512x32xf32, #tpu.memory_space<vmem>>, vector<1x16xf32>,
        %get3A_193 = arith.index_cast %add3A_179 : i32 to index
        %get3A_194 = arith.constant 16 : index
        %get3A_195 = tpu.vector_load %arg7[%get3A_193, %get3A_194] {strides = array<i32>} : memref<512x32xf32, #tpu.memory_space<vmem>>, vector<1x16xf32>,
        %get3A_196 = vector.shape_cast %get3A_195 : vector<1x16xf32> to vector<16xf32>
        %mul3A_197 = vector.broadcast %squeeze3A_181 : f32 to vector<16xf32>
        %mul3A_198 = arith.mulf %get3A_196, %mul3A_197 : vector<16xf32>
        %swap3A_199 = arith.index_cast %add3A_179 : i32 to index
        %swap3A_200 = arith.constant 16 : index
        %swap3A_201 = tpu.vector_load %arg7[%swap3A_199, %swap3A_200] {strides = array<i32>} : memref<512x32xf32, #tpu.memory_space<vmem>>, vector<1x16xf32>,
        %swap3A_202 = vector.shape_cast %swap3A_201 : vector<1x16xf32> to vector<16xf32>
        %swap3A_203 = vector.shape_cast %mul3A_198 : vector<16xf32> to vector<1x16xf32>
        tpu.vector_store %arg7[%swap3A_199, %swap3A_200], %swap3A_203 {strides = array<i32>} : memref<512x32xf32, #tpu.memory_space<vmem>>, vector<1x16xf32>,
        %mul3A_204 = arith.constant 16 : i32
        %mul3A_205 = arith.muli %scan3A_118, %mul3A_204 : i32
        %add3A_206 = arith.constant 3 : i32
        %add3A_207 = arith.addi %mul3A_205, %add3A_206 : i32
        %slice3A_208 = vector.extract_strided_slice %get3A_122 {offsets = [3], sizes = [1], strides = [1]} : vector<16xf32> to vector<1xf32>
        %squeeze3A_209 = vector.extract %slice3A_208[0] : f32 from vector<1xf32>
        %get3A_210 = arith.index_cast %add3A_207 : i32 to index
        %get3A_211 = arith.constant 0 : index
        %get3A_212 = tpu.vector_load %arg7[%get3A_210, %get3A_211] {strides = array<i32>} : memref<512x32xf32, #tpu.memory_space<vmem>>, vector<1x16xf32>,
        %get3A_213 = vector.shape_cast %get3A_212 : vector<1x16xf32> to vector<16xf32>
        %mul3A_214 = vector.broadcast %squeeze3A_209 : f32 to vector<16xf32>
        %mul3A_215 = arith.mulf %get3A_213, %mul3A_214 : vector<16xf32>
        %swap3A_216 = arith.index_cast %add3A_207 : i32 to index
        %swap3A_217 = arith.constant 0 : index
        %swap3A_218 = tpu.vector_load %arg7[%swap3A_216, %swap3A_217] {strides = array<i32>} : memref<512x32xf32, #tpu.memory_space<vmem>>, vector<1x16xf32>,
        %swap3A_219 = vector.shape_cast %swap3A_218 : vector<1x16xf32> to vector<16xf32>
        %swap3A_220 = vector.shape_cast %mul3A_215 : vector<16xf32> to vector<1x16xf32>
        tpu.vector_store %arg7[%swap3A_216, %swap3A_217], %swap3A_220 {strides = array<i32>} : memref<512x32xf32, #tpu.memory_space<vmem>>, vector<1x16xf32>,
        %get3A_221 = arith.index_cast %add3A_207 : i32 to index
        %get3A_222 = arith.constant 16 : index
        %get3A_223 = tpu.vector_load %arg7[%get3A_221, %get3A_222] {strides = array<i32>} : memref<512x32xf32, #tpu.memory_space<vmem>>, vector<1x16xf32>,
        %get3A_224 = vector.shape_cast %get3A_223 : vector<1x16xf32> to vector<16xf32>
        %mul3A_225 = vector.broadcast %squeeze3A_209 : f32 to vector<16xf32>
        %mul3A_226 = arith.mulf %get3A_224, %mul3A_225 : vector<16xf32>
        %swap3A_227 = arith.index_cast %add3A_207 : i32 to index
        %swap3A_228 = arith.constant 16 : index
        %swap3A_229 = tpu.vector_load %arg7[%swap3A_227, %swap3A_228] {strides = array<i32>} : memref<512x32xf32, #tpu.memory_space<vmem>>, vector<1x16xf32>,
        %swap3A_230 = vector.shape_cast %swap3A_229 : vector<1x16xf32> to vector<16xf32>
        %swap3A_231 = vector.shape_cast %mul3A_226 : vector<16xf32> to vector<1x16xf32>
        tpu.vector_store %arg7[%swap3A_227, %swap3A_228], %swap3A_231 {strides = array<i32>} : memref<512x32xf32, #tpu.memory_space<vmem>>, vector<1x16xf32>,
        %mul3A_232 = arith.constant 16 : i32
        %mul3A_233 = arith.muli %scan3A_118, %mul3A_232 : i32
        %add3A_234 = arith.constant 4 : i32
        %add3A_235 = arith.addi %mul3A_233, %add3A_234 : i32
        %slice3A_236 = vector.extract_strided_slice %get3A_122 {offsets = [4], sizes = [1], strides = [1]} : vector<16xf32> to vector<1xf32>
        %squeeze3A_237 = vector.extract %slice3A_236[0] : f32 from vector<1xf32>
        %get3A_238 = arith.index_cast %add3A_235 : i32 to index
        %get3A_239 = arith.constant 0 : index
        %get3A_240 = tpu.vector_load %arg7[%get3A_238, %get3A_239] {strides = array<i32>} : memref<512x32xf32, #tpu.memory_space<vmem>>, vector<1x16xf32>,
        %get3A_241 = vector.shape_cast %get3A_240 : vector<1x16xf32> to vector<16xf32>
        %mul3A_242 = vector.broadcast %squeeze3A_237 : f32 to vector<16xf32>
        %mul3A_243 = arith.mulf %get3A_241, %mul3A_242 : vector<16xf32>
        %swap3A_244 = arith.index_cast %add3A_235 : i32 to index
        %swap3A_245 = arith.constant 0 : index
        %swap3A_246 = tpu.vector_load %arg7[%swap3A_244, %swap3A_245] {strides = array<i32>} : memref<512x32xf32, #tpu.memory_space<vmem>>, vector<1x16xf32>,
        %swap3A_247 = vector.shape_cast %swap3A_246 : vector<1x16xf32> to vector<16xf32>
        %swap3A_248 = vector.shape_cast %mul3A_243 : vector<16xf32> to vector<1x16xf32>
        tpu.vector_store %arg7[%swap3A_244, %swap3A_245], %swap3A_248 {strides = array<i32>} : memref<512x32xf32, #tpu.memory_space<vmem>>, vector<1x16xf32>,
        %get3A_249 = arith.index_cast %add3A_235 : i32 to index
        %get3A_250 = arith.constant 16 : index
        %get3A_251 = tpu.vector_load %arg7[%get3A_249, %get3A_250] {strides = array<i32>} : memref<512x32xf32, #tpu.memory_space<vmem>>, vector<1x16xf32>,
        %get3A_252 = vector.shape_cast %get3A_251 : vector<1x16xf32> to vector<16xf32>
        %mul3A_253 = vector.broadcast %squeeze3A_237 : f32 to vector<16xf32>
        %mul3A_254 = arith.mulf %get3A_252, %mul3A_253 : vector<16xf32>
        %swap3A_255 = arith.index_cast %add3A_235 : i32 to index
        %swap3A_256 = arith.constant 16 : index
        %swap3A_257 = tpu.vector_load %arg7[%swap3A_255, %swap3A_256] {strides = array<i32>} : memref<512x32xf32, #tpu.memory_space<vmem>>, vector<1x16xf32>,
        %swap3A_258 = vector.shape_cast %swap3A_257 : vector<1x16xf32> to vector<16xf32>
        %swap3A_259 = vector.shape_cast %mul3A_254 : vector<16xf32> to vector<1x16xf32>
        tpu.vector_store %arg7[%swap3A_255, %swap3A_256], %swap3A_259 {strides = array<i32>} : memref<512x32xf32, #tpu.memory_space<vmem>>, vector<1x16xf32>,
        %mul3A_260 = arith.constant 16 : i32
        %mul3A_261 = arith.muli %scan3A_118, %mul3A_260 : i32
        %add3A_262 = arith.constant 5 : i32
        %add3A_263 = arith.addi %mul3A_261, %add3A_262 : i32
        %slice3A_264 = vector.extract_strided_slice %get3A_122 {offsets = [5], sizes = [1], strides = [1]} : vector<16xf32> to vector<1xf32>
        %squeeze3A_265 = vector.extract %slice3A_264[0] : f32 from vector<1xf32>
        %get3A_266 = arith.index_cast %add3A_263 : i32 to index
        %get3A_267 = arith.constant 0 : index
        %get3A_268 = tpu.vector_load %arg7[%get3A_266, %get3A_267] {strides = array<i32>} : memref<512x32xf32, #tpu.memory_space<vmem>>, vector<1x16xf32>,
        %get3A_269 = vector.shape_cast %get3A_268 : vector<1x16xf32> to vector<16xf32>
        %mul3A_270 = vector.broadcast %squeeze3A_265 : f32 to vector<16xf32>
        %mul3A_271 = arith.mulf %get3A_269, %mul3A_270 : vector<16xf32>
        %swap3A_272 = arith.index_cast %add3A_263 : i32 to index
        %swap3A_273 = arith.constant 0 : index
        %swap3A_274 = tpu.vector_load %arg7[%swap3A_272, %swap3A_273] {strides = array<i32>} : memref<512x32xf32, #tpu.memory_space<vmem>>, vector<1x16xf32>,
        %swap3A_275 = vector.shape_cast %swap3A_274 : vector<1x16xf32> to vector<16xf32>
        %swap3A_276 = vector.shape_cast %mul3A_271 : vector<16xf32> to vector<1x16xf32>
        tpu.vector_store %arg7[%swap3A_272, %swap3A_273], %swap3A_276 {strides = array<i32>} : memref<512x32xf32, #tpu.memory_space<vmem>>, vector<1x16xf32>,
        %get3A_277 = arith.index_cast %add3A_263 : i32 to index
        %get3A_278 = arith.constant 16 : index
        %get3A_279 = tpu.vector_load %arg7[%get3A_277, %get3A_278] {strides = array<i32>} : memref<512x32xf32, #tpu.memory_space<vmem>>, vector<1x16xf32>,
        %get3A_280 = vector.shape_cast %get3A_279 : vector<1x16xf32> to vector<16xf32>
        %mul3A_281 = vector.broadcast %squeeze3A_265 : f32 to vector<16xf32>
        %mul3A_282 = arith.mulf %get3A_280, %mul3A_281 : vector<16xf32>
        %swap3A_283 = arith.index_cast %add3A_263 : i32 to index
        %swap3A_284 = arith.constant 16 : index
        %swap3A_285 = tpu.vector_load %arg7[%swap3A_283, %swap3A_284] {strides = array<i32>} : memref<512x32xf32, #tpu.memory_space<vmem>>, vector<1x16xf32>,
        %swap3A_286 = vector.shape_cast %swap3A_285 : vector<1x16xf32> to vector<16xf32>
        %swap3A_287 = vector.shape_cast %mul3A_282 : vector<16xf32> to vector<1x16xf32>
        tpu.vector_store %arg7[%swap3A_283, %swap3A_284], %swap3A_287 {strides = array<i32>} : memref<512x32xf32, #tpu.memory_space<vmem>>, vector<1x16xf32>,
        %mul3A_288 = arith.constant 16 : i32
        %mul3A_289 = arith.muli %scan3A_118, %mul3A_288 : i32
        %add3A_290 = arith.constant 6 : i32
        %add3A_291 = arith.addi %mul3A_289, %add3A_290 : i32
        %slice3A_292 = vector.extract_strided_slice %get3A_122 {offsets = [6], sizes = [1], strides = [1]} : vector<16xf32> to vector<1xf32>
        %squeeze3A_293 = vector.extract %slice3A_292[0] : f32 from vector<1xf32>
        %get3A_294 = arith.index_cast %add3A_291 : i32 to index
        %get3A_295 = arith.constant 0 : index
        %get3A_296 = tpu.vector_load %arg7[%get3A_294, %get3A_295] {strides = array<i32>} : memref<512x32xf32, #tpu.memory_space<vmem>>, vector<1x16xf32>,
        %get3A_297 = vector.shape_cast %get3A_296 : vector<1x16xf32> to vector<16xf32>
        %mul3A_298 = vector.broadcast %squeeze3A_293 : f32 to vector<16xf32>
        %mul3A_299 = arith.mulf %get3A_297, %mul3A_298 : vector<16xf32>
        %swap3A_300 = arith.index_cast %add3A_291 : i32 to index
        %swap3A_301 = arith.constant 0 : index
        %swap3A_302 = tpu.vector_load %arg7[%swap3A_300, %swap3A_301] {strides = array<i32>} : memref<512x32xf32, #tpu.memory_space<vmem>>, vector<1x16xf32>,
        %swap3A_303 = vector.shape_cast %swap3A_302 : vector<1x16xf32> to vector<16xf32>
        %swap3A_304 = vector.shape_cast %mul3A_299 : vector<16xf32> to vector<1x16xf32>
        tpu.vector_store %arg7[%swap3A_300, %swap3A_301], %swap3A_304 {strides = array<i32>} : memref<512x32xf32, #tpu.memory_space<vmem>>, vector<1x16xf32>,
        %get3A_305 = arith.index_cast %add3A_291 : i32 to index
        %get3A_306 = arith.constant 16 : index
        %get3A_307 = tpu.vector_load %arg7[%get3A_305, %get3A_306] {strides = array<i32>} : memref<512x32xf32, #tpu.memory_space<vmem>>, vector<1x16xf32>,
        %get3A_308 = vector.shape_cast %get3A_307 : vector<1x16xf32> to vector<16xf32>
        %mul3A_309 = vector.broadcast %squeeze3A_293 : f32 to vector<16xf32>
        %mul3A_310 = arith.mulf %get3A_308, %mul3A_309 : vector<16xf32>
        %swap3A_311 = arith.index_cast %add3A_291 : i32 to index
        %swap3A_312 = arith.constant 16 : index
        %swap3A_313 = tpu.vector_load %arg7[%swap3A_311, %swap3A_312] {strides = array<i32>} : memref<512x32xf32, #tpu.memory_space<vmem>>, vector<1x16xf32>,
        %swap3A_314 = vector.shape_cast %swap3A_313 : vector<1x16xf32> to vector<16xf32>
        %swap3A_315 = vector.shape_cast %mul3A_310 : vector<16xf32> to vector<1x16xf32>
        tpu.vector_store %arg7[%swap3A_311, %swap3A_312], %swap3A_315 {strides = array<i32>} : memref<512x32xf32, #tpu.memory_space<vmem>>, vector<1x16xf32>,
        %mul3A_316 = arith.constant 16 : i32
        %mul3A_317 = arith.muli %scan3A_118, %mul3A_316 : i32
        %add3A_318 = arith.constant 7 : i32
        %add3A_319 = arith.addi %mul3A_317, %add3A_318 : i32
        %slice3A_320 = vector.extract_strided_slice %get3A_122 {offsets = [7], sizes = [1], strides = [1]} : vector<16xf32> to vector<1xf32>
        %squeeze3A_321 = vector.extract %slice3A_320[0] : f32 from vector<1xf32>
        %get3A_322 = arith.index_cast %add3A_319 : i32 to index
        %get3A_323 = arith.constant 0 : index
        %get3A_324 = tpu.vector_load %arg7[%get3A_322, %get3A_323] {strides = array<i32>} : memref<512x32xf32, #tpu.memory_space<vmem>>, vector<1x16xf32>,
        %get3A_325 = vector.shape_cast %get3A_324 : vector<1x16xf32> to vector<16xf32>
        %mul3A_326 = vector.broadcast %squeeze3A_321 : f32 to vector<16xf32>
        %mul3A_327 = arith.mulf %get3A_325, %mul3A_326 : vector<16xf32>
        %swap3A_328 = arith.index_cast %add3A_319 : i32 to index
        %swap3A_329 = arith.constant 0 : index
        %swap3A_330 = tpu.vector_load %arg7[%swap3A_328, %swap3A_329] {strides = array<i32>} : memref<512x32xf32, #tpu.memory_space<vmem>>, vector<1x16xf32>,
        %swap3A_331 = vector.shape_cast %swap3A_330 : vector<1x16xf32> to vector<16xf32>
        %swap3A_332 = vector.shape_cast %mul3A_327 : vector<16xf32> to vector<1x16xf32>
        tpu.vector_store %arg7[%swap3A_328, %swap3A_329], %swap3A_332 {strides = array<i32>} : memref<512x32xf32, #tpu.memory_space<vmem>>, vector<1x16xf32>,
        %get3A_333 = arith.index_cast %add3A_319 : i32 to index
        %get3A_334 = arith.constant 16 : index
        %get3A_335 = tpu.vector_load %arg7[%get3A_333, %get3A_334] {strides = array<i32>} : memref<512x32xf32, #tpu.memory_space<vmem>>, vector<1x16xf32>,
        %get3A_336 = vector.shape_cast %get3A_335 : vector<1x16xf32> to vector<16xf32>
        %mul3A_337 = vector.broadcast %squeeze3A_321 : f32 to vector<16xf32>
        %mul3A_338 = arith.mulf %get3A_336, %mul3A_337 : vector<16xf32>
        %swap3A_339 = arith.index_cast %add3A_319 : i32 to index
        %swap3A_340 = arith.constant 16 : index
        %swap3A_341 = tpu.vector_load %arg7[%swap3A_339, %swap3A_340] {strides = array<i32>} : memref<512x32xf32, #tpu.memory_space<vmem>>, vector<1x16xf32>,
        %swap3A_342 = vector.shape_cast %swap3A_341 : vector<1x16xf32> to vector<16xf32>
        %swap3A_343 = vector.shape_cast %mul3A_338 : vector<16xf32> to vector<1x16xf32>
        tpu.vector_store %arg7[%swap3A_339, %swap3A_340], %swap3A_343 {strides = array<i32>} : memref<512x32xf32, #tpu.memory_space<vmem>>, vector<1x16xf32>,
        %mul3A_344 = arith.constant 16 : i32
        %mul3A_345 = arith.muli %scan3A_118, %mul3A_344 : i32
        %add3A_346 = arith.constant 8 : i32
        %add3A_347 = arith.addi %mul3A_345, %add3A_346 : i32
        %slice3A_348 = vector.extract_strided_slice %get3A_122 {offsets = [8], sizes = [1], strides = [1]} : vector<16xf32> to vector<1xf32>
        %squeeze3A_349 = vector.extract %slice3A_348[0] : f32 from vector<1xf32>
        %get3A_350 = arith.index_cast %add3A_347 : i32 to index
        %get3A_351 = arith.constant 0 : index
        %get3A_352 = tpu.vector_load %arg7[%get3A_350, %get3A_351] {strides = array<i32>} : memref<512x32xf32, #tpu.memory_space<vmem>>, vector<1x16xf32>,
        %get3A_353 = vector.shape_cast %get3A_352 : vector<1x16xf32> to vector<16xf32>
        %mul3A_354 = vector.broadcast %squeeze3A_349 : f32 to vector<16xf32>
        %mul3A_355 = arith.mulf %get3A_353, %mul3A_354 : vector<16xf32>
        %swap3A_356 = arith.index_cast %add3A_347 : i32 to index
        %swap3A_357 = arith.constant 0 : index
        %swap3A_358 = tpu.vector_load %arg7[%swap3A_356, %swap3A_357] {strides = array<i32>} : memref<512x32xf32, #tpu.memory_space<vmem>>, vector<1x16xf32>,
        %swap3A_359 = vector.shape_cast %swap3A_358 : vector<1x16xf32> to vector<16xf32>
        %swap3A_360 = vector.shape_cast %mul3A_355 : vector<16xf32> to vector<1x16xf32>
        tpu.vector_store %arg7[%swap3A_356, %swap3A_357], %swap3A_360 {strides = array<i32>} : memref<512x32xf32, #tpu.memory_space<vmem>>, vector<1x16xf32>,
        %get3A_361 = arith.index_cast %add3A_347 : i32 to index
        %get3A_362 = arith.constant 16 : index
        %get3A_363 = tpu.vector_load %arg7[%get3A_361, %get3A_362] {strides = array<i32>} : memref<512x32xf32, #tpu.memory_space<vmem>>, vector<1x16xf32>,
        %get3A_364 = vector.shape_cast %get3A_363 : vector<1x16xf32> to vector<16xf32>
        %mul3A_365 = vector.broadcast %squeeze3A_349 : f32 to vector<16xf32>
        %mul3A_366 = arith.mulf %get3A_364, %mul3A_365 : vector<16xf32>
        %swap3A_367 = arith.index_cast %add3A_347 : i32 to index
        %swap3A_368 = arith.constant 16 : index
        %swap3A_369 = tpu.vector_load %arg7[%swap3A_367, %swap3A_368] {strides = array<i32>} : memref<512x32xf32, #tpu.memory_space<vmem>>, vector<1x16xf32>,
        %swap3A_370 = vector.shape_cast %swap3A_369 : vector<1x16xf32> to vector<16xf32>
        %swap3A_371 = vector.shape_cast %mul3A_366 : vector<16xf32> to vector<1x16xf32>
        tpu.vector_store %arg7[%swap3A_367, %swap3A_368], %swap3A_371 {strides = array<i32>} : memref<512x32xf32, #tpu.memory_space<vmem>>, vector<1x16xf32>,
        %mul3A_372 = arith.constant 16 : i32
        %mul3A_373 = arith.muli %scan3A_118, %mul3A_372 : i32
        %add3A_374 = arith.constant 9 : i32
        %add3A_375 = arith.addi %mul3A_373, %add3A_374 : i32
        %slice3A_376 = vector.extract_strided_slice %get3A_122 {offsets = [9], sizes = [1], strides = [1]} : vector<16xf32> to vector<1xf32>
        %squeeze3A_377 = vector.extract %slice3A_376[0] : f32 from vector<1xf32>
        %get3A_378 = arith.index_cast %add3A_375 : i32 to index
        %get3A_379 = arith.constant 0 : index
        %get3A_380 = tpu.vector_load %arg7[%get3A_378, %get3A_379] {strides = array<i32>} : memref<512x32xf32, #tpu.memory_space<vmem>>, vector<1x16xf32>,
        %get3A_381 = vector.shape_cast %get3A_380 : vector<1x16xf32> to vector<16xf32>
        %mul3A_382 = vector.broadcast %squeeze3A_377 : f32 to vector<16xf32>
        %mul3A_383 = arith.mulf %get3A_381, %mul3A_382 : vector<16xf32>
        %swap3A_384 = arith.index_cast %add3A_375 : i32 to index
        %swap3A_385 = arith.constant 0 : index
        %swap3A_386 = tpu.vector_load %arg7[%swap3A_384, %swap3A_385] {strides = array<i32>} : memref<512x32xf32, #tpu.memory_space<vmem>>, vector<1x16xf32>,
        %swap3A_387 = vector.shape_cast %swap3A_386 : vector<1x16xf32> to vector<16xf32>
        %swap3A_388 = vector.shape_cast %mul3A_383 : vector<16xf32> to vector<1x16xf32>
        tpu.vector_store %arg7[%swap3A_384, %swap3A_385], %swap3A_388 {strides = array<i32>} : memref<512x32xf32, #tpu.memory_space<vmem>>, vector<1x16xf32>,
        %get3A_389 = arith.index_cast %add3A_375 : i32 to index
        %get3A_390 = arith.constant 16 : index
        %get3A_391 = tpu.vector_load %arg7[%get3A_389, %get3A_390] {strides = array<i32>} : memref<512x32xf32, #tpu.memory_space<vmem>>, vector<1x16xf32>,
        %get3A_392 = vector.shape_cast %get3A_391 : vector<1x16xf32> to vector<16xf32>
        %mul3A_393 = vector.broadcast %squeeze3A_377 : f32 to vector<16xf32>
        %mul3A_394 = arith.mulf %get3A_392, %mul3A_393 : vector<16xf32>
        %swap3A_395 = arith.index_cast %add3A_375 : i32 to index
        %swap3A_396 = arith.constant 16 : index
        %swap3A_397 = tpu.vector_load %arg7[%swap3A_395, %swap3A_396] {strides = array<i32>} : memref<512x32xf32, #tpu.memory_space<vmem>>, vector<1x16xf32>,
        %swap3A_398 = vector.shape_cast %swap3A_397 : vector<1x16xf32> to vector<16xf32>
        %swap3A_399 = vector.shape_cast %mul3A_394 : vector<16xf32> to vector<1x16xf32>
        tpu.vector_store %arg7[%swap3A_395, %swap3A_396], %swap3A_399 {strides = array<i32>} : memref<512x32xf32, #tpu.memory_space<vmem>>, vector<1x16xf32>,
        %mul3A_400 = arith.constant 16 : i32
        %mul3A_401 = arith.muli %scan3A_118, %mul3A_400 : i32
        %add3A_402 = arith.constant 10 : i32
        %add3A_403 = arith.addi %mul3A_401, %add3A_402 : i32
        %slice3A_404 = vector.extract_strided_slice %get3A_122 {offsets = [10], sizes = [1], strides = [1]} : vector<16xf32> to vector<1xf32>
        %squeeze3A_405 = vector.extract %slice3A_404[0] : f32 from vector<1xf32>
        %get3A_406 = arith.index_cast %add3A_403 : i32 to index
        %get3A_407 = arith.constant 0 : index
        %get3A_408 = tpu.vector_load %arg7[%get3A_406, %get3A_407] {strides = array<i32>} : memref<512x32xf32, #tpu.memory_space<vmem>>, vector<1x16xf32>,
        %get3A_409 = vector.shape_cast %get3A_408 : vector<1x16xf32> to vector<16xf32>
        %mul3A_410 = vector.broadcast %squeeze3A_405 : f32 to vector<16xf32>
        %mul3A_411 = arith.mulf %get3A_409, %mul3A_410 : vector<16xf32>
        %swap3A_412 = arith.index_cast %add3A_403 : i32 to index
        %swap3A_413 = arith.constant 0 : index
        %swap3A_414 = tpu.vector_load %arg7[%swap3A_412, %swap3A_413] {strides = array<i32>} : memref<512x32xf32, #tpu.memory_space<vmem>>, vector<1x16xf32>,
        %swap3A_415 = vector.shape_cast %swap3A_414 : vector<1x16xf32> to vector<16xf32>
        %swap3A_416 = vector.shape_cast %mul3A_411 : vector<16xf32> to vector<1x16xf32>
        tpu.vector_store %arg7[%swap3A_412, %swap3A_413], %swap3A_416 {strides = array<i32>} : memref<512x32xf32, #tpu.memory_space<vmem>>, vector<1x16xf32>,
        %get3A_417 = arith.index_cast %add3A_403 : i32 to index
        %get3A_418 = arith.constant 16 : index
        %get3A_419 = tpu.vector_load %arg7[%get3A_417, %get3A_418] {strides = array<i32>} : memref<512x32xf32, #tpu.memory_space<vmem>>, vector<1x16xf32>,
        %get3A_420 = vector.shape_cast %get3A_419 : vector<1x16xf32> to vector<16xf32>
        %mul3A_421 = vector.broadcast %squeeze3A_405 : f32 to vector<16xf32>
        %mul3A_422 = arith.mulf %get3A_420, %mul3A_421 : vector<16xf32>
        %swap3A_423 = arith.index_cast %add3A_403 : i32 to index
        %swap3A_424 = arith.constant 16 : index
        %swap3A_425 = tpu.vector_load %arg7[%swap3A_423, %swap3A_424] {strides = array<i32>} : memref<512x32xf32, #tpu.memory_space<vmem>>, vector<1x16xf32>,
        %swap3A_426 = vector.shape_cast %swap3A_425 : vector<1x16xf32> to vector<16xf32>
        %swap3A_427 = vector.shape_cast %mul3A_422 : vector<16xf32> to vector<1x16xf32>
        tpu.vector_store %arg7[%swap3A_423, %swap3A_424], %swap3A_427 {strides = array<i32>} : memref<512x32xf32, #tpu.memory_space<vmem>>, vector<1x16xf32>,
        %mul3A_428 = arith.constant 16 : i32
        %mul3A_429 = arith.muli %scan3A_118, %mul3A_428 : i32
        %add3A_430 = arith.constant 11 : i32
        %add3A_431 = arith.addi %mul3A_429, %add3A_430 : i32
        %slice3A_432 = vector.extract_strided_slice %get3A_122 {offsets = [11], sizes = [1], strides = [1]} : vector<16xf32> to vector<1xf32>
        %squeeze3A_433 = vector.extract %slice3A_432[0] : f32 from vector<1xf32>
        %get3A_434 = arith.index_cast %add3A_431 : i32 to index
        %get3A_435 = arith.constant 0 : index
        %get3A_436 = tpu.vector_load %arg7[%get3A_434, %get3A_435] {strides = array<i32>} : memref<512x32xf32, #tpu.memory_space<vmem>>, vector<1x16xf32>,
        %get3A_437 = vector.shape_cast %get3A_436 : vector<1x16xf32> to vector<16xf32>
        %mul3A_438 = vector.broadcast %squeeze3A_433 : f32 to vector<16xf32>
        %mul3A_439 = arith.mulf %get3A_437, %mul3A_438 : vector<16xf32>
        %swap3A_440 = arith.index_cast %add3A_431 : i32 to index
        %swap3A_441 = arith.constant 0 : index
        %swap3A_442 = tpu.vector_load %arg7[%swap3A_440, %swap3A_441] {strides = array<i32>} : memref<512x32xf32, #tpu.memory_space<vmem>>, vector<1x16xf32>,
        %swap3A_443 = vector.shape_cast %swap3A_442 : vector<1x16xf32> to vector<16xf32>
        %swap3A_444 = vector.shape_cast %mul3A_439 : vector<16xf32> to vector<1x16xf32>
        tpu.vector_store %arg7[%swap3A_440, %swap3A_441], %swap3A_444 {strides = array<i32>} : memref<512x32xf32, #tpu.memory_space<vmem>>, vector<1x16xf32>,
        %get3A_445 = arith.index_cast %add3A_431 : i32 to index
        %get3A_446 = arith.constant 16 : index
        %get3A_447 = tpu.vector_load %arg7[%get3A_445, %get3A_446] {strides = array<i32>} : memref<512x32xf32, #tpu.memory_space<vmem>>, vector<1x16xf32>,
        %get3A_448 = vector.shape_cast %get3A_447 : vector<1x16xf32> to vector<16xf32>
        %mul3A_449 = vector.broadcast %squeeze3A_433 : f32 to vector<16xf32>
        %mul3A_450 = arith.mulf %get3A_448, %mul3A_449 : vector<16xf32>
        %swap3A_451 = arith.index_cast %add3A_431 : i32 to index
        %swap3A_452 = arith.constant 16 : index
        %swap3A_453 = tpu.vector_load %arg7[%swap3A_451, %swap3A_452] {strides = array<i32>} : memref<512x32xf32, #tpu.memory_space<vmem>>, vector<1x16xf32>,
        %swap3A_454 = vector.shape_cast %swap3A_453 : vector<1x16xf32> to vector<16xf32>
        %swap3A_455 = vector.shape_cast %mul3A_450 : vector<16xf32> to vector<1x16xf32>
        tpu.vector_store %arg7[%swap3A_451, %swap3A_452], %swap3A_455 {strides = array<i32>} : memref<512x32xf32, #tpu.memory_space<vmem>>, vector<1x16xf32>,
        %mul3A_456 = arith.constant 16 : i32
        %mul3A_457 = arith.muli %scan3A_118, %mul3A_456 : i32
        %add3A_458 = arith.constant 12 : i32
        %add3A_459 = arith.addi %mul3A_457, %add3A_458 : i32
        %slice3A_460 = vector.extract_strided_slice %get3A_122 {offsets = [12], sizes = [1], strides = [1]} : vector<16xf32> to vector<1xf32>
        %squeeze3A_461 = vector.extract %slice3A_460[0] : f32 from vector<1xf32>
        %get3A_462 = arith.index_cast %add3A_459 : i32 to index
        %get3A_463 = arith.constant 0 : index
        %get3A_464 = tpu.vector_load %arg7[%get3A_462, %get3A_463] {strides = array<i32>} : memref<512x32xf32, #tpu.memory_space<vmem>>, vector<1x16xf32>,
        %get3A_465 = vector.shape_cast %get3A_464 : vector<1x16xf32> to vector<16xf32>
        %mul3A_466 = vector.broadcast %squeeze3A_461 : f32 to vector<16xf32>
        %mul3A_467 = arith.mulf %get3A_465, %mul3A_466 : vector<16xf32>
        %swap3A_468 = arith.index_cast %add3A_459 : i32 to index
        %swap3A_469 = arith.constant 0 : index
        %swap3A_470 = tpu.vector_load %arg7[%swap3A_468, %swap3A_469] {strides = array<i32>} : memref<512x32xf32, #tpu.memory_space<vmem>>, vector<1x16xf32>,
        %swap3A_471 = vector.shape_cast %swap3A_470 : vector<1x16xf32> to vector<16xf32>
        %swap3A_472 = vector.shape_cast %mul3A_467 : vector<16xf32> to vector<1x16xf32>
        tpu.vector_store %arg7[%swap3A_468, %swap3A_469], %swap3A_472 {strides = array<i32>} : memref<512x32xf32, #tpu.memory_space<vmem>>, vector<1x16xf32>,
        %get3A_473 = arith.index_cast %add3A_459 : i32 to index
        %get3A_474 = arith.constant 16 : index
        %get3A_475 = tpu.vector_load %arg7[%get3A_473, %get3A_474] {strides = array<i32>} : memref<512x32xf32, #tpu.memory_space<vmem>>, vector<1x16xf32>,
        %get3A_476 = vector.shape_cast %get3A_475 : vector<1x16xf32> to vector<16xf32>
        %mul3A_477 = vector.broadcast %squeeze3A_461 : f32 to vector<16xf32>
        %mul3A_478 = arith.mulf %get3A_476, %mul3A_477 : vector<16xf32>
        %swap3A_479 = arith.index_cast %add3A_459 : i32 to index
        %swap3A_480 = arith.constant 16 : index
        %swap3A_481 = tpu.vector_load %arg7[%swap3A_479, %swap3A_480] {strides = array<i32>} : memref<512x32xf32, #tpu.memory_space<vmem>>, vector<1x16xf32>,
        %swap3A_482 = vector.shape_cast %swap3A_481 : vector<1x16xf32> to vector<16xf32>
        %swap3A_483 = vector.shape_cast %mul3A_478 : vector<16xf32> to vector<1x16xf32>
        tpu.vector_store %arg7[%swap3A_479, %swap3A_480], %swap3A_483 {strides = array<i32>} : memref<512x32xf32, #tpu.memory_space<vmem>>, vector<1x16xf32>,
        %mul3A_484 = arith.constant 16 : i32
        %mul3A_485 = arith.muli %scan3A_118, %mul3A_484 : i32
        %add3A_486 = arith.constant 13 : i32
        %add3A_487 = arith.addi %mul3A_485, %add3A_486 : i32
        %slice3A_488 = vector.extract_strided_slice %get3A_122 {offsets = [13], sizes = [1], strides = [1]} : vector<16xf32> to vector<1xf32>
        %squeeze3A_489 = vector.extract %slice3A_488[0] : f32 from vector<1xf32>
        %get3A_490 = arith.index_cast %add3A_487 : i32 to index
        %get3A_491 = arith.constant 0 : index
        %get3A_492 = tpu.vector_load %arg7[%get3A_490, %get3A_491] {strides = array<i32>} : memref<512x32xf32, #tpu.memory_space<vmem>>, vector<1x16xf32>,
        %get3A_493 = vector.shape_cast %get3A_492 : vector<1x16xf32> to vector<16xf32>
        %mul3A_494 = vector.broadcast %squeeze3A_489 : f32 to vector<16xf32>
        %mul3A_495 = arith.mulf %get3A_493, %mul3A_494 : vector<16xf32>
        %swap3A_496 = arith.index_cast %add3A_487 : i32 to index
        %swap3A_497 = arith.constant 0 : index
        %swap3A_498 = tpu.vector_load %arg7[%swap3A_496, %swap3A_497] {strides = array<i32>} : memref<512x32xf32, #tpu.memory_space<vmem>>, vector<1x16xf32>,
        %swap3A_499 = vector.shape_cast %swap3A_498 : vector<1x16xf32> to vector<16xf32>
        %swap3A_500 = vector.shape_cast %mul3A_495 : vector<16xf32> to vector<1x16xf32>
        tpu.vector_store %arg7[%swap3A_496, %swap3A_497], %swap3A_500 {strides = array<i32>} : memref<512x32xf32, #tpu.memory_space<vmem>>, vector<1x16xf32>,
        %get3A_501 = arith.index_cast %add3A_487 : i32 to index
        %get3A_502 = arith.constant 16 : index
        %get3A_503 = tpu.vector_load %arg7[%get3A_501, %get3A_502] {strides = array<i32>} : memref<512x32xf32, #tpu.memory_space<vmem>>, vector<1x16xf32>,
        %get3A_504 = vector.shape_cast %get3A_503 : vector<1x16xf32> to vector<16xf32>
        %mul3A_505 = vector.broadcast %squeeze3A_489 : f32 to vector<16xf32>
        %mul3A_506 = arith.mulf %get3A_504, %mul3A_505 : vector<16xf32>
        %swap3A_507 = arith.index_cast %add3A_487 : i32 to index
        %swap3A_508 = arith.constant 16 : index
        %swap3A_509 = tpu.vector_load %arg7[%swap3A_507, %swap3A_508] {strides = array<i32>} : memref<512x32xf32, #tpu.memory_space<vmem>>, vector<1x16xf32>,
        %swap3A_510 = vector.shape_cast %swap3A_509 : vector<1x16xf32> to vector<16xf32>
        %swap3A_511 = vector.shape_cast %mul3A_506 : vector<16xf32> to vector<1x16xf32>
        tpu.vector_store %arg7[%swap3A_507, %swap3A_508], %swap3A_511 {strides = array<i32>} : memref<512x32xf32, #tpu.memory_space<vmem>>, vector<1x16xf32>,
        %mul3A_512 = arith.constant 16 : i32
        %mul3A_513 = arith.muli %scan3A_118, %mul3A_512 : i32
        %add3A_514 = arith.constant 14 : i32
        %add3A_515 = arith.addi %mul3A_513, %add3A_514 : i32
        %slice3A_516 = vector.extract_strided_slice %get3A_122 {offsets = [14], sizes = [1], strides = [1]} : vector<16xf32> to vector<1xf32>
        %squeeze3A_517 = vector.extract %slice3A_516[0] : f32 from vector<1xf32>
        %get3A_518 = arith.index_cast %add3A_515 : i32 to index
        %get3A_519 = arith.constant 0 : index
        %get3A_520 = tpu.vector_load %arg7[%get3A_518, %get3A_519] {strides = array<i32>} : memref<512x32xf32, #tpu.memory_space<vmem>>, vector<1x16xf32>,
        %get3A_521 = vector.shape_cast %get3A_520 : vector<1x16xf32> to vector<16xf32>
        %mul3A_522 = vector.broadcast %squeeze3A_517 : f32 to vector<16xf32>
        %mul3A_523 = arith.mulf %get3A_521, %mul3A_522 : vector<16xf32>
        %swap3A_524 = arith.index_cast %add3A_515 : i32 to index
        %swap3A_525 = arith.constant 0 : index
        %swap3A_526 = tpu.vector_load %arg7[%swap3A_524, %swap3A_525] {strides = array<i32>} : memref<512x32xf32, #tpu.memory_space<vmem>>, vector<1x16xf32>,
        %swap3A_527 = vector.shape_cast %swap3A_526 : vector<1x16xf32> to vector<16xf32>
        %swap3A_528 = vector.shape_cast %mul3A_523 : vector<16xf32> to vector<1x16xf32>
        tpu.vector_store %arg7[%swap3A_524, %swap3A_525], %swap3A_528 {strides = array<i32>} : memref<512x32xf32, #tpu.memory_space<vmem>>, vector<1x16xf32>,
        %get3A_529 = arith.index_cast %add3A_515 : i32 to index
        %get3A_530 = arith.constant 16 : index
        %get3A_531 = tpu.vector_load %arg7[%get3A_529, %get3A_530] {strides = array<i32>} : memref<512x32xf32, #tpu.memory_space<vmem>>, vector<1x16xf32>,
        %get3A_532 = vector.shape_cast %get3A_531 : vector<1x16xf32> to vector<16xf32>
        %mul3A_533 = vector.broadcast %squeeze3A_517 : f32 to vector<16xf32>
        %mul3A_534 = arith.mulf %get3A_532, %mul3A_533 : vector<16xf32>
        %swap3A_535 = arith.index_cast %add3A_515 : i32 to index
        %swap3A_536 = arith.constant 16 : index
        %swap3A_537 = tpu.vector_load %arg7[%swap3A_535, %swap3A_536] {strides = array<i32>} : memref<512x32xf32, #tpu.memory_space<vmem>>, vector<1x16xf32>,
        %swap3A_538 = vector.shape_cast %swap3A_537 : vector<1x16xf32> to vector<16xf32>
        %swap3A_539 = vector.shape_cast %mul3A_534 : vector<16xf32> to vector<1x16xf32>
        tpu.vector_store %arg7[%swap3A_535, %swap3A_536], %swap3A_539 {strides = array<i32>} : memref<512x32xf32, #tpu.memory_space<vmem>>, vector<1x16xf32>,
        %mul3A_540 = arith.constant 16 : i32
        %mul3A_541 = arith.muli %scan3A_118, %mul3A_540 : i32
        %add3A_542 = arith.constant 15 : i32
        %add3A_543 = arith.addi %mul3A_541, %add3A_542 : i32
        %slice3A_544 = vector.extract_strided_slice %get3A_122 {offsets = [15], sizes = [1], strides = [1]} : vector<16xf32> to vector<1xf32>
        %squeeze3A_545 = vector.extract %slice3A_544[0] : f32 from vector<1xf32>
        %get3A_546 = arith.index_cast %add3A_543 : i32 to index
        %get3A_547 = arith.constant 0 : index
        %get3A_548 = tpu.vector_load %arg7[%get3A_546, %get3A_547] {strides = array<i32>} : memref<512x32xf32, #tpu.memory_space<vmem>>, vector<1x16xf32>,
        %get3A_549 = vector.shape_cast %get3A_548 : vector<1x16xf32> to vector<16xf32>
        %mul3A_550 = vector.broadcast %squeeze3A_545 : f32 to vector<16xf32>
        %mul3A_551 = arith.mulf %get3A_549, %mul3A_550 : vector<16xf32>
        %swap3A_552 = arith.index_cast %add3A_543 : i32 to index
        %swap3A_553 = arith.constant 0 : index
        %swap3A_554 = tpu.vector_load %arg7[%swap3A_552, %swap3A_553] {strides = array<i32>} : memref<512x32xf32, #tpu.memory_space<vmem>>, vector<1x16xf32>,
        %swap3A_555 = vector.shape_cast %swap3A_554 : vector<1x16xf32> to vector<16xf32>
        %swap3A_556 = vector.shape_cast %mul3A_551 : vector<16xf32> to vector<1x16xf32>
        tpu.vector_store %arg7[%swap3A_552, %swap3A_553], %swap3A_556 {strides = array<i32>} : memref<512x32xf32, #tpu.memory_space<vmem>>, vector<1x16xf32>,
        %get3A_557 = arith.index_cast %add3A_543 : i32 to index
        %get3A_558 = arith.constant 16 : index
        %get3A_559 = tpu.vector_load %arg7[%get3A_557, %get3A_558] {strides = array<i32>} : memref<512x32xf32, #tpu.memory_space<vmem>>, vector<1x16xf32>,
        %get3A_560 = vector.shape_cast %get3A_559 : vector<1x16xf32> to vector<16xf32>
        %mul3A_561 = vector.broadcast %squeeze3A_545 : f32 to vector<16xf32>
        %mul3A_562 = arith.mulf %get3A_560, %mul3A_561 : vector<16xf32>
        %swap3A_563 = arith.index_cast %add3A_543 : i32 to index
        %swap3A_564 = arith.constant 16 : index
        %swap3A_565 = tpu.vector_load %arg7[%swap3A_563, %swap3A_564] {strides = array<i32>} : memref<512x32xf32, #tpu.memory_space<vmem>>, vector<1x16xf32>,
        %swap3A_566 = vector.shape_cast %swap3A_565 : vector<1x16xf32> to vector<16xf32>
        %swap3A_567 = vector.shape_cast %mul3A_562 : vector<16xf32> to vector<1x16xf32>
        tpu.vector_store %arg7[%swap3A_563, %swap3A_564], %swap3A_567 {strides = array<i32>} : memref<512x32xf32, #tpu.memory_space<vmem>>, vector<1x16xf32>,
      }
      %scan3A_114 = arith.constant 32 : i32
      %run_scoped3A = arith.constant 0 : i32
      "tpu.region"() ({
        %run_scoped3A_118 = tpu.sem_alloc : memref<!tpu.dma_semaphore, #tpu.memory_space<semaphore_mem>>
        %dma_start3A_119 = arith.constant 0 : i32
        %dma_start3A_120 = arith.constant 0 : i32
        %dma_start3A_121 = tpu.memref_slice %arg7[%dma_start3A_119, %dma_start3A_120] : memref<512x32xf32, #tpu.memory_space<vmem>> -> memref<128x32xf32, #tpu.memory_space<vmem>>
        %dma_start3A_122 = arith.constant 0 : i32
        %dma_start3A_123 = tpu.memref_slice %arg11[%run_scoped3A, %dma_start3A_122] : memref<4x128xi32, #tpu.memory_space<vmem>> -> memref<1x128xi32, #tpu.memory_space<vmem>>
        %dma_start3A_124 = tpu.memref_squeeze %dma_start3A_123 : memref<1x128xi32, #tpu.memory_space<vmem>> -> memref<128xi32, #tpu.memory_space<vmem>>
        %dma_start3A_125 = arith.constant 0 : i32
        %dma_start3A_126 = arith.constant 0 : i32
        %dma_start3A_127 = tpu.memref_slice %arg12[%dma_start3A_125, %dma_start3A_126] : memref<51200x32xf32, #tpu.memory_space<vmem_shared>> -> memref<51200x32xf32, #tpu.memory_space<vmem_shared>>
        tpu.enqueue_indirect_dma source(%dma_start3A_121 : memref<128x32xf32, #tpu.memory_space<vmem>>) target(%dma_start3A_127 : memref<51200x32xf32, #tpu.memory_space<vmem_shared>>) offsets(%dma_start3A_124 : memref<128xi32, #tpu.memory_space<vmem>>) semaphore(%run_scoped3A_118 : memref<!tpu.dma_semaphore, #tpu.memory_space<semaphore_mem>>) {add = true}
        %dma_wait3A_128 = arith.constant 0 : i32
        %dma_wait3A_129 = arith.constant 0 : i32
        %dma_wait3A_130 = tpu.memref_slice %arg7[%dma_wait3A_128, %dma_wait3A_129] : memref<512x32xf32, #tpu.memory_space<vmem>> -> memref<128x32xf32, #tpu.memory_space<vmem>>
        %dma_wait3A_131 = arith.constant 0 : i32
        %dma_wait3A_132 = tpu.memref_slice %arg11[%run_scoped3A, %dma_wait3A_131] : memref<4x128xi32, #tpu.memory_space<vmem>> -> memref<1x128xi32, #tpu.memory_space<vmem>>
        %dma_wait3A_133 = tpu.memref_squeeze %dma_wait3A_132 : memref<1x128xi32, #tpu.memory_space<vmem>> -> memref<128xi32, #tpu.memory_space<vmem>>
        %dma_wait3A_134 = arith.constant 0 : i32
        %dma_wait3A_135 = arith.constant 0 : i32
        %dma_wait3A_136 = tpu.memref_slice %arg12[%dma_wait3A_134, %dma_wait3A_135] : memref<51200x32xf32, #tpu.memory_space<vmem_shared>> -> memref<51200x32xf32, #tpu.memory_space<vmem_shared>>
        tpu.wait_indirect_dma semaphore(%run_scoped3A_118 : memref<!tpu.dma_semaphore, #tpu.memory_space<semaphore_mem>>) src(%dma_wait3A_130 : memref<128x32xf32, #tpu.memory_space<vmem>>) dst(%dma_wait3A_136 : memref<51200x32xf32, #tpu.memory_space<vmem_shared>>)
        tpu.yield
      }) : () -> ()
      %run_scoped3A_115 = arith.constant 1 : i32
      "tpu.region"() ({
        %run_scoped3A_118 = tpu.sem_alloc : memref<!tpu.dma_semaphore, #tpu.memory_space<semaphore_mem>>
        %dma_start3A_119 = arith.constant 128 : i32
        %dma_start3A_120 = arith.constant 0 : i32
        %dma_start3A_121 = tpu.memref_slice %arg7[%dma_start3A_119, %dma_start3A_120] : memref<512x32xf32, #tpu.memory_space<vmem>> -> memref<128x32xf32, #tpu.memory_space<vmem>>
        %dma_start3A_122 = arith.constant 0 : i32
        %dma_start3A_123 = tpu.memref_slice %arg11[%run_scoped3A_115, %dma_start3A_122] : memref<4x128xi32, #tpu.memory_space<vmem>> -> memref<1x128xi32, #tpu.memory_space<vmem>>
        %dma_start3A_124 = tpu.memref_squeeze %dma_start3A_123 : memref<1x128xi32, #tpu.memory_space<vmem>> -> memref<128xi32, #tpu.memory_space<vmem>>
        %dma_start3A_125 = arith.constant 0 : i32
        %dma_start3A_126 = arith.constant 0 : i32
        %dma_start3A_127 = tpu.memref_slice %arg12[%dma_start3A_125, %dma_start3A_126] : memref<51200x32xf32, #tpu.memory_space<vmem_shared>> -> memref<51200x32xf32, #tpu.memory_space<vmem_shared>>
        tpu.enqueue_indirect_dma source(%dma_start3A_121 : memref<128x32xf32, #tpu.memory_space<vmem>>) target(%dma_start3A_127 : memref<51200x32xf32, #tpu.memory_space<vmem_shared>>) offsets(%dma_start3A_124 : memref<128xi32, #tpu.memory_space<vmem>>) semaphore(%run_scoped3A_118 : memref<!tpu.dma_semaphore, #tpu.memory_space<semaphore_mem>>) {add = true}
        %dma_wait3A_128 = arith.constant 128 : i32
        %dma_wait3A_129 = arith.constant 0 : i32
        %dma_wait3A_130 = tpu.memref_slice %arg7[%dma_wait3A_128, %dma_wait3A_129] : memref<512x32xf32, #tpu.memory_space<vmem>> -> memref<128x32xf32, #tpu.memory_space<vmem>>
        %dma_wait3A_131 = arith.constant 0 : i32
        %dma_wait3A_132 = tpu.memref_slice %arg11[%run_scoped3A_115, %dma_wait3A_131] : memref<4x128xi32, #tpu.memory_space<vmem>> -> memref<1x128xi32, #tpu.memory_space<vmem>>
        %dma_wait3A_133 = tpu.memref_squeeze %dma_wait3A_132 : memref<1x128xi32, #tpu.memory_space<vmem>> -> memref<128xi32, #tpu.memory_space<vmem>>
        %dma_wait3A_134 = arith.constant 0 : i32
        %dma_wait3A_135 = arith.constant 0 : i32
        %dma_wait3A_136 = tpu.memref_slice %arg12[%dma_wait3A_134, %dma_wait3A_135] : memref<51200x32xf32, #tpu.memory_space<vmem_shared>> -> memref<51200x32xf32, #tpu.memory_space<vmem_shared>>
        tpu.wait_indirect_dma semaphore(%run_scoped3A_118 : memref<!tpu.dma_semaphore, #tpu.memory_space<semaphore_mem>>) src(%dma_wait3A_130 : memref<128x32xf32, #tpu.memory_space<vmem>>) dst(%dma_wait3A_136 : memref<51200x32xf32, #tpu.memory_space<vmem_shared>>)
        tpu.yield
      }) : () -> ()
      %run_scoped3A_116 = arith.constant 2 : i32
      "tpu.region"() ({
        %run_scoped3A_118 = tpu.sem_alloc : memref<!tpu.dma_semaphore, #tpu.memory_space<semaphore_mem>>
        %dma_start3A_119 = arith.constant 256 : i32
        %dma_start3A_120 = arith.constant 0 : i32
        %dma_start3A_121 = tpu.memref_slice %arg7[%dma_start3A_119, %dma_start3A_120] : memref<512x32xf32, #tpu.memory_space<vmem>> -> memref<128x32xf32, #tpu.memory_space<vmem>>
        %dma_start3A_122 = arith.constant 0 : i32
        %dma_start3A_123 = tpu.memref_slice %arg11[%run_scoped3A_116, %dma_start3A_122] : memref<4x128xi32, #tpu.memory_space<vmem>> -> memref<1x128xi32, #tpu.memory_space<vmem>>
        %dma_start3A_124 = tpu.memref_squeeze %dma_start3A_123 : memref<1x128xi32, #tpu.memory_space<vmem>> -> memref<128xi32, #tpu.memory_space<vmem>>
        %dma_start3A_125 = arith.constant 0 : i32
        %dma_start3A_126 = arith.constant 0 : i32
        %dma_start3A_127 = tpu.memref_slice %arg12[%dma_start3A_125, %dma_start3A_126] : memref<51200x32xf32, #tpu.memory_space<vmem_shared>> -> memref<51200x32xf32, #tpu.memory_space<vmem_shared>>
        tpu.enqueue_indirect_dma source(%dma_start3A_121 : memref<128x32xf32, #tpu.memory_space<vmem>>) target(%dma_start3A_127 : memref<51200x32xf32, #tpu.memory_space<vmem_shared>>) offsets(%dma_start3A_124 : memref<128xi32, #tpu.memory_space<vmem>>) semaphore(%run_scoped3A_118 : memref<!tpu.dma_semaphore, #tpu.memory_space<semaphore_mem>>) {add = true}
        %dma_wait3A_128 = arith.constant 256 : i32
        %dma_wait3A_129 = arith.constant 0 : i32
        %dma_wait3A_130 = tpu.memref_slice %arg7[%dma_wait3A_128, %dma_wait3A_129] : memref<512x32xf32, #tpu.memory_space<vmem>> -> memref<128x32xf32, #tpu.memory_space<vmem>>
        %dma_wait3A_131 = arith.constant 0 : i32
        %dma_wait3A_132 = tpu.memref_slice %arg11[%run_scoped3A_116, %dma_wait3A_131] : memref<4x128xi32, #tpu.memory_space<vmem>> -> memref<1x128xi32, #tpu.memory_space<vmem>>
        %dma_wait3A_133 = tpu.memref_squeeze %dma_wait3A_132 : memref<1x128xi32, #tpu.memory_space<vmem>> -> memref<128xi32, #tpu.memory_space<vmem>>
        %dma_wait3A_134 = arith.constant 0 : i32
        %dma_wait3A_135 = arith.constant 0 : i32
        %dma_wait3A_136 = tpu.memref_slice %arg12[%dma_wait3A_134, %dma_wait3A_135] : memref<51200x32xf32, #tpu.memory_space<vmem_shared>> -> memref<51200x32xf32, #tpu.memory_space<vmem_shared>>
        tpu.wait_indirect_dma semaphore(%run_scoped3A_118 : memref<!tpu.dma_semaphore, #tpu.memory_space<semaphore_mem>>) src(%dma_wait3A_130 : memref<128x32xf32, #tpu.memory_space<vmem>>) dst(%dma_wait3A_136 : memref<51200x32xf32, #tpu.memory_space<vmem_shared>>)
        tpu.yield
      }) : () -> ()
      %run_scoped3A_117 = arith.constant 3 : i32
      "tpu.region"() ({
        %run_scoped3A_118 = tpu.sem_alloc : memref<!tpu.dma_semaphore, #tpu.memory_space<semaphore_mem>>
        %dma_start3A_119 = arith.constant 384 : i32
        %dma_start3A_120 = arith.constant 0 : i32
        %dma_start3A_121 = tpu.memref_slice %arg7[%dma_start3A_119, %dma_start3A_120] : memref<512x32xf32, #tpu.memory_space<vmem>> -> memref<128x32xf32, #tpu.memory_space<vmem>>
        %dma_start3A_122 = arith.constant 0 : i32
        %dma_start3A_123 = tpu.memref_slice %arg11[%run_scoped3A_117, %dma_start3A_122] : memref<4x128xi32, #tpu.memory_space<vmem>> -> memref<1x128xi32, #tpu.memory_space<vmem>>
        %dma_start3A_124 = tpu.memref_squeeze %dma_start3A_123 : memref<1x128xi32, #tpu.memory_space<vmem>> -> memref<128xi32, #tpu.memory_space<vmem>>
        %dma_start3A_125 = arith.constant 0 : i32
        %dma_start3A_126 = arith.constant 0 : i32
        %dma_start3A_127 = tpu.memref_slice %arg12[%dma_start3A_125, %dma_start3A_126] : memref<51200x32xf32, #tpu.memory_space<vmem_shared>> -> memref<51200x32xf32, #tpu.memory_space<vmem_shared>>
        tpu.enqueue_indirect_dma source(%dma_start3A_121 : memref<128x32xf32, #tpu.memory_space<vmem>>) target(%dma_start3A_127 : memref<51200x32xf32, #tpu.memory_space<vmem_shared>>) offsets(%dma_start3A_124 : memref<128xi32, #tpu.memory_space<vmem>>) semaphore(%run_scoped3A_118 : memref<!tpu.dma_semaphore, #tpu.memory_space<semaphore_mem>>) {add = true}
        %dma_wait3A_128 = arith.constant 384 : i32
        %dma_wait3A_129 = arith.constant 0 : i32
        %dma_wait3A_130 = tpu.memref_slice %arg7[%dma_wait3A_128, %dma_wait3A_129] : memref<512x32xf32, #tpu.memory_space<vmem>> -> memref<128x32xf32, #tpu.memory_space<vmem>>
        %dma_wait3A_131 = arith.constant 0 : i32
        %dma_wait3A_132 = tpu.memref_slice %arg11[%run_scoped3A_117, %dma_wait3A_131] : memref<4x128xi32, #tpu.memory_space<vmem>> -> memref<1x128xi32, #tpu.memory_space<vmem>>
        %dma_wait3A_133 = tpu.memref_squeeze %dma_wait3A_132 : memref<1x128xi32, #tpu.memory_space<vmem>> -> memref<128xi32, #tpu.memory_space<vmem>>
        %dma_wait3A_134 = arith.constant 0 : i32
        %dma_wait3A_135 = arith.constant 0 : i32
        %dma_wait3A_136 = tpu.memref_slice %arg12[%dma_wait3A_134, %dma_wait3A_135] : memref<51200x32xf32, #tpu.memory_space<vmem_shared>> -> memref<51200x32xf32, #tpu.memory_space<vmem_shared>>
        tpu.wait_indirect_dma semaphore(%run_scoped3A_118 : memref<!tpu.dma_semaphore, #tpu.memory_space<semaphore_mem>>) src(%dma_wait3A_130 : memref<128x32xf32, #tpu.memory_space<vmem>>) dst(%dma_wait3A_136 : memref<51200x32xf32, #tpu.memory_space<vmem_shared>>)
        tpu.yield
      }) : () -> ()
    }
    %scan3A_27 = arith.constant 98 : i32
    %barrier3A_28 = arith.constant 0 : index
    tpu.barrier barrier_id(%barrier3A_28)
    %add3A_29 = arith.addi %mul3A_0, %mul3A_8 : i32
    "tpu.region"() ({
      %run_scoped3A = tpu.sem_alloc : memref<!tpu.dma_semaphore, #tpu.memory_space<semaphore_mem>>
      %dma_start3A = arith.constant 0 : i32
      %dma_start3A_30 = tpu.memref_slice %arg6[%add3A_29, %dma_start3A] : memref<102400x32xf32, #tpu.memory_space<hbm>> -> memref<3200x32xf32, #tpu.memory_space<hbm>>
      %dma_start3A_31 = arith.constant 0 : i32
      %dma_start3A_32 = tpu.memref_slice %arg12[%mul3A_8, %dma_start3A_31] : memref<51200x32xf32, #tpu.memory_space<vmem_shared>> -> memref<3200x32xf32, #tpu.memory_space<vmem_shared>>
      tpu.enqueue_dma source(%dma_start3A_32 : memref<3200x32xf32, #tpu.memory_space<vmem_shared>>) target(%dma_start3A_30 : memref<3200x32xf32, #tpu.memory_space<hbm>>) target_semaphore(%run_scoped3A : memref<!tpu.dma_semaphore, #tpu.memory_space<semaphore_mem>>)
      %dma_wait3A = arith.constant 0 : i32
      %dma_wait3A_33 = tpu.memref_slice %arg6[%add3A_29, %dma_wait3A] : memref<102400x32xf32, #tpu.memory_space<hbm>> -> memref<3200x32xf32, #tpu.memory_space<hbm>>
      %dma_wait3A_34 = arith.constant 0 : i32
      %dma_wait3A_35 = tpu.memref_slice %arg12[%mul3A_8, %dma_wait3A_34] : memref<51200x32xf32, #tpu.memory_space<vmem_shared>> -> memref<3200x32xf32, #tpu.memory_space<vmem_shared>>
      tpu.wait_dma2 semaphore(%run_scoped3A : memref<!tpu.dma_semaphore, #tpu.memory_space<semaphore_mem>>) src(%dma_wait3A_35 : memref<3200x32xf32, #tpu.memory_space<vmem_shared>>) dst(%dma_wait3A_33 : memref<3200x32xf32, #tpu.memory_space<hbm>>)
      tpu.yield
    }) : () -> ()
    return
  }
}

#map = affine_map<(d0, d1) -> (0, 0)>
#map1 = affine_map<(d0, d1) -> (0)>
module attributes {stable_mosaic.version = 14 : i64} {
  func.func @_layer_body(%arg0: i32, %arg1: i32, %arg2: memref<102400x32xf32, #tpu.memory_space<hbm>>, %arg3: memref<802816xi32, #tpu.memory_space<hbm>>, %arg4: memref<802816xf32, #tpu.memory_space<hbm>>, %arg5: memref<6272x128xi32, #tpu.memory_space<hbm>>, %arg6: memref<102400x32xf32, #tpu.memory_space<hbm>>, %arg7: memref<512x32xf32, #tpu.memory_space<vmem>>, %arg8: memref<512xi32, #tpu.memory_space<vmem>>, %arg9: memref<512xi32, #tpu.memory_space<vmem>>, %arg10: memref<512xf32, #tpu.memory_space<vmem>>, %arg11: memref<4x128xi32, #tpu.memory_space<vmem>>, %arg12: memref<51200x32xf32, #tpu.memory_space<vmem_shared>>, %arg13: memref<!tpu.dma_semaphore, #tpu.memory_space<semaphore_mem>>) attributes {dimension_semantics = [#tpu.dimension_semantics<core_parallel>, #tpu.dimension_semantics<subcore_parallel>], iteration_bounds = array<i64: 2, 16>, scalar_prefetch = 0 : i64, scratch_operands = 7 : i64, tpu.core_type = #tpu.core_type<sc_vector_subcore>, window_params = [{transform_indices = #map}, {transform_indices = #map1}, {transform_indices = #map1}, {transform_indices = #map}, {transform_indices = #map}]} {
    %mul3A = arith.constant 51200 : i32
    %mul3A_0 = arith.muli %arg0, %mul3A : i32
    %broadcast_in_dim3A = arith.constant 0.000000e+00 : f32
    %broadcast_in_dim3A_1 = vector.broadcast %broadcast_in_dim3A : f32 to vector<16xf32>
    %scan3A = arith.constant 0 : i32
    %scan3A_2 = arith.constant 0 : i32
    %scan3A_3 = arith.constant 512 : i32
    %scan3A_4 = arith.addi %scan3A_2, %scan3A_3 : i32
    %scan3A_5 = arith.constant 1 : i32
    scf.for %scan3A_30 = %scan3A_2 to %scan3A_4 step %scan3A_5  : i32 {
      %swap3A = arith.index_cast %scan3A_30 : i32 to index
      %swap3A_31 = arith.constant 0 : index
      %swap3A_32 = tpu.vector_load %arg7[%swap3A, %swap3A_31] {strides = array<i32>} : memref<512x32xf32, #tpu.memory_space<vmem>>, vector<1x16xf32>,
      %swap3A_33 = vector.shape_cast %swap3A_32 : vector<1x16xf32> to vector<16xf32>
      %swap3A_34 = vector.shape_cast %broadcast_in_dim3A_1 : vector<16xf32> to vector<1x16xf32>
      tpu.vector_store %arg7[%swap3A, %swap3A_31], %swap3A_34 {strides = array<i32>} : memref<512x32xf32, #tpu.memory_space<vmem>>, vector<1x16xf32>,
      %swap3A_35 = arith.index_cast %scan3A_30 : i32 to index
      %swap3A_36 = arith.constant 16 : index
      %swap3A_37 = tpu.vector_load %arg7[%swap3A_35, %swap3A_36] {strides = array<i32>} : memref<512x32xf32, #tpu.memory_space<vmem>>, vector<1x16xf32>,
      %swap3A_38 = vector.shape_cast %swap3A_37 : vector<1x16xf32> to vector<16xf32>
      %swap3A_39 = vector.shape_cast %broadcast_in_dim3A_1 : vector<16xf32> to vector<1x16xf32>
      tpu.vector_store %arg7[%swap3A_35, %swap3A_36], %swap3A_39 {strides = array<i32>} : memref<512x32xf32, #tpu.memory_space<vmem>>, vector<1x16xf32>,
    }
    %scan3A_6 = arith.constant 512 : i32
    %mul3A_7 = arith.constant 3200 : i32
    %mul3A_8 = arith.muli %arg1, %mul3A_7 : i32
    %add3A = arith.constant 0 : i32
    %add3A_9 = arith.addi %mul3A_8, %add3A : i32
    "tpu.region"() ({
      %run_scoped3A = tpu.sem_alloc : memref<!tpu.dma_semaphore, #tpu.memory_space<semaphore_mem>>
      %dma_start3A = arith.constant 0 : i32
      %dma_start3A_30 = arith.constant 0 : i32
      %dma_start3A_31 = tpu.memref_slice %arg7[%dma_start3A, %dma_start3A_30] : memref<512x32xf32, #tpu.memory_space<vmem>> -> memref<512x32xf32, #tpu.memory_space<vmem>>
      %dma_start3A_32 = arith.constant 0 : i32
      %dma_start3A_33 = tpu.memref_slice %arg12[%add3A_9, %dma_start3A_32] : memref<51200x32xf32, #tpu.memory_space<vmem_shared>> -> memref<512x32xf32, #tpu.memory_space<vmem_shared>>
      %dma_start3A_34 = arith.constant 0 : i32
      %dma_start3A_35 = tpu.memref_slice %arg12[%add3A_9, %dma_start3A_34] : memref<51200x32xf32, #tpu.memory_space<vmem_shared>> -> memref<512x32xf32, #tpu.memory_space<vmem_shared>>
      %dma_start3A_36 = arith.constant 0 : i32
      %dma_start3A_37 = arith.constant 0 : i32
      %dma_start3A_38 = tpu.memref_slice %arg7[%dma_start3A_36, %dma_start3A_37] : memref<512x32xf32, #tpu.memory_space<vmem>> -> memref<512x32xf32, #tpu.memory_space<vmem>>
      tpu.enqueue_dma source(%dma_start3A_38 : memref<512x32xf32, #tpu.memory_space<vmem>>) target(%dma_start3A_35 : memref<512x32xf32, #tpu.memory_space<vmem_shared>>) target_semaphore(%run_scoped3A : memref<!tpu.dma_semaphore, #tpu.memory_space<semaphore_mem>>)
      %dma_wait3A = arith.constant 0 : i32
      %dma_wait3A_39 = arith.constant 0 : i32
      %dma_wait3A_40 = tpu.memref_slice %arg7[%dma_wait3A, %dma_wait3A_39] : memref<512x32xf32, #tpu.memory_space<vmem>> -> memref<512x32xf32, #tpu.memory_space<vmem>>
      %dma_wait3A_41 = arith.constant 0 : i32
      %dma_wait3A_42 = tpu.memref_slice %arg12[%add3A_9, %dma_wait3A_41] : memref<51200x32xf32, #tpu.memory_space<vmem_shared>> -> memref<512x32xf32, #tpu.memory_space<vmem_shared>>
      %dma_wait3A_43 = arith.constant 0 : i32
      %dma_wait3A_44 = tpu.memref_slice %arg12[%add3A_9, %dma_wait3A_43] : memref<51200x32xf32, #tpu.memory_space<vmem_shared>> -> memref<512x32xf32, #tpu.memory_space<vmem_shared>>
      %dma_wait3A_45 = arith.constant 0 : i32
      %dma_wait3A_46 = arith.constant 0 : i32
      %dma_wait3A_47 = tpu.memref_slice %arg7[%dma_wait3A_45, %dma_wait3A_46] : memref<512x32xf32, #tpu.memory_space<vmem>> -> memref<512x32xf32, #tpu.memory_space<vmem>>
      tpu.wait_dma2 semaphore(%run_scoped3A : memref<!tpu.dma_semaphore, #tpu.memory_space<semaphore_mem>>) src(%dma_wait3A_47 : memref<512x32xf32, #tpu.memory_space<vmem>>) dst(%dma_wait3A_44 : memref<512x32xf32, #tpu.memory_space<vmem_shared>>)
      tpu.yield
    }) : () -> ()
    %add3A_10 = arith.constant 512 : i32
    %add3A_11 = arith.addi %mul3A_8, %add3A_10 : i32
    "tpu.region"() ({
      %run_scoped3A = tpu.sem_alloc : memref<!tpu.dma_semaphore, #tpu.memory_space<semaphore_mem>>
      %dma_start3A = arith.constant 0 : i32
      %dma_start3A_30 = arith.constant 0 : i32
      %dma_start3A_31 = tpu.memref_slice %arg7[%dma_start3A, %dma_start3A_30] : memref<512x32xf32, #tpu.memory_space<vmem>> -> memref<512x32xf32, #tpu.memory_space<vmem>>
      %dma_start3A_32 = arith.constant 0 : i32
      %dma_start3A_33 = tpu.memref_slice %arg12[%add3A_11, %dma_start3A_32] : memref<51200x32xf32, #tpu.memory_space<vmem_shared>> -> memref<512x32xf32, #tpu.memory_space<vmem_shared>>
      %dma_start3A_34 = arith.constant 0 : i32
      %dma_start3A_35 = tpu.memref_slice %arg12[%add3A_11, %dma_start3A_34] : memref<51200x32xf32, #tpu.memory_space<vmem_shared>> -> memref<512x32xf32, #tpu.memory_space<vmem_shared>>
      %dma_start3A_36 = arith.constant 0 : i32
      %dma_start3A_37 = arith.constant 0 : i32
      %dma_start3A_38 = tpu.memref_slice %arg7[%dma_start3A_36, %dma_start3A_37] : memref<512x32xf32, #tpu.memory_space<vmem>> -> memref<512x32xf32, #tpu.memory_space<vmem>>
      tpu.enqueue_dma source(%dma_start3A_38 : memref<512x32xf32, #tpu.memory_space<vmem>>) target(%dma_start3A_35 : memref<512x32xf32, #tpu.memory_space<vmem_shared>>) target_semaphore(%run_scoped3A : memref<!tpu.dma_semaphore, #tpu.memory_space<semaphore_mem>>)
      %dma_wait3A = arith.constant 0 : i32
      %dma_wait3A_39 = arith.constant 0 : i32
      %dma_wait3A_40 = tpu.memref_slice %arg7[%dma_wait3A, %dma_wait3A_39] : memref<512x32xf32, #tpu.memory_space<vmem>> -> memref<512x32xf32, #tpu.memory_space<vmem>>
      %dma_wait3A_41 = arith.constant 0 : i32
      %dma_wait3A_42 = tpu.memref_slice %arg12[%add3A_11, %dma_wait3A_41] : memref<51200x32xf32, #tpu.memory_space<vmem_shared>> -> memref<512x32xf32, #tpu.memory_space<vmem_shared>>
      %dma_wait3A_43 = arith.constant 0 : i32
      %dma_wait3A_44 = tpu.memref_slice %arg12[%add3A_11, %dma_wait3A_43] : memref<51200x32xf32, #tpu.memory_space<vmem_shared>> -> memref<512x32xf32, #tpu.memory_space<vmem_shared>>
      %dma_wait3A_45 = arith.constant 0 : i32
      %dma_wait3A_46 = arith.constant 0 : i32
      %dma_wait3A_47 = tpu.memref_slice %arg7[%dma_wait3A_45, %dma_wait3A_46] : memref<512x32xf32, #tpu.memory_space<vmem>> -> memref<512x32xf32, #tpu.memory_space<vmem>>
      tpu.wait_dma2 semaphore(%run_scoped3A : memref<!tpu.dma_semaphore, #tpu.memory_space<semaphore_mem>>) src(%dma_wait3A_47 : memref<512x32xf32, #tpu.memory_space<vmem>>) dst(%dma_wait3A_44 : memref<512x32xf32, #tpu.memory_space<vmem_shared>>)
      tpu.yield
    }) : () -> ()
    %add3A_12 = arith.constant 1024 : i32
    %add3A_13 = arith.addi %mul3A_8, %add3A_12 : i32
    "tpu.region"() ({
      %run_scoped3A = tpu.sem_alloc : memref<!tpu.dma_semaphore, #tpu.memory_space<semaphore_mem>>
      %dma_start3A = arith.constant 0 : i32
      %dma_start3A_30 = arith.constant 0 : i32
      %dma_start3A_31 = tpu.memref_slice %arg7[%dma_start3A, %dma_start3A_30] : memref<512x32xf32, #tpu.memory_space<vmem>> -> memref<512x32xf32, #tpu.memory_space<vmem>>
      %dma_start3A_32 = arith.constant 0 : i32
      %dma_start3A_33 = tpu.memref_slice %arg12[%add3A_13, %dma_start3A_32] : memref<51200x32xf32, #tpu.memory_space<vmem_shared>> -> memref<512x32xf32, #tpu.memory_space<vmem_shared>>
      %dma_start3A_34 = arith.constant 0 : i32
      %dma_start3A_35 = tpu.memref_slice %arg12[%add3A_13, %dma_start3A_34] : memref<51200x32xf32, #tpu.memory_space<vmem_shared>> -> memref<512x32xf32, #tpu.memory_space<vmem_shared>>
      %dma_start3A_36 = arith.constant 0 : i32
      %dma_start3A_37 = arith.constant 0 : i32
      %dma_start3A_38 = tpu.memref_slice %arg7[%dma_start3A_36, %dma_start3A_37] : memref<512x32xf32, #tpu.memory_space<vmem>> -> memref<512x32xf32, #tpu.memory_space<vmem>>
      tpu.enqueue_dma source(%dma_start3A_38 : memref<512x32xf32, #tpu.memory_space<vmem>>) target(%dma_start3A_35 : memref<512x32xf32, #tpu.memory_space<vmem_shared>>) target_semaphore(%run_scoped3A : memref<!tpu.dma_semaphore, #tpu.memory_space<semaphore_mem>>)
      %dma_wait3A = arith.constant 0 : i32
      %dma_wait3A_39 = arith.constant 0 : i32
      %dma_wait3A_40 = tpu.memref_slice %arg7[%dma_wait3A, %dma_wait3A_39] : memref<512x32xf32, #tpu.memory_space<vmem>> -> memref<512x32xf32, #tpu.memory_space<vmem>>
      %dma_wait3A_41 = arith.constant 0 : i32
      %dma_wait3A_42 = tpu.memref_slice %arg12[%add3A_13, %dma_wait3A_41] : memref<51200x32xf32, #tpu.memory_space<vmem_shared>> -> memref<512x32xf32, #tpu.memory_space<vmem_shared>>
      %dma_wait3A_43 = arith.constant 0 : i32
      %dma_wait3A_44 = tpu.memref_slice %arg12[%add3A_13, %dma_wait3A_43] : memref<51200x32xf32, #tpu.memory_space<vmem_shared>> -> memref<512x32xf32, #tpu.memory_space<vmem_shared>>
      %dma_wait3A_45 = arith.constant 0 : i32
      %dma_wait3A_46 = arith.constant 0 : i32
      %dma_wait3A_47 = tpu.memref_slice %arg7[%dma_wait3A_45, %dma_wait3A_46] : memref<512x32xf32, #tpu.memory_space<vmem>> -> memref<512x32xf32, #tpu.memory_space<vmem>>
      tpu.wait_dma2 semaphore(%run_scoped3A : memref<!tpu.dma_semaphore, #tpu.memory_space<semaphore_mem>>) src(%dma_wait3A_47 : memref<512x32xf32, #tpu.memory_space<vmem>>) dst(%dma_wait3A_44 : memref<512x32xf32, #tpu.memory_space<vmem_shared>>)
      tpu.yield
    }) : () -> ()
    %add3A_14 = arith.constant 1536 : i32
    %add3A_15 = arith.addi %mul3A_8, %add3A_14 : i32
    "tpu.region"() ({
      %run_scoped3A = tpu.sem_alloc : memref<!tpu.dma_semaphore, #tpu.memory_space<semaphore_mem>>
      %dma_start3A = arith.constant 0 : i32
      %dma_start3A_30 = arith.constant 0 : i32
      %dma_start3A_31 = tpu.memref_slice %arg7[%dma_start3A, %dma_start3A_30] : memref<512x32xf32, #tpu.memory_space<vmem>> -> memref<512x32xf32, #tpu.memory_space<vmem>>
      %dma_start3A_32 = arith.constant 0 : i32
      %dma_start3A_33 = tpu.memref_slice %arg12[%add3A_15, %dma_start3A_32] : memref<51200x32xf32, #tpu.memory_space<vmem_shared>> -> memref<512x32xf32, #tpu.memory_space<vmem_shared>>
      %dma_start3A_34 = arith.constant 0 : i32
      %dma_start3A_35 = tpu.memref_slice %arg12[%add3A_15, %dma_start3A_34] : memref<51200x32xf32, #tpu.memory_space<vmem_shared>> -> memref<512x32xf32, #tpu.memory_space<vmem_shared>>
      %dma_start3A_36 = arith.constant 0 : i32
      %dma_start3A_37 = arith.constant 0 : i32
      %dma_start3A_38 = tpu.memref_slice %arg7[%dma_start3A_36, %dma_start3A_37] : memref<512x32xf32, #tpu.memory_space<vmem>> -> memref<512x32xf32, #tpu.memory_space<vmem>>
      tpu.enqueue_dma source(%dma_start3A_38 : memref<512x32xf32, #tpu.memory_space<vmem>>) target(%dma_start3A_35 : memref<512x32xf32, #tpu.memory_space<vmem_shared>>) target_semaphore(%run_scoped3A : memref<!tpu.dma_semaphore, #tpu.memory_space<semaphore_mem>>)
      %dma_wait3A = arith.constant 0 : i32
      %dma_wait3A_39 = arith.constant 0 : i32
      %dma_wait3A_40 = tpu.memref_slice %arg7[%dma_wait3A, %dma_wait3A_39] : memref<512x32xf32, #tpu.memory_space<vmem>> -> memref<512x32xf32, #tpu.memory_space<vmem>>
      %dma_wait3A_41 = arith.constant 0 : i32
      %dma_wait3A_42 = tpu.memref_slice %arg12[%add3A_15, %dma_wait3A_41] : memref<51200x32xf32, #tpu.memory_space<vmem_shared>> -> memref<512x32xf32, #tpu.memory_space<vmem_shared>>
      %dma_wait3A_43 = arith.constant 0 : i32
      %dma_wait3A_44 = tpu.memref_slice %arg12[%add3A_15, %dma_wait3A_43] : memref<51200x32xf32, #tpu.memory_space<vmem_shared>> -> memref<512x32xf32, #tpu.memory_space<vmem_shared>>
      %dma_wait3A_45 = arith.constant 0 : i32
      %dma_wait3A_46 = arith.constant 0 : i32
      %dma_wait3A_47 = tpu.memref_slice %arg7[%dma_wait3A_45, %dma_wait3A_46] : memref<512x32xf32, #tpu.memory_space<vmem>> -> memref<512x32xf32, #tpu.memory_space<vmem>>
      tpu.wait_dma2 semaphore(%run_scoped3A : memref<!tpu.dma_semaphore, #tpu.memory_space<semaphore_mem>>) src(%dma_wait3A_47 : memref<512x32xf32, #tpu.memory_space<vmem>>) dst(%dma_wait3A_44 : memref<512x32xf32, #tpu.memory_space<vmem_shared>>)
      tpu.yield
    }) : () -> ()
    %add3A_16 = arith.constant 2048 : i32
    %add3A_17 = arith.addi %mul3A_8, %add3A_16 : i32
    "tpu.region"() ({
      %run_scoped3A = tpu.sem_alloc : memref<!tpu.dma_semaphore, #tpu.memory_space<semaphore_mem>>
      %dma_start3A = arith.constant 0 : i32
      %dma_start3A_30 = arith.constant 0 : i32
      %dma_start3A_31 = tpu.memref_slice %arg7[%dma_start3A, %dma_start3A_30] : memref<512x32xf32, #tpu.memory_space<vmem>> -> memref<512x32xf32, #tpu.memory_space<vmem>>
      %dma_start3A_32 = arith.constant 0 : i32
      %dma_start3A_33 = tpu.memref_slice %arg12[%add3A_17, %dma_start3A_32] : memref<51200x32xf32, #tpu.memory_space<vmem_shared>> -> memref<512x32xf32, #tpu.memory_space<vmem_shared>>
      %dma_start3A_34 = arith.constant 0 : i32
      %dma_start3A_35 = tpu.memref_slice %arg12[%add3A_17, %dma_start3A_34] : memref<51200x32xf32, #tpu.memory_space<vmem_shared>> -> memref<512x32xf32, #tpu.memory_space<vmem_shared>>
      %dma_start3A_36 = arith.constant 0 : i32
      %dma_start3A_37 = arith.constant 0 : i32
      %dma_start3A_38 = tpu.memref_slice %arg7[%dma_start3A_36, %dma_start3A_37] : memref<512x32xf32, #tpu.memory_space<vmem>> -> memref<512x32xf32, #tpu.memory_space<vmem>>
      tpu.enqueue_dma source(%dma_start3A_38 : memref<512x32xf32, #tpu.memory_space<vmem>>) target(%dma_start3A_35 : memref<512x32xf32, #tpu.memory_space<vmem_shared>>) target_semaphore(%run_scoped3A : memref<!tpu.dma_semaphore, #tpu.memory_space<semaphore_mem>>)
      %dma_wait3A = arith.constant 0 : i32
      %dma_wait3A_39 = arith.constant 0 : i32
      %dma_wait3A_40 = tpu.memref_slice %arg7[%dma_wait3A, %dma_wait3A_39] : memref<512x32xf32, #tpu.memory_space<vmem>> -> memref<512x32xf32, #tpu.memory_space<vmem>>
      %dma_wait3A_41 = arith.constant 0 : i32
      %dma_wait3A_42 = tpu.memref_slice %arg12[%add3A_17, %dma_wait3A_41] : memref<51200x32xf32, #tpu.memory_space<vmem_shared>> -> memref<512x32xf32, #tpu.memory_space<vmem_shared>>
      %dma_wait3A_43 = arith.constant 0 : i32
      %dma_wait3A_44 = tpu.memref_slice %arg12[%add3A_17, %dma_wait3A_43] : memref<51200x32xf32, #tpu.memory_space<vmem_shared>> -> memref<512x32xf32, #tpu.memory_space<vmem_shared>>
      %dma_wait3A_45 = arith.constant 0 : i32
      %dma_wait3A_46 = arith.constant 0 : i32
      %dma_wait3A_47 = tpu.memref_slice %arg7[%dma_wait3A_45, %dma_wait3A_46] : memref<512x32xf32, #tpu.memory_space<vmem>> -> memref<512x32xf32, #tpu.memory_space<vmem>>
      tpu.wait_dma2 semaphore(%run_scoped3A : memref<!tpu.dma_semaphore, #tpu.memory_space<semaphore_mem>>) src(%dma_wait3A_47 : memref<512x32xf32, #tpu.memory_space<vmem>>) dst(%dma_wait3A_44 : memref<512x32xf32, #tpu.memory_space<vmem_shared>>)
      tpu.yield
    }) : () -> ()
    %add3A_18 = arith.constant 2560 : i32
    %add3A_19 = arith.addi %mul3A_8, %add3A_18 : i32
    "tpu.region"() ({
      %run_scoped3A = tpu.sem_alloc : memref<!tpu.dma_semaphore, #tpu.memory_space<semaphore_mem>>
      %dma_start3A = arith.constant 0 : i32
      %dma_start3A_30 = arith.constant 0 : i32
      %dma_start3A_31 = tpu.memref_slice %arg7[%dma_start3A, %dma_start3A_30] : memref<512x32xf32, #tpu.memory_space<vmem>> -> memref<512x32xf32, #tpu.memory_space<vmem>>
      %dma_start3A_32 = arith.constant 0 : i32
      %dma_start3A_33 = tpu.memref_slice %arg12[%add3A_19, %dma_start3A_32] : memref<51200x32xf32, #tpu.memory_space<vmem_shared>> -> memref<512x32xf32, #tpu.memory_space<vmem_shared>>
      %dma_start3A_34 = arith.constant 0 : i32
      %dma_start3A_35 = tpu.memref_slice %arg12[%add3A_19, %dma_start3A_34] : memref<51200x32xf32, #tpu.memory_space<vmem_shared>> -> memref<512x32xf32, #tpu.memory_space<vmem_shared>>
      %dma_start3A_36 = arith.constant 0 : i32
      %dma_start3A_37 = arith.constant 0 : i32
      %dma_start3A_38 = tpu.memref_slice %arg7[%dma_start3A_36, %dma_start3A_37] : memref<512x32xf32, #tpu.memory_space<vmem>> -> memref<512x32xf32, #tpu.memory_space<vmem>>
      tpu.enqueue_dma source(%dma_start3A_38 : memref<512x32xf32, #tpu.memory_space<vmem>>) target(%dma_start3A_35 : memref<512x32xf32, #tpu.memory_space<vmem_shared>>) target_semaphore(%run_scoped3A : memref<!tpu.dma_semaphore, #tpu.memory_space<semaphore_mem>>)
      %dma_wait3A = arith.constant 0 : i32
      %dma_wait3A_39 = arith.constant 0 : i32
      %dma_wait3A_40 = tpu.memref_slice %arg7[%dma_wait3A, %dma_wait3A_39] : memref<512x32xf32, #tpu.memory_space<vmem>> -> memref<512x32xf32, #tpu.memory_space<vmem>>
      %dma_wait3A_41 = arith.constant 0 : i32
      %dma_wait3A_42 = tpu.memref_slice %arg12[%add3A_19, %dma_wait3A_41] : memref<51200x32xf32, #tpu.memory_space<vmem_shared>> -> memref<512x32xf32, #tpu.memory_space<vmem_shared>>
      %dma_wait3A_43 = arith.constant 0 : i32
      %dma_wait3A_44 = tpu.memref_slice %arg12[%add3A_19, %dma_wait3A_43] : memref<51200x32xf32, #tpu.memory_space<vmem_shared>> -> memref<512x32xf32, #tpu.memory_space<vmem_shared>>
      %dma_wait3A_45 = arith.constant 0 : i32
      %dma_wait3A_46 = arith.constant 0 : i32
      %dma_wait3A_47 = tpu.memref_slice %arg7[%dma_wait3A_45, %dma_wait3A_46] : memref<512x32xf32, #tpu.memory_space<vmem>> -> memref<512x32xf32, #tpu.memory_space<vmem>>
      tpu.wait_dma2 semaphore(%run_scoped3A : memref<!tpu.dma_semaphore, #tpu.memory_space<semaphore_mem>>) src(%dma_wait3A_47 : memref<512x32xf32, #tpu.memory_space<vmem>>) dst(%dma_wait3A_44 : memref<512x32xf32, #tpu.memory_space<vmem_shared>>)
      tpu.yield
    }) : () -> ()
    %add3A_20 = arith.constant 3072 : i32
    %add3A_21 = arith.addi %mul3A_8, %add3A_20 : i32
    "tpu.region"() ({
      %run_scoped3A = tpu.sem_alloc : memref<!tpu.dma_semaphore, #tpu.memory_space<semaphore_mem>>
      %dma_start3A = arith.constant 0 : i32
      %dma_start3A_30 = arith.constant 0 : i32
      %dma_start3A_31 = tpu.memref_slice %arg7[%dma_start3A, %dma_start3A_30] : memref<512x32xf32, #tpu.memory_space<vmem>> -> memref<128x32xf32, #tpu.memory_space<vmem>>
      %dma_start3A_32 = arith.constant 0 : i32
      %dma_start3A_33 = tpu.memref_slice %arg12[%add3A_21, %dma_start3A_32] : memref<51200x32xf32, #tpu.memory_space<vmem_shared>> -> memref<128x32xf32, #tpu.memory_space<vmem_shared>>
      %dma_start3A_34 = arith.constant 0 : i32
      %dma_start3A_35 = tpu.memref_slice %arg12[%add3A_21, %dma_start3A_34] : memref<51200x32xf32, #tpu.memory_space<vmem_shared>> -> memref<128x32xf32, #tpu.memory_space<vmem_shared>>
      %dma_start3A_36 = arith.constant 0 : i32
      %dma_start3A_37 = arith.constant 0 : i32
      %dma_start3A_38 = tpu.memref_slice %arg7[%dma_start3A_36, %dma_start3A_37] : memref<512x32xf32, #tpu.memory_space<vmem>> -> memref<128x32xf32, #tpu.memory_space<vmem>>
      tpu.enqueue_dma source(%dma_start3A_38 : memref<128x32xf32, #tpu.memory_space<vmem>>) target(%dma_start3A_35 : memref<128x32xf32, #tpu.memory_space<vmem_shared>>) target_semaphore(%run_scoped3A : memref<!tpu.dma_semaphore, #tpu.memory_space<semaphore_mem>>)
      %dma_wait3A = arith.constant 0 : i32
      %dma_wait3A_39 = arith.constant 0 : i32
      %dma_wait3A_40 = tpu.memref_slice %arg7[%dma_wait3A, %dma_wait3A_39] : memref<512x32xf32, #tpu.memory_space<vmem>> -> memref<128x32xf32, #tpu.memory_space<vmem>>
      %dma_wait3A_41 = arith.constant 0 : i32
      %dma_wait3A_42 = tpu.memref_slice %arg12[%add3A_21, %dma_wait3A_41] : memref<51200x32xf32, #tpu.memory_space<vmem_shared>> -> memref<128x32xf32, #tpu.memory_space<vmem_shared>>
      %dma_wait3A_43 = arith.constant 0 : i32
      %dma_wait3A_44 = tpu.memref_slice %arg12[%add3A_21, %dma_wait3A_43] : memref<51200x32xf32, #tpu.memory_space<vmem_shared>> -> memref<128x32xf32, #tpu.memory_space<vmem_shared>>
      %dma_wait3A_45 = arith.constant 0 : i32
      %dma_wait3A_46 = arith.constant 0 : i32
      %dma_wait3A_47 = tpu.memref_slice %arg7[%dma_wait3A_45, %dma_wait3A_46] : memref<512x32xf32, #tpu.memory_space<vmem>> -> memref<128x32xf32, #tpu.memory_space<vmem>>
      tpu.wait_dma2 semaphore(%run_scoped3A : memref<!tpu.dma_semaphore, #tpu.memory_space<semaphore_mem>>) src(%dma_wait3A_47 : memref<128x32xf32, #tpu.memory_space<vmem>>) dst(%dma_wait3A_44 : memref<128x32xf32, #tpu.memory_space<vmem_shared>>)
      tpu.yield
    }) : () -> ()
    %barrier3A = arith.constant 0 : index
    tpu.barrier barrier_id(%barrier3A)
    %scan3A_22 = arith.constant 0 : i32
    %scan3A_23 = arith.constant 0 : i32
    %scan3A_24 = arith.constant 98 : i32
    %scan3A_25 = arith.addi %scan3A_23, %scan3A_24 : i32
    %scan3A_26 = arith.constant 1 : i32
    scf.for %scan3A_30 = %scan3A_23 to %scan3A_25 step %scan3A_26  : i32 {
      %mul3A_31 = arith.constant 50176 : i32
      %mul3A_32 = arith.muli %arg1, %mul3A_31 : i32
      %mul3A_33 = arith.constant 512 : i32
      %mul3A_34 = arith.muli %scan3A_30, %mul3A_33 : i32
      %add3A_35 = arith.addi %mul3A_32, %mul3A_34 : i32
      %mul3A_36 = arith.constant 392 : i32
      %mul3A_37 = arith.muli %arg1, %mul3A_36 : i32
      %mul3A_38 = arith.constant 4 : i32
      %mul3A_39 = arith.muli %scan3A_30, %mul3A_38 : i32
      %add3A_40 = arith.addi %mul3A_37, %mul3A_39 : i32
      "tpu.region"() ({
        %run_scoped3A_118 = tpu.sem_alloc : memref<!tpu.dma_semaphore, #tpu.memory_space<semaphore_mem>>
        %dma_start3A_119 = tpu.memref_slice %arg3[%add3A_35] : memref<802816xi32, #tpu.memory_space<hbm>> -> memref<512xi32, #tpu.memory_space<hbm>>
        %dma_start3A_120 = tpu.memref_slice %arg3[%add3A_35] : memref<802816xi32, #tpu.memory_space<hbm>> -> memref<512xi32, #tpu.memory_space<hbm>>
        tpu.enqueue_dma source(%dma_start3A_120 : memref<512xi32, #tpu.memory_space<hbm>>) target(%arg8 : memref<512xi32, #tpu.memory_space<vmem>>) target_semaphore(%run_scoped3A_118 : memref<!tpu.dma_semaphore, #tpu.memory_space<semaphore_mem>>)
        %dma_wait3A_121 = tpu.memref_slice %arg3[%add3A_35] : memref<802816xi32, #tpu.memory_space<hbm>> -> memref<512xi32, #tpu.memory_space<hbm>>
        %dma_wait3A_122 = tpu.memref_slice %arg3[%add3A_35] : memref<802816xi32, #tpu.memory_space<hbm>> -> memref<512xi32, #tpu.memory_space<hbm>>
        tpu.wait_dma2 semaphore(%run_scoped3A_118 : memref<!tpu.dma_semaphore, #tpu.memory_space<semaphore_mem>>) src(%dma_wait3A_122 : memref<512xi32, #tpu.memory_space<hbm>>) dst(%arg8 : memref<512xi32, #tpu.memory_space<vmem>>)
        tpu.yield
      }) : () -> ()
      "tpu.region"() ({
        %run_scoped3A_118 = tpu.sem_alloc : memref<!tpu.dma_semaphore, #tpu.memory_space<semaphore_mem>>
        %dma_start3A_119 = tpu.memref_slice %arg4[%add3A_35] : memref<802816xf32, #tpu.memory_space<hbm>> -> memref<512xf32, #tpu.memory_space<hbm>>
        %dma_start3A_120 = tpu.memref_slice %arg4[%add3A_35] : memref<802816xf32, #tpu.memory_space<hbm>> -> memref<512xf32, #tpu.memory_space<hbm>>
        tpu.enqueue_dma source(%dma_start3A_120 : memref<512xf32, #tpu.memory_space<hbm>>) target(%arg10 : memref<512xf32, #tpu.memory_space<vmem>>) target_semaphore(%run_scoped3A_118 : memref<!tpu.dma_semaphore, #tpu.memory_space<semaphore_mem>>)
        %dma_wait3A_121 = tpu.memref_slice %arg4[%add3A_35] : memref<802816xf32, #tpu.memory_space<hbm>> -> memref<512xf32, #tpu.memory_space<hbm>>
        %dma_wait3A_122 = tpu.memref_slice %arg4[%add3A_35] : memref<802816xf32, #tpu.memory_space<hbm>> -> memref<512xf32, #tpu.memory_space<hbm>>
        tpu.wait_dma2 semaphore(%run_scoped3A_118 : memref<!tpu.dma_semaphore, #tpu.memory_space<semaphore_mem>>) src(%dma_wait3A_122 : memref<512xf32, #tpu.memory_space<hbm>>) dst(%arg10 : memref<512xf32, #tpu.memory_space<vmem>>)
        tpu.yield
      }) : () -> ()
      "tpu.region"() ({
        %run_scoped3A_118 = tpu.sem_alloc : memref<!tpu.dma_semaphore, #tpu.memory_space<semaphore_mem>>
        %dma_start3A_119 = arith.constant 0 : i32
        %dma_start3A_120 = tpu.memref_slice %arg5[%add3A_40, %dma_start3A_119] : memref<6272x128xi32, #tpu.memory_space<hbm>> -> memref<4x128xi32, #tpu.memory_space<hbm>>
        %dma_start3A_121 = arith.constant 0 : i32
        %dma_start3A_122 = tpu.memref_slice %arg5[%add3A_40, %dma_start3A_121] : memref<6272x128xi32, #tpu.memory_space<hbm>> -> memref<4x128xi32, #tpu.memory_space<hbm>>
        tpu.enqueue_dma source(%dma_start3A_122 : memref<4x128xi32, #tpu.memory_space<hbm>>) target(%arg11 : memref<4x128xi32, #tpu.memory_space<vmem>>) target_semaphore(%run_scoped3A_118 : memref<!tpu.dma_semaphore, #tpu.memory_space<semaphore_mem>>)
        %dma_wait3A_123 = arith.constant 0 : i32
        %dma_wait3A_124 = tpu.memref_slice %arg5[%add3A_40, %dma_wait3A_123] : memref<6272x128xi32, #tpu.memory_space<hbm>> -> memref<4x128xi32, #tpu.memory_space<hbm>>
        %dma_wait3A_125 = arith.constant 0 : i32
        %dma_wait3A_126 = tpu.memref_slice %arg5[%add3A_40, %dma_wait3A_125] : memref<6272x128xi32, #tpu.memory_space<hbm>> -> memref<4x128xi32, #tpu.memory_space<hbm>>
        tpu.wait_dma2 semaphore(%run_scoped3A_118 : memref<!tpu.dma_semaphore, #tpu.memory_space<semaphore_mem>>) src(%dma_wait3A_126 : memref<4x128xi32, #tpu.memory_space<hbm>>) dst(%arg11 : memref<4x128xi32, #tpu.memory_space<vmem>>)
        tpu.yield
      }) : () -> ()
      %scan3A_41 = arith.constant 0 : i32
      %scan3A_42 = arith.constant 0 : i32
      %scan3A_43 = arith.constant 32 : i32
      %scan3A_44 = arith.addi %scan3A_42, %scan3A_43 : i32
      %scan3A_45 = arith.constant 1 : i32
      scf.for %scan3A_118 = %scan3A_42 to %scan3A_44 step %scan3A_45  : i32 {
        %mul3A_119 = arith.constant 16 : i32
        %mul3A_120 = arith.muli %scan3A_118, %mul3A_119 : i32
        %get3A = arith.index_cast %mul3A_120 : i32 to index
        %get3A_121 = tpu.vector_load %arg8[%get3A] {strides = array<i32>} : memref<512xi32, #tpu.memory_space<vmem>>, vector<16xi32>,
        %get3A_122 = vector.shape_cast %get3A_121 : vector<16xi32> to vector<16xi32>
        %add3A_123 = vector.broadcast %mul3A_0 : i32 to vector<16xi32>
        %add3A_124 = arith.addi %get3A_122, %add3A_123 : vector<16xi32>
        %mul3A_125 = arith.constant 16 : i32
        %mul3A_126 = arith.muli %scan3A_118, %mul3A_125 : i32
        %swap3A = arith.index_cast %mul3A_126 : i32 to index
        %swap3A_127 = tpu.vector_load %arg9[%swap3A] {strides = array<i32>} : memref<512xi32, #tpu.memory_space<vmem>>, vector<16xi32>,
        %swap3A_128 = vector.shape_cast %swap3A_127 : vector<16xi32> to vector<16xi32>
        %swap3A_129 = vector.shape_cast %add3A_124 : vector<16xi32> to vector<16xi32>
        tpu.vector_store %arg9[%swap3A], %swap3A_129 {strides = array<i32>} : memref<512xi32, #tpu.memory_space<vmem>>, vector<16xi32>,
      }
      %scan3A_46 = arith.constant 32 : i32
      %dma_start3A = arith.constant 0 : i32
      %dma_start3A_47 = arith.constant 0 : i32
      %dma_start3A_48 = tpu.memref_slice %arg7[%dma_start3A, %dma_start3A_47] : memref<512x32xf32, #tpu.memory_space<vmem>> -> memref<128x32xf32, #tpu.memory_space<vmem>>
      %dma_start3A_49 = arith.constant 0 : i32
      %dma_start3A_50 = tpu.memref_slice %arg9[%dma_start3A_49] : memref<512xi32, #tpu.memory_space<vmem>> -> memref<128xi32, #tpu.memory_space<vmem>>
      %dma_start3A_51 = arith.constant 0 : i32
      %dma_start3A_52 = arith.constant 0 : i32
      %dma_start3A_53 = tpu.memref_slice %arg2[%dma_start3A_51, %dma_start3A_52] : memref<102400x32xf32, #tpu.memory_space<hbm>> -> memref<102400x32xf32, #tpu.memory_space<hbm>>
      tpu.enqueue_indirect_dma source(%dma_start3A_53 : memref<102400x32xf32, #tpu.memory_space<hbm>>) target(%dma_start3A_48 : memref<128x32xf32, #tpu.memory_space<vmem>>) offsets(%dma_start3A_50 : memref<128xi32, #tpu.memory_space<vmem>>) semaphore(%arg13 : memref<!tpu.dma_semaphore, #tpu.memory_space<semaphore_mem>>)
      %dma_start3A_54 = arith.constant 128 : i32
      %dma_start3A_55 = arith.constant 0 : i32
      %dma_start3A_56 = tpu.memref_slice %arg7[%dma_start3A_54, %dma_start3A_55] : memref<512x32xf32, #tpu.memory_space<vmem>> -> memref<128x32xf32, #tpu.memory_space<vmem>>
      %dma_start3A_57 = arith.constant 128 : i32
      %dma_start3A_58 = tpu.memref_slice %arg9[%dma_start3A_57] : memref<512xi32, #tpu.memory_space<vmem>> -> memref<128xi32, #tpu.memory_space<vmem>>
      %dma_start3A_59 = arith.constant 0 : i32
      %dma_start3A_60 = arith.constant 0 : i32
      %dma_start3A_61 = tpu.memref_slice %arg2[%dma_start3A_59, %dma_start3A_60] : memref<102400x32xf32, #tpu.memory_space<hbm>> -> memref<102400x32xf32, #tpu.memory_space<hbm>>
      tpu.enqueue_indirect_dma source(%dma_start3A_61 : memref<102400x32xf32, #tpu.memory_space<hbm>>) target(%dma_start3A_56 : memref<128x32xf32, #tpu.memory_space<vmem>>) offsets(%dma_start3A_58 : memref<128xi32, #tpu.memory_space<vmem>>) semaphore(%arg13 : memref<!tpu.dma_semaphore, #tpu.memory_space<semaphore_mem>>)
      %dma_start3A_62 = arith.constant 256 : i32
      %dma_start3A_63 = arith.constant 0 : i32
      %dma_start3A_64 = tpu.memref_slice %arg7[%dma_start3A_62, %dma_start3A_63] : memref<512x32xf32, #tpu.memory_space<vmem>> -> memref<128x32xf32, #tpu.memory_space<vmem>>
      %dma_start3A_65 = arith.constant 256 : i32
      %dma_start3A_66 = tpu.memref_slice %arg9[%dma_start3A_65] : memref<512xi32, #tpu.memory_space<vmem>> -> memref<128xi32, #tpu.memory_space<vmem>>
      %dma_start3A_67 = arith.constant 0 : i32
      %dma_start3A_68 = arith.constant 0 : i32
      %dma_start3A_69 = tpu.memref_slice %arg2[%dma_start3A_67, %dma_start3A_68] : memref<102400x32xf32, #tpu.memory_space<hbm>> -> memref<102400x32xf32, #tpu.memory_space<hbm>>
      tpu.enqueue_indirect_dma source(%dma_start3A_69 : memref<102400x32xf32, #tpu.memory_space<hbm>>) target(%dma_start3A_64 : memref<128x32xf32, #tpu.memory_space<vmem>>) offsets(%dma_start3A_66 : memref<128xi32, #tpu.memory_space<vmem>>) semaphore(%arg13 : memref<!tpu.dma_semaphore, #tpu.memory_space<semaphore_mem>>)
      %dma_start3A_70 = arith.constant 384 : i32
      %dma_start3A_71 = arith.constant 0 : i32
      %dma_start3A_72 = tpu.memref_slice %arg7[%dma_start3A_70, %dma_start3A_71] : memref<512x32xf32, #tpu.memory_space<vmem>> -> memref<128x32xf32, #tpu.memory_space<vmem>>
      %dma_start3A_73 = arith.constant 384 : i32
      %dma_start3A_74 = tpu.memref_slice %arg9[%dma_start3A_73] : memref<512xi32, #tpu.memory_space<vmem>> -> memref<128xi32, #tpu.memory_space<vmem>>
      %dma_start3A_75 = arith.constant 0 : i32
      %dma_start3A_76 = arith.constant 0 : i32
      %dma_start3A_77 = tpu.memref_slice %arg2[%dma_start3A_75, %dma_start3A_76] : memref<102400x32xf32, #tpu.memory_space<hbm>> -> memref<102400x32xf32, #tpu.memory_space<hbm>>
      tpu.enqueue_indirect_dma source(%dma_start3A_77 : memref<102400x32xf32, #tpu.memory_space<hbm>>) target(%dma_start3A_72 : memref<128x32xf32, #tpu.memory_space<vmem>>) offsets(%dma_start3A_74 : memref<128xi32, #tpu.memory_space<vmem>>) semaphore(%arg13 : memref<!tpu.dma_semaphore, #tpu.memory_space<semaphore_mem>>)
      %dma_wait3A = arith.constant 0 : i32
      %dma_wait3A_78 = arith.constant 0 : i32
      %dma_wait3A_79 = tpu.memref_slice %arg7[%dma_wait3A, %dma_wait3A_78] : memref<512x32xf32, #tpu.memory_space<vmem>> -> memref<128x32xf32, #tpu.memory_space<vmem>>
      %dma_wait3A_80 = arith.constant 0 : i32
      %dma_wait3A_81 = tpu.memref_slice %arg9[%dma_wait3A_80] : memref<512xi32, #tpu.memory_space<vmem>> -> memref<128xi32, #tpu.memory_space<vmem>>
      %dma_wait3A_82 = arith.constant 0 : i32
      %dma_wait3A_83 = arith.constant 0 : i32
      %dma_wait3A_84 = tpu.memref_slice %arg2[%dma_wait3A_82, %dma_wait3A_83] : memref<102400x32xf32, #tpu.memory_space<hbm>> -> memref<102400x32xf32, #tpu.memory_space<hbm>>
      tpu.wait_indirect_dma semaphore(%arg13 : memref<!tpu.dma_semaphore, #tpu.memory_space<semaphore_mem>>) src(%dma_wait3A_84 : memref<102400x32xf32, #tpu.memory_space<hbm>>) dst(%dma_wait3A_79 : memref<128x32xf32, #tpu.memory_space<vmem>>)
      %dma_wait3A_85 = arith.constant 128 : i32
      %dma_wait3A_86 = arith.constant 0 : i32
      %dma_wait3A_87 = tpu.memref_slice %arg7[%dma_wait3A_85, %dma_wait3A_86] : memref<512x32xf32, #tpu.memory_space<vmem>> -> memref<128x32xf32, #tpu.memory_space<vmem>>
      %dma_wait3A_88 = arith.constant 128 : i32
      %dma_wait3A_89 = tpu.memref_slice %arg9[%dma_wait3A_88] : memref<512xi32, #tpu.memory_space<vmem>> -> memref<128xi32, #tpu.memory_space<vmem>>
      %dma_wait3A_90 = arith.constant 0 : i32
      %dma_wait3A_91 = arith.constant 0 : i32
      %dma_wait3A_92 = tpu.memref_slice %arg2[%dma_wait3A_90, %dma_wait3A_91] : memref<102400x32xf32, #tpu.memory_space<hbm>> -> memref<102400x32xf32, #tpu.memory_space<hbm>>
      tpu.wait_indirect_dma semaphore(%arg13 : memref<!tpu.dma_semaphore, #tpu.memory_space<semaphore_mem>>) src(%dma_wait3A_92 : memref<102400x32xf32, #tpu.memory_space<hbm>>) dst(%dma_wait3A_87 : memref<128x32xf32, #tpu.memory_space<vmem>>)
      %dma_wait3A_93 = arith.constant 256 : i32
      %dma_wait3A_94 = arith.constant 0 : i32
      %dma_wait3A_95 = tpu.memref_slice %arg7[%dma_wait3A_93, %dma_wait3A_94] : memref<512x32xf32, #tpu.memory_space<vmem>> -> memref<128x32xf32, #tpu.memory_space<vmem>>
      %dma_wait3A_96 = arith.constant 256 : i32
      %dma_wait3A_97 = tpu.memref_slice %arg9[%dma_wait3A_96] : memref<512xi32, #tpu.memory_space<vmem>> -> memref<128xi32, #tpu.memory_space<vmem>>
      %dma_wait3A_98 = arith.constant 0 : i32
      %dma_wait3A_99 = arith.constant 0 : i32
      %dma_wait3A_100 = tpu.memref_slice %arg2[%dma_wait3A_98, %dma_wait3A_99] : memref<102400x32xf32, #tpu.memory_space<hbm>> -> memref<102400x32xf32, #tpu.memory_space<hbm>>
      tpu.wait_indirect_dma semaphore(%arg13 : memref<!tpu.dma_semaphore, #tpu.memory_space<semaphore_mem>>) src(%dma_wait3A_100 : memref<102400x32xf32, #tpu.memory_space<hbm>>) dst(%dma_wait3A_95 : memref<128x32xf32, #tpu.memory_space<vmem>>)
      %dma_wait3A_101 = arith.constant 384 : i32
      %dma_wait3A_102 = arith.constant 0 : i32
      %dma_wait3A_103 = tpu.memref_slice %arg7[%dma_wait3A_101, %dma_wait3A_102] : memref<512x32xf32, #tpu.memory_space<vmem>> -> memref<128x32xf32, #tpu.memory_space<vmem>>
      %dma_wait3A_104 = arith.constant 384 : i32
      %dma_wait3A_105 = tpu.memref_slice %arg9[%dma_wait3A_104] : memref<512xi32, #tpu.memory_space<vmem>> -> memref<128xi32, #tpu.memory_space<vmem>>
      %dma_wait3A_106 = arith.constant 0 : i32
      %dma_wait3A_107 = arith.constant 0 : i32
      %dma_wait3A_108 = tpu.memref_slice %arg2[%dma_wait3A_106, %dma_wait3A_107] : memref<102400x32xf32, #tpu.memory_space<hbm>> -> memref<102400x32xf32, #tpu.memory_space<hbm>>
      tpu.wait_indirect_dma semaphore(%arg13 : memref<!tpu.dma_semaphore, #tpu.memory_space<semaphore_mem>>) src(%dma_wait3A_108 : memref<102400x32xf32, #tpu.memory_space<hbm>>) dst(%dma_wait3A_103 : memref<128x32xf32, #tpu.memory_space<vmem>>)
      %scan3A_109 = arith.constant 0 : i32
      %scan3A_110 = arith.constant 0 : i32
      %scan3A_111 = arith.constant 32 : i32
      %scan3A_112 = arith.addi %scan3A_110, %scan3A_111 : i32
      %scan3A_113 = arith.constant 1 : i32
      scf.for %scan3A_118 = %scan3A_110 to %scan3A_112 step %scan3A_113  : i32 {
        %mul3A_119 = arith.constant 16 : i32
        %mul3A_120 = arith.muli %scan3A_118, %mul3A_119 : i32
        %get3A = arith.index_cast %mul3A_120 : i32 to index
        %get3A_121 = tpu.vector_load %arg10[%get3A] {strides = array<i32>} : memref<512xf32, #tpu.memory_space<vmem>>, vector<16xf32>,
        %get3A_122 = vector.shape_cast %get3A_121 : vector<16xf32> to vector<16xf32>
        %mul3A_123 = arith.constant 16 : i32
        %mul3A_124 = arith.muli %scan3A_118, %mul3A_123 : i32
        %add3A_125 = arith.constant 0 : i32
        %add3A_126 = arith.addi %mul3A_124, %add3A_125 : i32
        %slice3A = vector.extract_strided_slice %get3A_122 {offsets = [0], sizes = [1], strides = [1]} : vector<16xf32> to vector<1xf32>
        %squeeze3A = vector.extract %slice3A[0] : f32 from vector<1xf32>
        %get3A_127 = arith.index_cast %add3A_126 : i32 to index
        %get3A_128 = arith.constant 0 : index
        %get3A_129 = tpu.vector_load %arg7[%get3A_127, %get3A_128] {strides = array<i32>} : memref<512x32xf32, #tpu.memory_space<vmem>>, vector<1x16xf32>,
        %get3A_130 = vector.shape_cast %get3A_129 : vector<1x16xf32> to vector<16xf32>
        %mul3A_131 = vector.broadcast %squeeze3A : f32 to vector<16xf32>
        %mul3A_132 = arith.mulf %get3A_130, %mul3A_131 : vector<16xf32>
        %swap3A = arith.index_cast %add3A_126 : i32 to index
        %swap3A_133 = arith.constant 0 : index
        %swap3A_134 = tpu.vector_load %arg7[%swap3A, %swap3A_133] {strides = array<i32>} : memref<512x32xf32, #tpu.memory_space<vmem>>, vector<1x16xf32>,
        %swap3A_135 = vector.shape_cast %swap3A_134 : vector<1x16xf32> to vector<16xf32>
        %swap3A_136 = vector.shape_cast %mul3A_132 : vector<16xf32> to vector<1x16xf32>
        tpu.vector_store %arg7[%swap3A, %swap3A_133], %swap3A_136 {strides = array<i32>} : memref<512x32xf32, #tpu.memory_space<vmem>>, vector<1x16xf32>,
        %get3A_137 = arith.index_cast %add3A_126 : i32 to index
        %get3A_138 = arith.constant 16 : index
        %get3A_139 = tpu.vector_load %arg7[%get3A_137, %get3A_138] {strides = array<i32>} : memref<512x32xf32, #tpu.memory_space<vmem>>, vector<1x16xf32>,
        %get3A_140 = vector.shape_cast %get3A_139 : vector<1x16xf32> to vector<16xf32>
        %mul3A_141 = vector.broadcast %squeeze3A : f32 to vector<16xf32>
        %mul3A_142 = arith.mulf %get3A_140, %mul3A_141 : vector<16xf32>
        %swap3A_143 = arith.index_cast %add3A_126 : i32 to index
        %swap3A_144 = arith.constant 16 : index
        %swap3A_145 = tpu.vector_load %arg7[%swap3A_143, %swap3A_144] {strides = array<i32>} : memref<512x32xf32, #tpu.memory_space<vmem>>, vector<1x16xf32>,
        %swap3A_146 = vector.shape_cast %swap3A_145 : vector<1x16xf32> to vector<16xf32>
        %swap3A_147 = vector.shape_cast %mul3A_142 : vector<16xf32> to vector<1x16xf32>
        tpu.vector_store %arg7[%swap3A_143, %swap3A_144], %swap3A_147 {strides = array<i32>} : memref<512x32xf32, #tpu.memory_space<vmem>>, vector<1x16xf32>,
        %mul3A_148 = arith.constant 16 : i32
        %mul3A_149 = arith.muli %scan3A_118, %mul3A_148 : i32
        %add3A_150 = arith.constant 1 : i32
        %add3A_151 = arith.addi %mul3A_149, %add3A_150 : i32
        %slice3A_152 = vector.extract_strided_slice %get3A_122 {offsets = [1], sizes = [1], strides = [1]} : vector<16xf32> to vector<1xf32>
        %squeeze3A_153 = vector.extract %slice3A_152[0] : f32 from vector<1xf32>
        %get3A_154 = arith.index_cast %add3A_151 : i32 to index
        %get3A_155 = arith.constant 0 : index
        %get3A_156 = tpu.vector_load %arg7[%get3A_154, %get3A_155] {strides = array<i32>} : memref<512x32xf32, #tpu.memory_space<vmem>>, vector<1x16xf32>,
        %get3A_157 = vector.shape_cast %get3A_156 : vector<1x16xf32> to vector<16xf32>
        %mul3A_158 = vector.broadcast %squeeze3A_153 : f32 to vector<16xf32>
        %mul3A_159 = arith.mulf %get3A_157, %mul3A_158 : vector<16xf32>
        %swap3A_160 = arith.index_cast %add3A_151 : i32 to index
        %swap3A_161 = arith.constant 0 : index
        %swap3A_162 = tpu.vector_load %arg7[%swap3A_160, %swap3A_161] {strides = array<i32>} : memref<512x32xf32, #tpu.memory_space<vmem>>, vector<1x16xf32>,
        %swap3A_163 = vector.shape_cast %swap3A_162 : vector<1x16xf32> to vector<16xf32>
        %swap3A_164 = vector.shape_cast %mul3A_159 : vector<16xf32> to vector<1x16xf32>
        tpu.vector_store %arg7[%swap3A_160, %swap3A_161], %swap3A_164 {strides = array<i32>} : memref<512x32xf32, #tpu.memory_space<vmem>>, vector<1x16xf32>,
        %get3A_165 = arith.index_cast %add3A_151 : i32 to index
        %get3A_166 = arith.constant 16 : index
        %get3A_167 = tpu.vector_load %arg7[%get3A_165, %get3A_166] {strides = array<i32>} : memref<512x32xf32, #tpu.memory_space<vmem>>, vector<1x16xf32>,
        %get3A_168 = vector.shape_cast %get3A_167 : vector<1x16xf32> to vector<16xf32>
        %mul3A_169 = vector.broadcast %squeeze3A_153 : f32 to vector<16xf32>
        %mul3A_170 = arith.mulf %get3A_168, %mul3A_169 : vector<16xf32>
        %swap3A_171 = arith.index_cast %add3A_151 : i32 to index
        %swap3A_172 = arith.constant 16 : index
        %swap3A_173 = tpu.vector_load %arg7[%swap3A_171, %swap3A_172] {strides = array<i32>} : memref<512x32xf32, #tpu.memory_space<vmem>>, vector<1x16xf32>,
        %swap3A_174 = vector.shape_cast %swap3A_173 : vector<1x16xf32> to vector<16xf32>
        %swap3A_175 = vector.shape_cast %mul3A_170 : vector<16xf32> to vector<1x16xf32>
        tpu.vector_store %arg7[%swap3A_171, %swap3A_172], %swap3A_175 {strides = array<i32>} : memref<512x32xf32, #tpu.memory_space<vmem>>, vector<1x16xf32>,
        %mul3A_176 = arith.constant 16 : i32
        %mul3A_177 = arith.muli %scan3A_118, %mul3A_176 : i32
        %add3A_178 = arith.constant 2 : i32
        %add3A_179 = arith.addi %mul3A_177, %add3A_178 : i32
        %slice3A_180 = vector.extract_strided_slice %get3A_122 {offsets = [2], sizes = [1], strides = [1]} : vector<16xf32> to vector<1xf32>
        %squeeze3A_181 = vector.extract %slice3A_180[0] : f32 from vector<1xf32>
        %get3A_182 = arith.index_cast %add3A_179 : i32 to index
        %get3A_183 = arith.constant 0 : index
        %get3A_184 = tpu.vector_load %arg7[%get3A_182, %get3A_183] {strides = array<i32>} : memref<512x32xf32, #tpu.memory_space<vmem>>, vector<1x16xf32>,
        %get3A_185 = vector.shape_cast %get3A_184 : vector<1x16xf32> to vector<16xf32>
        %mul3A_186 = vector.broadcast %squeeze3A_181 : f32 to vector<16xf32>
        %mul3A_187 = arith.mulf %get3A_185, %mul3A_186 : vector<16xf32>
        %swap3A_188 = arith.index_cast %add3A_179 : i32 to index
        %swap3A_189 = arith.constant 0 : index
        %swap3A_190 = tpu.vector_load %arg7[%swap3A_188, %swap3A_189] {strides = array<i32>} : memref<512x32xf32, #tpu.memory_space<vmem>>, vector<1x16xf32>,
        %swap3A_191 = vector.shape_cast %swap3A_190 : vector<1x16xf32> to vector<16xf32>
        %swap3A_192 = vector.shape_cast %mul3A_187 : vector<16xf32> to vector<1x16xf32>
        tpu.vector_store %arg7[%swap3A_188, %swap3A_189], %swap3A_192 {strides = array<i32>} : memref<512x32xf32, #tpu.memory_space<vmem>>, vector<1x16xf32>,
        %get3A_193 = arith.index_cast %add3A_179 : i32 to index
        %get3A_194 = arith.constant 16 : index
        %get3A_195 = tpu.vector_load %arg7[%get3A_193, %get3A_194] {strides = array<i32>} : memref<512x32xf32, #tpu.memory_space<vmem>>, vector<1x16xf32>,
        %get3A_196 = vector.shape_cast %get3A_195 : vector<1x16xf32> to vector<16xf32>
        %mul3A_197 = vector.broadcast %squeeze3A_181 : f32 to vector<16xf32>
        %mul3A_198 = arith.mulf %get3A_196, %mul3A_197 : vector<16xf32>
        %swap3A_199 = arith.index_cast %add3A_179 : i32 to index
        %swap3A_200 = arith.constant 16 : index
        %swap3A_201 = tpu.vector_load %arg7[%swap3A_199, %swap3A_200] {strides = array<i32>} : memref<512x32xf32, #tpu.memory_space<vmem>>, vector<1x16xf32>,
        %swap3A_202 = vector.shape_cast %swap3A_201 : vector<1x16xf32> to vector<16xf32>
        %swap3A_203 = vector.shape_cast %mul3A_198 : vector<16xf32> to vector<1x16xf32>
        tpu.vector_store %arg7[%swap3A_199, %swap3A_200], %swap3A_203 {strides = array<i32>} : memref<512x32xf32, #tpu.memory_space<vmem>>, vector<1x16xf32>,
        %mul3A_204 = arith.constant 16 : i32
        %mul3A_205 = arith.muli %scan3A_118, %mul3A_204 : i32
        %add3A_206 = arith.constant 3 : i32
        %add3A_207 = arith.addi %mul3A_205, %add3A_206 : i32
        %slice3A_208 = vector.extract_strided_slice %get3A_122 {offsets = [3], sizes = [1], strides = [1]} : vector<16xf32> to vector<1xf32>
        %squeeze3A_209 = vector.extract %slice3A_208[0] : f32 from vector<1xf32>
        %get3A_210 = arith.index_cast %add3A_207 : i32 to index
        %get3A_211 = arith.constant 0 : index
        %get3A_212 = tpu.vector_load %arg7[%get3A_210, %get3A_211] {strides = array<i32>} : memref<512x32xf32, #tpu.memory_space<vmem>>, vector<1x16xf32>,
        %get3A_213 = vector.shape_cast %get3A_212 : vector<1x16xf32> to vector<16xf32>
        %mul3A_214 = vector.broadcast %squeeze3A_209 : f32 to vector<16xf32>
        %mul3A_215 = arith.mulf %get3A_213, %mul3A_214 : vector<16xf32>
        %swap3A_216 = arith.index_cast %add3A_207 : i32 to index
        %swap3A_217 = arith.constant 0 : index
        %swap3A_218 = tpu.vector_load %arg7[%swap3A_216, %swap3A_217] {strides = array<i32>} : memref<512x32xf32, #tpu.memory_space<vmem>>, vector<1x16xf32>,
        %swap3A_219 = vector.shape_cast %swap3A_218 : vector<1x16xf32> to vector<16xf32>
        %swap3A_220 = vector.shape_cast %mul3A_215 : vector<16xf32> to vector<1x16xf32>
        tpu.vector_store %arg7[%swap3A_216, %swap3A_217], %swap3A_220 {strides = array<i32>} : memref<512x32xf32, #tpu.memory_space<vmem>>, vector<1x16xf32>,
        %get3A_221 = arith.index_cast %add3A_207 : i32 to index
        %get3A_222 = arith.constant 16 : index
        %get3A_223 = tpu.vector_load %arg7[%get3A_221, %get3A_222] {strides = array<i32>} : memref<512x32xf32, #tpu.memory_space<vmem>>, vector<1x16xf32>,
        %get3A_224 = vector.shape_cast %get3A_223 : vector<1x16xf32> to vector<16xf32>
        %mul3A_225 = vector.broadcast %squeeze3A_209 : f32 to vector<16xf32>
        %mul3A_226 = arith.mulf %get3A_224, %mul3A_225 : vector<16xf32>
        %swap3A_227 = arith.index_cast %add3A_207 : i32 to index
        %swap3A_228 = arith.constant 16 : index
        %swap3A_229 = tpu.vector_load %arg7[%swap3A_227, %swap3A_228] {strides = array<i32>} : memref<512x32xf32, #tpu.memory_space<vmem>>, vector<1x16xf32>,
        %swap3A_230 = vector.shape_cast %swap3A_229 : vector<1x16xf32> to vector<16xf32>
        %swap3A_231 = vector.shape_cast %mul3A_226 : vector<16xf32> to vector<1x16xf32>
        tpu.vector_store %arg7[%swap3A_227, %swap3A_228], %swap3A_231 {strides = array<i32>} : memref<512x32xf32, #tpu.memory_space<vmem>>, vector<1x16xf32>,
        %mul3A_232 = arith.constant 16 : i32
        %mul3A_233 = arith.muli %scan3A_118, %mul3A_232 : i32
        %add3A_234 = arith.constant 4 : i32
        %add3A_235 = arith.addi %mul3A_233, %add3A_234 : i32
        %slice3A_236 = vector.extract_strided_slice %get3A_122 {offsets = [4], sizes = [1], strides = [1]} : vector<16xf32> to vector<1xf32>
        %squeeze3A_237 = vector.extract %slice3A_236[0] : f32 from vector<1xf32>
        %get3A_238 = arith.index_cast %add3A_235 : i32 to index
        %get3A_239 = arith.constant 0 : index
        %get3A_240 = tpu.vector_load %arg7[%get3A_238, %get3A_239] {strides = array<i32>} : memref<512x32xf32, #tpu.memory_space<vmem>>, vector<1x16xf32>,
        %get3A_241 = vector.shape_cast %get3A_240 : vector<1x16xf32> to vector<16xf32>
        %mul3A_242 = vector.broadcast %squeeze3A_237 : f32 to vector<16xf32>
        %mul3A_243 = arith.mulf %get3A_241, %mul3A_242 : vector<16xf32>
        %swap3A_244 = arith.index_cast %add3A_235 : i32 to index
        %swap3A_245 = arith.constant 0 : index
        %swap3A_246 = tpu.vector_load %arg7[%swap3A_244, %swap3A_245] {strides = array<i32>} : memref<512x32xf32, #tpu.memory_space<vmem>>, vector<1x16xf32>,
        %swap3A_247 = vector.shape_cast %swap3A_246 : vector<1x16xf32> to vector<16xf32>
        %swap3A_248 = vector.shape_cast %mul3A_243 : vector<16xf32> to vector<1x16xf32>
        tpu.vector_store %arg7[%swap3A_244, %swap3A_245], %swap3A_248 {strides = array<i32>} : memref<512x32xf32, #tpu.memory_space<vmem>>, vector<1x16xf32>,
        %get3A_249 = arith.index_cast %add3A_235 : i32 to index
        %get3A_250 = arith.constant 16 : index
        %get3A_251 = tpu.vector_load %arg7[%get3A_249, %get3A_250] {strides = array<i32>} : memref<512x32xf32, #tpu.memory_space<vmem>>, vector<1x16xf32>,
        %get3A_252 = vector.shape_cast %get3A_251 : vector<1x16xf32> to vector<16xf32>
        %mul3A_253 = vector.broadcast %squeeze3A_237 : f32 to vector<16xf32>
        %mul3A_254 = arith.mulf %get3A_252, %mul3A_253 : vector<16xf32>
        %swap3A_255 = arith.index_cast %add3A_235 : i32 to index
        %swap3A_256 = arith.constant 16 : index
        %swap3A_257 = tpu.vector_load %arg7[%swap3A_255, %swap3A_256] {strides = array<i32>} : memref<512x32xf32, #tpu.memory_space<vmem>>, vector<1x16xf32>,
        %swap3A_258 = vector.shape_cast %swap3A_257 : vector<1x16xf32> to vector<16xf32>
        %swap3A_259 = vector.shape_cast %mul3A_254 : vector<16xf32> to vector<1x16xf32>
        tpu.vector_store %arg7[%swap3A_255, %swap3A_256], %swap3A_259 {strides = array<i32>} : memref<512x32xf32, #tpu.memory_space<vmem>>, vector<1x16xf32>,
        %mul3A_260 = arith.constant 16 : i32
        %mul3A_261 = arith.muli %scan3A_118, %mul3A_260 : i32
        %add3A_262 = arith.constant 5 : i32
        %add3A_263 = arith.addi %mul3A_261, %add3A_262 : i32
        %slice3A_264 = vector.extract_strided_slice %get3A_122 {offsets = [5], sizes = [1], strides = [1]} : vector<16xf32> to vector<1xf32>
        %squeeze3A_265 = vector.extract %slice3A_264[0] : f32 from vector<1xf32>
        %get3A_266 = arith.index_cast %add3A_263 : i32 to index
        %get3A_267 = arith.constant 0 : index
        %get3A_268 = tpu.vector_load %arg7[%get3A_266, %get3A_267] {strides = array<i32>} : memref<512x32xf32, #tpu.memory_space<vmem>>, vector<1x16xf32>,
        %get3A_269 = vector.shape_cast %get3A_268 : vector<1x16xf32> to vector<16xf32>
        %mul3A_270 = vector.broadcast %squeeze3A_265 : f32 to vector<16xf32>
        %mul3A_271 = arith.mulf %get3A_269, %mul3A_270 : vector<16xf32>
        %swap3A_272 = arith.index_cast %add3A_263 : i32 to index
        %swap3A_273 = arith.constant 0 : index
        %swap3A_274 = tpu.vector_load %arg7[%swap3A_272, %swap3A_273] {strides = array<i32>} : memref<512x32xf32, #tpu.memory_space<vmem>>, vector<1x16xf32>,
        %swap3A_275 = vector.shape_cast %swap3A_274 : vector<1x16xf32> to vector<16xf32>
        %swap3A_276 = vector.shape_cast %mul3A_271 : vector<16xf32> to vector<1x16xf32>
        tpu.vector_store %arg7[%swap3A_272, %swap3A_273], %swap3A_276 {strides = array<i32>} : memref<512x32xf32, #tpu.memory_space<vmem>>, vector<1x16xf32>,
        %get3A_277 = arith.index_cast %add3A_263 : i32 to index
        %get3A_278 = arith.constant 16 : index
        %get3A_279 = tpu.vector_load %arg7[%get3A_277, %get3A_278] {strides = array<i32>} : memref<512x32xf32, #tpu.memory_space<vmem>>, vector<1x16xf32>,
        %get3A_280 = vector.shape_cast %get3A_279 : vector<1x16xf32> to vector<16xf32>
        %mul3A_281 = vector.broadcast %squeeze3A_265 : f32 to vector<16xf32>
        %mul3A_282 = arith.mulf %get3A_280, %mul3A_281 : vector<16xf32>
        %swap3A_283 = arith.index_cast %add3A_263 : i32 to index
        %swap3A_284 = arith.constant 16 : index
        %swap3A_285 = tpu.vector_load %arg7[%swap3A_283, %swap3A_284] {strides = array<i32>} : memref<512x32xf32, #tpu.memory_space<vmem>>, vector<1x16xf32>,
        %swap3A_286 = vector.shape_cast %swap3A_285 : vector<1x16xf32> to vector<16xf32>
        %swap3A_287 = vector.shape_cast %mul3A_282 : vector<16xf32> to vector<1x16xf32>
        tpu.vector_store %arg7[%swap3A_283, %swap3A_284], %swap3A_287 {strides = array<i32>} : memref<512x32xf32, #tpu.memory_space<vmem>>, vector<1x16xf32>,
        %mul3A_288 = arith.constant 16 : i32
        %mul3A_289 = arith.muli %scan3A_118, %mul3A_288 : i32
        %add3A_290 = arith.constant 6 : i32
        %add3A_291 = arith.addi %mul3A_289, %add3A_290 : i32
        %slice3A_292 = vector.extract_strided_slice %get3A_122 {offsets = [6], sizes = [1], strides = [1]} : vector<16xf32> to vector<1xf32>
        %squeeze3A_293 = vector.extract %slice3A_292[0] : f32 from vector<1xf32>
        %get3A_294 = arith.index_cast %add3A_291 : i32 to index
        %get3A_295 = arith.constant 0 : index
        %get3A_296 = tpu.vector_load %arg7[%get3A_294, %get3A_295] {strides = array<i32>} : memref<512x32xf32, #tpu.memory_space<vmem>>, vector<1x16xf32>,
        %get3A_297 = vector.shape_cast %get3A_296 : vector<1x16xf32> to vector<16xf32>
        %mul3A_298 = vector.broadcast %squeeze3A_293 : f32 to vector<16xf32>
        %mul3A_299 = arith.mulf %get3A_297, %mul3A_298 : vector<16xf32>
        %swap3A_300 = arith.index_cast %add3A_291 : i32 to index
        %swap3A_301 = arith.constant 0 : index
        %swap3A_302 = tpu.vector_load %arg7[%swap3A_300, %swap3A_301] {strides = array<i32>} : memref<512x32xf32, #tpu.memory_space<vmem>>, vector<1x16xf32>,
        %swap3A_303 = vector.shape_cast %swap3A_302 : vector<1x16xf32> to vector<16xf32>
        %swap3A_304 = vector.shape_cast %mul3A_299 : vector<16xf32> to vector<1x16xf32>
        tpu.vector_store %arg7[%swap3A_300, %swap3A_301], %swap3A_304 {strides = array<i32>} : memref<512x32xf32, #tpu.memory_space<vmem>>, vector<1x16xf32>,
        %get3A_305 = arith.index_cast %add3A_291 : i32 to index
        %get3A_306 = arith.constant 16 : index
        %get3A_307 = tpu.vector_load %arg7[%get3A_305, %get3A_306] {strides = array<i32>} : memref<512x32xf32, #tpu.memory_space<vmem>>, vector<1x16xf32>,
        %get3A_308 = vector.shape_cast %get3A_307 : vector<1x16xf32> to vector<16xf32>
        %mul3A_309 = vector.broadcast %squeeze3A_293 : f32 to vector<16xf32>
        %mul3A_310 = arith.mulf %get3A_308, %mul3A_309 : vector<16xf32>
        %swap3A_311 = arith.index_cast %add3A_291 : i32 to index
        %swap3A_312 = arith.constant 16 : index
        %swap3A_313 = tpu.vector_load %arg7[%swap3A_311, %swap3A_312] {strides = array<i32>} : memref<512x32xf32, #tpu.memory_space<vmem>>, vector<1x16xf32>,
        %swap3A_314 = vector.shape_cast %swap3A_313 : vector<1x16xf32> to vector<16xf32>
        %swap3A_315 = vector.shape_cast %mul3A_310 : vector<16xf32> to vector<1x16xf32>
        tpu.vector_store %arg7[%swap3A_311, %swap3A_312], %swap3A_315 {strides = array<i32>} : memref<512x32xf32, #tpu.memory_space<vmem>>, vector<1x16xf32>,
        %mul3A_316 = arith.constant 16 : i32
        %mul3A_317 = arith.muli %scan3A_118, %mul3A_316 : i32
        %add3A_318 = arith.constant 7 : i32
        %add3A_319 = arith.addi %mul3A_317, %add3A_318 : i32
        %slice3A_320 = vector.extract_strided_slice %get3A_122 {offsets = [7], sizes = [1], strides = [1]} : vector<16xf32> to vector<1xf32>
        %squeeze3A_321 = vector.extract %slice3A_320[0] : f32 from vector<1xf32>
        %get3A_322 = arith.index_cast %add3A_319 : i32 to index
        %get3A_323 = arith.constant 0 : index
        %get3A_324 = tpu.vector_load %arg7[%get3A_322, %get3A_323] {strides = array<i32>} : memref<512x32xf32, #tpu.memory_space<vmem>>, vector<1x16xf32>,
        %get3A_325 = vector.shape_cast %get3A_324 : vector<1x16xf32> to vector<16xf32>
        %mul3A_326 = vector.broadcast %squeeze3A_321 : f32 to vector<16xf32>
        %mul3A_327 = arith.mulf %get3A_325, %mul3A_326 : vector<16xf32>
        %swap3A_328 = arith.index_cast %add3A_319 : i32 to index
        %swap3A_329 = arith.constant 0 : index
        %swap3A_330 = tpu.vector_load %arg7[%swap3A_328, %swap3A_329] {strides = array<i32>} : memref<512x32xf32, #tpu.memory_space<vmem>>, vector<1x16xf32>,
        %swap3A_331 = vector.shape_cast %swap3A_330 : vector<1x16xf32> to vector<16xf32>
        %swap3A_332 = vector.shape_cast %mul3A_327 : vector<16xf32> to vector<1x16xf32>
        tpu.vector_store %arg7[%swap3A_328, %swap3A_329], %swap3A_332 {strides = array<i32>} : memref<512x32xf32, #tpu.memory_space<vmem>>, vector<1x16xf32>,
        %get3A_333 = arith.index_cast %add3A_319 : i32 to index
        %get3A_334 = arith.constant 16 : index
        %get3A_335 = tpu.vector_load %arg7[%get3A_333, %get3A_334] {strides = array<i32>} : memref<512x32xf32, #tpu.memory_space<vmem>>, vector<1x16xf32>,
        %get3A_336 = vector.shape_cast %get3A_335 : vector<1x16xf32> to vector<16xf32>
        %mul3A_337 = vector.broadcast %squeeze3A_321 : f32 to vector<16xf32>
        %mul3A_338 = arith.mulf %get3A_336, %mul3A_337 : vector<16xf32>
        %swap3A_339 = arith.index_cast %add3A_319 : i32 to index
        %swap3A_340 = arith.constant 16 : index
        %swap3A_341 = tpu.vector_load %arg7[%swap3A_339, %swap3A_340] {strides = array<i32>} : memref<512x32xf32, #tpu.memory_space<vmem>>, vector<1x16xf32>,
        %swap3A_342 = vector.shape_cast %swap3A_341 : vector<1x16xf32> to vector<16xf32>
        %swap3A_343 = vector.shape_cast %mul3A_338 : vector<16xf32> to vector<1x16xf32>
        tpu.vector_store %arg7[%swap3A_339, %swap3A_340], %swap3A_343 {strides = array<i32>} : memref<512x32xf32, #tpu.memory_space<vmem>>, vector<1x16xf32>,
        %mul3A_344 = arith.constant 16 : i32
        %mul3A_345 = arith.muli %scan3A_118, %mul3A_344 : i32
        %add3A_346 = arith.constant 8 : i32
        %add3A_347 = arith.addi %mul3A_345, %add3A_346 : i32
        %slice3A_348 = vector.extract_strided_slice %get3A_122 {offsets = [8], sizes = [1], strides = [1]} : vector<16xf32> to vector<1xf32>
        %squeeze3A_349 = vector.extract %slice3A_348[0] : f32 from vector<1xf32>
        %get3A_350 = arith.index_cast %add3A_347 : i32 to index
        %get3A_351 = arith.constant 0 : index
        %get3A_352 = tpu.vector_load %arg7[%get3A_350, %get3A_351] {strides = array<i32>} : memref<512x32xf32, #tpu.memory_space<vmem>>, vector<1x16xf32>,
        %get3A_353 = vector.shape_cast %get3A_352 : vector<1x16xf32> to vector<16xf32>
        %mul3A_354 = vector.broadcast %squeeze3A_349 : f32 to vector<16xf32>
        %mul3A_355 = arith.mulf %get3A_353, %mul3A_354 : vector<16xf32>
        %swap3A_356 = arith.index_cast %add3A_347 : i32 to index
        %swap3A_357 = arith.constant 0 : index
        %swap3A_358 = tpu.vector_load %arg7[%swap3A_356, %swap3A_357] {strides = array<i32>} : memref<512x32xf32, #tpu.memory_space<vmem>>, vector<1x16xf32>,
        %swap3A_359 = vector.shape_cast %swap3A_358 : vector<1x16xf32> to vector<16xf32>
        %swap3A_360 = vector.shape_cast %mul3A_355 : vector<16xf32> to vector<1x16xf32>
        tpu.vector_store %arg7[%swap3A_356, %swap3A_357], %swap3A_360 {strides = array<i32>} : memref<512x32xf32, #tpu.memory_space<vmem>>, vector<1x16xf32>,
        %get3A_361 = arith.index_cast %add3A_347 : i32 to index
        %get3A_362 = arith.constant 16 : index
        %get3A_363 = tpu.vector_load %arg7[%get3A_361, %get3A_362] {strides = array<i32>} : memref<512x32xf32, #tpu.memory_space<vmem>>, vector<1x16xf32>,
        %get3A_364 = vector.shape_cast %get3A_363 : vector<1x16xf32> to vector<16xf32>
        %mul3A_365 = vector.broadcast %squeeze3A_349 : f32 to vector<16xf32>
        %mul3A_366 = arith.mulf %get3A_364, %mul3A_365 : vector<16xf32>
        %swap3A_367 = arith.index_cast %add3A_347 : i32 to index
        %swap3A_368 = arith.constant 16 : index
        %swap3A_369 = tpu.vector_load %arg7[%swap3A_367, %swap3A_368] {strides = array<i32>} : memref<512x32xf32, #tpu.memory_space<vmem>>, vector<1x16xf32>,
        %swap3A_370 = vector.shape_cast %swap3A_369 : vector<1x16xf32> to vector<16xf32>
        %swap3A_371 = vector.shape_cast %mul3A_366 : vector<16xf32> to vector<1x16xf32>
        tpu.vector_store %arg7[%swap3A_367, %swap3A_368], %swap3A_371 {strides = array<i32>} : memref<512x32xf32, #tpu.memory_space<vmem>>, vector<1x16xf32>,
        %mul3A_372 = arith.constant 16 : i32
        %mul3A_373 = arith.muli %scan3A_118, %mul3A_372 : i32
        %add3A_374 = arith.constant 9 : i32
        %add3A_375 = arith.addi %mul3A_373, %add3A_374 : i32
        %slice3A_376 = vector.extract_strided_slice %get3A_122 {offsets = [9], sizes = [1], strides = [1]} : vector<16xf32> to vector<1xf32>
        %squeeze3A_377 = vector.extract %slice3A_376[0] : f32 from vector<1xf32>
        %get3A_378 = arith.index_cast %add3A_375 : i32 to index
        %get3A_379 = arith.constant 0 : index
        %get3A_380 = tpu.vector_load %arg7[%get3A_378, %get3A_379] {strides = array<i32>} : memref<512x32xf32, #tpu.memory_space<vmem>>, vector<1x16xf32>,
        %get3A_381 = vector.shape_cast %get3A_380 : vector<1x16xf32> to vector<16xf32>
        %mul3A_382 = vector.broadcast %squeeze3A_377 : f32 to vector<16xf32>
        %mul3A_383 = arith.mulf %get3A_381, %mul3A_382 : vector<16xf32>
        %swap3A_384 = arith.index_cast %add3A_375 : i32 to index
        %swap3A_385 = arith.constant 0 : index
        %swap3A_386 = tpu.vector_load %arg7[%swap3A_384, %swap3A_385] {strides = array<i32>} : memref<512x32xf32, #tpu.memory_space<vmem>>, vector<1x16xf32>,
        %swap3A_387 = vector.shape_cast %swap3A_386 : vector<1x16xf32> to vector<16xf32>
        %swap3A_388 = vector.shape_cast %mul3A_383 : vector<16xf32> to vector<1x16xf32>
        tpu.vector_store %arg7[%swap3A_384, %swap3A_385], %swap3A_388 {strides = array<i32>} : memref<512x32xf32, #tpu.memory_space<vmem>>, vector<1x16xf32>,
        %get3A_389 = arith.index_cast %add3A_375 : i32 to index
        %get3A_390 = arith.constant 16 : index
        %get3A_391 = tpu.vector_load %arg7[%get3A_389, %get3A_390] {strides = array<i32>} : memref<512x32xf32, #tpu.memory_space<vmem>>, vector<1x16xf32>,
        %get3A_392 = vector.shape_cast %get3A_391 : vector<1x16xf32> to vector<16xf32>
        %mul3A_393 = vector.broadcast %squeeze3A_377 : f32 to vector<16xf32>
        %mul3A_394 = arith.mulf %get3A_392, %mul3A_393 : vector<16xf32>
        %swap3A_395 = arith.index_cast %add3A_375 : i32 to index
        %swap3A_396 = arith.constant 16 : index
        %swap3A_397 = tpu.vector_load %arg7[%swap3A_395, %swap3A_396] {strides = array<i32>} : memref<512x32xf32, #tpu.memory_space<vmem>>, vector<1x16xf32>,
        %swap3A_398 = vector.shape_cast %swap3A_397 : vector<1x16xf32> to vector<16xf32>
        %swap3A_399 = vector.shape_cast %mul3A_394 : vector<16xf32> to vector<1x16xf32>
        tpu.vector_store %arg7[%swap3A_395, %swap3A_396], %swap3A_399 {strides = array<i32>} : memref<512x32xf32, #tpu.memory_space<vmem>>, vector<1x16xf32>,
        %mul3A_400 = arith.constant 16 : i32
        %mul3A_401 = arith.muli %scan3A_118, %mul3A_400 : i32
        %add3A_402 = arith.constant 10 : i32
        %add3A_403 = arith.addi %mul3A_401, %add3A_402 : i32
        %slice3A_404 = vector.extract_strided_slice %get3A_122 {offsets = [10], sizes = [1], strides = [1]} : vector<16xf32> to vector<1xf32>
        %squeeze3A_405 = vector.extract %slice3A_404[0] : f32 from vector<1xf32>
        %get3A_406 = arith.index_cast %add3A_403 : i32 to index
        %get3A_407 = arith.constant 0 : index
        %get3A_408 = tpu.vector_load %arg7[%get3A_406, %get3A_407] {strides = array<i32>} : memref<512x32xf32, #tpu.memory_space<vmem>>, vector<1x16xf32>,
        %get3A_409 = vector.shape_cast %get3A_408 : vector<1x16xf32> to vector<16xf32>
        %mul3A_410 = vector.broadcast %squeeze3A_405 : f32 to vector<16xf32>
        %mul3A_411 = arith.mulf %get3A_409, %mul3A_410 : vector<16xf32>
        %swap3A_412 = arith.index_cast %add3A_403 : i32 to index
        %swap3A_413 = arith.constant 0 : index
        %swap3A_414 = tpu.vector_load %arg7[%swap3A_412, %swap3A_413] {strides = array<i32>} : memref<512x32xf32, #tpu.memory_space<vmem>>, vector<1x16xf32>,
        %swap3A_415 = vector.shape_cast %swap3A_414 : vector<1x16xf32> to vector<16xf32>
        %swap3A_416 = vector.shape_cast %mul3A_411 : vector<16xf32> to vector<1x16xf32>
        tpu.vector_store %arg7[%swap3A_412, %swap3A_413], %swap3A_416 {strides = array<i32>} : memref<512x32xf32, #tpu.memory_space<vmem>>, vector<1x16xf32>,
        %get3A_417 = arith.index_cast %add3A_403 : i32 to index
        %get3A_418 = arith.constant 16 : index
        %get3A_419 = tpu.vector_load %arg7[%get3A_417, %get3A_418] {strides = array<i32>} : memref<512x32xf32, #tpu.memory_space<vmem>>, vector<1x16xf32>,
        %get3A_420 = vector.shape_cast %get3A_419 : vector<1x16xf32> to vector<16xf32>
        %mul3A_421 = vector.broadcast %squeeze3A_405 : f32 to vector<16xf32>
        %mul3A_422 = arith.mulf %get3A_420, %mul3A_421 : vector<16xf32>
        %swap3A_423 = arith.index_cast %add3A_403 : i32 to index
        %swap3A_424 = arith.constant 16 : index
        %swap3A_425 = tpu.vector_load %arg7[%swap3A_423, %swap3A_424] {strides = array<i32>} : memref<512x32xf32, #tpu.memory_space<vmem>>, vector<1x16xf32>,
        %swap3A_426 = vector.shape_cast %swap3A_425 : vector<1x16xf32> to vector<16xf32>
        %swap3A_427 = vector.shape_cast %mul3A_422 : vector<16xf32> to vector<1x16xf32>
        tpu.vector_store %arg7[%swap3A_423, %swap3A_424], %swap3A_427 {strides = array<i32>} : memref<512x32xf32, #tpu.memory_space<vmem>>, vector<1x16xf32>,
        %mul3A_428 = arith.constant 16 : i32
        %mul3A_429 = arith.muli %scan3A_118, %mul3A_428 : i32
        %add3A_430 = arith.constant 11 : i32
        %add3A_431 = arith.addi %mul3A_429, %add3A_430 : i32
        %slice3A_432 = vector.extract_strided_slice %get3A_122 {offsets = [11], sizes = [1], strides = [1]} : vector<16xf32> to vector<1xf32>
        %squeeze3A_433 = vector.extract %slice3A_432[0] : f32 from vector<1xf32>
        %get3A_434 = arith.index_cast %add3A_431 : i32 to index
        %get3A_435 = arith.constant 0 : index
        %get3A_436 = tpu.vector_load %arg7[%get3A_434, %get3A_435] {strides = array<i32>} : memref<512x32xf32, #tpu.memory_space<vmem>>, vector<1x16xf32>,
        %get3A_437 = vector.shape_cast %get3A_436 : vector<1x16xf32> to vector<16xf32>
        %mul3A_438 = vector.broadcast %squeeze3A_433 : f32 to vector<16xf32>
        %mul3A_439 = arith.mulf %get3A_437, %mul3A_438 : vector<16xf32>
        %swap3A_440 = arith.index_cast %add3A_431 : i32 to index
        %swap3A_441 = arith.constant 0 : index
        %swap3A_442 = tpu.vector_load %arg7[%swap3A_440, %swap3A_441] {strides = array<i32>} : memref<512x32xf32, #tpu.memory_space<vmem>>, vector<1x16xf32>,
        %swap3A_443 = vector.shape_cast %swap3A_442 : vector<1x16xf32> to vector<16xf32>
        %swap3A_444 = vector.shape_cast %mul3A_439 : vector<16xf32> to vector<1x16xf32>
        tpu.vector_store %arg7[%swap3A_440, %swap3A_441], %swap3A_444 {strides = array<i32>} : memref<512x32xf32, #tpu.memory_space<vmem>>, vector<1x16xf32>,
        %get3A_445 = arith.index_cast %add3A_431 : i32 to index
        %get3A_446 = arith.constant 16 : index
        %get3A_447 = tpu.vector_load %arg7[%get3A_445, %get3A_446] {strides = array<i32>} : memref<512x32xf32, #tpu.memory_space<vmem>>, vector<1x16xf32>,
        %get3A_448 = vector.shape_cast %get3A_447 : vector<1x16xf32> to vector<16xf32>
        %mul3A_449 = vector.broadcast %squeeze3A_433 : f32 to vector<16xf32>
        %mul3A_450 = arith.mulf %get3A_448, %mul3A_449 : vector<16xf32>
        %swap3A_451 = arith.index_cast %add3A_431 : i32 to index
        %swap3A_452 = arith.constant 16 : index
        %swap3A_453 = tpu.vector_load %arg7[%swap3A_451, %swap3A_452] {strides = array<i32>} : memref<512x32xf32, #tpu.memory_space<vmem>>, vector<1x16xf32>,
        %swap3A_454 = vector.shape_cast %swap3A_453 : vector<1x16xf32> to vector<16xf32>
        %swap3A_455 = vector.shape_cast %mul3A_450 : vector<16xf32> to vector<1x16xf32>
        tpu.vector_store %arg7[%swap3A_451, %swap3A_452], %swap3A_455 {strides = array<i32>} : memref<512x32xf32, #tpu.memory_space<vmem>>, vector<1x16xf32>,
        %mul3A_456 = arith.constant 16 : i32
        %mul3A_457 = arith.muli %scan3A_118, %mul3A_456 : i32
        %add3A_458 = arith.constant 12 : i32
        %add3A_459 = arith.addi %mul3A_457, %add3A_458 : i32
        %slice3A_460 = vector.extract_strided_slice %get3A_122 {offsets = [12], sizes = [1], strides = [1]} : vector<16xf32> to vector<1xf32>
        %squeeze3A_461 = vector.extract %slice3A_460[0] : f32 from vector<1xf32>
        %get3A_462 = arith.index_cast %add3A_459 : i32 to index
        %get3A_463 = arith.constant 0 : index
        %get3A_464 = tpu.vector_load %arg7[%get3A_462, %get3A_463] {strides = array<i32>} : memref<512x32xf32, #tpu.memory_space<vmem>>, vector<1x16xf32>,
        %get3A_465 = vector.shape_cast %get3A_464 : vector<1x16xf32> to vector<16xf32>
        %mul3A_466 = vector.broadcast %squeeze3A_461 : f32 to vector<16xf32>
        %mul3A_467 = arith.mulf %get3A_465, %mul3A_466 : vector<16xf32>
        %swap3A_468 = arith.index_cast %add3A_459 : i32 to index
        %swap3A_469 = arith.constant 0 : index
        %swap3A_470 = tpu.vector_load %arg7[%swap3A_468, %swap3A_469] {strides = array<i32>} : memref<512x32xf32, #tpu.memory_space<vmem>>, vector<1x16xf32>,
        %swap3A_471 = vector.shape_cast %swap3A_470 : vector<1x16xf32> to vector<16xf32>
        %swap3A_472 = vector.shape_cast %mul3A_467 : vector<16xf32> to vector<1x16xf32>
        tpu.vector_store %arg7[%swap3A_468, %swap3A_469], %swap3A_472 {strides = array<i32>} : memref<512x32xf32, #tpu.memory_space<vmem>>, vector<1x16xf32>,
        %get3A_473 = arith.index_cast %add3A_459 : i32 to index
        %get3A_474 = arith.constant 16 : index
        %get3A_475 = tpu.vector_load %arg7[%get3A_473, %get3A_474] {strides = array<i32>} : memref<512x32xf32, #tpu.memory_space<vmem>>, vector<1x16xf32>,
        %get3A_476 = vector.shape_cast %get3A_475 : vector<1x16xf32> to vector<16xf32>
        %mul3A_477 = vector.broadcast %squeeze3A_461 : f32 to vector<16xf32>
        %mul3A_478 = arith.mulf %get3A_476, %mul3A_477 : vector<16xf32>
        %swap3A_479 = arith.index_cast %add3A_459 : i32 to index
        %swap3A_480 = arith.constant 16 : index
        %swap3A_481 = tpu.vector_load %arg7[%swap3A_479, %swap3A_480] {strides = array<i32>} : memref<512x32xf32, #tpu.memory_space<vmem>>, vector<1x16xf32>,
        %swap3A_482 = vector.shape_cast %swap3A_481 : vector<1x16xf32> to vector<16xf32>
        %swap3A_483 = vector.shape_cast %mul3A_478 : vector<16xf32> to vector<1x16xf32>
        tpu.vector_store %arg7[%swap3A_479, %swap3A_480], %swap3A_483 {strides = array<i32>} : memref<512x32xf32, #tpu.memory_space<vmem>>, vector<1x16xf32>,
        %mul3A_484 = arith.constant 16 : i32
        %mul3A_485 = arith.muli %scan3A_118, %mul3A_484 : i32
        %add3A_486 = arith.constant 13 : i32
        %add3A_487 = arith.addi %mul3A_485, %add3A_486 : i32
        %slice3A_488 = vector.extract_strided_slice %get3A_122 {offsets = [13], sizes = [1], strides = [1]} : vector<16xf32> to vector<1xf32>
        %squeeze3A_489 = vector.extract %slice3A_488[0] : f32 from vector<1xf32>
        %get3A_490 = arith.index_cast %add3A_487 : i32 to index
        %get3A_491 = arith.constant 0 : index
        %get3A_492 = tpu.vector_load %arg7[%get3A_490, %get3A_491] {strides = array<i32>} : memref<512x32xf32, #tpu.memory_space<vmem>>, vector<1x16xf32>,
        %get3A_493 = vector.shape_cast %get3A_492 : vector<1x16xf32> to vector<16xf32>
        %mul3A_494 = vector.broadcast %squeeze3A_489 : f32 to vector<16xf32>
        %mul3A_495 = arith.mulf %get3A_493, %mul3A_494 : vector<16xf32>
        %swap3A_496 = arith.index_cast %add3A_487 : i32 to index
        %swap3A_497 = arith.constant 0 : index
        %swap3A_498 = tpu.vector_load %arg7[%swap3A_496, %swap3A_497] {strides = array<i32>} : memref<512x32xf32, #tpu.memory_space<vmem>>, vector<1x16xf32>,
        %swap3A_499 = vector.shape_cast %swap3A_498 : vector<1x16xf32> to vector<16xf32>
        %swap3A_500 = vector.shape_cast %mul3A_495 : vector<16xf32> to vector<1x16xf32>
        tpu.vector_store %arg7[%swap3A_496, %swap3A_497], %swap3A_500 {strides = array<i32>} : memref<512x32xf32, #tpu.memory_space<vmem>>, vector<1x16xf32>,
        %get3A_501 = arith.index_cast %add3A_487 : i32 to index
        %get3A_502 = arith.constant 16 : index
        %get3A_503 = tpu.vector_load %arg7[%get3A_501, %get3A_502] {strides = array<i32>} : memref<512x32xf32, #tpu.memory_space<vmem>>, vector<1x16xf32>,
        %get3A_504 = vector.shape_cast %get3A_503 : vector<1x16xf32> to vector<16xf32>
        %mul3A_505 = vector.broadcast %squeeze3A_489 : f32 to vector<16xf32>
        %mul3A_506 = arith.mulf %get3A_504, %mul3A_505 : vector<16xf32>
        %swap3A_507 = arith.index_cast %add3A_487 : i32 to index
        %swap3A_508 = arith.constant 16 : index
        %swap3A_509 = tpu.vector_load %arg7[%swap3A_507, %swap3A_508] {strides = array<i32>} : memref<512x32xf32, #tpu.memory_space<vmem>>, vector<1x16xf32>,
        %swap3A_510 = vector.shape_cast %swap3A_509 : vector<1x16xf32> to vector<16xf32>
        %swap3A_511 = vector.shape_cast %mul3A_506 : vector<16xf32> to vector<1x16xf32>
        tpu.vector_store %arg7[%swap3A_507, %swap3A_508], %swap3A_511 {strides = array<i32>} : memref<512x32xf32, #tpu.memory_space<vmem>>, vector<1x16xf32>,
        %mul3A_512 = arith.constant 16 : i32
        %mul3A_513 = arith.muli %scan3A_118, %mul3A_512 : i32
        %add3A_514 = arith.constant 14 : i32
        %add3A_515 = arith.addi %mul3A_513, %add3A_514 : i32
        %slice3A_516 = vector.extract_strided_slice %get3A_122 {offsets = [14], sizes = [1], strides = [1]} : vector<16xf32> to vector<1xf32>
        %squeeze3A_517 = vector.extract %slice3A_516[0] : f32 from vector<1xf32>
        %get3A_518 = arith.index_cast %add3A_515 : i32 to index
        %get3A_519 = arith.constant 0 : index
        %get3A_520 = tpu.vector_load %arg7[%get3A_518, %get3A_519] {strides = array<i32>} : memref<512x32xf32, #tpu.memory_space<vmem>>, vector<1x16xf32>,
        %get3A_521 = vector.shape_cast %get3A_520 : vector<1x16xf32> to vector<16xf32>
        %mul3A_522 = vector.broadcast %squeeze3A_517 : f32 to vector<16xf32>
        %mul3A_523 = arith.mulf %get3A_521, %mul3A_522 : vector<16xf32>
        %swap3A_524 = arith.index_cast %add3A_515 : i32 to index
        %swap3A_525 = arith.constant 0 : index
        %swap3A_526 = tpu.vector_load %arg7[%swap3A_524, %swap3A_525] {strides = array<i32>} : memref<512x32xf32, #tpu.memory_space<vmem>>, vector<1x16xf32>,
        %swap3A_527 = vector.shape_cast %swap3A_526 : vector<1x16xf32> to vector<16xf32>
        %swap3A_528 = vector.shape_cast %mul3A_523 : vector<16xf32> to vector<1x16xf32>
        tpu.vector_store %arg7[%swap3A_524, %swap3A_525], %swap3A_528 {strides = array<i32>} : memref<512x32xf32, #tpu.memory_space<vmem>>, vector<1x16xf32>,
        %get3A_529 = arith.index_cast %add3A_515 : i32 to index
        %get3A_530 = arith.constant 16 : index
        %get3A_531 = tpu.vector_load %arg7[%get3A_529, %get3A_530] {strides = array<i32>} : memref<512x32xf32, #tpu.memory_space<vmem>>, vector<1x16xf32>,
        %get3A_532 = vector.shape_cast %get3A_531 : vector<1x16xf32> to vector<16xf32>
        %mul3A_533 = vector.broadcast %squeeze3A_517 : f32 to vector<16xf32>
        %mul3A_534 = arith.mulf %get3A_532, %mul3A_533 : vector<16xf32>
        %swap3A_535 = arith.index_cast %add3A_515 : i32 to index
        %swap3A_536 = arith.constant 16 : index
        %swap3A_537 = tpu.vector_load %arg7[%swap3A_535, %swap3A_536] {strides = array<i32>} : memref<512x32xf32, #tpu.memory_space<vmem>>, vector<1x16xf32>,
        %swap3A_538 = vector.shape_cast %swap3A_537 : vector<1x16xf32> to vector<16xf32>
        %swap3A_539 = vector.shape_cast %mul3A_534 : vector<16xf32> to vector<1x16xf32>
        tpu.vector_store %arg7[%swap3A_535, %swap3A_536], %swap3A_539 {strides = array<i32>} : memref<512x32xf32, #tpu.memory_space<vmem>>, vector<1x16xf32>,
        %mul3A_540 = arith.constant 16 : i32
        %mul3A_541 = arith.muli %scan3A_118, %mul3A_540 : i32
        %add3A_542 = arith.constant 15 : i32
        %add3A_543 = arith.addi %mul3A_541, %add3A_542 : i32
        %slice3A_544 = vector.extract_strided_slice %get3A_122 {offsets = [15], sizes = [1], strides = [1]} : vector<16xf32> to vector<1xf32>
        %squeeze3A_545 = vector.extract %slice3A_544[0] : f32 from vector<1xf32>
        %get3A_546 = arith.index_cast %add3A_543 : i32 to index
        %get3A_547 = arith.constant 0 : index
        %get3A_548 = tpu.vector_load %arg7[%get3A_546, %get3A_547] {strides = array<i32>} : memref<512x32xf32, #tpu.memory_space<vmem>>, vector<1x16xf32>,
        %get3A_549 = vector.shape_cast %get3A_548 : vector<1x16xf32> to vector<16xf32>
        %mul3A_550 = vector.broadcast %squeeze3A_545 : f32 to vector<16xf32>
        %mul3A_551 = arith.mulf %get3A_549, %mul3A_550 : vector<16xf32>
        %swap3A_552 = arith.index_cast %add3A_543 : i32 to index
        %swap3A_553 = arith.constant 0 : index
        %swap3A_554 = tpu.vector_load %arg7[%swap3A_552, %swap3A_553] {strides = array<i32>} : memref<512x32xf32, #tpu.memory_space<vmem>>, vector<1x16xf32>,
        %swap3A_555 = vector.shape_cast %swap3A_554 : vector<1x16xf32> to vector<16xf32>
        %swap3A_556 = vector.shape_cast %mul3A_551 : vector<16xf32> to vector<1x16xf32>
        tpu.vector_store %arg7[%swap3A_552, %swap3A_553], %swap3A_556 {strides = array<i32>} : memref<512x32xf32, #tpu.memory_space<vmem>>, vector<1x16xf32>,
        %get3A_557 = arith.index_cast %add3A_543 : i32 to index
        %get3A_558 = arith.constant 16 : index
        %get3A_559 = tpu.vector_load %arg7[%get3A_557, %get3A_558] {strides = array<i32>} : memref<512x32xf32, #tpu.memory_space<vmem>>, vector<1x16xf32>,
        %get3A_560 = vector.shape_cast %get3A_559 : vector<1x16xf32> to vector<16xf32>
        %mul3A_561 = vector.broadcast %squeeze3A_545 : f32 to vector<16xf32>
        %mul3A_562 = arith.mulf %get3A_560, %mul3A_561 : vector<16xf32>
        %swap3A_563 = arith.index_cast %add3A_543 : i32 to index
        %swap3A_564 = arith.constant 16 : index
        %swap3A_565 = tpu.vector_load %arg7[%swap3A_563, %swap3A_564] {strides = array<i32>} : memref<512x32xf32, #tpu.memory_space<vmem>>, vector<1x16xf32>,
        %swap3A_566 = vector.shape_cast %swap3A_565 : vector<1x16xf32> to vector<16xf32>
        %swap3A_567 = vector.shape_cast %mul3A_562 : vector<16xf32> to vector<1x16xf32>
        tpu.vector_store %arg7[%swap3A_563, %swap3A_564], %swap3A_567 {strides = array<i32>} : memref<512x32xf32, #tpu.memory_space<vmem>>, vector<1x16xf32>,
      }
      %scan3A_114 = arith.constant 32 : i32
      %run_scoped3A = arith.constant 0 : i32
      "tpu.region"() ({
        %run_scoped3A_118 = tpu.sem_alloc : memref<!tpu.dma_semaphore, #tpu.memory_space<semaphore_mem>>
        %dma_start3A_119 = arith.constant 0 : i32
        %dma_start3A_120 = arith.constant 0 : i32
        %dma_start3A_121 = tpu.memref_slice %arg7[%dma_start3A_119, %dma_start3A_120] : memref<512x32xf32, #tpu.memory_space<vmem>> -> memref<128x32xf32, #tpu.memory_space<vmem>>
        %dma_start3A_122 = arith.constant 0 : i32
        %dma_start3A_123 = tpu.memref_slice %arg11[%run_scoped3A, %dma_start3A_122] : memref<4x128xi32, #tpu.memory_space<vmem>> -> memref<1x128xi32, #tpu.memory_space<vmem>>
        %dma_start3A_124 = tpu.memref_squeeze %dma_start3A_123 : memref<1x128xi32, #tpu.memory_space<vmem>> -> memref<128xi32, #tpu.memory_space<vmem>>
        %dma_start3A_125 = arith.constant 0 : i32
        %dma_start3A_126 = arith.constant 0 : i32
        %dma_start3A_127 = tpu.memref_slice %arg12[%dma_start3A_125, %dma_start3A_126] : memref<51200x32xf32, #tpu.memory_space<vmem_shared>> -> memref<51200x32xf32, #tpu.memory_space<vmem_shared>>
        tpu.enqueue_indirect_dma source(%dma_start3A_121 : memref<128x32xf32, #tpu.memory_space<vmem>>) target(%dma_start3A_127 : memref<51200x32xf32, #tpu.memory_space<vmem_shared>>) offsets(%dma_start3A_124 : memref<128xi32, #tpu.memory_space<vmem>>) semaphore(%run_scoped3A_118 : memref<!tpu.dma_semaphore, #tpu.memory_space<semaphore_mem>>) {add = true}
        %dma_wait3A_128 = arith.constant 0 : i32
        %dma_wait3A_129 = arith.constant 0 : i32
        %dma_wait3A_130 = tpu.memref_slice %arg7[%dma_wait3A_128, %dma_wait3A_129] : memref<512x32xf32, #tpu.memory_space<vmem>> -> memref<128x32xf32, #tpu.memory_space<vmem>>
        %dma_wait3A_131 = arith.constant 0 : i32
        %dma_wait3A_132 = tpu.memref_slice %arg11[%run_scoped3A, %dma_wait3A_131] : memref<4x128xi32, #tpu.memory_space<vmem>> -> memref<1x128xi32, #tpu.memory_space<vmem>>
        %dma_wait3A_133 = tpu.memref_squeeze %dma_wait3A_132 : memref<1x128xi32, #tpu.memory_space<vmem>> -> memref<128xi32, #tpu.memory_space<vmem>>
        %dma_wait3A_134 = arith.constant 0 : i32
        %dma_wait3A_135 = arith.constant 0 : i32
        %dma_wait3A_136 = tpu.memref_slice %arg12[%dma_wait3A_134, %dma_wait3A_135] : memref<51200x32xf32, #tpu.memory_space<vmem_shared>> -> memref<51200x32xf32, #tpu.memory_space<vmem_shared>>
        tpu.wait_indirect_dma semaphore(%run_scoped3A_118 : memref<!tpu.dma_semaphore, #tpu.memory_space<semaphore_mem>>) src(%dma_wait3A_130 : memref<128x32xf32, #tpu.memory_space<vmem>>) dst(%dma_wait3A_136 : memref<51200x32xf32, #tpu.memory_space<vmem_shared>>)
        tpu.yield
      }) : () -> ()
      %run_scoped3A_115 = arith.constant 1 : i32
      "tpu.region"() ({
        %run_scoped3A_118 = tpu.sem_alloc : memref<!tpu.dma_semaphore, #tpu.memory_space<semaphore_mem>>
        %dma_start3A_119 = arith.constant 128 : i32
        %dma_start3A_120 = arith.constant 0 : i32
        %dma_start3A_121 = tpu.memref_slice %arg7[%dma_start3A_119, %dma_start3A_120] : memref<512x32xf32, #tpu.memory_space<vmem>> -> memref<128x32xf32, #tpu.memory_space<vmem>>
        %dma_start3A_122 = arith.constant 0 : i32
        %dma_start3A_123 = tpu.memref_slice %arg11[%run_scoped3A_115, %dma_start3A_122] : memref<4x128xi32, #tpu.memory_space<vmem>> -> memref<1x128xi32, #tpu.memory_space<vmem>>
        %dma_start3A_124 = tpu.memref_squeeze %dma_start3A_123 : memref<1x128xi32, #tpu.memory_space<vmem>> -> memref<128xi32, #tpu.memory_space<vmem>>
        %dma_start3A_125 = arith.constant 0 : i32
        %dma_start3A_126 = arith.constant 0 : i32
        %dma_start3A_127 = tpu.memref_slice %arg12[%dma_start3A_125, %dma_start3A_126] : memref<51200x32xf32, #tpu.memory_space<vmem_shared>> -> memref<51200x32xf32, #tpu.memory_space<vmem_shared>>
        tpu.enqueue_indirect_dma source(%dma_start3A_121 : memref<128x32xf32, #tpu.memory_space<vmem>>) target(%dma_start3A_127 : memref<51200x32xf32, #tpu.memory_space<vmem_shared>>) offsets(%dma_start3A_124 : memref<128xi32, #tpu.memory_space<vmem>>) semaphore(%run_scoped3A_118 : memref<!tpu.dma_semaphore, #tpu.memory_space<semaphore_mem>>) {add = true}
        %dma_wait3A_128 = arith.constant 128 : i32
        %dma_wait3A_129 = arith.constant 0 : i32
        %dma_wait3A_130 = tpu.memref_slice %arg7[%dma_wait3A_128, %dma_wait3A_129] : memref<512x32xf32, #tpu.memory_space<vmem>> -> memref<128x32xf32, #tpu.memory_space<vmem>>
        %dma_wait3A_131 = arith.constant 0 : i32
        %dma_wait3A_132 = tpu.memref_slice %arg11[%run_scoped3A_115, %dma_wait3A_131] : memref<4x128xi32, #tpu.memory_space<vmem>> -> memref<1x128xi32, #tpu.memory_space<vmem>>
        %dma_wait3A_133 = tpu.memref_squeeze %dma_wait3A_132 : memref<1x128xi32, #tpu.memory_space<vmem>> -> memref<128xi32, #tpu.memory_space<vmem>>
        %dma_wait3A_134 = arith.constant 0 : i32
        %dma_wait3A_135 = arith.constant 0 : i32
        %dma_wait3A_136 = tpu.memref_slice %arg12[%dma_wait3A_134, %dma_wait3A_135] : memref<51200x32xf32, #tpu.memory_space<vmem_shared>> -> memref<51200x32xf32, #tpu.memory_space<vmem_shared>>
        tpu.wait_indirect_dma semaphore(%run_scoped3A_118 : memref<!tpu.dma_semaphore, #tpu.memory_space<semaphore_mem>>) src(%dma_wait3A_130 : memref<128x32xf32, #tpu.memory_space<vmem>>) dst(%dma_wait3A_136 : memref<51200x32xf32, #tpu.memory_space<vmem_shared>>)
        tpu.yield
      }) : () -> ()
      %run_scoped3A_116 = arith.constant 2 : i32
      "tpu.region"() ({
        %run_scoped3A_118 = tpu.sem_alloc : memref<!tpu.dma_semaphore, #tpu.memory_space<semaphore_mem>>
        %dma_start3A_119 = arith.constant 256 : i32
        %dma_start3A_120 = arith.constant 0 : i32
        %dma_start3A_121 = tpu.memref_slice %arg7[%dma_start3A_119, %dma_start3A_120] : memref<512x32xf32, #tpu.memory_space<vmem>> -> memref<128x32xf32, #tpu.memory_space<vmem>>
        %dma_start3A_122 = arith.constant 0 : i32
        %dma_start3A_123 = tpu.memref_slice %arg11[%run_scoped3A_116, %dma_start3A_122] : memref<4x128xi32, #tpu.memory_space<vmem>> -> memref<1x128xi32, #tpu.memory_space<vmem>>
        %dma_start3A_124 = tpu.memref_squeeze %dma_start3A_123 : memref<1x128xi32, #tpu.memory_space<vmem>> -> memref<128xi32, #tpu.memory_space<vmem>>
        %dma_start3A_125 = arith.constant 0 : i32
        %dma_start3A_126 = arith.constant 0 : i32
        %dma_start3A_127 = tpu.memref_slice %arg12[%dma_start3A_125, %dma_start3A_126] : memref<51200x32xf32, #tpu.memory_space<vmem_shared>> -> memref<51200x32xf32, #tpu.memory_space<vmem_shared>>
        tpu.enqueue_indirect_dma source(%dma_start3A_121 : memref<128x32xf32, #tpu.memory_space<vmem>>) target(%dma_start3A_127 : memref<51200x32xf32, #tpu.memory_space<vmem_shared>>) offsets(%dma_start3A_124 : memref<128xi32, #tpu.memory_space<vmem>>) semaphore(%run_scoped3A_118 : memref<!tpu.dma_semaphore, #tpu.memory_space<semaphore_mem>>) {add = true}
        %dma_wait3A_128 = arith.constant 256 : i32
        %dma_wait3A_129 = arith.constant 0 : i32
        %dma_wait3A_130 = tpu.memref_slice %arg7[%dma_wait3A_128, %dma_wait3A_129] : memref<512x32xf32, #tpu.memory_space<vmem>> -> memref<128x32xf32, #tpu.memory_space<vmem>>
        %dma_wait3A_131 = arith.constant 0 : i32
        %dma_wait3A_132 = tpu.memref_slice %arg11[%run_scoped3A_116, %dma_wait3A_131] : memref<4x128xi32, #tpu.memory_space<vmem>> -> memref<1x128xi32, #tpu.memory_space<vmem>>
        %dma_wait3A_133 = tpu.memref_squeeze %dma_wait3A_132 : memref<1x128xi32, #tpu.memory_space<vmem>> -> memref<128xi32, #tpu.memory_space<vmem>>
        %dma_wait3A_134 = arith.constant 0 : i32
        %dma_wait3A_135 = arith.constant 0 : i32
        %dma_wait3A_136 = tpu.memref_slice %arg12[%dma_wait3A_134, %dma_wait3A_135] : memref<51200x32xf32, #tpu.memory_space<vmem_shared>> -> memref<51200x32xf32, #tpu.memory_space<vmem_shared>>
        tpu.wait_indirect_dma semaphore(%run_scoped3A_118 : memref<!tpu.dma_semaphore, #tpu.memory_space<semaphore_mem>>) src(%dma_wait3A_130 : memref<128x32xf32, #tpu.memory_space<vmem>>) dst(%dma_wait3A_136 : memref<51200x32xf32, #tpu.memory_space<vmem_shared>>)
        tpu.yield
      }) : () -> ()
      %run_scoped3A_117 = arith.constant 3 : i32
      "tpu.region"() ({
        %run_scoped3A_118 = tpu.sem_alloc : memref<!tpu.dma_semaphore, #tpu.memory_space<semaphore_mem>>
        %dma_start3A_119 = arith.constant 384 : i32
        %dma_start3A_120 = arith.constant 0 : i32
        %dma_start3A_121 = tpu.memref_slice %arg7[%dma_start3A_119, %dma_start3A_120] : memref<512x32xf32, #tpu.memory_space<vmem>> -> memref<128x32xf32, #tpu.memory_space<vmem>>
        %dma_start3A_122 = arith.constant 0 : i32
        %dma_start3A_123 = tpu.memref_slice %arg11[%run_scoped3A_117, %dma_start3A_122] : memref<4x128xi32, #tpu.memory_space<vmem>> -> memref<1x128xi32, #tpu.memory_space<vmem>>
        %dma_start3A_124 = tpu.memref_squeeze %dma_start3A_123 : memref<1x128xi32, #tpu.memory_space<vmem>> -> memref<128xi32, #tpu.memory_space<vmem>>
        %dma_start3A_125 = arith.constant 0 : i32
        %dma_start3A_126 = arith.constant 0 : i32
        %dma_start3A_127 = tpu.memref_slice %arg12[%dma_start3A_125, %dma_start3A_126] : memref<51200x32xf32, #tpu.memory_space<vmem_shared>> -> memref<51200x32xf32, #tpu.memory_space<vmem_shared>>
        tpu.enqueue_indirect_dma source(%dma_start3A_121 : memref<128x32xf32, #tpu.memory_space<vmem>>) target(%dma_start3A_127 : memref<51200x32xf32, #tpu.memory_space<vmem_shared>>) offsets(%dma_start3A_124 : memref<128xi32, #tpu.memory_space<vmem>>) semaphore(%run_scoped3A_118 : memref<!tpu.dma_semaphore, #tpu.memory_space<semaphore_mem>>) {add = true}
        %dma_wait3A_128 = arith.constant 384 : i32
        %dma_wait3A_129 = arith.constant 0 : i32
        %dma_wait3A_130 = tpu.memref_slice %arg7[%dma_wait3A_128, %dma_wait3A_129] : memref<512x32xf32, #tpu.memory_space<vmem>> -> memref<128x32xf32, #tpu.memory_space<vmem>>
        %dma_wait3A_131 = arith.constant 0 : i32
        %dma_wait3A_132 = tpu.memref_slice %arg11[%run_scoped3A_117, %dma_wait3A_131] : memref<4x128xi32, #tpu.memory_space<vmem>> -> memref<1x128xi32, #tpu.memory_space<vmem>>
        %dma_wait3A_133 = tpu.memref_squeeze %dma_wait3A_132 : memref<1x128xi32, #tpu.memory_space<vmem>> -> memref<128xi32, #tpu.memory_space<vmem>>
        %dma_wait3A_134 = arith.constant 0 : i32
        %dma_wait3A_135 = arith.constant 0 : i32
        %dma_wait3A_136 = tpu.memref_slice %arg12[%dma_wait3A_134, %dma_wait3A_135] : memref<51200x32xf32, #tpu.memory_space<vmem_shared>> -> memref<51200x32xf32, #tpu.memory_space<vmem_shared>>
        tpu.wait_indirect_dma semaphore(%run_scoped3A_118 : memref<!tpu.dma_semaphore, #tpu.memory_space<semaphore_mem>>) src(%dma_wait3A_130 : memref<128x32xf32, #tpu.memory_space<vmem>>) dst(%dma_wait3A_136 : memref<51200x32xf32, #tpu.memory_space<vmem_shared>>)
        tpu.yield
      }) : () -> ()
    }
    %scan3A_27 = arith.constant 98 : i32
    %barrier3A_28 = arith.constant 0 : index
    tpu.barrier barrier_id(%barrier3A_28)
    %add3A_29 = arith.addi %mul3A_0, %mul3A_8 : i32
    "tpu.region"() ({
      %run_scoped3A = tpu.sem_alloc : memref<!tpu.dma_semaphore, #tpu.memory_space<semaphore_mem>>
      %dma_start3A = arith.constant 0 : i32
      %dma_start3A_30 = tpu.memref_slice %arg6[%add3A_29, %dma_start3A] : memref<102400x32xf32, #tpu.memory_space<hbm>> -> memref<3200x32xf32, #tpu.memory_space<hbm>>
      %dma_start3A_31 = arith.constant 0 : i32
      %dma_start3A_32 = tpu.memref_slice %arg12[%mul3A_8, %dma_start3A_31] : memref<51200x32xf32, #tpu.memory_space<vmem_shared>> -> memref<3200x32xf32, #tpu.memory_space<vmem_shared>>
      tpu.enqueue_dma source(%dma_start3A_32 : memref<3200x32xf32, #tpu.memory_space<vmem_shared>>) target(%dma_start3A_30 : memref<3200x32xf32, #tpu.memory_space<hbm>>) target_semaphore(%run_scoped3A : memref<!tpu.dma_semaphore, #tpu.memory_space<semaphore_mem>>)
      %dma_wait3A = arith.constant 0 : i32
      %dma_wait3A_33 = tpu.memref_slice %arg6[%add3A_29, %dma_wait3A] : memref<102400x32xf32, #tpu.memory_space<hbm>> -> memref<3200x32xf32, #tpu.memory_space<hbm>>
      %dma_wait3A_34 = arith.constant 0 : i32
      %dma_wait3A_35 = tpu.memref_slice %arg12[%mul3A_8, %dma_wait3A_34] : memref<51200x32xf32, #tpu.memory_space<vmem_shared>> -> memref<3200x32xf32, #tpu.memory_space<vmem_shared>>
      tpu.wait_dma2 semaphore(%run_scoped3A : memref<!tpu.dma_semaphore, #tpu.memory_space<semaphore_mem>>) src(%dma_wait3A_35 : memref<3200x32xf32, #tpu.memory_space<vmem_shared>>) dst(%dma_wait3A_33 : memref<3200x32xf32, #tpu.memory_space<hbm>>)
      tpu.yield
    }) : () -> ()
    return
  }
}

module attributes {stable_mosaic.version = 14 : i64} {
  func.func @_mean_body(%arg0: i32, %arg1: memref<400x32xf32, #tpu.memory_space<vmem>>, %arg2: memref<400x32xf32, #tpu.memory_space<vmem>>, %arg3: memref<400x32xf32, #tpu.memory_space<vmem>>, %arg4: memref<400x32xf32, #tpu.memory_space<vmem>>, %arg5: memref<400x32xf32, #tpu.memory_space<vmem>>, %arg6: memref<400x32xf32, #tpu.memory_space<vmem>>, %arg7: memref<400x32xf32, #tpu.memory_space<vmem>>, %arg8: memref<400x32xf32, #tpu.memory_space<vmem>>, %arg9: memref<400x64xf32, #tpu.memory_space<vmem>>) attributes {dimension_semantics = [#tpu.dimension_semantics<arbitrary>], iteration_bounds = array<i64: 125>, scalar_prefetch = 0 : i64, scratch_operands = 0 : i64, tpu.core_type = #tpu.core_type<tc>, window_params = [{transform_indices = @transform_0, window_bounds = array<i64: 400, 32>}, {transform_indices = @transform_1, window_bounds = array<i64: 400, 32>}, {transform_indices = @transform_2, window_bounds = array<i64: 400, 32>}, {transform_indices = @transform_3, window_bounds = array<i64: 400, 32>}, {transform_indices = @transform_4, window_bounds = array<i64: 400, 32>}, {transform_indices = @transform_5, window_bounds = array<i64: 400, 32>}, {transform_indices = @transform_6, window_bounds = array<i64: 400, 32>}, {transform_indices = @transform_7, window_bounds = array<i64: 400, 32>}, {transform_indices = @transform_8, window_bounds = array<i64: 400, 64>}]} {
    %get3A = arith.constant 0 : index
    %get3A_0 = arith.constant 0 : index
    %get3A_1 = vector.load %arg1[%get3A, %get3A_0] : memref<400x32xf32, #tpu.memory_space<vmem>>, vector<400x32xf32>
    %get3A_2 = arith.constant 0 : index
    %get3A_3 = arith.constant 0 : index
    %get3A_4 = vector.load %arg2[%get3A_2, %get3A_3] : memref<400x32xf32, #tpu.memory_space<vmem>>, vector<400x32xf32>
    %add3A = arith.addf %get3A_1, %get3A_4 : vector<400x32xf32>
    %get3A_5 = arith.constant 0 : index
    %get3A_6 = arith.constant 0 : index
    %get3A_7 = vector.load %arg3[%get3A_5, %get3A_6] : memref<400x32xf32, #tpu.memory_space<vmem>>, vector<400x32xf32>
    %add3A_8 = arith.addf %add3A, %get3A_7 : vector<400x32xf32>
    %get3A_9 = arith.constant 0 : index
    %get3A_10 = arith.constant 0 : index
    %get3A_11 = vector.load %arg4[%get3A_9, %get3A_10] : memref<400x32xf32, #tpu.memory_space<vmem>>, vector<400x32xf32>
    %add3A_12 = arith.addf %add3A_8, %get3A_11 : vector<400x32xf32>
    %get3A_13 = arith.constant 0 : index
    %get3A_14 = arith.constant 0 : index
    %get3A_15 = vector.load %arg5[%get3A_13, %get3A_14] : memref<400x32xf32, #tpu.memory_space<vmem>>, vector<400x32xf32>
    %get3A_16 = arith.constant 0 : index
    %get3A_17 = arith.constant 0 : index
    %get3A_18 = vector.load %arg6[%get3A_16, %get3A_17] : memref<400x32xf32, #tpu.memory_space<vmem>>, vector<400x32xf32>
    %add3A_19 = arith.addf %get3A_15, %get3A_18 : vector<400x32xf32>
    %get3A_20 = arith.constant 0 : index
    %get3A_21 = arith.constant 0 : index
    %get3A_22 = vector.load %arg7[%get3A_20, %get3A_21] : memref<400x32xf32, #tpu.memory_space<vmem>>, vector<400x32xf32>
    %add3A_23 = arith.addf %add3A_19, %get3A_22 : vector<400x32xf32>
    %get3A_24 = arith.constant 0 : index
    %get3A_25 = arith.constant 0 : index
    %get3A_26 = vector.load %arg8[%get3A_24, %get3A_25] : memref<400x32xf32, #tpu.memory_space<vmem>>, vector<400x32xf32>
    %add3A_27 = arith.addf %add3A_23, %get3A_26 : vector<400x32xf32>
    %concatenate3A = tpu.concatenate %add3A_12, %add3A_27 in 1 : vector<400x32xf32>, vector<400x32xf32> -> vector<400x64xf32>
    %mul3A = arith.constant 2.500000e-01 : f32
    %mul3A_28 = vector.broadcast %mul3A : f32 to vector<400x64xf32>
    %mul3A_29 = arith.mulf %concatenate3A, %mul3A_28 : vector<400x64xf32>
    %swap3A = arith.constant 0 : index
    %swap3A_30 = arith.constant 0 : index
    %swap3A_31 = vector.load %arg9[%swap3A, %swap3A_30] : memref<400x64xf32, #tpu.memory_space<vmem>>, vector<400x64xf32>
    tpu.vector_store %arg9[%swap3A, %swap3A_30], %mul3A_29 {strides = array<i32>} : memref<400x64xf32, #tpu.memory_space<vmem>>, vector<400x64xf32>,
    return
  }
  func.func @transform_0(%arg0: i32) -> (i32, i32) {
    %c0_i32 = arith.constant 0 : i32
    %c0_i32_0 = arith.constant 0 : i32
    return %arg0, %c0_i32 : i32, i32
  }
  func.func @transform_1(%arg0: i32) -> (i32, i32) {
    %c0_i32 = arith.constant 0 : i32
    %c0_i32_0 = arith.constant 0 : i32
    return %arg0, %c0_i32 : i32, i32
  }
  func.func @transform_2(%arg0: i32) -> (i32, i32) {
    %c0_i32 = arith.constant 0 : i32
    %c0_i32_0 = arith.constant 0 : i32
    return %arg0, %c0_i32 : i32, i32
  }
  func.func @transform_3(%arg0: i32) -> (i32, i32) {
    %c0_i32 = arith.constant 0 : i32
    %c0_i32_0 = arith.constant 0 : i32
    return %arg0, %c0_i32 : i32, i32
  }
  func.func @transform_4(%arg0: i32) -> (i32, i32) {
    %add3A = arith.constant 128 : i32
    %add3A_0 = arith.addi %arg0, %add3A : i32
    %c0_i32 = arith.constant 0 : i32
    %c0_i32_1 = arith.constant 0 : i32
    return %add3A_0, %c0_i32 : i32, i32
  }
  func.func @transform_5(%arg0: i32) -> (i32, i32) {
    %add3A = arith.constant 128 : i32
    %add3A_0 = arith.addi %arg0, %add3A : i32
    %c0_i32 = arith.constant 0 : i32
    %c0_i32_1 = arith.constant 0 : i32
    return %add3A_0, %c0_i32 : i32, i32
  }
  func.func @transform_6(%arg0: i32) -> (i32, i32) {
    %add3A = arith.constant 128 : i32
    %add3A_0 = arith.addi %arg0, %add3A : i32
    %c0_i32 = arith.constant 0 : i32
    %c0_i32_1 = arith.constant 0 : i32
    return %add3A_0, %c0_i32 : i32, i32
  }
  func.func @transform_7(%arg0: i32) -> (i32, i32) {
    %add3A = arith.constant 128 : i32
    %add3A_0 = arith.addi %arg0, %add3A : i32
    %c0_i32 = arith.constant 0 : i32
    %c0_i32_1 = arith.constant 0 : i32
    return %add3A_0, %c0_i32 : i32, i32
  }
  func.func @transform_8(%arg0: i32) -> (i32, i32) {
    %c0_i32 = arith.constant 0 : i32
    %c0_i32_0 = arith.constant 0 : i32
    return %arg0, %c0_i32 : i32, i32
  }
}

</mosaic_0001>

<sc_bundles>
// kernel: kernel.12.cloned.1.call-start
scs
__scs_entry_jumppad:
0x0: {  	(pc) =	sbr.rel $0x88, $3  }
0x1: {  	(tag) =	ssettag $0x0;
	lr =	simm.s32 $0x1  }
0x2: {  	[smem:$0x3F9D] =	sst lr;
	_ =	strace $0xD0000000  }
0x3: {  	_ = 	snop  }
0x4: {  	_ = 	snop  }
0x5: {  	_ = 	snop  }
0x6: {  	_ = 	snop  }
0x7: {  	_ = 	snop  }
__scs_overlays_trampoline_lowered:
0x8: {  	[smem:$0x3FAC] =	sst s0  }
0x9: {  	[smem:$0x3FAD] =	sst s1  }
0xa: {  	[smem:$0x3FAE] =	sst s2  }
0xb: {  	[smem:$0x3FAF] =	sst s3  }
0xc: {  	[smem:$0x3FB0] =	sst s4  }
0xd: {  	[smem:$0x3FB1] =	sst s5  }
0xe: {  	[smem:$0x3FB2] =	sst s6  }
0xf: {  	[smem:$0x3FB3] =	sst s7  }
0x10: {  	[smem:$0x3FB4] =	sst s8  }
0x11: {  	[smem:$0x3FB5] =	sst s9;
	s0 =	simm.s32 @!p0 $0x0  }
0x12: {  	s1 =	sld [smem:$0x3F9B];
	s0 =	simm.s32 @p0 $0x1  }
0x13: {  	[smem:$0x3FB6] =	sst s0;
	s0 =	simm.s32 @!p1 $0x0  }
0x14: {  	s2 =	sld [smem:$0x3F9A];
	s0 =	simm.s32 @p1 $0x1  }
0x15: {  	[smem:$0x3FB7] =	sst s0;
	s0 =	simm.s32 @!p2 $0x0  }
0x16: {  	s3 =	sld [smem:$0x3FDB];
	s0 =	simm.s32 @p2 $0x1  }
0x17: {  	s4 =	simm.s32 $0x1BF5;
	[smem:$0x3FB9] =	sst s0  }
0x18: {  	s0 =	sld [smem:$0x3F9C];
	_ =	swait.ge [sflag:s4], $0x0  }
0x19: {  	s7 =	sld [smem:$0x3F9D]  }
0x1a: {  	s8 =	sadd.s32 $0xFFFFE003, lr  }
0x1b: {  	s9 =	sadd.s32 $0xFFFFFEF7, lr;
	s5 =	simm.s32 $0xFFFFFFFF;
	p2 =	slt.u32 s8, $0xFFFFF086  }
0x1c: {  	p1 =	slt.u32 s9, $0xF7A;
	s5 =	simm.s32 @!p2 $0x0  }
0x1d: {  	s5 =	simm.s32 @p1 $0x1;
	p0 =	seq.s32 s7, s2  }
0x1e: {  	s7 =	smul.u32 @!p0 $0xF7A, s2;
	p2 =	seq.s32 @!p0 s5, $0x0  }
0x1f: {  	s9 =	smul.u32 $0xF7A, s1;
	s8 =	simm.s32 @!p0 $0x1BF5;
	p2 =	por !p2, p0  }
0x20: {  	[sflag:s8] =	ssyncset.s32 @!p0 $0xFFFFF086;
	s6 =	sadd.s32 @!p0 s3, s7;
	s7 =	simm.s32 @!p0 $0x108  }
0x21: {  	s3 =	sadd.s32 s3, s9;
	s6 =	sadd.s32 @!p0 $0x88, s6;
	s7 =	simm.s32 @p2 $0x1082  }
0x22: {  	[simem:s7], [sflag:s8] =	dma.local @!p0 [hbm:s6], $0xF7A  }
0x23: {  	s9 =	sor.u32 $0xD0000000, s2;
	s6 =	simm.s32 $0x108;
	_ =	swait.ge @!p0 [sflag:s8], $0x0  }
0x24: {  	s3 =	sadd.s32 $0x88, s3;
	s6 =	simm.s32 @!p1 $0x1082;
	[sflag:s4] =	ssyncset.s32 $0xFFFFF086  }
0x25: {  	[simem:s6], [sflag:s4] =	dma.local [hbm:s3], $0xF7A  }
0x26: {  	[smem:$0x3F9D] =	sst s1;
	(tag) =	ssettag s2;
	_ =	strace s9  }
0x27: {  	s1 =	sld [smem:$0x3FAD]  }
0x28: {  	s2 =	sld [smem:$0x3FAE]  }
0x29: {  	s4 =	sld [smem:$0x3FB0]  }
0x2a: {  	p0 =	seq.s32 s5, $0x0;
	s5 =	sld [smem:$0x3FB1]  }
0x2b: {  	s6 =	sld [smem:$0x3FB2]  }
0x2c: {  	s7 =	sld [smem:$0x3FB3]  }
0x2d: {  	s3 =	simm.s32 $0x108;
	s8 =	sld [smem:$0x3FB4]  }
0x2e: {  	s3 =	simm.s32 @!p0 $0x1082;
	s9 =	sld [smem:$0x3FB5]  }
0x2f: {  	lr =	sadd.s32 s0, s3;
	s0 =	sld [smem:$0x3FAC]  }
0x30: {  	s3 =	sld [smem:$0x3FAF]  }
0x31: {  	[smem:$0x3FB8] =	sst s10  }
0x32: {  	s10 =	sld [smem:$0x3FB6];
	_ =	sdelay $0x3  }
0x33: {  	p0 =	seq.s32 s10, $0x1;
	s10 =	sld [smem:$0x3FB8];
	_ =	sdelay $0x3  }
0x34: {  	[smem:$0x3FB8] =	sst s10  }
0x35: {  	s10 =	sld [smem:$0x3FB7];
	_ =	sdelay $0x3  }
0x36: {  	p1 =	seq.s32 s10, $0x1;
	s10 =	sld [smem:$0x3FB8];
	_ =	sdelay $0x3  }
0x37: {  	[smem:$0x3FB8] =	sst s10  }
0x38: {  	s10 =	sld [smem:$0x3FB9]  }
0x39: {  	_ = 	snop;
	(pc) =	sbr.ind lr, $3  }
0x3a: {  	_ = 	snop  }
0x3b: {  	_ = 	snop  }
0x3c: {  	p2 =	seq.s32 s10, $0x1;
	s10 =	sld [smem:$0x3FB8]  }
0x3d: {  	_ =	shalt  }
0x3e: {  	_ =	shalt  }
0x3f: {  	_ =	shalt  }
0x40: {  	_ =	shalt  }
0x41: {  	_ =	shalt  }
0x42: {  	_ =	shalt  }
0x43: {  	_ =	shalt  }
0x44: {  	_ =	shalt  }
0x45: {  	_ =	shalt  }
0x46: {  	_ =	shalt  }
0x47: {  	_ =	shalt  }
0x48: {  	_ =	shalt  }
0x49: {  	_ =	shalt  }
0x4a: {  	_ =	shalt  }
0x4b: {  	_ =	shalt  }
0x4c: {  	_ =	shalt  }
0x4d: {  	_ =	shalt  }
0x4e: {  	_ =	shalt  }
0x4f: {  	_ =	shalt  }
0x50: {  	_ =	shalt  }
0x51: {  	_ =	shalt  }
0x52: {  	_ =	shalt  }
0x53: {  	_ =	shalt  }
0x54: {  	_ =	shalt  }
0x55: {  	_ =	shalt  }
0x56: {  	_ =	shalt  }
0x57: {  	_ =	shalt  }
0x58: {  	_ =	shalt  }
0x59: {  	_ =	shalt  }
0x5a: {  	_ =	shalt  }
0x5b: {  	_ =	shalt  }
0x5c: {  	_ =	shalt  }
0x5d: {  	_ =	shalt  }
0x5e: {  	_ =	shalt  }
0x5f: {  	_ =	shalt  }
0x60: {  	_ =	shalt  }
0x61: {  	_ =	shalt  }
0x62: {  	_ =	shalt  }
0x63: {  	_ =	shalt  }
0x64: {  	_ =	shalt  }
0x65: {  	_ =	shalt  }
0x66: {  	_ =	shalt  }
0x67: {  	_ =	shalt  }
0x68: {  	_ =	shalt  }
0x69: {  	_ =	shalt  }
0x6a: {  	_ =	shalt  }
0x6b: {  	_ =	shalt  }
0x6c: {  	_ =	shalt  }
0x6d: {  	_ =	shalt  }
0x6e: {  	_ =	shalt  }
0x6f: {  	_ =	shalt  }
0x70: {  	_ =	shalt  }
0x71: {  	_ =	shalt  }
0x72: {  	_ =	shalt  }
0x73: {  	_ =	shalt  }
0x74: {  	_ =	shalt  }
0x75: {  	_ =	shalt  }
0x76: {  	_ =	shalt  }
0x77: {  	_ =	shalt  }
0x78: {  	_ =	shalt  }
0x79: {  	_ =	shalt  }
0x7a: {  	_ =	shalt  }
0x7b: {  	_ =	shalt  }
0x7c: {  	_ =	shalt  }
0x7d: {  	_ =	shalt  }
0x7e: {  	_ =	shalt  }
0x7f: {  	_ =	shalt  }
0x80: {  	_ =	shalt  }
0x81: {  	_ =	shalt  }
0x82: {  	_ =	shalt  }
0x83: {  	_ =	shalt  }
0x84: {  	_ =	shalt  }
0x85: {  	_ =	shalt  }
0x86: {  	_ =	shalt  }
0x87: {  	_ =	shalt  }
.Lfunc_end0:
.L_simem_size_0:
called_computation.2_lowered:
.L_overlay_start_0:
0x88: {  	s2 =	sld [smem:$0x3FD9]  }
0x89: {  	s3 =	sld [smem:$0x3FFE];
	_ =	sdelay $0x1  }
0x8a: {  	s1 =	srdreg.scid  }
0x8b: {  	s0 =	sand.u32 $0x1, s1  }
0x8c: {  	s14 =	sshll.u32 s0, $0xA;
	s2 =	sadd.s32 s3, s2  }
0x8d: {  	s2 =	sadd.s32 s2, s14  }
0x8e: {  	[smem:$0x3FC4] =	sst s2  }
0x8f: {  	_ = 	snop  }
0x90: {  	s2 =	sld [smem:$0x3FD0];
	_ =	sdelay $0x2  }
0x91: {  	s15 =	simm.s32 $0xA;
	s4 =	simm.s32 $0x10  }
0x92: {  	[smem:s4], [sflag:s15] =	dma.local [hbm:s2], $0x1  }
0x93: {  	_ =	swait.eq [sflag:s15], $0x1  }
0x94: {  	[sflag:s15] =	ssyncset.done $0x0  }
0x95: {  	s16 =	sld [smem:$0x10];
	[sflag:s15] =	ssyncadd.s32 $0xFFFFFFFF  }
0x96: {  	s17 =	sld [smem:$0x11];
	(tm) =	ssettm $0x1  }
0x97: {  	s18 =	sld [smem:$0x3FFB];
	_ =	sdelay $0x3  }
0x98: {  	_ =	strace s18  }
0x99: {  	s4 =	sld [smem:$0x3FFC];
	_ =	sdelay $0x3  }
0x9a: {  	_ =	strace s4  }
0x9b: {  	s4 =	sld [smem:$0x3FFD];
	_ =	sdelay $0x3  }
0x9c: {  	_ =	strace s4  }
0x9d: {  	_ =	strace $0x8FFFFFFF  }
0x9e: {  	s19 =	sld [smem:$0x3FDB];
	_ =	sdelay $0x1  }
0x9f: {  	s5 =	simm.s32 $_scs_section_size  }
0xa0: {  	s6 =	simm.s32 $_size__tile_overlayer_lowered;
	s7 =	simm.s32 $_tile_overlayer_lowered  }
0xa1: {  	s22 =	simm.s32 $0x1BFF;
	s21 =	sshll.u32 s7, $0x1;
	s4 =	sadd.s32 s5, s19  }
0xa2: {  	s8 =	simm.s32 $0x0;
	s20 =	sshll.u32 s6, $0x1;
	s6 =	sadd.s32 s21, s4  }
0xa3: {  	[timem:s8], [sflag:s22] =	dma.local [hbm:s6], s20  }
0xa4: {  	_ =	swait.ge [sflag:s22], s20  }
0xa5: {  	s5 =	ssub.s32 $0x0, s20;
	[sflag:s22] =	ssyncset.done $0x0  }
0xa6: {  	[sflag:s22] =	ssyncadd.s32 s5;
	_ =	sdelay $0x1  }
0xa7: {  	s23 =	simm.s32 $0x1B8B  }
0xa8: {  	_ =	swait.ge [sflag:s23], $0x1  }
0xa9: {  	[sflag:s23] =	ssyncset.done $0x0  }
0xaa: {  	s25 =	simm.s32 $0x1B8E;
	s24 =	sld [smem:$0x3FFE];
	[sflag:s23] =	ssyncadd.s32 $0xFFFFFFFF  }
0xab: {  	s26 =	simm.s32 $execute0_lowered;
	[smem:$0x3FD2] =	sst s25  }
0xac: {  	s6 =	sshll.u32 s26, $0x1;
	_ =	strace $0x8000004C;
	[dreg:$0x1] =	wrdreg $0xFFFFFFFF  }
0xad: {  	s28 =	simm.s32 $_size_execute0_lowered;
	s4 =	sadd.s32 s4, s6;
	[dreg:$0x0] =	wrdreg $0x0  }
0xae: {  	s6 =	sshll.u32 s28, $0x1;
	[dreg:$0x2] =	wrdreg s4  }
0xaf: {  	[dreg:$0x3] =	wrdreg s6  }
0xb0: {  	[dreg:$0x4] =	wrdreg $0xC0  }
0xb1: {  	_ =	task [dreg:s8], $0x5FFFF  }
0xb2: {  	[dreg:$0x1] =	wrdreg $0xFFFFFFFF  }
0xb3: {  	[dreg:$0x0] =	wrdreg $0x60  }
0xb4: {  	[dreg:$0x2] =	wrdreg s24  }
0xb5: {  	[dreg:$0x3] =	wrdreg s16  }
0xb6: {  	[dreg:$0x4] =	wrdreg s17  }
0xb7: {  	[dreg:$0x5] =	wrdreg $0x48000  }
0xb8: {  	[dreg:$0x6] =	wrdreg $0x9  }
0xb9: {  	_ =	task.clear_ibuf [dreg:s8], $0x7FFFF;
	_ =	strace $0x9000004C  }
0xba: {  	s29 =	simm.s32 $0x9;
	_ =	strace $0x8000004E  }
0xbb: {  	_ =	swait.ge [sflag:s29], $0x1  }
0xbc: {  	[sflag:s29] =	ssyncadd.s32 $0xFFFFFFFF  }
0xbd: {  	_ =	strace $0x9000004E  }
0xbe: {  	_ =	sfence  }
0xbf: {  	s30 =	sld [smem:$0x0];
	_ =	sdelay $0x2  }
0xc0: {  	s31 =	sshll.u32 s1, $0xD;
	s1 =	sshrl.u32 s1, $0x2  }
0xc1: {  	s3 =	sand.u32 $0x4000, s31;
	s1 =	sadd.s32 s1, s30  }
0xc2: {  	s0 =	sor.u32 s3, s0;
	s1 =	sshll.u32 s1, $0x11  }
0xc3: {  	s0 =	sor.u32 s1, s0  }
0xc4: {  	s0 =	sadd.s32 $0x8F2B, s0  }
0xc5: {  	[sflag:s0] =	ssyncadd.remote.s32 $0x1  }
0xc6: {  	_ =	sfence.sel $0xFFFF  }
0xc7: {  	[dreg:$0x0] =	wrdreg $0xFFFFFFFF;
	(pc) =	sbr.abs _section_cstart, $3  }
0xc8: {  	[dreg:$0x1] =	wrdreg $0xFFFFFFFF  }
0xc9: {  	_ =	task.clear_ibuf [dreg:s8], $0x2FFFF;
	_ =	strace $0x9FFFFFFF  }
0xca: {  	(tm) =	ssettm $0x7FFFFFFF  }
0xcb: {  	_ =	shalt  }
tec
execute0_lowered:
.L_overlay_start_1:
0x0: {  	(tag) =	ssettag $0x1  }
0x1: {  	s0 =	rddreg [dreg:$0x0]  }
0x2: {  	s1 =	rddreg [dreg:$0x1]  }
0x3: {  	s2 =	rddreg [dreg:$0x2]  }
0x4: {  	s3 =	rddreg [dreg:$0x3];
	s4 =	srdreg.scid;
	s5 =	simm.s32 $0x0  }
0x5: {  	s12 =	stileid.u32;
	s18 =	simm.s32 $0x2;
	s19 =	simm.s32 $0x4000  }
0x6: {  	s20 =	simm.s32 $0x4400;
	s4 =	sand.u32 $0x1, s4;
	s8 =	smul.u32 $0xC80, s12  }
0x7: {  	s28 =	simm.s32 $0x2000;
	[smem:$0x7FF] =	sst s5;
	s9 =	smul.u32 $0xC800, s4  }
0x8: {  	s10 =	smul.u32 $0x64000, s12;
	s6 =	sadd.s32 $0x1AA00, s0;
	s4 =	ssub.s32 $0x2, s4  }
0x9: {  	s7 =	sadd.s32 $0x2200, s0;
	s11 =	sshrl.u32 s4, $0x1;
	s8 =	sadd.s32 s8, s9  }
0xa: {  	s10 =	sshrl.u32 s10, $0x2;
	s4 =	ssub.s32 s4, s11;
	s8 =	sshll.u32 s8, $0x2  }
0xb: {  	s26 =	smax.u32 s4, $0x1;
	s0 =	sadd.s32 s8, s0;
	s8 =	sadd.s32 s10, s3  }
0xc: {  	_ =	strace $0x8000004D;
	[dreg:$0xc] =	wrdreg s26;
	s10 =	sadd.s32 $0x4000, s8  }
0xd: {  	s29 =	simm.s32 $0x4380;
	s21 =	sadd.s32 $0x8000, s8;
	[dreg:$0x5] =	wrdreg s10  }
0xe: {  	s30 =	simm.s32 $0x3000;
	s22 =	sadd.s32 $0xC000, s8;
	[dreg:$0x6] =	wrdreg s21  }
0xf: {  	s31 =	simm.s32 $0x1;
	s23 =	sadd.s32 $0x10000, s8;
	[dreg:$0x7] =	wrdreg s22  }
0x10: {  	s15 =	smul.u32 $0xC400, s12;
	s24 =	sadd.s32 $0x14000, s8;
	[dreg:$0x8] =	wrdreg s23  }
0x11: {  	v0 =	vmov s9;
	s9 =	simm.s32 $0x4780;
	s25 =	sadd.s32 $0x18000, s8;
	[dreg:$0x9] =	wrdreg s24  }
0x12: {  	s4 =	simm.s32 $0x4700;
	s0 =	sadd.s32 $0xE2A00, s0;
	[dreg:$0xa] =	wrdreg s25  }
0x13: {  	s26 =	simm.s32 $0x4300;
	[dreg:$0xb] =	wrdreg s0;
	s21 =	simm.s32 $0x4600  }
0x14: {  	s22 =	simm.s32 $0x80;
	s23 =	simm.s32 $0x4200;
	s24 =	simm.s32 $0x4280  }
0x15: {  	v1 =	vimm.f32 $0.0e+00;
	s25 =	simm.s32 $0x1000;
	s0 =	simm.s32 $0x4680;
	s10 =	simm.s32 $0x0  }
.LBB2_1:
0x16: {  	s11 =	simm.s32 $0x80;
	s12 =	simm.s32 $0x0  }
.LBB2_2:
0x17: {  	p0 =	sne.s32 s11, $0xFF80;
	[tilespmem:s12+$0x0] =	vst v1;
	s13 =	smov.u32 s11;
	s11 =	sadd.s32 $0x80, s11  }
.Ltmp0:
0x18: {  	[tilespmem:s12+$0x10] =	vst v1;
	(pc) =	sbr.rel @p0 .LBB2_2-.Ltmp0, $2  }
0x19: {  	_ =	sdelay $0x2  }
0x1a: {  	s12 =	sshra.s32 s13, $0x2  }
0x1b: {  	[tilespmem:s12+$0x0] =	vst v1  }
0x1c: {  	[tilespmem:s12+$0x10] =	vst v1;
	s11 =	simm.s32 $0x0  }
0x1d: {  	[spmem:s8] =	stream.linear.scatter [tilespmem:s11], [sflag:$0x2], $0x4000, $0x38;
	[tilespmem:$0x1D800] =	vst v63  }
0x1e: {  	_ =	swait.ge [sflag:s18], $0x4000  }
0x1f: {  	[sflag:s18] =	ssyncset.done $0x0  }
0x20: {  	s16 =	rddreg [dreg:$0x5];
	[sflag:s18] =	ssyncadd.s32 $0xFFFFC000  }
0x21: {  	[spmem:s16] =	stream.linear.scatter [tilespmem:s11], [sflag:$0x2], $0x4000, $0x38;
	[tilespmem:$0x1D800] =	vst v63  }
0x22: {  	_ =	swait.ge [sflag:s18], $0x4000  }
0x23: {  	[sflag:s18] =	ssyncset.done $0x0  }
0x24: {  	s17 =	rddreg [dreg:$0x6];
	[sflag:s18] =	ssyncadd.s32 $0xFFFFC000  }
0x25: {  	[spmem:s17] =	stream.linear.scatter [tilespmem:s11], [sflag:$0x2], $0x4000, $0x38;
	[tilespmem:$0x1D800] =	vst v63  }
0x26: {  	_ =	swait.ge [sflag:s18], $0x4000  }
0x27: {  	[sflag:s18] =	ssyncset.done $0x0  }
0x28: {  	s13 =	rddreg [dreg:$0x7];
	[sflag:s18] =	ssyncadd.s32 $0xFFFFC000  }
0x29: {  	[spmem:s13] =	stream.linear.scatter [tilespmem:s11], [sflag:$0x2], $0x4000, $0x38;
	[tilespmem:$0x1D800] =	vst v63  }
0x2a: {  	_ =	swait.ge [sflag:s18], $0x4000  }
0x2b: {  	[sflag:s18] =	ssyncset.done $0x0  }
0x2c: {  	s14 =	rddreg [dreg:$0x8];
	[sflag:s18] =	ssyncadd.s32 $0xFFFFC000  }
0x2d: {  	[spmem:s14] =	stream.linear.scatter [tilespmem:s11], [sflag:$0x2], $0x4000, $0x38;
	[tilespmem:$0x1D800] =	vst v63  }
0x2e: {  	_ =	swait.ge [sflag:s18], $0x4000  }
0x2f: {  	[sflag:s18] =	ssyncset.done $0x0  }
0x30: {  	s16 =	rddreg [dreg:$0x9];
	[sflag:s18] =	ssyncadd.s32 $0xFFFFC000  }
0x31: {  	[spmem:s16] =	stream.linear.scatter [tilespmem:s11], [sflag:$0x2], $0x4000, $0x38;
	[tilespmem:$0x1D800] =	vst v63  }
0x32: {  	_ =	swait.ge [sflag:s18], $0x4000  }
0x33: {  	[sflag:s18] =	ssyncset.done $0x0  }
0x34: {  	s17 =	rddreg [dreg:$0xa];
	[sflag:s18] =	ssyncadd.s32 $0xFFFFC000  }
0x35: {  	[spmem:s17] =	stream.linear.scatter [tilespmem:s11], [sflag:$0x2], $0x1000, $0x38;
	[tilespmem:$0x1D800] =	vst v63  }
0x36: {  	_ =	swait.ge [sflag:s18], $0x1000  }
0x37: {  	[sflag:s18] =	ssyncset.done $0x0  }
0x38: {  	[sflag:s18] =	ssyncadd.s32 $0xFFFFF000  }
0x39: {  	s12 =	simm.s32 $0x0;
	[bflag:$0x0] =	sbarrier.arrive $0xFFFF  }
.LBB2_4:
0x3a: {  	s13 =	sshll.u32 s12, $0x9  }
0x3b: {  	s13 =	sadd.s32 s15, s13  }
0x3c: {  	s13 =	sshrl.u32 s13, $0x3  }
0x3d: {  	s14 =	sadd.s32 s1, s13  }
0x3e: {  	[tilespmem:s19], [sflag:$0x2] =	stream.linear.gather [hbm4b:s14+s11], $0x200, $0x38;
	[tilespmem:$0x1D800] =	vst v63  }
0x3f: {  	_ =	swait.ge [sflag:s18], $0x200  }
0x40: {  	[sflag:s18] =	ssyncset.done $0x0  }
0x41: {  	s17 =	sadd.s32 s2, s13;
	[sflag:s18] =	ssyncadd.s32 $0xFFFFFE00  }
0x42: {  	[tilespmem:s20], [sflag:$0x2] =	stream.linear.gather [hbm4b:s17+s11], $0x200, $0x38;
	[tilespmem:$0x1D800] =	vst v63  }
0x43: {  	_ =	swait.ge [sflag:s18], $0x200  }
0x44: {  	[sflag:s18] =	ssyncset.done $0x0  }
0x45: {  	s13 =	sadd.s32 s7, s13;
	[sflag:s18] =	ssyncadd.s32 $0xFFFFFE00  }
0x46: {  	[tilespmem:s21], [sflag:$0x2] =	stream.linear.gather [hbm4b:s13+s11], $0x200, $0x38;
	[tilespmem:$0x1D800] =	vst v63  }
0x47: {  	_ =	swait.ge [sflag:s18], $0x200  }
0x48: {  	[sflag:s18] =	ssyncset.done $0x0  }
0x49: {  	s13 =	simm.s32 $0x0;
	[sflag:s18] =	ssyncadd.s32 $0xFFFFFE00  }
0x4a: {  	s14 =	simm.s32 $0x40;
	v2 =	vld [tilespmem:s13+$0x4000]  }
.LBB2_5:
0x4b: {  	p0 =	sne.s32 s14, $0x7C0  }
.Ltmp1:
0x4c: {  	_ = 	snop;
	(pc) =	sbr.rel @p0 .LBB2_5-.Ltmp1, $3  }
0x4d: {  	_ =	sdelay $0x1  }
0x4e: {  	s16 =	sshra.s32 s14, $0x2;
	s14 =	sadd.s32 $0x40, s14;
	v3 =	vadd.s32 v0, v2  }
0x4f: {  	v2 =	vld [tilespmem:s16+$0x4000];
	[tilespmem:s13+$0x4200] =	vst v3;
	s13 =	smov.u32 s16  }
0x50: {  	_ =	sdelay $0x3  }
0x51: {  	v2 =	vadd.s32 v0, v2  }
0x52: {  	s17 =	simm.s32 $0x0;
	[tilespmem:s13+$0x4200] =	vst v2  }
0x53: {  	[tilespmem:s17], [sflag:$0x1] =	stream.indirect.gather [hbm4b:s6+s22], $0x20, s23, s22, $0xb8;
	[tilespmem:$0x1D800] =	vst v63  }
0x54: {  	_ = 	snop  }
0x55: {  	[tilespmem:s25], [sflag:$0x1] =	stream.indirect.gather [hbm4b:s6+s22], $0x20, s24, s22, $0xb8;
	[tilespmem:$0x1D800] =	vst v63  }
0x56: {  	_ = 	snop  }
0x57: {  	[tilespmem:s28], [sflag:$0x1] =	stream.indirect.gather [hbm4b:s6+s22], $0x20, s26, s22, $0xb8;
	[tilespmem:$0x1D800] =	vst v63  }
0x58: {  	_ = 	snop  }
0x59: {  	[tilespmem:s30], [sflag:$0x1] =	stream.indirect.gather [hbm4b:s6+s22], $0x20, s29, s22, $0xb8;
	[tilespmem:$0x1D800] =	vst v63  }
0x5a: {  	_ =	swait.ge [sflag:s31], $0x1000  }
0x5b: {  	[sflag:s31] =	ssyncset.done $0x0  }
0x5c: {  	[sflag:s31] =	ssyncadd.s32 $0xFFFFF000  }
0x5d: {  	_ =	swait.ge [sflag:s31], $0x1000  }
0x5e: {  	[sflag:s31] =	ssyncset.done $0x0  }
0x5f: {  	[sflag:s31] =	ssyncadd.s32 $0xFFFFF000  }
0x60: {  	_ =	swait.ge [sflag:s31], $0x1000  }
0x61: {  	[sflag:s31] =	ssyncset.done $0x0  }
0x62: {  	[sflag:s31] =	ssyncadd.s32 $0xFFFFF000  }
0x63: {  	_ =	swait.ge [sflag:s31], $0x1000  }
0x64: {  	[sflag:s31] =	ssyncset.done $0x0  }
0x65: {  	s13 =	simm.s32 $0x100;
	[sflag:s31] =	ssyncadd.s32 $0xFFFFF000  }
0x66: {  	v7 =	vld [tilespmem:s13+$0xFFFFFFA0]  }
0x67: {  	v5 =	vld [tilespmem:s13+$0xFFFFFFF0]  }
0x68: {  	v2 =	vld [tilespmem:s13+$0xFFFFFF60]  }
0x69: {  	v8 =	vld [tilespmem:s13+$0xFFFFFFD0]  }
0x6a: {  	v9 =	vld [tilespmem:s13+$0x80]  }
0x6b: {  	v12 =	vld [tilespmem:s13+$0xFFFFFF10]  }
0x6c: {  	v16 =	vld [tilespmem:s13+$0xE0]  }
0x6d: {  	v11 =	vld [tilespmem:s13+$0xFFFFFF40]  }
0x6e: {  	s14 =	simm.s32 $0x0;
	v3 =	vld [tilespmem:s13+$0xFFFFFF90]  }
0x6f: {  	v4 =	vld [tilespmem:s14+$0x4400]  }
0x70: {  	v10 =	vld [tilespmem:s13+$0xFFFFFFC0]  }
0x71: {  	v13 =	vld [tilespmem:s13+$0xFFFFFF00]  }
0x72: {  	v14 =	vld [tilespmem:s13+$0xD0]  }
0x73: {  	v23 =	vld [tilespmem:s13+$0xC0]  }
0x74: {  	v21 =	vld [tilespmem:s13+$0x90];
	v19 =	vbroadcast v4, $0x0;
	v6 =	vbroadcast v4, $0xF  }
0x75: {  	v22 =	vld [tilespmem:s13+$0xFFFFFF50];
	v20 =	vbroadcast v4, $0x2;
	v18 =	vbroadcast v4, $0xE  }
0x76: {  	v17 =	vld [tilespmem:s13+$0xB0];
	v15 =	vbroadcast v4, $0xC;
	v25 =	vmul.f32 v19, v13  }
0x77: {  	s16 =	simm.s32 $0x100;
	s14 =	simm.s32 $0x40;
	v13 =	vbroadcast v4, $0xD;
	v24 =	vmul.f32 v11, v20;
	v11 =	vld [tilespmem:s13+$0x60]  }
.LBB2_7:
0x78: {  	p0 =	sne.s32 s14, $0x7C0  }
0x79: {  	[tilespmem:s13+$0xFFFFFF00] =	vst v25;
	v25 =	vld [tilespmem:s13+$0xFFFFFFB0];
	v23 =	vmul.f32 v23, v18;
	v16 =	vmul.f32 v16, v6;
	s16 =	sadd.s32 $0x200, s16;
	s17 =	smov.u32 s14;
	s14 =	sadd.s32 $0x40, s14  }
0x7a: {  	[tilespmem:s13+$0xFFFFFF40] =	vst v24;
	v24 =	vbroadcast v4, $0xA;
	v21 =	vmul.f32 v21, v15;
	v26 =	vld [tilespmem:s13+$0xA0]  }
0x7b: {  	v12 =	vmul.f32 v12, v19;
	v19 =	vmul.f32 v22, v20;
	v20 =	vld [tilespmem:s13+$0x70];
	[tilespmem:s13+$0xE0] =	vst v16  }
0x7c: {  	v16 =	vbroadcast v4, $0x5;
	v22 =	vld [tilespmem:s13+$0xFFFFFFE0];
	v17 =	vmul.f32 v17, v13;
	[tilespmem:s13+$0xC0] =	vst v23  }
0x7d: {  	v14 =	vmul.f32 v14, v18;
	[tilespmem:s13+$0xFFFFFF10] =	vst v12;
	v12 =	vbroadcast v4, $0x6;
	v23 =	vld [tilespmem:s13+$0x40]  }
0x7e: {  	v27 =	vbroadcast v4, $0xB;
	v7 =	vmul.f32 v7, v16;
	v18 =	vld [tilespmem:s13+$0xFFFFFF20];
	[tilespmem:s13+$0x90] =	vst v21  }
0x7f: {  	v21 =	vbroadcast v4, $0x9;
	[tilespmem:s13+$0xFFFFFF50] =	vst v19;
	v19 =	vld [tilespmem:s13+$0x20];
	v13 =	vmul.f32 v26, v13  }
0x80: {  	v16 =	vmul.f32 v25, v16;
	v25 =	vld [tilespmem:s13+$0x50];
	v20 =	vmul.f32 v20, v27;
	[tilespmem:s13+$0xD0] =	vst v14  }
0x81: {  	v9 =	vmul.f32 v9, v15;
	v14 =	vbroadcast v4, $0x7;
	v26 =	vld [tilespmem:s13+$0x30];
	[tilespmem:s13+$0xA0] =	vst v13  }
0x82: {  	v10 =	vmul.f32 v10, v12;
	v13 =	vbroadcast v4, $0x3;
	v15 =	vld [tilespmem:s13+$0x0];
	[tilespmem:s13+$0x70] =	vst v20  }
0x83: {  	v11 =	vmul.f32 v11, v27;
	v8 =	vmul.f32 v8, v12;
	v12 =	vld [tilespmem:s13+$0x10];
	[tilespmem:s13+$0x80] =	vst v9  }
0x84: {  	v20 =	vbroadcast v4, $0x8;
	v23 =	vmul.f32 v23, v24;
	v9 =	vld [tilespmem:s13+$0xFFFFFF30];
	[tilespmem:s13+$0xB0] =	vst v17  }
0x85: {  	v17 =	vbroadcast v4, $0x1;
	v27 =	vld [tilespmem:s13+$0xFFFFFF70];
	[tilespmem:s13+$0xFFFFFFD0] =	vst v8;
	v24 =	vmul.f32 v25, v24  }
0x86: {  	v5 =	vmul.f32 v5, v14;
	v8 =	vmul.f32 v22, v14;
	[tilespmem:s13+$0xFFFFFFC0] =	vst v10;
	v10 =	vld [tilespmem:s13+$0xF0]  }
0x87: {  	v22 =	vmul.f32 v26, v21;
	v14 =	vld [tilespmem:s13+$0xFFFFFF80];
	[tilespmem:s13+$0xFFFFFFA0] =	vst v7;
	v15 =	vmul.f32 v15, v20  }
0x88: {  	v7 =	vld [tilespmem:s16+$0xFFFFFFA0];
	[tilespmem:s13+$0xFFFFFFF0] =	vst v5;
	v20 =	vmul.f32 v12, v20;
	v12 =	vmul.f32 v19, v21  }
0x89: {  	v5 =	vmul.f32 v18, v17;
	v17 =	vmul.f32 v9, v17;
	[tilespmem:s13+$0x60] =	vst v11  }
0x8a: {  	v2 =	vmul.f32 v2, v13;
	v9 =	vmul.f32 v27, v13;
	[tilespmem:s13+$0xFFFFFFB0] =	vst v16  }
0x8b: {  	v4 =	vbroadcast v4, $0x4;
	[tilespmem:s13+$0xFFFFFF20] =	vst v5;
	v5 =	vmul.f32 v10, v6  }
0x8c: {  	[tilespmem:s13+$0xFFFFFF60] =	vst v2  }
0x8d: {  	v6 =	vmul.f32 v14, v4;
	v2 =	vmul.f32 v3, v4;
	[tilespmem:s13+$0x40] =	vst v23  }
0x8e: {  	[tilespmem:s13+$0xFFFFFFE0] =	vst v8  }
0x8f: {  	[tilespmem:s13+$0xF0] =	vst v5  }
0x90: {  	[tilespmem:s13+$0xFFFFFF90] =	vst v2  }
0x91: {  	v5 =	vld [tilespmem:s16+$0xFFFFFFF0];
	[tilespmem:s13+$0xFFFFFF70] =	vst v9  }
0x92: {  	v2 =	vld [tilespmem:s16+$0xFFFFFF60];
	[tilespmem:s13+$0x20] =	vst v12  }
0x93: {  	v8 =	vld [tilespmem:s16+$0xFFFFFFD0];
	[tilespmem:s13+$0x30] =	vst v22  }
0x94: {  	v9 =	vld [tilespmem:s16+$0x80];
	[tilespmem:s13+$0xFFFFFF80] =	vst v6  }
0x95: {  	v12 =	vld [tilespmem:s16+$0xFFFFFF10];
	[tilespmem:s13+$0x50] =	vst v24  }
0x96: {  	v16 =	vld [tilespmem:s16+$0xE0];
	[tilespmem:s13+$0x0] =	vst v15  }
0x97: {  	v11 =	vld [tilespmem:s16+$0xFFFFFF40];
	[tilespmem:s13+$0xFFFFFF30] =	vst v17  }
0x98: {  	s17 =	sshra.s32 s17, $0x2;
	v3 =	vld [tilespmem:s16+$0xFFFFFF90];
	[tilespmem:s13+$0x10] =	vst v20;
	s13 =	smov.u32 s16  }
0x99: {  	v4 =	vld [tilespmem:s17+$0x4400]  }
0x9a: {  	v10 =	vld [tilespmem:s16+$0xFFFFFFC0]  }
0x9b: {  	v13 =	vld [tilespmem:s16+$0xFFFFFF00]  }
0x9c: {  	v14 =	vld [tilespmem:s16+$0xD0]  }
.Ltmp2:
0x9d: {  	v23 =	vld [tilespmem:s16+$0xC0];
	(pc) =	sbr.rel @p0 .LBB2_7-.Ltmp2, $4  }
0x9e: {  	v19 =	vbroadcast v4, $0x0;
	v21 =	vld [tilespmem:s16+$0x90];
	v6 =	vbroadcast v4, $0xF  }
0x9f: {  	v20 =	vbroadcast v4, $0x2;
	v18 =	vbroadcast v4, $0xE;
	v22 =	vld [tilespmem:s16+$0xFFFFFF50]  }
0xa0: {  	v25 =	vmul.f32 v19, v13;
	v13 =	vbroadcast v4, $0xD;
	v17 =	vld [tilespmem:s16+$0xB0]  }
0xa1: {  	v15 =	vbroadcast v4, $0xC;
	v24 =	vmul.f32 v11, v20;
	v11 =	vld [tilespmem:s16+$0x60]  }
0xa2: {  	[tilespmem:s13+$0xFFFFFF00] =	vst v25;
	v16 =	vmul.f32 v16, v6  }
0xa3: {  	v23 =	vmul.f32 v23, v18;
	[tilespmem:s13+$0xFFFFFF40] =	vst v24  }
0xa4: {  	v12 =	vmul.f32 v12, v19;
	[tilespmem:s13+$0xE0] =	vst v16  }
0xa5: {  	v34 =	vmul.f32 v14, v18;
	[tilespmem:s13+$0xC0] =	vst v23  }
0xa6: {  	v32 =	vmul.f32 v21, v15;
	[tilespmem:s13+$0xFFFFFF10] =	vst v12  }
0xa7: {  	v40 =	vbroadcast v4, $0x6;
	v9 =	vmul.f32 v9, v15;
	[tilespmem:s13+$0xD0] =	vst v34  }
0xa8: {  	v20 =	vmul.f32 v22, v20;
	[tilespmem:s13+$0x90] =	vst v32  }
0xa9: {  	v44 =	vbroadcast v4, $0x5;
	v8 =	vmul.f32 v8, v40;
	[tilespmem:s13+$0x80] =	vst v9  }
0xaa: {  	v46 =	vbroadcast v4, $0x7;
	v10 =	vmul.f32 v10, v40;
	[tilespmem:s13+$0xFFFFFF50] =	vst v20  }
0xab: {  	v53 =	vbroadcast v4, $0x3;
	v7 =	vmul.f32 v7, v44;
	[tilespmem:s13+$0xFFFFFFD0] =	vst v8  }
0xac: {  	v30 =	vld [tilespmem:s13+$0xA0];
	v58 =	vbroadcast v4, $0x4;
	v5 =	vmul.f32 v5, v46;
	[tilespmem:s13+$0xFFFFFFC0] =	vst v10  }
0xad: {  	v31 =	vld [tilespmem:s13+$0x70];
	v2 =	vmul.f32 v2, v53;
	[tilespmem:s13+$0xFFFFFFA0] =	vst v7  }
0xae: {  	v33 =	vld [tilespmem:s13+$0xFFFFFFB0];
	v36 =	vbroadcast v4, $0xB;
	v3 =	vmul.f32 v3, v58;
	[tilespmem:s13+$0xFFFFFFF0] =	vst v5  }
0xaf: {  	v35 =	vld [tilespmem:s13+$0xFFFFFF20];
	v42 =	vmul.f32 v17, v13;
	[tilespmem:s13+$0xFFFFFF60] =	vst v2  }
0xb0: {  	v39 =	vld [tilespmem:s13+$0x40];
	v11 =	vmul.f32 v11, v36;
	[tilespmem:s13+$0xFFFFFF90] =	vst v3  }
0xb1: {  	v37 =	vld [tilespmem:s13+$0xFFFFFFE0];
	v38 =	vmul.f32 v30, v13;
	[tilespmem:s13+$0xB0] =	vst v42  }
0xb2: {  	v51 =	vbroadcast v4, $0x1;
	v54 =	vld [tilespmem:s13+$0xF0];
	v19 =	vmul.f32 v31, v36;
	[tilespmem:s13+$0x60] =	vst v11  }
0xb3: {  	v48 =	vld [tilespmem:s13+$0xFFFFFF70];
	v55 =	vbroadcast v4, $0xA;
	v52 =	vmul.f32 v33, v44;
	[tilespmem:s13+$0xA0] =	vst v38  }
0xb4: {  	v45 =	vld [tilespmem:s13+$0x30];
	v14 =	vmul.f32 v35, v51;
	[tilespmem:s13+$0x70] =	vst v19  }
0xb5: {  	v49 =	vld [tilespmem:s13+$0xFFFFFF80];
	v57 =	vmul.f32 v39, v55;
	[tilespmem:s13+$0xFFFFFFB0] =	vst v52  }
0xb6: {  	v43 =	vld [tilespmem:s13+$0x20];
	v9 =	vmul.f32 v37, v46;
	[tilespmem:s13+$0xFFFFFF20] =	vst v14  }
0xb7: {  	v56 =	vld [tilespmem:s13+$0xFFFFFF30];
	v59 =	vbroadcast v4, $0x9;
	v2 =	vmul.f32 v54, v6;
	[tilespmem:s13+$0x40] =	vst v57  }
0xb8: {  	v41 =	vld [tilespmem:s13+$0x50];
	v60 =	vmul.f32 v48, v53;
	[tilespmem:s13+$0xFFFFFFE0] =	vst v9  }
0xb9: {  	v47 =	vld [tilespmem:s13+$0x0];
	v3 =	vmul.f32 v45, v59;
	[tilespmem:s13+$0xF0] =	vst v2  }
0xba: {  	v50 =	vld [tilespmem:s13+$0x10];
	v62 =	vmul.f32 v49, v58;
	[tilespmem:s13+$0xFFFFFF70] =	vst v60  }
0xbb: {  	v2 =	vmul.f32 v43, v59;
	[tilespmem:s13+$0x30] =	vst v3  }
0xbc: {  	v61 =	vbroadcast v4, $0x8;
	v63 =	vmul.f32 v56, v51;
	[tilespmem:s13+$0xFFFFFF80] =	vst v62  }
0xbd: {  	[tilespmem:s13+$0x20] =	vst v2;
	v2 =	vmul.f32 v41, v55  }
0xbe: {  	v3 =	vmul.f32 v47, v61;
	[tilespmem:s13+$0xFFFFFF30] =	vst v63  }
0xbf: {  	[tilespmem:s13+$0x50] =	vst v2;
	v2 =	vmul.f32 v50, v61  }
0xc0: {  	[tilespmem:s13+$0x0] =	vst v3  }
0xc1: {  	[tilespmem:s13+$0x10] =	vst v2  }
0xc2: {  	[spmem:s3] =	stream.indirect.scatter.add.f32 [tilespmem:s5], [sflag:$0x2], $0x20, s21, s22, $0xb8;
	[tilespmem:$0x1D800] =	vst v63  }
0xc3: {  	_ =	swait.ge [sflag:s18], $0x1000  }
0xc4: {  	[sflag:s18] =	ssyncset.done $0x0  }
0xc5: {  	[sflag:s18] =	ssyncadd.s32 $0xFFFFF000  }
0xc6: {  	[spmem:s3] =	stream.indirect.scatter.add.f32 [tilespmem:s25], [sflag:$0x2], $0x20, s0, s22, $0xb8;
	[tilespmem:$0x1D800] =	vst v63  }
0xc7: {  	_ =	swait.ge [sflag:s18], $0x1000  }
0xc8: {  	[sflag:s18] =	ssyncset.done $0x0  }
0xc9: {  	[sflag:s18] =	ssyncadd.s32 $0xFFFFF000  }
0xca: {  	[spmem:s3] =	stream.indirect.scatter.add.f32 [tilespmem:s28], [sflag:$0x2], $0x20, s4, s22, $0xb8;
	[tilespmem:$0x1D800] =	vst v63  }
0xcb: {  	s12 =	sadd.s32 $0x1, s12;
	_ =	swait.ge [sflag:s18], $0x1000  }
0xcc: {  	p0 =	sne.s32 s12, $0x62;
	[sflag:s18] =	ssyncset.done $0x0  }
.Ltmp3:
0xcd: {  	[sflag:s18] =	ssyncadd.s32 $0xFFFFF000;
	(pc) =	sbr.rel @p0 .LBB2_4-.Ltmp3, $4  }
0xce: {  	[spmem:s3] =	stream.indirect.scatter.add.f32 [tilespmem:s30], [sflag:$0x2], $0x20, s9, s22, $0xb8;
	[tilespmem:$0x1D800] =	vst v63  }
0xcf: {  	_ =	swait.ge [sflag:s18], $0x1000  }
0xd0: {  	[sflag:s18] =	ssyncset.done $0x0  }
0xd1: {  	[sflag:s18] =	ssyncadd.s32 $0xFFFFF000  }
0xd2: {  	s11 =	stileid.u32  }
0xd3: {  	[bflag:$0x0] =	sbarrier.arrive $0xFFFF;
	s11 =	sshll.u32 s11, $0x6  }
0xd4: {  	s12 =	sshrl.u32 s8, $0x3;
	s13 =	rddreg [dreg:$0xb];
	s11 =	sor.u32 $0x1C02, s11  }
0xd5: {  	[hbm:s13], [sflag:s11] =	dma.local [spmem:s12], $0x3200  }
0xd6: {  	_ =	swait.ge [sflag:s18], $0x3200  }
0xd7: {  	s10 =	sadd.s32 $0x1, s10;
	s17 =	rddreg [dreg:$0xc]  }
0xd8: {  	p0 =	sne.s32 s10, s17  }
.Ltmp4:
0xd9: {  	_ = 	snop;
	(pc) =	sbr.rel @p0 .LBB2_1-.Ltmp4, $3  }
0xda: {  	_ =	sdelay $0x1  }
0xdb: {  	[sflag:s18] =	ssyncset.done $0x0  }
0xdc: {  	[sflag:s18] =	ssyncadd.s32 $0xFFFFCE00  }
0xdd: {  	_ =	sfence.sel $0x180000  }
0xde: {  	[bflag:$0x0] =	sbarrier.arrive $0xFFFF  }
0xdf: {  	_ =	strace $0x9000004D  }
0xe0: {  	s0 =	stileid.u32;
	[bflag:$0x2] =	sbarrier.arrive $0xFFFF  }
0xe1: {  	p0 =	sne.s32 s0, $0x0;
	s0 =	rddreg [dreg:$0x4]  }
0xe2: {  	s0 =	sadd.s32 @!p0 $0x100000, s0  }
0xe3: {  	[sflag:s0] =	ssyncadd.tile.s32 @!p0 $0x1;
	_ =	shalt  }
.Lfunc_end2:
_tile_overlayer_lowered:
.L_overlay_start_2:
0xe4: {  	(tag) =	ssettag $0x2  }
0xe5: {  	s0 =	rddreg [dreg:$0x0];
	s2 =	stileid.u32  }
0xe6: {  	s1 =	rddreg [dreg:$0x1];
	p0 =	sne.s32 s2, $0x0  }
0xe7: {  	s3 =	rddreg [dreg:$0x2];
	[bflag:$0x3] =	sbarrier.arrive $0xFFFF;
	s2 =	simm.s32 @!p0 $0x1C02  }
0xe8: {  	[timem:s3], [sflag:s2] =	dma.local @!p0 [hbm:s0], s1  }
0xe9: {  	s0 =	simm.s32 @!p0 $0x2  }
0xea: {  	_ =	swait.ge @!p0 [sflag:s0], s1  }
0xeb: {  	s1 =	ssub.s32 @!p0 $0x0, s1;
	[sflag:s0] =	ssyncset.done @!p0 $0x0  }
0xec: {  	[sflag:s0] =	ssyncadd.s32 @!p0 s1  }
0xed: {  	[bflag:$0x3] =	sbarrier.arrive $0xFFFF  }
0xee: {  	_ =	shalt  }

// kernel: kernel.6.cloned.1.call-start
scs
__scs_entry_jumppad:
0x0: {  	(pc) =	sbr.rel $0x88, $3  }
0x1: {  	(tag) =	ssettag $0x0;
	lr =	simm.s32 $0x1  }
0x2: {  	[smem:$0x3F9D] =	sst lr;
	_ =	strace $0xD0000000  }
0x3: {  	_ = 	snop  }
0x4: {  	_ = 	snop  }
0x5: {  	_ = 	snop  }
0x6: {  	_ = 	snop  }
0x7: {  	_ = 	snop  }
__scs_overlays_trampoline_lowered:
0x8: {  	[smem:$0x3FAC] =	sst s0  }
0x9: {  	[smem:$0x3FAD] =	sst s1  }
0xa: {  	[smem:$0x3FAE] =	sst s2  }
0xb: {  	[smem:$0x3FAF] =	sst s3  }
0xc: {  	[smem:$0x3FB0] =	sst s4  }
0xd: {  	[smem:$0x3FB1] =	sst s5  }
0xe: {  	[smem:$0x3FB2] =	sst s6  }
0xf: {  	[smem:$0x3FB3] =	sst s7  }
0x10: {  	[smem:$0x3FB4] =	sst s8  }
0x11: {  	[smem:$0x3FB5] =	sst s9;
	s0 =	simm.s32 @!p0 $0x0  }
0x12: {  	s1 =	sld [smem:$0x3F9B];
	s0 =	simm.s32 @p0 $0x1  }
0x13: {  	[smem:$0x3FB6] =	sst s0;
	s0 =	simm.s32 @!p1 $0x0  }
0x14: {  	s2 =	sld [smem:$0x3F9A];
	s0 =	simm.s32 @p1 $0x1  }
0x15: {  	[smem:$0x3FB7] =	sst s0;
	s0 =	simm.s32 @!p2 $0x0  }
0x16: {  	s3 =	sld [smem:$0x3FDB];
	s0 =	simm.s32 @p2 $0x1  }
0x17: {  	s4 =	simm.s32 $0x1BF5;
	[smem:$0x3FB9] =	sst s0  }
0x18: {  	s0 =	sld [smem:$0x3F9C];
	_ =	swait.ge [sflag:s4], $0x0  }
0x19: {  	s7 =	sld [smem:$0x3F9D]  }
0x1a: {  	s8 =	sadd.s32 $0xFFFFE003, lr  }
0x1b: {  	s9 =	sadd.s32 $0xFFFFFEF7, lr;
	s5 =	simm.s32 $0xFFFFFFFF;
	p2 =	slt.u32 s8, $0xFFFFF086  }
0x1c: {  	p1 =	slt.u32 s9, $0xF7A;
	s5 =	simm.s32 @!p2 $0x0  }
0x1d: {  	s5 =	simm.s32 @p1 $0x1;
	p0 =	seq.s32 s7, s2  }
0x1e: {  	s7 =	smul.u32 @!p0 $0xF7A, s2;
	p2 =	seq.s32 @!p0 s5, $0x0  }
0x1f: {  	s9 =	smul.u32 $0xF7A, s1;
	s8 =	simm.s32 @!p0 $0x1BF5;
	p2 =	por !p2, p0  }
0x20: {  	[sflag:s8] =	ssyncset.s32 @!p0 $0xFFFFF086;
	s6 =	sadd.s32 @!p0 s3, s7;
	s7 =	simm.s32 @!p0 $0x108  }
0x21: {  	s3 =	sadd.s32 s3, s9;
	s6 =	sadd.s32 @!p0 $0x88, s6;
	s7 =	simm.s32 @p2 $0x1082  }
0x22: {  	[simem:s7], [sflag:s8] =	dma.local @!p0 [hbm:s6], $0xF7A  }
0x23: {  	s9 =	sor.u32 $0xD0000000, s2;
	s6 =	simm.s32 $0x108;
	_ =	swait.ge @!p0 [sflag:s8], $0x0  }
0x24: {  	s3 =	sadd.s32 $0x88, s3;
	s6 =	simm.s32 @!p1 $0x1082;
	[sflag:s4] =	ssyncset.s32 $0xFFFFF086  }
0x25: {  	[simem:s6], [sflag:s4] =	dma.local [hbm:s3], $0xF7A  }
0x26: {  	[smem:$0x3F9D] =	sst s1;
	(tag) =	ssettag s2;
	_ =	strace s9  }
0x27: {  	s1 =	sld [smem:$0x3FAD]  }
0x28: {  	s2 =	sld [smem:$0x3FAE]  }
0x29: {  	s4 =	sld [smem:$0x3FB0]  }
0x2a: {  	p0 =	seq.s32 s5, $0x0;
	s5 =	sld [smem:$0x3FB1]  }
0x2b: {  	s6 =	sld [smem:$0x3FB2]  }
0x2c: {  	s7 =	sld [smem:$0x3FB3]  }
0x2d: {  	s3 =	simm.s32 $0x108;
	s8 =	sld [smem:$0x3FB4]  }
0x2e: {  	s3 =	simm.s32 @!p0 $0x1082;
	s9 =	sld [smem:$0x3FB5]  }
0x2f: {  	lr =	sadd.s32 s0, s3;
	s0 =	sld [smem:$0x3FAC]  }
0x30: {  	s3 =	sld [smem:$0x3FAF]  }
0x31: {  	[smem:$0x3FB8] =	sst s10  }
0x32: {  	s10 =	sld [smem:$0x3FB6];
	_ =	sdelay $0x3  }
0x33: {  	p0 =	seq.s32 s10, $0x1;
	s10 =	sld [smem:$0x3FB8];
	_ =	sdelay $0x3  }
0x34: {  	[smem:$0x3FB8] =	sst s10  }
0x35: {  	s10 =	sld [smem:$0x3FB7];
	_ =	sdelay $0x3  }
0x36: {  	p1 =	seq.s32 s10, $0x1;
	s10 =	sld [smem:$0x3FB8];
	_ =	sdelay $0x3  }
0x37: {  	[smem:$0x3FB8] =	sst s10  }
0x38: {  	s10 =	sld [smem:$0x3FB9]  }
0x39: {  	_ = 	snop;
	(pc) =	sbr.ind lr, $3  }
0x3a: {  	_ = 	snop  }
0x3b: {  	_ = 	snop  }
0x3c: {  	p2 =	seq.s32 s10, $0x1;
	s10 =	sld [smem:$0x3FB8]  }
0x3d: {  	_ =	shalt  }
0x3e: {  	_ =	shalt  }
0x3f: {  	_ =	shalt  }
0x40: {  	_ =	shalt  }
0x41: {  	_ =	shalt  }
0x42: {  	_ =	shalt  }
0x43: {  	_ =	shalt  }
0x44: {  	_ =	shalt  }
0x45: {  	_ =	shalt  }
0x46: {  	_ =	shalt  }
0x47: {  	_ =	shalt  }
0x48: {  	_ =	shalt  }
0x49: {  	_ =	shalt  }
0x4a: {  	_ =	shalt  }
0x4b: {  	_ =	shalt  }
0x4c: {  	_ =	shalt  }
0x4d: {  	_ =	shalt  }
0x4e: {  	_ =	shalt  }
0x4f: {  	_ =	shalt  }
0x50: {  	_ =	shalt  }
0x51: {  	_ =	shalt  }
0x52: {  	_ =	shalt  }
0x53: {  	_ =	shalt  }
0x54: {  	_ =	shalt  }
0x55: {  	_ =	shalt  }
0x56: {  	_ =	shalt  }
0x57: {  	_ =	shalt  }
0x58: {  	_ =	shalt  }
0x59: {  	_ =	shalt  }
0x5a: {  	_ =	shalt  }
0x5b: {  	_ =	shalt  }
0x5c: {  	_ =	shalt  }
0x5d: {  	_ =	shalt  }
0x5e: {  	_ =	shalt  }
0x5f: {  	_ =	shalt  }
0x60: {  	_ =	shalt  }
0x61: {  	_ =	shalt  }
0x62: {  	_ =	shalt  }
0x63: {  	_ =	shalt  }
0x64: {  	_ =	shalt  }
0x65: {  	_ =	shalt  }
0x66: {  	_ =	shalt  }
0x67: {  	_ =	shalt  }
0x68: {  	_ =	shalt  }
0x69: {  	_ =	shalt  }
0x6a: {  	_ =	shalt  }
0x6b: {  	_ =	shalt  }
0x6c: {  	_ =	shalt  }
0x6d: {  	_ =	shalt  }
0x6e: {  	_ =	shalt  }
0x6f: {  	_ =	shalt  }
0x70: {  	_ =	shalt  }
0x71: {  	_ =	shalt  }
0x72: {  	_ =	shalt  }
0x73: {  	_ =	shalt  }
0x74: {  	_ =	shalt  }
0x75: {  	_ =	shalt  }
0x76: {  	_ =	shalt  }
0x77: {  	_ =	shalt  }
0x78: {  	_ =	shalt  }
0x79: {  	_ =	shalt  }
0x7a: {  	_ =	shalt  }
0x7b: {  	_ =	shalt  }
0x7c: {  	_ =	shalt  }
0x7d: {  	_ =	shalt  }
0x7e: {  	_ =	shalt  }
0x7f: {  	_ =	shalt  }
0x80: {  	_ =	shalt  }
0x81: {  	_ =	shalt  }
0x82: {  	_ =	shalt  }
0x83: {  	_ =	shalt  }
0x84: {  	_ =	shalt  }
0x85: {  	_ =	shalt  }
0x86: {  	_ =	shalt  }
0x87: {  	_ =	shalt  }
.Lfunc_end0:
.L_simem_size_0:
called_computation_lowered:
.L_overlay_start_0:
0x88: {  	s2 =	sld [smem:$0x3FD9]  }
0x89: {  	s3 =	sld [smem:$0x3FFE];
	_ =	sdelay $0x1  }
0x8a: {  	s1 =	srdreg.scid  }
0x8b: {  	s0 =	sand.u32 $0x1, s1  }
0x8c: {  	s14 =	sshll.u32 s0, $0xA;
	s2 =	sadd.s32 s3, s2  }
0x8d: {  	s2 =	sadd.s32 s2, s14  }
0x8e: {  	[smem:$0x3FC4] =	sst s2  }
0x8f: {  	_ = 	snop  }
0x90: {  	s2 =	sld [smem:$0x3FD0];
	_ =	sdelay $0x2  }
0x91: {  	s15 =	simm.s32 $0xA;
	s4 =	simm.s32 $0x10  }
0x92: {  	[smem:s4], [sflag:s15] =	dma.local [hbm:s2], $0x1  }
0x93: {  	_ =	swait.eq [sflag:s15], $0x1  }
0x94: {  	[sflag:s15] =	ssyncset.done $0x0  }
0x95: {  	s16 =	sld [smem:$0x10];
	[sflag:s15] =	ssyncadd.s32 $0xFFFFFFFF  }
0x96: {  	s17 =	sld [smem:$0x11];
	(tm) =	ssettm $0x1  }
0x97: {  	s18 =	sld [smem:$0x3FFB];
	_ =	sdelay $0x3  }
0x98: {  	_ =	strace s18  }
0x99: {  	s4 =	sld [smem:$0x3FFC];
	_ =	sdelay $0x3  }
0x9a: {  	_ =	strace s4  }
0x9b: {  	s4 =	sld [smem:$0x3FFD];
	_ =	sdelay $0x3  }
0x9c: {  	_ =	strace s4  }
0x9d: {  	_ =	strace $0x8FFFFFFF  }
0x9e: {  	s19 =	sld [smem:$0x3FDB];
	_ =	sdelay $0x1  }
0x9f: {  	s5 =	simm.s32 $_scs_section_size  }
0xa0: {  	s6 =	simm.s32 $_size__tile_overlayer_lowered;
	s7 =	simm.s32 $_tile_overlayer_lowered  }
0xa1: {  	s22 =	simm.s32 $0x1BFF;
	s21 =	sshll.u32 s7, $0x1;
	s4 =	sadd.s32 s5, s19  }
0xa2: {  	s8 =	simm.s32 $0x0;
	s20 =	sshll.u32 s6, $0x1;
	s6 =	sadd.s32 s21, s4  }
0xa3: {  	[timem:s8], [sflag:s22] =	dma.local [hbm:s6], s20  }
0xa4: {  	_ =	swait.ge [sflag:s22], s20  }
0xa5: {  	s5 =	ssub.s32 $0x0, s20;
	[sflag:s22] =	ssyncset.done $0x0  }
0xa6: {  	[sflag:s22] =	ssyncadd.s32 s5;
	_ =	sdelay $0x1  }
0xa7: {  	s23 =	simm.s32 $0x1B8B  }
0xa8: {  	_ =	swait.ge [sflag:s23], $0x1  }
0xa9: {  	[sflag:s23] =	ssyncset.done $0x0  }
0xaa: {  	s25 =	simm.s32 $0x1B8E;
	s24 =	sld [smem:$0x3FFE];
	[sflag:s23] =	ssyncadd.s32 $0xFFFFFFFF  }
0xab: {  	s26 =	simm.s32 $execute0_lowered;
	[smem:$0x3FD2] =	sst s25  }
0xac: {  	s6 =	sshll.u32 s26, $0x1;
	_ =	strace $0x80000046;
	[dreg:$0x1] =	wrdreg $0xFFFFFFFF  }
0xad: {  	s28 =	simm.s32 $_size_execute0_lowered;
	s4 =	sadd.s32 s4, s6;
	[dreg:$0x0] =	wrdreg $0x0  }
0xae: {  	s6 =	sshll.u32 s28, $0x1;
	[dreg:$0x2] =	wrdreg s4  }
0xaf: {  	[dreg:$0x3] =	wrdreg s6  }
0xb0: {  	[dreg:$0x4] =	wrdreg $0xC0  }
0xb1: {  	_ =	task [dreg:s8], $0x5FFFF  }
0xb2: {  	[dreg:$0x1] =	wrdreg $0xFFFFFFFF  }
0xb3: {  	[dreg:$0x0] =	wrdreg $0x60  }
0xb4: {  	[dreg:$0x2] =	wrdreg s24  }
0xb5: {  	[dreg:$0x3] =	wrdreg s16  }
0xb6: {  	[dreg:$0x4] =	wrdreg s17  }
0xb7: {  	[dreg:$0x5] =	wrdreg $0x48000  }
0xb8: {  	[dreg:$0x6] =	wrdreg $0x9  }
0xb9: {  	_ =	task.clear_ibuf [dreg:s8], $0x7FFFF;
	_ =	strace $0x90000046  }
0xba: {  	s29 =	simm.s32 $0x9;
	_ =	strace $0x80000048  }
0xbb: {  	_ =	swait.ge [sflag:s29], $0x1  }
0xbc: {  	[sflag:s29] =	ssyncadd.s32 $0xFFFFFFFF  }
0xbd: {  	_ =	strace $0x90000048  }
0xbe: {  	_ =	sfence  }
0xbf: {  	s30 =	sld [smem:$0x0];
	_ =	sdelay $0x2  }
0xc0: {  	s31 =	sshll.u32 s1, $0xD;
	s1 =	sshrl.u32 s1, $0x2  }
0xc1: {  	s3 =	sand.u32 $0x4000, s31;
	s1 =	sadd.s32 s1, s30  }
0xc2: {  	s0 =	sor.u32 s3, s0;
	s1 =	sshll.u32 s1, $0x11  }
0xc3: {  	s0 =	sor.u32 s1, s0  }
0xc4: {  	s0 =	sadd.s32 $0x8F2B, s0  }
0xc5: {  	[sflag:s0] =	ssyncadd.remote.s32 $0x1  }
0xc6: {  	_ =	sfence.sel $0xFFFF  }
0xc7: {  	[dreg:$0x0] =	wrdreg $0xFFFFFFFF;
	(pc) =	sbr.abs _section_cstart, $3  }
0xc8: {  	[dreg:$0x1] =	wrdreg $0xFFFFFFFF  }
0xc9: {  	_ =	task.clear_ibuf [dreg:s8], $0x2FFFF;
	_ =	strace $0x9FFFFFFF  }
0xca: {  	(tm) =	ssettm $0x7FFFFFFF  }
0xcb: {  	_ =	shalt  }
tec
execute0_lowered:
.L_overlay_start_1:
0x0: {  	(tag) =	ssettag $0x1  }
0x1: {  	s0 =	rddreg [dreg:$0x0]  }
0x2: {  	s1 =	rddreg [dreg:$0x1]  }
0x3: {  	s2 =	rddreg [dreg:$0x2]  }
0x4: {  	s3 =	rddreg [dreg:$0x3];
	s4 =	srdreg.scid;
	s5 =	simm.s32 $0x0  }
0x5: {  	s12 =	stileid.u32;
	s18 =	simm.s32 $0x2;
	s19 =	simm.s32 $0x4000  }
0x6: {  	s20 =	simm.s32 $0x4400;
	s4 =	sand.u32 $0x1, s4;
	s8 =	smul.u32 $0xC80, s12  }
0x7: {  	s28 =	simm.s32 $0x2000;
	[smem:$0x7FF] =	sst s5;
	s9 =	smul.u32 $0xC800, s4  }
0x8: {  	s10 =	smul.u32 $0x64000, s12;
	s6 =	sadd.s32 $0x1AA00, s0;
	s4 =	ssub.s32 $0x2, s4  }
0x9: {  	s7 =	sadd.s32 $0x2200, s0;
	s11 =	sshrl.u32 s4, $0x1;
	s8 =	sadd.s32 s8, s9  }
0xa: {  	s10 =	sshrl.u32 s10, $0x2;
	s4 =	ssub.s32 s4, s11;
	s8 =	sshll.u32 s8, $0x2  }
0xb: {  	s26 =	smax.u32 s4, $0x1;
	s0 =	sadd.s32 s8, s0;
	s8 =	sadd.s32 s10, s3  }
0xc: {  	_ =	strace $0x80000047;
	[dreg:$0xc] =	wrdreg s26;
	s10 =	sadd.s32 $0x4000, s8  }
0xd: {  	s29 =	simm.s32 $0x4380;
	s21 =	sadd.s32 $0x8000, s8;
	[dreg:$0x5] =	wrdreg s10  }
0xe: {  	s30 =	simm.s32 $0x3000;
	s22 =	sadd.s32 $0xC000, s8;
	[dreg:$0x6] =	wrdreg s21  }
0xf: {  	s31 =	simm.s32 $0x1;
	s23 =	sadd.s32 $0x10000, s8;
	[dreg:$0x7] =	wrdreg s22  }
0x10: {  	s15 =	smul.u32 $0xC400, s12;
	s24 =	sadd.s32 $0x14000, s8;
	[dreg:$0x8] =	wrdreg s23  }
0x11: {  	v0 =	vmov s9;
	s9 =	simm.s32 $0x4780;
	s25 =	sadd.s32 $0x18000, s8;
	[dreg:$0x9] =	wrdreg s24  }
0x12: {  	s4 =	simm.s32 $0x4700;
	s0 =	sadd.s32 $0x7EA00, s0;
	[dreg:$0xa] =	wrdreg s25  }
0x13: {  	s26 =	simm.s32 $0x4300;
	[dreg:$0xb] =	wrdreg s0;
	s21 =	simm.s32 $0x4600  }
0x14: {  	s22 =	simm.s32 $0x80;
	s23 =	simm.s32 $0x4200;
	s24 =	simm.s32 $0x4280  }
0x15: {  	v1 =	vimm.f32 $0.0e+00;
	s25 =	simm.s32 $0x1000;
	s0 =	simm.s32 $0x4680;
	s10 =	simm.s32 $0x0  }
.LBB2_1:
0x16: {  	s11 =	simm.s32 $0x80;
	s12 =	simm.s32 $0x0  }
.LBB2_2:
0x17: {  	p0 =	sne.s32 s11, $0xFF80;
	[tilespmem:s12+$0x0] =	vst v1;
	s13 =	smov.u32 s11;
	s11 =	sadd.s32 $0x80, s11  }
.Ltmp0:
0x18: {  	[tilespmem:s12+$0x10] =	vst v1;
	(pc) =	sbr.rel @p0 .LBB2_2-.Ltmp0, $2  }
0x19: {  	_ =	sdelay $0x2  }
0x1a: {  	s12 =	sshra.s32 s13, $0x2  }
0x1b: {  	[tilespmem:s12+$0x0] =	vst v1  }
0x1c: {  	[tilespmem:s12+$0x10] =	vst v1;
	s11 =	simm.s32 $0x0  }
0x1d: {  	[spmem:s8] =	stream.linear.scatter [tilespmem:s11], [sflag:$0x2], $0x4000, $0x38;
	[tilespmem:$0x1D800] =	vst v63  }
0x1e: {  	_ =	swait.ge [sflag:s18], $0x4000  }
0x1f: {  	[sflag:s18] =	ssyncset.done $0x0  }
0x20: {  	s16 =	rddreg [dreg:$0x5];
	[sflag:s18] =	ssyncadd.s32 $0xFFFFC000  }
0x21: {  	[spmem:s16] =	stream.linear.scatter [tilespmem:s11], [sflag:$0x2], $0x4000, $0x38;
	[tilespmem:$0x1D800] =	vst v63  }
0x22: {  	_ =	swait.ge [sflag:s18], $0x4000  }
0x23: {  	[sflag:s18] =	ssyncset.done $0x0  }
0x24: {  	s17 =	rddreg [dreg:$0x6];
	[sflag:s18] =	ssyncadd.s32 $0xFFFFC000  }
0x25: {  	[spmem:s17] =	stream.linear.scatter [tilespmem:s11], [sflag:$0x2], $0x4000, $0x38;
	[tilespmem:$0x1D800] =	vst v63  }
0x26: {  	_ =	swait.ge [sflag:s18], $0x4000  }
0x27: {  	[sflag:s18] =	ssyncset.done $0x0  }
0x28: {  	s13 =	rddreg [dreg:$0x7];
	[sflag:s18] =	ssyncadd.s32 $0xFFFFC000  }
0x29: {  	[spmem:s13] =	stream.linear.scatter [tilespmem:s11], [sflag:$0x2], $0x4000, $0x38;
	[tilespmem:$0x1D800] =	vst v63  }
0x2a: {  	_ =	swait.ge [sflag:s18], $0x4000  }
0x2b: {  	[sflag:s18] =	ssyncset.done $0x0  }
0x2c: {  	s14 =	rddreg [dreg:$0x8];
	[sflag:s18] =	ssyncadd.s32 $0xFFFFC000  }
0x2d: {  	[spmem:s14] =	stream.linear.scatter [tilespmem:s11], [sflag:$0x2], $0x4000, $0x38;
	[tilespmem:$0x1D800] =	vst v63  }
0x2e: {  	_ =	swait.ge [sflag:s18], $0x4000  }
0x2f: {  	[sflag:s18] =	ssyncset.done $0x0  }
0x30: {  	s16 =	rddreg [dreg:$0x9];
	[sflag:s18] =	ssyncadd.s32 $0xFFFFC000  }
0x31: {  	[spmem:s16] =	stream.linear.scatter [tilespmem:s11], [sflag:$0x2], $0x4000, $0x38;
	[tilespmem:$0x1D800] =	vst v63  }
0x32: {  	_ =	swait.ge [sflag:s18], $0x4000  }
0x33: {  	[sflag:s18] =	ssyncset.done $0x0  }
0x34: {  	s17 =	rddreg [dreg:$0xa];
	[sflag:s18] =	ssyncadd.s32 $0xFFFFC000  }
0x35: {  	[spmem:s17] =	stream.linear.scatter [tilespmem:s11], [sflag:$0x2], $0x1000, $0x38;
	[tilespmem:$0x1D800] =	vst v63  }
0x36: {  	_ =	swait.ge [sflag:s18], $0x1000  }
0x37: {  	[sflag:s18] =	ssyncset.done $0x0  }
0x38: {  	[sflag:s18] =	ssyncadd.s32 $0xFFFFF000  }
0x39: {  	s12 =	simm.s32 $0x0;
	[bflag:$0x0] =	sbarrier.arrive $0xFFFF  }
.LBB2_4:
0x3a: {  	s13 =	sshll.u32 s12, $0x9  }
0x3b: {  	s13 =	sadd.s32 s15, s13  }
0x3c: {  	s13 =	sshrl.u32 s13, $0x3  }
0x3d: {  	s14 =	sadd.s32 s1, s13  }
0x3e: {  	[tilespmem:s19], [sflag:$0x2] =	stream.linear.gather [hbm4b:s14+s11], $0x200, $0x38;
	[tilespmem:$0x1D800] =	vst v63  }
0x3f: {  	_ =	swait.ge [sflag:s18], $0x200  }
0x40: {  	[sflag:s18] =	ssyncset.done $0x0  }
0x41: {  	s17 =	sadd.s32 s2, s13;
	[sflag:s18] =	ssyncadd.s32 $0xFFFFFE00  }
0x42: {  	[tilespmem:s20], [sflag:$0x2] =	stream.linear.gather [hbm4b:s17+s11], $0x200, $0x38;
	[tilespmem:$0x1D800] =	vst v63  }
0x43: {  	_ =	swait.ge [sflag:s18], $0x200  }
0x44: {  	[sflag:s18] =	ssyncset.done $0x0  }
0x45: {  	s13 =	sadd.s32 s7, s13;
	[sflag:s18] =	ssyncadd.s32 $0xFFFFFE00  }
0x46: {  	[tilespmem:s21], [sflag:$0x2] =	stream.linear.gather [hbm4b:s13+s11], $0x200, $0x38;
	[tilespmem:$0x1D800] =	vst v63  }
0x47: {  	_ =	swait.ge [sflag:s18], $0x200  }
0x48: {  	[sflag:s18] =	ssyncset.done $0x0  }
0x49: {  	s13 =	simm.s32 $0x0;
	[sflag:s18] =	ssyncadd.s32 $0xFFFFFE00  }
0x4a: {  	s14 =	simm.s32 $0x40;
	v2 =	vld [tilespmem:s13+$0x4000]  }
.LBB2_5:
0x4b: {  	p0 =	sne.s32 s14, $0x7C0  }
.Ltmp1:
0x4c: {  	_ = 	snop;
	(pc) =	sbr.rel @p0 .LBB2_5-.Ltmp1, $3  }
0x4d: {  	_ =	sdelay $0x1  }
0x4e: {  	s16 =	sshra.s32 s14, $0x2;
	s14 =	sadd.s32 $0x40, s14;
	v3 =	vadd.s32 v0, v2  }
0x4f: {  	v2 =	vld [tilespmem:s16+$0x4000];
	[tilespmem:s13+$0x4200] =	vst v3;
	s13 =	smov.u32 s16  }
0x50: {  	_ =	sdelay $0x3  }
0x51: {  	v2 =	vadd.s32 v0, v2  }
0x52: {  	s17 =	simm.s32 $0x0;
	[tilespmem:s13+$0x4200] =	vst v2  }
0x53: {  	[tilespmem:s17], [sflag:$0x1] =	stream.indirect.gather [hbm4b:s6+s22], $0x20, s23, s22, $0xb8;
	[tilespmem:$0x1D800] =	vst v63  }
0x54: {  	_ = 	snop  }
0x55: {  	[tilespmem:s25], [sflag:$0x1] =	stream.indirect.gather [hbm4b:s6+s22], $0x20, s24, s22, $0xb8;
	[tilespmem:$0x1D800] =	vst v63  }
0x56: {  	_ = 	snop  }
0x57: {  	[tilespmem:s28], [sflag:$0x1] =	stream.indirect.gather [hbm4b:s6+s22], $0x20, s26, s22, $0xb8;
	[tilespmem:$0x1D800] =	vst v63  }
0x58: {  	_ = 	snop  }
0x59: {  	[tilespmem:s30], [sflag:$0x1] =	stream.indirect.gather [hbm4b:s6+s22], $0x20, s29, s22, $0xb8;
	[tilespmem:$0x1D800] =	vst v63  }
0x5a: {  	_ =	swait.ge [sflag:s31], $0x1000  }
0x5b: {  	[sflag:s31] =	ssyncset.done $0x0  }
0x5c: {  	[sflag:s31] =	ssyncadd.s32 $0xFFFFF000  }
0x5d: {  	_ =	swait.ge [sflag:s31], $0x1000  }
0x5e: {  	[sflag:s31] =	ssyncset.done $0x0  }
0x5f: {  	[sflag:s31] =	ssyncadd.s32 $0xFFFFF000  }
0x60: {  	_ =	swait.ge [sflag:s31], $0x1000  }
0x61: {  	[sflag:s31] =	ssyncset.done $0x0  }
0x62: {  	[sflag:s31] =	ssyncadd.s32 $0xFFFFF000  }
0x63: {  	_ =	swait.ge [sflag:s31], $0x1000  }
0x64: {  	[sflag:s31] =	ssyncset.done $0x0  }
0x65: {  	s13 =	simm.s32 $0x100;
	[sflag:s31] =	ssyncadd.s32 $0xFFFFF000  }
0x66: {  	v7 =	vld [tilespmem:s13+$0xFFFFFFA0]  }
0x67: {  	v5 =	vld [tilespmem:s13+$0xFFFFFFF0]  }
0x68: {  	v2 =	vld [tilespmem:s13+$0xFFFFFF60]  }
0x69: {  	v8 =	vld [tilespmem:s13+$0xFFFFFFD0]  }
0x6a: {  	v9 =	vld [tilespmem:s13+$0x80]  }
0x6b: {  	v12 =	vld [tilespmem:s13+$0xFFFFFF10]  }
0x6c: {  	v16 =	vld [tilespmem:s13+$0xE0]  }
0x6d: {  	v11 =	vld [tilespmem:s13+$0xFFFFFF40]  }
0x6e: {  	s14 =	simm.s32 $0x0;
	v3 =	vld [tilespmem:s13+$0xFFFFFF90]  }
0x6f: {  	v4 =	vld [tilespmem:s14+$0x4400]  }
0x70: {  	v10 =	vld [tilespmem:s13+$0xFFFFFFC0]  }
0x71: {  	v13 =	vld [tilespmem:s13+$0xFFFFFF00]  }
0x72: {  	v14 =	vld [tilespmem:s13+$0xD0]  }
0x73: {  	v23 =	vld [tilespmem:s13+$0xC0]  }
0x74: {  	v21 =	vld [tilespmem:s13+$0x90];
	v19 =	vbroadcast v4, $0x0;
	v6 =	vbroadcast v4, $0xF  }
0x75: {  	v22 =	vld [tilespmem:s13+$0xFFFFFF50];
	v20 =	vbroadcast v4, $0x2;
	v18 =	vbroadcast v4, $0xE  }
0x76: {  	v17 =	vld [tilespmem:s13+$0xB0];
	v15 =	vbroadcast v4, $0xC;
	v25 =	vmul.f32 v19, v13  }
0x77: {  	s16 =	simm.s32 $0x100;
	s14 =	simm.s32 $0x40;
	v13 =	vbroadcast v4, $0xD;
	v24 =	vmul.f32 v11, v20;
	v11 =	vld [tilespmem:s13+$0x60]  }
.LBB2_7:
0x78: {  	p0 =	sne.s32 s14, $0x7C0  }
0x79: {  	[tilespmem:s13+$0xFFFFFF00] =	vst v25;
	v25 =	vld [tilespmem:s13+$0xFFFFFFB0];
	v23 =	vmul.f32 v23, v18;
	v16 =	vmul.f32 v16, v6;
	s16 =	sadd.s32 $0x200, s16;
	s17 =	smov.u32 s14;
	s14 =	sadd.s32 $0x40, s14  }
0x7a: {  	[tilespmem:s13+$0xFFFFFF40] =	vst v24;
	v24 =	vbroadcast v4, $0xA;
	v21 =	vmul.f32 v21, v15;
	v26 =	vld [tilespmem:s13+$0xA0]  }
0x7b: {  	v12 =	vmul.f32 v12, v19;
	v19 =	vmul.f32 v22, v20;
	v20 =	vld [tilespmem:s13+$0x70];
	[tilespmem:s13+$0xE0] =	vst v16  }
0x7c: {  	v16 =	vbroadcast v4, $0x5;
	v22 =	vld [tilespmem:s13+$0xFFFFFFE0];
	v17 =	vmul.f32 v17, v13;
	[tilespmem:s13+$0xC0] =	vst v23  }
0x7d: {  	v14 =	vmul.f32 v14, v18;
	[tilespmem:s13+$0xFFFFFF10] =	vst v12;
	v12 =	vbroadcast v4, $0x6;
	v23 =	vld [tilespmem:s13+$0x40]  }
0x7e: {  	v27 =	vbroadcast v4, $0xB;
	v7 =	vmul.f32 v7, v16;
	v18 =	vld [tilespmem:s13+$0xFFFFFF20];
	[tilespmem:s13+$0x90] =	vst v21  }
0x7f: {  	v21 =	vbroadcast v4, $0x9;
	[tilespmem:s13+$0xFFFFFF50] =	vst v19;
	v19 =	vld [tilespmem:s13+$0x20];
	v13 =	vmul.f32 v26, v13  }
0x80: {  	v16 =	vmul.f32 v25, v16;
	v25 =	vld [tilespmem:s13+$0x50];
	v20 =	vmul.f32 v20, v27;
	[tilespmem:s13+$0xD0] =	vst v14  }
0x81: {  	v9 =	vmul.f32 v9, v15;
	v14 =	vbroadcast v4, $0x7;
	v26 =	vld [tilespmem:s13+$0x30];
	[tilespmem:s13+$0xA0] =	vst v13  }
0x82: {  	v10 =	vmul.f32 v10, v12;
	v13 =	vbroadcast v4, $0x3;
	v15 =	vld [tilespmem:s13+$0x0];
	[tilespmem:s13+$0x70] =	vst v20  }
0x83: {  	v11 =	vmul.f32 v11, v27;
	v8 =	vmul.f32 v8, v12;
	v12 =	vld [tilespmem:s13+$0x10];
	[tilespmem:s13+$0x80] =	vst v9  }
0x84: {  	v20 =	vbroadcast v4, $0x8;
	v23 =	vmul.f32 v23, v24;
	v9 =	vld [tilespmem:s13+$0xFFFFFF30];
	[tilespmem:s13+$0xB0] =	vst v17  }
0x85: {  	v17 =	vbroadcast v4, $0x1;
	v27 =	vld [tilespmem:s13+$0xFFFFFF70];
	[tilespmem:s13+$0xFFFFFFD0] =	vst v8;
	v24 =	vmul.f32 v25, v24  }
0x86: {  	v5 =	vmul.f32 v5, v14;
	v8 =	vmul.f32 v22, v14;
	[tilespmem:s13+$0xFFFFFFC0] =	vst v10;
	v10 =	vld [tilespmem:s13+$0xF0]  }
0x87: {  	v22 =	vmul.f32 v26, v21;
	v14 =	vld [tilespmem:s13+$0xFFFFFF80];
	[tilespmem:s13+$0xFFFFFFA0] =	vst v7;
	v15 =	vmul.f32 v15, v20  }
0x88: {  	v7 =	vld [tilespmem:s16+$0xFFFFFFA0];
	[tilespmem:s13+$0xFFFFFFF0] =	vst v5;
	v20 =	vmul.f32 v12, v20;
	v12 =	vmul.f32 v19, v21  }
0x89: {  	v5 =	vmul.f32 v18, v17;
	v17 =	vmul.f32 v9, v17;
	[tilespmem:s13+$0x60] =	vst v11  }
0x8a: {  	v2 =	vmul.f32 v2, v13;
	v9 =	vmul.f32 v27, v13;
	[tilespmem:s13+$0xFFFFFFB0] =	vst v16  }
0x8b: {  	v4 =	vbroadcast v4, $0x4;
	[tilespmem:s13+$0xFFFFFF20] =	vst v5;
	v5 =	vmul.f32 v10, v6  }
0x8c: {  	[tilespmem:s13+$0xFFFFFF60] =	vst v2  }
0x8d: {  	v6 =	vmul.f32 v14, v4;
	v2 =	vmul.f32 v3, v4;
	[tilespmem:s13+$0x40] =	vst v23  }
0x8e: {  	[tilespmem:s13+$0xFFFFFFE0] =	vst v8  }
0x8f: {  	[tilespmem:s13+$0xF0] =	vst v5  }
0x90: {  	[tilespmem:s13+$0xFFFFFF90] =	vst v2  }
0x91: {  	v5 =	vld [tilespmem:s16+$0xFFFFFFF0];
	[tilespmem:s13+$0xFFFFFF70] =	vst v9  }
0x92: {  	v2 =	vld [tilespmem:s16+$0xFFFFFF60];
	[tilespmem:s13+$0x20] =	vst v12  }
0x93: {  	v8 =	vld [tilespmem:s16+$0xFFFFFFD0];
	[tilespmem:s13+$0x30] =	vst v22  }
0x94: {  	v9 =	vld [tilespmem:s16+$0x80];
	[tilespmem:s13+$0xFFFFFF80] =	vst v6  }
0x95: {  	v12 =	vld [tilespmem:s16+$0xFFFFFF10];
	[tilespmem:s13+$0x50] =	vst v24  }
0x96: {  	v16 =	vld [tilespmem:s16+$0xE0];
	[tilespmem:s13+$0x0] =	vst v15  }
0x97: {  	v11 =	vld [tilespmem:s16+$0xFFFFFF40];
	[tilespmem:s13+$0xFFFFFF30] =	vst v17  }
0x98: {  	s17 =	sshra.s32 s17, $0x2;
	v3 =	vld [tilespmem:s16+$0xFFFFFF90];
	[tilespmem:s13+$0x10] =	vst v20;
	s13 =	smov.u32 s16  }
0x99: {  	v4 =	vld [tilespmem:s17+$0x4400]  }
0x9a: {  	v10 =	vld [tilespmem:s16+$0xFFFFFFC0]  }
0x9b: {  	v13 =	vld [tilespmem:s16+$0xFFFFFF00]  }
0x9c: {  	v14 =	vld [tilespmem:s16+$0xD0]  }
.Ltmp2:
0x9d: {  	v23 =	vld [tilespmem:s16+$0xC0];
	(pc) =	sbr.rel @p0 .LBB2_7-.Ltmp2, $4  }
0x9e: {  	v19 =	vbroadcast v4, $0x0;
	v21 =	vld [tilespmem:s16+$0x90];
	v6 =	vbroadcast v4, $0xF  }
0x9f: {  	v20 =	vbroadcast v4, $0x2;
	v18 =	vbroadcast v4, $0xE;
	v22 =	vld [tilespmem:s16+$0xFFFFFF50]  }
0xa0: {  	v25 =	vmul.f32 v19, v13;
	v13 =	vbroadcast v4, $0xD;
	v17 =	vld [tilespmem:s16+$0xB0]  }
0xa1: {  	v15 =	vbroadcast v4, $0xC;
	v24 =	vmul.f32 v11, v20;
	v11 =	vld [tilespmem:s16+$0x60]  }
0xa2: {  	[tilespmem:s13+$0xFFFFFF00] =	vst v25;
	v16 =	vmul.f32 v16, v6  }
0xa3: {  	v23 =	vmul.f32 v23, v18;
	[tilespmem:s13+$0xFFFFFF40] =	vst v24  }
0xa4: {  	v12 =	vmul.f32 v12, v19;
	[tilespmem:s13+$0xE0] =	vst v16  }
0xa5: {  	v34 =	vmul.f32 v14, v18;
	[tilespmem:s13+$0xC0] =	vst v23  }
0xa6: {  	v32 =	vmul.f32 v21, v15;
	[tilespmem:s13+$0xFFFFFF10] =	vst v12  }
0xa7: {  	v40 =	vbroadcast v4, $0x6;
	v9 =	vmul.f32 v9, v15;
	[tilespmem:s13+$0xD0] =	vst v34  }
0xa8: {  	v20 =	vmul.f32 v22, v20;
	[tilespmem:s13+$0x90] =	vst v32  }
0xa9: {  	v44 =	vbroadcast v4, $0x5;
	v8 =	vmul.f32 v8, v40;
	[tilespmem:s13+$0x80] =	vst v9  }
0xaa: {  	v46 =	vbroadcast v4, $0x7;
	v10 =	vmul.f32 v10, v40;
	[tilespmem:s13+$0xFFFFFF50] =	vst v20  }
0xab: {  	v53 =	vbroadcast v4, $0x3;
	v7 =	vmul.f32 v7, v44;
	[tilespmem:s13+$0xFFFFFFD0] =	vst v8  }
0xac: {  	v30 =	vld [tilespmem:s13+$0xA0];
	v58 =	vbroadcast v4, $0x4;
	v5 =	vmul.f32 v5, v46;
	[tilespmem:s13+$0xFFFFFFC0] =	vst v10  }
0xad: {  	v31 =	vld [tilespmem:s13+$0x70];
	v2 =	vmul.f32 v2, v53;
	[tilespmem:s13+$0xFFFFFFA0] =	vst v7  }
0xae: {  	v33 =	vld [tilespmem:s13+$0xFFFFFFB0];
	v36 =	vbroadcast v4, $0xB;
	v3 =	vmul.f32 v3, v58;
	[tilespmem:s13+$0xFFFFFFF0] =	vst v5  }
0xaf: {  	v35 =	vld [tilespmem:s13+$0xFFFFFF20];
	v42 =	vmul.f32 v17, v13;
	[tilespmem:s13+$0xFFFFFF60] =	vst v2  }
0xb0: {  	v39 =	vld [tilespmem:s13+$0x40];
	v11 =	vmul.f32 v11, v36;
	[tilespmem:s13+$0xFFFFFF90] =	vst v3  }
0xb1: {  	v37 =	vld [tilespmem:s13+$0xFFFFFFE0];
	v38 =	vmul.f32 v30, v13;
	[tilespmem:s13+$0xB0] =	vst v42  }
0xb2: {  	v51 =	vbroadcast v4, $0x1;
	v54 =	vld [tilespmem:s13+$0xF0];
	v19 =	vmul.f32 v31, v36;
	[tilespmem:s13+$0x60] =	vst v11  }
0xb3: {  	v48 =	vld [tilespmem:s13+$0xFFFFFF70];
	v55 =	vbroadcast v4, $0xA;
	v52 =	vmul.f32 v33, v44;
	[tilespmem:s13+$0xA0] =	vst v38  }
0xb4: {  	v45 =	vld [tilespmem:s13+$0x30];
	v14 =	vmul.f32 v35, v51;
	[tilespmem:s13+$0x70] =	vst v19  }
0xb5: {  	v49 =	vld [tilespmem:s13+$0xFFFFFF80];
	v57 =	vmul.f32 v39, v55;
	[tilespmem:s13+$0xFFFFFFB0] =	vst v52  }
0xb6: {  	v43 =	vld [tilespmem:s13+$0x20];
	v9 =	vmul.f32 v37, v46;
	[tilespmem:s13+$0xFFFFFF20] =	vst v14  }
0xb7: {  	v56 =	vld [tilespmem:s13+$0xFFFFFF30];
	v59 =	vbroadcast v4, $0x9;
	v2 =	vmul.f32 v54, v6;
	[tilespmem:s13+$0x40] =	vst v57  }
0xb8: {  	v41 =	vld [tilespmem:s13+$0x50];
	v60 =	vmul.f32 v48, v53;
	[tilespmem:s13+$0xFFFFFFE0] =	vst v9  }
0xb9: {  	v47 =	vld [tilespmem:s13+$0x0];
	v3 =	vmul.f32 v45, v59;
	[tilespmem:s13+$0xF0] =	vst v2  }
0xba: {  	v50 =	vld [tilespmem:s13+$0x10];
	v62 =	vmul.f32 v49, v58;
	[tilespmem:s13+$0xFFFFFF70] =	vst v60  }
0xbb: {  	v2 =	vmul.f32 v43, v59;
	[tilespmem:s13+$0x30] =	vst v3  }
0xbc: {  	v61 =	vbroadcast v4, $0x8;
	v63 =	vmul.f32 v56, v51;
	[tilespmem:s13+$0xFFFFFF80] =	vst v62  }
0xbd: {  	[tilespmem:s13+$0x20] =	vst v2;
	v2 =	vmul.f32 v41, v55  }
0xbe: {  	v3 =	vmul.f32 v47, v61;
	[tilespmem:s13+$0xFFFFFF30] =	vst v63  }
0xbf: {  	[tilespmem:s13+$0x50] =	vst v2;
	v2 =	vmul.f32 v50, v61  }
0xc0: {  	[tilespmem:s13+$0x0] =	vst v3  }
0xc1: {  	[tilespmem:s13+$0x10] =	vst v2  }
0xc2: {  	[spmem:s3] =	stream.indirect.scatter.add.f32 [tilespmem:s5], [sflag:$0x2], $0x20, s21, s22, $0xb8;
	[tilespmem:$0x1D800] =	vst v63  }
0xc3: {  	_ =	swait.ge [sflag:s18], $0x1000  }
0xc4: {  	[sflag:s18] =	ssyncset.done $0x0  }
0xc5: {  	[sflag:s18] =	ssyncadd.s32 $0xFFFFF000  }
0xc6: {  	[spmem:s3] =	stream.indirect.scatter.add.f32 [tilespmem:s25], [sflag:$0x2], $0x20, s0, s22, $0xb8;
	[tilespmem:$0x1D800] =	vst v63  }
0xc7: {  	_ =	swait.ge [sflag:s18], $0x1000  }
0xc8: {  	[sflag:s18] =	ssyncset.done $0x0  }
0xc9: {  	[sflag:s18] =	ssyncadd.s32 $0xFFFFF000  }
0xca: {  	[spmem:s3] =	stream.indirect.scatter.add.f32 [tilespmem:s28], [sflag:$0x2], $0x20, s4, s22, $0xb8;
	[tilespmem:$0x1D800] =	vst v63  }
0xcb: {  	s12 =	sadd.s32 $0x1, s12;
	_ =	swait.ge [sflag:s18], $0x1000  }
0xcc: {  	p0 =	sne.s32 s12, $0x62;
	[sflag:s18] =	ssyncset.done $0x0  }
.Ltmp3:
0xcd: {  	[sflag:s18] =	ssyncadd.s32 $0xFFFFF000;
	(pc) =	sbr.rel @p0 .LBB2_4-.Ltmp3, $4  }
0xce: {  	[spmem:s3] =	stream.indirect.scatter.add.f32 [tilespmem:s30], [sflag:$0x2], $0x20, s9, s22, $0xb8;
	[tilespmem:$0x1D800] =	vst v63  }
0xcf: {  	_ =	swait.ge [sflag:s18], $0x1000  }
0xd0: {  	[sflag:s18] =	ssyncset.done $0x0  }
0xd1: {  	[sflag:s18] =	ssyncadd.s32 $0xFFFFF000  }
0xd2: {  	s11 =	stileid.u32  }
0xd3: {  	[bflag:$0x0] =	sbarrier.arrive $0xFFFF;
	s11 =	sshll.u32 s11, $0x6  }
0xd4: {  	s12 =	sshrl.u32 s8, $0x3;
	s13 =	rddreg [dreg:$0xb];
	s11 =	sor.u32 $0x1C02, s11  }
0xd5: {  	[hbm:s13], [sflag:s11] =	dma.local [spmem:s12], $0x3200  }
0xd6: {  	_ =	swait.ge [sflag:s18], $0x3200  }
0xd7: {  	s10 =	sadd.s32 $0x1, s10;
	s17 =	rddreg [dreg:$0xc]  }
0xd8: {  	p0 =	sne.s32 s10, s17  }
.Ltmp4:
0xd9: {  	_ = 	snop;
	(pc) =	sbr.rel @p0 .LBB2_1-.Ltmp4, $3  }
0xda: {  	_ =	sdelay $0x1  }
0xdb: {  	[sflag:s18] =	ssyncset.done $0x0  }
0xdc: {  	[sflag:s18] =	ssyncadd.s32 $0xFFFFCE00  }
0xdd: {  	_ =	sfence.sel $0x180000  }
0xde: {  	[bflag:$0x0] =	sbarrier.arrive $0xFFFF  }
0xdf: {  	_ =	strace $0x90000047  }
0xe0: {  	s0 =	stileid.u32;
	[bflag:$0x2] =	sbarrier.arrive $0xFFFF  }
0xe1: {  	p0 =	sne.s32 s0, $0x0;
	s0 =	rddreg [dreg:$0x4]  }
0xe2: {  	s0 =	sadd.s32 @!p0 $0x100000, s0  }
0xe3: {  	[sflag:s0] =	ssyncadd.tile.s32 @!p0 $0x1;
	_ =	shalt  }
.Lfunc_end2:
_tile_overlayer_lowered:
.L_overlay_start_2:
0xe4: {  	(tag) =	ssettag $0x2  }
0xe5: {  	s0 =	rddreg [dreg:$0x0];
	s2 =	stileid.u32  }
0xe6: {  	s1 =	rddreg [dreg:$0x1];
	p0 =	sne.s32 s2, $0x0  }
0xe7: {  	s3 =	rddreg [dreg:$0x2];
	[bflag:$0x3] =	sbarrier.arrive $0xFFFF;
	s2 =	simm.s32 @!p0 $0x1C02  }
0xe8: {  	[timem:s3], [sflag:s2] =	dma.local @!p0 [hbm:s0], s1  }
0xe9: {  	s0 =	simm.s32 @!p0 $0x2  }
0xea: {  	_ =	swait.ge @!p0 [sflag:s0], s1  }
0xeb: {  	s1 =	ssub.s32 @!p0 $0x0, s1;
	[sflag:s0] =	ssyncset.done @!p0 $0x0  }
0xec: {  	[sflag:s0] =	ssyncadd.s32 @!p0 s1  }
0xed: {  	[bflag:$0x3] =	sbarrier.arrive $0xFFFF  }
0xee: {  	_ =	shalt  }

// kernel: kernel.9.cloned.1.call-start
scs
__scs_entry_jumppad:
0x0: {  	(pc) =	sbr.rel $0x88, $3  }
0x1: {  	(tag) =	ssettag $0x0;
	lr =	simm.s32 $0x1  }
0x2: {  	[smem:$0x3F9D] =	sst lr;
	_ =	strace $0xD0000000  }
0x3: {  	_ = 	snop  }
0x4: {  	_ = 	snop  }
0x5: {  	_ = 	snop  }
0x6: {  	_ = 	snop  }
0x7: {  	_ = 	snop  }
__scs_overlays_trampoline_lowered:
0x8: {  	[smem:$0x3FAC] =	sst s0  }
0x9: {  	[smem:$0x3FAD] =	sst s1  }
0xa: {  	[smem:$0x3FAE] =	sst s2  }
0xb: {  	[smem:$0x3FAF] =	sst s3  }
0xc: {  	[smem:$0x3FB0] =	sst s4  }
0xd: {  	[smem:$0x3FB1] =	sst s5  }
0xe: {  	[smem:$0x3FB2] =	sst s6  }
0xf: {  	[smem:$0x3FB3] =	sst s7  }
0x10: {  	[smem:$0x3FB4] =	sst s8  }
0x11: {  	[smem:$0x3FB5] =	sst s9;
	s0 =	simm.s32 @!p0 $0x0  }
0x12: {  	s1 =	sld [smem:$0x3F9B];
	s0 =	simm.s32 @p0 $0x1  }
0x13: {  	[smem:$0x3FB6] =	sst s0;
	s0 =	simm.s32 @!p1 $0x0  }
0x14: {  	s2 =	sld [smem:$0x3F9A];
	s0 =	simm.s32 @p1 $0x1  }
0x15: {  	[smem:$0x3FB7] =	sst s0;
	s0 =	simm.s32 @!p2 $0x0  }
0x16: {  	s3 =	sld [smem:$0x3FDB];
	s0 =	simm.s32 @p2 $0x1  }
0x17: {  	s4 =	simm.s32 $0x1BF5;
	[smem:$0x3FB9] =	sst s0  }
0x18: {  	s0 =	sld [smem:$0x3F9C];
	_ =	swait.ge [sflag:s4], $0x0  }
0x19: {  	s7 =	sld [smem:$0x3F9D]  }
0x1a: {  	s8 =	sadd.s32 $0xFFFFE003, lr  }
0x1b: {  	s9 =	sadd.s32 $0xFFFFFEF7, lr;
	s5 =	simm.s32 $0xFFFFFFFF;
	p2 =	slt.u32 s8, $0xFFFFF086  }
0x1c: {  	p1 =	slt.u32 s9, $0xF7A;
	s5 =	simm.s32 @!p2 $0x0  }
0x1d: {  	s5 =	simm.s32 @p1 $0x1;
	p0 =	seq.s32 s7, s2  }
0x1e: {  	s7 =	smul.u32 @!p0 $0xF7A, s2;
	p2 =	seq.s32 @!p0 s5, $0x0  }
0x1f: {  	s9 =	smul.u32 $0xF7A, s1;
	s8 =	simm.s32 @!p0 $0x1BF5;
	p2 =	por !p2, p0  }
0x20: {  	[sflag:s8] =	ssyncset.s32 @!p0 $0xFFFFF086;
	s6 =	sadd.s32 @!p0 s3, s7;
	s7 =	simm.s32 @!p0 $0x108  }
0x21: {  	s3 =	sadd.s32 s3, s9;
	s6 =	sadd.s32 @!p0 $0x88, s6;
	s7 =	simm.s32 @p2 $0x1082  }
0x22: {  	[simem:s7], [sflag:s8] =	dma.local @!p0 [hbm:s6], $0xF7A  }
0x23: {  	s9 =	sor.u32 $0xD0000000, s2;
	s6 =	simm.s32 $0x108;
	_ =	swait.ge @!p0 [sflag:s8], $0x0  }
0x24: {  	s3 =	sadd.s32 $0x88, s3;
	s6 =	simm.s32 @!p1 $0x1082;
	[sflag:s4] =	ssyncset.s32 $0xFFFFF086  }
0x25: {  	[simem:s6], [sflag:s4] =	dma.local [hbm:s3], $0xF7A  }
0x26: {  	[smem:$0x3F9D] =	sst s1;
	(tag) =	ssettag s2;
	_ =	strace s9  }
0x27: {  	s1 =	sld [smem:$0x3FAD]  }
0x28: {  	s2 =	sld [smem:$0x3FAE]  }
0x29: {  	s4 =	sld [smem:$0x3FB0]  }
0x2a: {  	p0 =	seq.s32 s5, $0x0;
	s5 =	sld [smem:$0x3FB1]  }
0x2b: {  	s6 =	sld [smem:$0x3FB2]  }
0x2c: {  	s7 =	sld [smem:$0x3FB3]  }
0x2d: {  	s3 =	simm.s32 $0x108;
	s8 =	sld [smem:$0x3FB4]  }
0x2e: {  	s3 =	simm.s32 @!p0 $0x1082;
	s9 =	sld [smem:$0x3FB5]  }
0x2f: {  	lr =	sadd.s32 s0, s3;
	s0 =	sld [smem:$0x3FAC]  }
0x30: {  	s3 =	sld [smem:$0x3FAF]  }
0x31: {  	[smem:$0x3FB8] =	sst s10  }
0x32: {  	s10 =	sld [smem:$0x3FB6];
	_ =	sdelay $0x3  }
0x33: {  	p0 =	seq.s32 s10, $0x1;
	s10 =	sld [smem:$0x3FB8];
	_ =	sdelay $0x3  }
0x34: {  	[smem:$0x3FB8] =	sst s10  }
0x35: {  	s10 =	sld [smem:$0x3FB7];
	_ =	sdelay $0x3  }
0x36: {  	p1 =	seq.s32 s10, $0x1;
	s10 =	sld [smem:$0x3FB8];
	_ =	sdelay $0x3  }
0x37: {  	[smem:$0x3FB8] =	sst s10  }
0x38: {  	s10 =	sld [smem:$0x3FB9]  }
0x39: {  	_ = 	snop;
	(pc) =	sbr.ind lr, $3  }
0x3a: {  	_ = 	snop  }
0x3b: {  	_ = 	snop  }
0x3c: {  	p2 =	seq.s32 s10, $0x1;
	s10 =	sld [smem:$0x3FB8]  }
0x3d: {  	_ =	shalt  }
0x3e: {  	_ =	shalt  }
0x3f: {  	_ =	shalt  }
0x40: {  	_ =	shalt  }
0x41: {  	_ =	shalt  }
0x42: {  	_ =	shalt  }
0x43: {  	_ =	shalt  }
0x44: {  	_ =	shalt  }
0x45: {  	_ =	shalt  }
0x46: {  	_ =	shalt  }
0x47: {  	_ =	shalt  }
0x48: {  	_ =	shalt  }
0x49: {  	_ =	shalt  }
0x4a: {  	_ =	shalt  }
0x4b: {  	_ =	shalt  }
0x4c: {  	_ =	shalt  }
0x4d: {  	_ =	shalt  }
0x4e: {  	_ =	shalt  }
0x4f: {  	_ =	shalt  }
0x50: {  	_ =	shalt  }
0x51: {  	_ =	shalt  }
0x52: {  	_ =	shalt  }
0x53: {  	_ =	shalt  }
0x54: {  	_ =	shalt  }
0x55: {  	_ =	shalt  }
0x56: {  	_ =	shalt  }
0x57: {  	_ =	shalt  }
0x58: {  	_ =	shalt  }
0x59: {  	_ =	shalt  }
0x5a: {  	_ =	shalt  }
0x5b: {  	_ =	shalt  }
0x5c: {  	_ =	shalt  }
0x5d: {  	_ =	shalt  }
0x5e: {  	_ =	shalt  }
0x5f: {  	_ =	shalt  }
0x60: {  	_ =	shalt  }
0x61: {  	_ =	shalt  }
0x62: {  	_ =	shalt  }
0x63: {  	_ =	shalt  }
0x64: {  	_ =	shalt  }
0x65: {  	_ =	shalt  }
0x66: {  	_ =	shalt  }
0x67: {  	_ =	shalt  }
0x68: {  	_ =	shalt  }
0x69: {  	_ =	shalt  }
0x6a: {  	_ =	shalt  }
0x6b: {  	_ =	shalt  }
0x6c: {  	_ =	shalt  }
0x6d: {  	_ =	shalt  }
0x6e: {  	_ =	shalt  }
0x6f: {  	_ =	shalt  }
0x70: {  	_ =	shalt  }
0x71: {  	_ =	shalt  }
0x72: {  	_ =	shalt  }
0x73: {  	_ =	shalt  }
0x74: {  	_ =	shalt  }
0x75: {  	_ =	shalt  }
0x76: {  	_ =	shalt  }
0x77: {  	_ =	shalt  }
0x78: {  	_ =	shalt  }
0x79: {  	_ =	shalt  }
0x7a: {  	_ =	shalt  }
0x7b: {  	_ =	shalt  }
0x7c: {  	_ =	shalt  }
0x7d: {  	_ =	shalt  }
0x7e: {  	_ =	shalt  }
0x7f: {  	_ =	shalt  }
0x80: {  	_ =	shalt  }
0x81: {  	_ =	shalt  }
0x82: {  	_ =	shalt  }
0x83: {  	_ =	shalt  }
0x84: {  	_ =	shalt  }
0x85: {  	_ =	shalt  }
0x86: {  	_ =	shalt  }
0x87: {  	_ =	shalt  }
.Lfunc_end0:
.L_simem_size_0:
called_computation.1_lowered:
.L_overlay_start_0:
0x88: {  	s2 =	sld [smem:$0x3FD9]  }
0x89: {  	s3 =	sld [smem:$0x3FFE];
	_ =	sdelay $0x1  }
0x8a: {  	s1 =	srdreg.scid  }
0x8b: {  	s0 =	sand.u32 $0x1, s1  }
0x8c: {  	s14 =	sshll.u32 s0, $0xA;
	s2 =	sadd.s32 s3, s2  }
0x8d: {  	s2 =	sadd.s32 s2, s14  }
0x8e: {  	[smem:$0x3FC4] =	sst s2  }
0x8f: {  	_ = 	snop  }
0x90: {  	s2 =	sld [smem:$0x3FD0];
	_ =	sdelay $0x2  }
0x91: {  	s15 =	simm.s32 $0xA;
	s4 =	simm.s32 $0x10  }
0x92: {  	[smem:s4], [sflag:s15] =	dma.local [hbm:s2], $0x1  }
0x93: {  	_ =	swait.eq [sflag:s15], $0x1  }
0x94: {  	[sflag:s15] =	ssyncset.done $0x0  }
0x95: {  	s16 =	sld [smem:$0x10];
	[sflag:s15] =	ssyncadd.s32 $0xFFFFFFFF  }
0x96: {  	s17 =	sld [smem:$0x11];
	(tm) =	ssettm $0x1  }
0x97: {  	s18 =	sld [smem:$0x3FFB];
	_ =	sdelay $0x3  }
0x98: {  	_ =	strace s18  }
0x99: {  	s4 =	sld [smem:$0x3FFC];
	_ =	sdelay $0x3  }
0x9a: {  	_ =	strace s4  }
0x9b: {  	s4 =	sld [smem:$0x3FFD];
	_ =	sdelay $0x3  }
0x9c: {  	_ =	strace s4  }
0x9d: {  	_ =	strace $0x8FFFFFFF  }
0x9e: {  	s19 =	sld [smem:$0x3FDB];
	_ =	sdelay $0x1  }
0x9f: {  	s5 =	simm.s32 $_scs_section_size  }
0xa0: {  	s6 =	simm.s32 $_size__tile_overlayer_lowered;
	s7 =	simm.s32 $_tile_overlayer_lowered  }
0xa1: {  	s22 =	simm.s32 $0x1BFF;
	s21 =	sshll.u32 s7, $0x1;
	s4 =	sadd.s32 s5, s19  }
0xa2: {  	s8 =	simm.s32 $0x0;
	s20 =	sshll.u32 s6, $0x1;
	s6 =	sadd.s32 s21, s4  }
0xa3: {  	[timem:s8], [sflag:s22] =	dma.local [hbm:s6], s20  }
0xa4: {  	_ =	swait.ge [sflag:s22], s20  }
0xa5: {  	s5 =	ssub.s32 $0x0, s20;
	[sflag:s22] =	ssyncset.done $0x0  }
0xa6: {  	[sflag:s22] =	ssyncadd.s32 s5;
	_ =	sdelay $0x1  }
0xa7: {  	s23 =	simm.s32 $0x1B8B  }
0xa8: {  	_ =	swait.ge [sflag:s23], $0x1  }
0xa9: {  	[sflag:s23] =	ssyncset.done $0x0  }
0xaa: {  	s25 =	simm.s32 $0x1B8E;
	s24 =	sld [smem:$0x3FFE];
	[sflag:s23] =	ssyncadd.s32 $0xFFFFFFFF  }
0xab: {  	s26 =	simm.s32 $execute0_lowered;
	[smem:$0x3FD2] =	sst s25  }
0xac: {  	s6 =	sshll.u32 s26, $0x1;
	_ =	strace $0x80000049;
	[dreg:$0x1] =	wrdreg $0xFFFFFFFF  }
0xad: {  	s28 =	simm.s32 $_size_execute0_lowered;
	s4 =	sadd.s32 s4, s6;
	[dreg:$0x0] =	wrdreg $0x0  }
0xae: {  	s6 =	sshll.u32 s28, $0x1;
	[dreg:$0x2] =	wrdreg s4  }
0xaf: {  	[dreg:$0x3] =	wrdreg s6  }
0xb0: {  	[dreg:$0x4] =	wrdreg $0xC0  }
0xb1: {  	_ =	task [dreg:s8], $0x5FFFF  }
0xb2: {  	[dreg:$0x1] =	wrdreg $0xFFFFFFFF  }
0xb3: {  	[dreg:$0x0] =	wrdreg $0x60  }
0xb4: {  	[dreg:$0x2] =	wrdreg s24  }
0xb5: {  	[dreg:$0x3] =	wrdreg s16  }
0xb6: {  	[dreg:$0x4] =	wrdreg s17  }
0xb7: {  	[dreg:$0x5] =	wrdreg $0x48000  }
0xb8: {  	[dreg:$0x6] =	wrdreg $0x9  }
0xb9: {  	_ =	task.clear_ibuf [dreg:s8], $0x7FFFF;
	_ =	strace $0x90000049  }
0xba: {  	s29 =	simm.s32 $0x9;
	_ =	strace $0x8000004B  }
0xbb: {  	_ =	swait.ge [sflag:s29], $0x1  }
0xbc: {  	[sflag:s29] =	ssyncadd.s32 $0xFFFFFFFF  }
0xbd: {  	_ =	strace $0x9000004B  }
0xbe: {  	_ =	sfence  }
0xbf: {  	s30 =	sld [smem:$0x0];
	_ =	sdelay $0x2  }
0xc0: {  	s31 =	sshll.u32 s1, $0xD;
	s1 =	sshrl.u32 s1, $0x2  }
0xc1: {  	s3 =	sand.u32 $0x4000, s31;
	s1 =	sadd.s32 s1, s30  }
0xc2: {  	s0 =	sor.u32 s3, s0;
	s1 =	sshll.u32 s1, $0x11  }
0xc3: {  	s0 =	sor.u32 s1, s0  }
0xc4: {  	s0 =	sadd.s32 $0x8F2B, s0  }
0xc5: {  	[sflag:s0] =	ssyncadd.remote.s32 $0x1  }
0xc6: {  	_ =	sfence.sel $0xFFFF  }
0xc7: {  	[dreg:$0x0] =	wrdreg $0xFFFFFFFF;
	(pc) =	sbr.abs _section_cstart, $3  }
0xc8: {  	[dreg:$0x1] =	wrdreg $0xFFFFFFFF  }
0xc9: {  	_ =	task.clear_ibuf [dreg:s8], $0x2FFFF;
	_ =	strace $0x9FFFFFFF  }
0xca: {  	(tm) =	ssettm $0x7FFFFFFF  }
0xcb: {  	_ =	shalt  }
tec
execute0_lowered:
.L_overlay_start_1:
0x0: {  	(tag) =	ssettag $0x1  }
0x1: {  	s0 =	rddreg [dreg:$0x0]  }
0x2: {  	s1 =	rddreg [dreg:$0x1]  }
0x3: {  	s2 =	rddreg [dreg:$0x2]  }
0x4: {  	s3 =	rddreg [dreg:$0x3];
	s4 =	srdreg.scid;
	s5 =	simm.s32 $0x0  }
0x5: {  	s12 =	stileid.u32;
	s18 =	simm.s32 $0x2;
	s19 =	simm.s32 $0x4000  }
0x6: {  	s20 =	simm.s32 $0x4400;
	s4 =	sand.u32 $0x1, s4;
	s8 =	smul.u32 $0xC80, s12  }
0x7: {  	s28 =	simm.s32 $0x2000;
	[smem:$0x7FF] =	sst s5;
	s9 =	smul.u32 $0xC800, s4  }
0x8: {  	s10 =	smul.u32 $0x64000, s12;
	s6 =	sadd.s32 $0x7EA00, s0;
	s4 =	ssub.s32 $0x2, s4  }
0x9: {  	s7 =	sadd.s32 $0x2200, s0;
	s11 =	sshrl.u32 s4, $0x1;
	s8 =	sadd.s32 s8, s9  }
0xa: {  	s10 =	sshrl.u32 s10, $0x2;
	s4 =	ssub.s32 s4, s11;
	s8 =	sshll.u32 s8, $0x2  }
0xb: {  	s26 =	smax.u32 s4, $0x1;
	s0 =	sadd.s32 s8, s0;
	s8 =	sadd.s32 s10, s3  }
0xc: {  	_ =	strace $0x8000004A;
	[dreg:$0xc] =	wrdreg s26;
	s10 =	sadd.s32 $0x4000, s8  }
0xd: {  	s29 =	simm.s32 $0x4380;
	s21 =	sadd.s32 $0x8000, s8;
	[dreg:$0x5] =	wrdreg s10  }
0xe: {  	s30 =	simm.s32 $0x3000;
	s22 =	sadd.s32 $0xC000, s8;
	[dreg:$0x6] =	wrdreg s21  }
0xf: {  	s31 =	simm.s32 $0x1;
	s23 =	sadd.s32 $0x10000, s8;
	[dreg:$0x7] =	wrdreg s22  }
0x10: {  	s15 =	smul.u32 $0xC400, s12;
	s24 =	sadd.s32 $0x14000, s8;
	[dreg:$0x8] =	wrdreg s23  }
0x11: {  	v0 =	vmov s9;
	s9 =	simm.s32 $0x4780;
	s25 =	sadd.s32 $0x18000, s8;
	[dreg:$0x9] =	wrdreg s24  }
0x12: {  	s4 =	simm.s32 $0x4700;
	s0 =	sadd.s32 $0x1AA00, s0;
	[dreg:$0xa] =	wrdreg s25  }
0x13: {  	s26 =	simm.s32 $0x4300;
	[dreg:$0xb] =	wrdreg s0;
	s21 =	simm.s32 $0x4600  }
0x14: {  	s22 =	simm.s32 $0x80;
	s23 =	simm.s32 $0x4200;
	s24 =	simm.s32 $0x4280  }
0x15: {  	v1 =	vimm.f32 $0.0e+00;
	s25 =	simm.s32 $0x1000;
	s0 =	simm.s32 $0x4680;
	s10 =	simm.s32 $0x0  }
.LBB2_1:
0x16: {  	s11 =	simm.s32 $0x80;
	s12 =	simm.s32 $0x0  }
.LBB2_2:
0x17: {  	p0 =	sne.s32 s11, $0xFF80;
	[tilespmem:s12+$0x0] =	vst v1;
	s13 =	smov.u32 s11;
	s11 =	sadd.s32 $0x80, s11  }
.Ltmp0:
0x18: {  	[tilespmem:s12+$0x10] =	vst v1;
	(pc) =	sbr.rel @p0 .LBB2_2-.Ltmp0, $2  }
0x19: {  	_ =	sdelay $0x2  }
0x1a: {  	s12 =	sshra.s32 s13, $0x2  }
0x1b: {  	[tilespmem:s12+$0x0] =	vst v1  }
0x1c: {  	[tilespmem:s12+$0x10] =	vst v1;
	s11 =	simm.s32 $0x0  }
0x1d: {  	[spmem:s8] =	stream.linear.scatter [tilespmem:s11], [sflag:$0x2], $0x4000, $0x38;
	[tilespmem:$0x1D800] =	vst v63  }
0x1e: {  	_ =	swait.ge [sflag:s18], $0x4000  }
0x1f: {  	[sflag:s18] =	ssyncset.done $0x0  }
0x20: {  	s16 =	rddreg [dreg:$0x5];
	[sflag:s18] =	ssyncadd.s32 $0xFFFFC000  }
0x21: {  	[spmem:s16] =	stream.linear.scatter [tilespmem:s11], [sflag:$0x2], $0x4000, $0x38;
	[tilespmem:$0x1D800] =	vst v63  }
0x22: {  	_ =	swait.ge [sflag:s18], $0x4000  }
0x23: {  	[sflag:s18] =	ssyncset.done $0x0  }
0x24: {  	s17 =	rddreg [dreg:$0x6];
	[sflag:s18] =	ssyncadd.s32 $0xFFFFC000  }
0x25: {  	[spmem:s17] =	stream.linear.scatter [tilespmem:s11], [sflag:$0x2], $0x4000, $0x38;
	[tilespmem:$0x1D800] =	vst v63  }
0x26: {  	_ =	swait.ge [sflag:s18], $0x4000  }
0x27: {  	[sflag:s18] =	ssyncset.done $0x0  }
0x28: {  	s13 =	rddreg [dreg:$0x7];
	[sflag:s18] =	ssyncadd.s32 $0xFFFFC000  }
0x29: {  	[spmem:s13] =	stream.linear.scatter [tilespmem:s11], [sflag:$0x2], $0x4000, $0x38;
	[tilespmem:$0x1D800] =	vst v63  }
0x2a: {  	_ =	swait.ge [sflag:s18], $0x4000  }
0x2b: {  	[sflag:s18] =	ssyncset.done $0x0  }
0x2c: {  	s14 =	rddreg [dreg:$0x8];
	[sflag:s18] =	ssyncadd.s32 $0xFFFFC000  }
0x2d: {  	[spmem:s14] =	stream.linear.scatter [tilespmem:s11], [sflag:$0x2], $0x4000, $0x38;
	[tilespmem:$0x1D800] =	vst v63  }
0x2e: {  	_ =	swait.ge [sflag:s18], $0x4000  }
0x2f: {  	[sflag:s18] =	ssyncset.done $0x0  }
0x30: {  	s16 =	rddreg [dreg:$0x9];
	[sflag:s18] =	ssyncadd.s32 $0xFFFFC000  }
0x31: {  	[spmem:s16] =	stream.linear.scatter [tilespmem:s11], [sflag:$0x2], $0x4000, $0x38;
	[tilespmem:$0x1D800] =	vst v63  }
0x32: {  	_ =	swait.ge [sflag:s18], $0x4000  }
0x33: {  	[sflag:s18] =	ssyncset.done $0x0  }
0x34: {  	s17 =	rddreg [dreg:$0xa];
	[sflag:s18] =	ssyncadd.s32 $0xFFFFC000  }
0x35: {  	[spmem:s17] =	stream.linear.scatter [tilespmem:s11], [sflag:$0x2], $0x1000, $0x38;
	[tilespmem:$0x1D800] =	vst v63  }
0x36: {  	_ =	swait.ge [sflag:s18], $0x1000  }
0x37: {  	[sflag:s18] =	ssyncset.done $0x0  }
0x38: {  	[sflag:s18] =	ssyncadd.s32 $0xFFFFF000  }
0x39: {  	s12 =	simm.s32 $0x0;
	[bflag:$0x0] =	sbarrier.arrive $0xFFFF  }
.LBB2_4:
0x3a: {  	s13 =	sshll.u32 s12, $0x9  }
0x3b: {  	s13 =	sadd.s32 s15, s13  }
0x3c: {  	s13 =	sshrl.u32 s13, $0x3  }
0x3d: {  	s14 =	sadd.s32 s1, s13  }
0x3e: {  	[tilespmem:s19], [sflag:$0x2] =	stream.linear.gather [hbm4b:s14+s11], $0x200, $0x38;
	[tilespmem:$0x1D800] =	vst v63  }
0x3f: {  	_ =	swait.ge [sflag:s18], $0x200  }
0x40: {  	[sflag:s18] =	ssyncset.done $0x0  }
0x41: {  	s17 =	sadd.s32 s2, s13;
	[sflag:s18] =	ssyncadd.s32 $0xFFFFFE00  }
0x42: {  	[tilespmem:s20], [sflag:$0x2] =	stream.linear.gather [hbm4b:s17+s11], $0x200, $0x38;
	[tilespmem:$0x1D800] =	vst v63  }
0x43: {  	_ =	swait.ge [sflag:s18], $0x200  }
0x44: {  	[sflag:s18] =	ssyncset.done $0x0  }
0x45: {  	s13 =	sadd.s32 s7, s13;
	[sflag:s18] =	ssyncadd.s32 $0xFFFFFE00  }
0x46: {  	[tilespmem:s21], [sflag:$0x2] =	stream.linear.gather [hbm4b:s13+s11], $0x200, $0x38;
	[tilespmem:$0x1D800] =	vst v63  }
0x47: {  	_ =	swait.ge [sflag:s18], $0x200  }
0x48: {  	[sflag:s18] =	ssyncset.done $0x0  }
0x49: {  	s13 =	simm.s32 $0x0;
	[sflag:s18] =	ssyncadd.s32 $0xFFFFFE00  }
0x4a: {  	s14 =	simm.s32 $0x40;
	v2 =	vld [tilespmem:s13+$0x4000]  }
.LBB2_5:
0x4b: {  	p0 =	sne.s32 s14, $0x7C0  }
.Ltmp1:
0x4c: {  	_ = 	snop;
	(pc) =	sbr.rel @p0 .LBB2_5-.Ltmp1, $3  }
0x4d: {  	_ =	sdelay $0x1  }
0x4e: {  	s16 =	sshra.s32 s14, $0x2;
	s14 =	sadd.s32 $0x40, s14;
	v3 =	vadd.s32 v0, v2  }
0x4f: {  	v2 =	vld [tilespmem:s16+$0x4000];
	[tilespmem:s13+$0x4200] =	vst v3;
	s13 =	smov.u32 s16  }
0x50: {  	_ =	sdelay $0x3  }
0x51: {  	v2 =	vadd.s32 v0, v2  }
0x52: {  	s17 =	simm.s32 $0x0;
	[tilespmem:s13+$0x4200] =	vst v2  }
0x53: {  	[tilespmem:s17], [sflag:$0x1] =	stream.indirect.gather [hbm4b:s6+s22], $0x20, s23, s22, $0xb8;
	[tilespmem:$0x1D800] =	vst v63  }
0x54: {  	_ = 	snop  }
0x55: {  	[tilespmem:s25], [sflag:$0x1] =	stream.indirect.gather [hbm4b:s6+s22], $0x20, s24, s22, $0xb8;
	[tilespmem:$0x1D800] =	vst v63  }
0x56: {  	_ = 	snop  }
0x57: {  	[tilespmem:s28], [sflag:$0x1] =	stream.indirect.gather [hbm4b:s6+s22], $0x20, s26, s22, $0xb8;
	[tilespmem:$0x1D800] =	vst v63  }
0x58: {  	_ = 	snop  }
0x59: {  	[tilespmem:s30], [sflag:$0x1] =	stream.indirect.gather [hbm4b:s6+s22], $0x20, s29, s22, $0xb8;
	[tilespmem:$0x1D800] =	vst v63  }
0x5a: {  	_ =	swait.ge [sflag:s31], $0x1000  }
0x5b: {  	[sflag:s31] =	ssyncset.done $0x0  }
0x5c: {  	[sflag:s31] =	ssyncadd.s32 $0xFFFFF000  }
0x5d: {  	_ =	swait.ge [sflag:s31], $0x1000  }
0x5e: {  	[sflag:s31] =	ssyncset.done $0x0  }
0x5f: {  	[sflag:s31] =	ssyncadd.s32 $0xFFFFF000  }
0x60: {  	_ =	swait.ge [sflag:s31], $0x1000  }
0x61: {  	[sflag:s31] =	ssyncset.done $0x0  }
0x62: {  	[sflag:s31] =	ssyncadd.s32 $0xFFFFF000  }
0x63: {  	_ =	swait.ge [sflag:s31], $0x1000  }
0x64: {  	[sflag:s31] =	ssyncset.done $0x0  }
0x65: {  	s13 =	simm.s32 $0x100;
	[sflag:s31] =	ssyncadd.s32 $0xFFFFF000  }
0x66: {  	v7 =	vld [tilespmem:s13+$0xFFFFFFA0]  }
0x67: {  	v5 =	vld [tilespmem:s13+$0xFFFFFFF0]  }
0x68: {  	v2 =	vld [tilespmem:s13+$0xFFFFFF60]  }
0x69: {  	v8 =	vld [tilespmem:s13+$0xFFFFFFD0]  }
0x6a: {  	v9 =	vld [tilespmem:s13+$0x80]  }
0x6b: {  	v12 =	vld [tilespmem:s13+$0xFFFFFF10]  }
0x6c: {  	v16 =	vld [tilespmem:s13+$0xE0]  }
0x6d: {  	v11 =	vld [tilespmem:s13+$0xFFFFFF40]  }
0x6e: {  	s14 =	simm.s32 $0x0;
	v3 =	vld [tilespmem:s13+$0xFFFFFF90]  }
0x6f: {  	v4 =	vld [tilespmem:s14+$0x4400]  }
0x70: {  	v10 =	vld [tilespmem:s13+$0xFFFFFFC0]  }
0x71: {  	v13 =	vld [tilespmem:s13+$0xFFFFFF00]  }
0x72: {  	v14 =	vld [tilespmem:s13+$0xD0]  }
0x73: {  	v23 =	vld [tilespmem:s13+$0xC0]  }
0x74: {  	v21 =	vld [tilespmem:s13+$0x90];
	v19 =	vbroadcast v4, $0x0;
	v6 =	vbroadcast v4, $0xF  }
0x75: {  	v22 =	vld [tilespmem:s13+$0xFFFFFF50];
	v20 =	vbroadcast v4, $0x2;
	v18 =	vbroadcast v4, $0xE  }
0x76: {  	v17 =	vld [tilespmem:s13+$0xB0];
	v15 =	vbroadcast v4, $0xC;
	v25 =	vmul.f32 v19, v13  }
0x77: {  	s16 =	simm.s32 $0x100;
	s14 =	simm.s32 $0x40;
	v13 =	vbroadcast v4, $0xD;
	v24 =	vmul.f32 v11, v20;
	v11 =	vld [tilespmem:s13+$0x60]  }
.LBB2_7:
0x78: {  	p0 =	sne.s32 s14, $0x7C0  }
0x79: {  	[tilespmem:s13+$0xFFFFFF00] =	vst v25;
	v25 =	vld [tilespmem:s13+$0xFFFFFFB0];
	v23 =	vmul.f32 v23, v18;
	v16 =	vmul.f32 v16, v6;
	s16 =	sadd.s32 $0x200, s16;
	s17 =	smov.u32 s14;
	s14 =	sadd.s32 $0x40, s14  }
0x7a: {  	[tilespmem:s13+$0xFFFFFF40] =	vst v24;
	v24 =	vbroadcast v4, $0xA;
	v21 =	vmul.f32 v21, v15;
	v26 =	vld [tilespmem:s13+$0xA0]  }
0x7b: {  	v12 =	vmul.f32 v12, v19;
	v19 =	vmul.f32 v22, v20;
	v20 =	vld [tilespmem:s13+$0x70];
	[tilespmem:s13+$0xE0] =	vst v16  }
0x7c: {  	v16 =	vbroadcast v4, $0x5;
	v22 =	vld [tilespmem:s13+$0xFFFFFFE0];
	v17 =	vmul.f32 v17, v13;
	[tilespmem:s13+$0xC0] =	vst v23  }
0x7d: {  	v14 =	vmul.f32 v14, v18;
	[tilespmem:s13+$0xFFFFFF10] =	vst v12;
	v12 =	vbroadcast v4, $0x6;
	v23 =	vld [tilespmem:s13+$0x40]  }
0x7e: {  	v27 =	vbroadcast v4, $0xB;
	v7 =	vmul.f32 v7, v16;
	v18 =	vld [tilespmem:s13+$0xFFFFFF20];
	[tilespmem:s13+$0x90] =	vst v21  }
0x7f: {  	v21 =	vbroadcast v4, $0x9;
	[tilespmem:s13+$0xFFFFFF50] =	vst v19;
	v19 =	vld [tilespmem:s13+$0x20];
	v13 =	vmul.f32 v26, v13  }
0x80: {  	v16 =	vmul.f32 v25, v16;
	v25 =	vld [tilespmem:s13+$0x50];
	v20 =	vmul.f32 v20, v27;
	[tilespmem:s13+$0xD0] =	vst v14  }
0x81: {  	v9 =	vmul.f32 v9, v15;
	v14 =	vbroadcast v4, $0x7;
	v26 =	vld [tilespmem:s13+$0x30];
	[tilespmem:s13+$0xA0] =	vst v13  }
0x82: {  	v10 =	vmul.f32 v10, v12;
	v13 =	vbroadcast v4, $0x3;
	v15 =	vld [tilespmem:s13+$0x0];
	[tilespmem:s13+$0x70] =	vst v20  }
0x83: {  	v11 =	vmul.f32 v11, v27;
	v8 =	vmul.f32 v8, v12;
	v12 =	vld [tilespmem:s13+$0x10];
	[tilespmem:s13+$0x80] =	vst v9  }
0x84: {  	v20 =	vbroadcast v4, $0x8;
	v23 =	vmul.f32 v23, v24;
	v9 =	vld [tilespmem:s13+$0xFFFFFF30];
	[tilespmem:s13+$0xB0] =	vst v17  }
0x85: {  	v17 =	vbroadcast v4, $0x1;
	v27 =	vld [tilespmem:s13+$0xFFFFFF70];
	[tilespmem:s13+$0xFFFFFFD0] =	vst v8;
	v24 =	vmul.f32 v25, v24  }
0x86: {  	v5 =	vmul.f32 v5, v14;
	v8 =	vmul.f32 v22, v14;
	[tilespmem:s13+$0xFFFFFFC0] =	vst v10;
	v10 =	vld [tilespmem:s13+$0xF0]  }
0x87: {  	v22 =	vmul.f32 v26, v21;
	v14 =	vld [tilespmem:s13+$0xFFFFFF80];
	[tilespmem:s13+$0xFFFFFFA0] =	vst v7;
	v15 =	vmul.f32 v15, v20  }
0x88: {  	v7 =	vld [tilespmem:s16+$0xFFFFFFA0];
	[tilespmem:s13+$0xFFFFFFF0] =	vst v5;
	v20 =	vmul.f32 v12, v20;
	v12 =	vmul.f32 v19, v21  }
0x89: {  	v5 =	vmul.f32 v18, v17;
	v17 =	vmul.f32 v9, v17;
	[tilespmem:s13+$0x60] =	vst v11  }
0x8a: {  	v2 =	vmul.f32 v2, v13;
	v9 =	vmul.f32 v27, v13;
	[tilespmem:s13+$0xFFFFFFB0] =	vst v16  }
0x8b: {  	v4 =	vbroadcast v4, $0x4;
	[tilespmem:s13+$0xFFFFFF20] =	vst v5;
	v5 =	vmul.f32 v10, v6  }
0x8c: {  	[tilespmem:s13+$0xFFFFFF60] =	vst v2  }
0x8d: {  	v6 =	vmul.f32 v14, v4;
	v2 =	vmul.f32 v3, v4;
	[tilespmem:s13+$0x40] =	vst v23  }
0x8e: {  	[tilespmem:s13+$0xFFFFFFE0] =	vst v8  }
0x8f: {  	[tilespmem:s13+$0xF0] =	vst v5  }
0x90: {  	[tilespmem:s13+$0xFFFFFF90] =	vst v2  }
0x91: {  	v5 =	vld [tilespmem:s16+$0xFFFFFFF0];
	[tilespmem:s13+$0xFFFFFF70] =	vst v9  }
0x92: {  	v2 =	vld [tilespmem:s16+$0xFFFFFF60];
	[tilespmem:s13+$0x20] =	vst v12  }
0x93: {  	v8 =	vld [tilespmem:s16+$0xFFFFFFD0];
	[tilespmem:s13+$0x30] =	vst v22  }
0x94: {  	v9 =	vld [tilespmem:s16+$0x80];
	[tilespmem:s13+$0xFFFFFF80] =	vst v6  }
0x95: {  	v12 =	vld [tilespmem:s16+$0xFFFFFF10];
	[tilespmem:s13+$0x50] =	vst v24  }
0x96: {  	v16 =	vld [tilespmem:s16+$0xE0];
	[tilespmem:s13+$0x0] =	vst v15  }
0x97: {  	v11 =	vld [tilespmem:s16+$0xFFFFFF40];
	[tilespmem:s13+$0xFFFFFF30] =	vst v17  }
0x98: {  	s17 =	sshra.s32 s17, $0x2;
	v3 =	vld [tilespmem:s16+$0xFFFFFF90];
	[tilespmem:s13+$0x10] =	vst v20;
	s13 =	smov.u32 s16  }
0x99: {  	v4 =	vld [tilespmem:s17+$0x4400]  }
0x9a: {  	v10 =	vld [tilespmem:s16+$0xFFFFFFC0]  }
0x9b: {  	v13 =	vld [tilespmem:s16+$0xFFFFFF00]  }
0x9c: {  	v14 =	vld [tilespmem:s16+$0xD0]  }
.Ltmp2:
0x9d: {  	v23 =	vld [tilespmem:s16+$0xC0];
	(pc) =	sbr.rel @p0 .LBB2_7-.Ltmp2, $4  }
0x9e: {  	v19 =	vbroadcast v4, $0x0;
	v21 =	vld [tilespmem:s16+$0x90];
	v6 =	vbroadcast v4, $0xF  }
0x9f: {  	v20 =	vbroadcast v4, $0x2;
	v18 =	vbroadcast v4, $0xE;
	v22 =	vld [tilespmem:s16+$0xFFFFFF50]  }
0xa0: {  	v25 =	vmul.f32 v19, v13;
	v13 =	vbroadcast v4, $0xD;
	v17 =	vld [tilespmem:s16+$0xB0]  }
0xa1: {  	v15 =	vbroadcast v4, $0xC;
	v24 =	vmul.f32 v11, v20;
	v11 =	vld [tilespmem:s16+$0x60]  }
0xa2: {  	[tilespmem:s13+$0xFFFFFF00] =	vst v25;
	v16 =	vmul.f32 v16, v6  }
0xa3: {  	v23 =	vmul.f32 v23, v18;
	[tilespmem:s13+$0xFFFFFF40] =	vst v24  }
0xa4: {  	v12 =	vmul.f32 v12, v19;
	[tilespmem:s13+$0xE0] =	vst v16  }
0xa5: {  	v34 =	vmul.f32 v14, v18;
	[tilespmem:s13+$0xC0] =	vst v23  }
0xa6: {  	v32 =	vmul.f32 v21, v15;
	[tilespmem:s13+$0xFFFFFF10] =	vst v12  }
0xa7: {  	v40 =	vbroadcast v4, $0x6;
	v9 =	vmul.f32 v9, v15;
	[tilespmem:s13+$0xD0] =	vst v34  }
0xa8: {  	v20 =	vmul.f32 v22, v20;
	[tilespmem:s13+$0x90] =	vst v32  }
0xa9: {  	v44 =	vbroadcast v4, $0x5;
	v8 =	vmul.f32 v8, v40;
	[tilespmem:s13+$0x80] =	vst v9  }
0xaa: {  	v46 =	vbroadcast v4, $0x7;
	v10 =	vmul.f32 v10, v40;
	[tilespmem:s13+$0xFFFFFF50] =	vst v20  }
0xab: {  	v53 =	vbroadcast v4, $0x3;
	v7 =	vmul.f32 v7, v44;
	[tilespmem:s13+$0xFFFFFFD0] =	vst v8  }
0xac: {  	v30 =	vld [tilespmem:s13+$0xA0];
	v58 =	vbroadcast v4, $0x4;
	v5 =	vmul.f32 v5, v46;
	[tilespmem:s13+$0xFFFFFFC0] =	vst v10  }
0xad: {  	v31 =	vld [tilespmem:s13+$0x70];
	v2 =	vmul.f32 v2, v53;
	[tilespmem:s13+$0xFFFFFFA0] =	vst v7  }
0xae: {  	v33 =	vld [tilespmem:s13+$0xFFFFFFB0];
	v36 =	vbroadcast v4, $0xB;
	v3 =	vmul.f32 v3, v58;
	[tilespmem:s13+$0xFFFFFFF0] =	vst v5  }
0xaf: {  	v35 =	vld [tilespmem:s13+$0xFFFFFF20];
	v42 =	vmul.f32 v17, v13;
	[tilespmem:s13+$0xFFFFFF60] =	vst v2  }
0xb0: {  	v39 =	vld [tilespmem:s13+$0x40];
	v11 =	vmul.f32 v11, v36;
	[tilespmem:s13+$0xFFFFFF90] =	vst v3  }
0xb1: {  	v37 =	vld [tilespmem:s13+$0xFFFFFFE0];
	v38 =	vmul.f32 v30, v13;
	[tilespmem:s13+$0xB0] =	vst v42  }
0xb2: {  	v51 =	vbroadcast v4, $0x1;
	v54 =	vld [tilespmem:s13+$0xF0];
	v19 =	vmul.f32 v31, v36;
	[tilespmem:s13+$0x60] =	vst v11  }
0xb3: {  	v48 =	vld [tilespmem:s13+$0xFFFFFF70];
	v55 =	vbroadcast v4, $0xA;
	v52 =	vmul.f32 v33, v44;
	[tilespmem:s13+$0xA0] =	vst v38  }
0xb4: {  	v45 =	vld [tilespmem:s13+$0x30];
	v14 =	vmul.f32 v35, v51;
	[tilespmem:s13+$0x70] =	vst v19  }
0xb5: {  	v49 =	vld [tilespmem:s13+$0xFFFFFF80];
	v57 =	vmul.f32 v39, v55;
	[tilespmem:s13+$0xFFFFFFB0] =	vst v52  }
0xb6: {  	v43 =	vld [tilespmem:s13+$0x20];
	v9 =	vmul.f32 v37, v46;
	[tilespmem:s13+$0xFFFFFF20] =	vst v14  }
0xb7: {  	v56 =	vld [tilespmem:s13+$0xFFFFFF30];
	v59 =	vbroadcast v4, $0x9;
	v2 =	vmul.f32 v54, v6;
	[tilespmem:s13+$0x40] =	vst v57  }
0xb8: {  	v41 =	vld [tilespmem:s13+$0x50];
	v60 =	vmul.f32 v48, v53;
	[tilespmem:s13+$0xFFFFFFE0] =	vst v9  }
0xb9: {  	v47 =	vld [tilespmem:s13+$0x0];
	v3 =	vmul.f32 v45, v59;
	[tilespmem:s13+$0xF0] =	vst v2  }
0xba: {  	v50 =	vld [tilespmem:s13+$0x10];
	v62 =	vmul.f32 v49, v58;
	[tilespmem:s13+$0xFFFFFF70] =	vst v60  }
0xbb: {  	v2 =	vmul.f32 v43, v59;
	[tilespmem:s13+$0x30] =	vst v3  }
0xbc: {  	v61 =	vbroadcast v4, $0x8;
	v63 =	vmul.f32 v56, v51;
	[tilespmem:s13+$0xFFFFFF80] =	vst v62  }
0xbd: {  	[tilespmem:s13+$0x20] =	vst v2;
	v2 =	vmul.f32 v41, v55  }
0xbe: {  	v3 =	vmul.f32 v47, v61;
	[tilespmem:s13+$0xFFFFFF30] =	vst v63  }
0xbf: {  	[tilespmem:s13+$0x50] =	vst v2;
	v2 =	vmul.f32 v50, v61  }
0xc0: {  	[tilespmem:s13+$0x0] =	vst v3  }
0xc1: {  	[tilespmem:s13+$0x10] =	vst v2  }
0xc2: {  	[spmem:s3] =	stream.indirect.scatter.add.f32 [tilespmem:s5], [sflag:$0x2], $0x20, s21, s22, $0xb8;
	[tilespmem:$0x1D800] =	vst v63  }
0xc3: {  	_ =	swait.ge [sflag:s18], $0x1000  }
0xc4: {  	[sflag:s18] =	ssyncset.done $0x0  }
0xc5: {  	[sflag:s18] =	ssyncadd.s32 $0xFFFFF000  }
0xc6: {  	[spmem:s3] =	stream.indirect.scatter.add.f32 [tilespmem:s25], [sflag:$0x2], $0x20, s0, s22, $0xb8;
	[tilespmem:$0x1D800] =	vst v63  }
0xc7: {  	_ =	swait.ge [sflag:s18], $0x1000  }
0xc8: {  	[sflag:s18] =	ssyncset.done $0x0  }
0xc9: {  	[sflag:s18] =	ssyncadd.s32 $0xFFFFF000  }
0xca: {  	[spmem:s3] =	stream.indirect.scatter.add.f32 [tilespmem:s28], [sflag:$0x2], $0x20, s4, s22, $0xb8;
	[tilespmem:$0x1D800] =	vst v63  }
0xcb: {  	s12 =	sadd.s32 $0x1, s12;
	_ =	swait.ge [sflag:s18], $0x1000  }
0xcc: {  	p0 =	sne.s32 s12, $0x62;
	[sflag:s18] =	ssyncset.done $0x0  }
.Ltmp3:
0xcd: {  	[sflag:s18] =	ssyncadd.s32 $0xFFFFF000;
	(pc) =	sbr.rel @p0 .LBB2_4-.Ltmp3, $4  }
0xce: {  	[spmem:s3] =	stream.indirect.scatter.add.f32 [tilespmem:s30], [sflag:$0x2], $0x20, s9, s22, $0xb8;
	[tilespmem:$0x1D800] =	vst v63  }
0xcf: {  	_ =	swait.ge [sflag:s18], $0x1000  }
0xd0: {  	[sflag:s18] =	ssyncset.done $0x0  }
0xd1: {  	[sflag:s18] =	ssyncadd.s32 $0xFFFFF000  }
0xd2: {  	s11 =	stileid.u32  }
0xd3: {  	[bflag:$0x0] =	sbarrier.arrive $0xFFFF;
	s11 =	sshll.u32 s11, $0x6  }
0xd4: {  	s12 =	sshrl.u32 s8, $0x3;
	s13 =	rddreg [dreg:$0xb];
	s11 =	sor.u32 $0x1C02, s11  }
0xd5: {  	[hbm:s13], [sflag:s11] =	dma.local [spmem:s12], $0x3200  }
0xd6: {  	_ =	swait.ge [sflag:s18], $0x3200  }
0xd7: {  	s10 =	sadd.s32 $0x1, s10;
	s17 =	rddreg [dreg:$0xc]  }
0xd8: {  	p0 =	sne.s32 s10, s17  }
.Ltmp4:
0xd9: {  	_ = 	snop;
	(pc) =	sbr.rel @p0 .LBB2_1-.Ltmp4, $3  }
0xda: {  	_ =	sdelay $0x1  }
0xdb: {  	[sflag:s18] =	ssyncset.done $0x0  }
0xdc: {  	[sflag:s18] =	ssyncadd.s32 $0xFFFFCE00  }
0xdd: {  	_ =	sfence.sel $0x180000  }
0xde: {  	[bflag:$0x0] =	sbarrier.arrive $0xFFFF  }
0xdf: {  	_ =	strace $0x9000004A  }
0xe0: {  	s0 =	stileid.u32;
	[bflag:$0x2] =	sbarrier.arrive $0xFFFF  }
0xe1: {  	p0 =	sne.s32 s0, $0x0;
	s0 =	rddreg [dreg:$0x4]  }
0xe2: {  	s0 =	sadd.s32 @!p0 $0x100000, s0  }
0xe3: {  	[sflag:s0] =	ssyncadd.tile.s32 @!p0 $0x1;
	_ =	shalt  }
.Lfunc_end2:
_tile_overlayer_lowered:
.L_overlay_start_2:
0xe4: {  	(tag) =	ssettag $0x2  }
0xe5: {  	s0 =	rddreg [dreg:$0x0];
	s2 =	stileid.u32  }
0xe6: {  	s1 =	rddreg [dreg:$0x1];
	p0 =	sne.s32 s2, $0x0  }
0xe7: {  	s3 =	rddreg [dreg:$0x2];
	[bflag:$0x3] =	sbarrier.arrive $0xFFFF;
	s2 =	simm.s32 @!p0 $0x1C02  }
0xe8: {  	[timem:s3], [sflag:s2] =	dma.local @!p0 [hbm:s0], s1  }
0xe9: {  	s0 =	simm.s32 @!p0 $0x2  }
0xea: {  	_ =	swait.ge @!p0 [sflag:s0], s1  }
0xeb: {  	s1 =	ssub.s32 @!p0 $0x0, s1;
	[sflag:s0] =	ssyncset.done @!p0 $0x0  }
0xec: {  	[sflag:s0] =	ssyncadd.s32 @!p0 s1  }
0xed: {  	[bflag:$0x3] =	sbarrier.arrive $0xFFFF  }
0xee: {  	_ =	shalt  }

</sc_bundles>
